<compile_context>
chip_gen: v7x
topology: tpu7x:2x2x1
jax: 0.10.2.dev20260603
libtpu: 0.0.44.dev20260713+nightly
codegen_flags: <defaults>
</compile_context>

<pallas_src>
import dataclasses

import jax
import jax.numpy as jnp
from jax import lax
from jax.experimental import pallas as pl
from jax.experimental.pallas import tpu as pltpu
from jax.experimental.pallas import tpu_sc as plsc

N = 320000
D = 128
S = 10000
SP = 10240
NC = 2
NS = 16
NW = NC * NS
RPT = N // NW
CHUNK = 80
NCHUNK = RPT // CHUNK
L = 16
SW = 3840
NWIN = 3
NB = 4


def _sc_body(feat_hbm, pidx_hbm, pidx2d_hbm, psum_hbm, pcnt_hbm,
             rows4, idx2d_v, ids_v, firstp, lastp, cntl, identr, tidx,
             acts, gs0, gs1, gs2, gs3, ss0, ss1, ss2, ss3,
             acc_sh, cnt_sh):
    gsems = (gs0, gs1, gs2, gs3)
    ssems = (ss0, ss1, ss2, ss3)
    c = lax.axis_index("c")
    s = lax.axis_index("s")
    wid = c * NS + s
    base = wid * RPT

    zi = jnp.zeros((L,), jnp.int32)
    zf = jnp.zeros((L,), jnp.float32)
    iota = lax.iota(jnp.int32, L)

    @pl.loop(0, (CHUNK * D) // L)
    def _(m):
        rows4[0, m // 8, pl.ds((m % 8) * L, L)] = zf

    @pl.loop(0, SP // L)
    def _(k):
        firstp[pl.ds(k * L, L)] = zi
        lastp[pl.ds(k * L, L)] = zi

    @pl.loop(0, CHUNK // L)
    def _(j):
        identr[0, pl.ds(j * L, L)] = iota + j * L

    @pl.when(s < 10)
    def _():
        pltpu.sync_copy(rows4.at[0, pl.ds(0, 8)], cnt_sh.at[pl.ds(s * 8, 8)])

    pltpu.sync_copy(pidx_hbm.at[pl.ds(base, RPT)], ids_v.at[pl.ds(L, RPT)])
    pltpu.sync_copy(pidx2d_hbm.at[wid], idx2d_v)
    neg1 = jnp.full((L,), -1, jnp.int32)
    ids_v[pl.ds(0, L)] = neg1
    ids_v[pl.ds(L + RPT, L)] = neg1

    @pl.loop(0, NCHUNK)
    def _(j):
        v0 = idx2d_v[j, pl.ds(0, L)]
        v4 = idx2d_v[j, pl.ds(CHUNK - L, L)]
        cmin = jnp.min(v0)
        cmax = jnp.max(v4)
        for w in range(NWIN):
            acts[w, j] = jnp.logical_and(
                cmin < (w + 1) * SW, cmax >= w * SW).astype(jnp.int32)

    def _transform(j, b, lo):
        @pl.loop(0, CHUNK // L)
        def _(q):
            vv = idx2d_v[j, pl.ds(q * L, L)]
            ok = jnp.logical_and(vv >= lo, vv < lo + SW)
            tidx[b, pl.ds(q * L, L)] = jnp.where(ok, vv - lo, SW)

    def _issue_gather(j, b):
        pltpu.async_copy(feat_hbm.at[pl.ds(base + j * CHUNK, CHUNK)],
                         rows4.at[b], gsems[b])

    def _wait_gather(b):
        pltpu.make_async_copy(feat_hbm.at[pl.ds(base, CHUNK)],
                              rows4.at[b], gsems[b]).wait()

    def _issue_scatter(b):
        pltpu.async_copy(rows4.at[b], acc_sh.at[tidx.at[b]], ssems[b],
                         add=True)

    def _wait_scatter(b):
        pltpu.make_async_copy(rows4.at[b], acc_sh.at[tidx.at[b]],
                              ssems[b]).wait()

    for w in range(NWIN):
        lo = w * SW

        if w > 0:
            @pl.loop(0, (CHUNK * D) // L)
            def _(m):
                rows4[0, m // 8, pl.ds((m % 8) * L, L)] = zf

        @pl.loop(0, 3)
        def _(i):
            pltpu.sync_copy(rows4.at[0],
                            acc_sh.at[pl.ds(s * 240 + i * CHUNK, CHUNK)])

        @pl.when(s == 0)
        def _():
            pltpu.sync_copy(rows4.at[0, pl.ds(0, 8)], acc_sh.at[pl.ds(SW, 8)])

        plsc.subcore_barrier()

        for b in range(NB):
            @pl.when(acts[w, b] == 1)
            def _():
                _issue_gather(b, b)

        @pl.loop(0, (NCHUNK - 1) // NB)
        def _(g):
            for b in range(NB):
                j = NB * g + b

                @pl.when(acts[w, j] == 1)
                def _():
                    _wait_gather(b)
                    _transform(j, b, lo)
                    _issue_scatter(b)

            for b in range(NB):
                j = NB * g + b
                jn = j + NB

                @pl.when(acts[w, j] == 1)
                def _():
                    _wait_scatter(b)

                @pl.when(jn < NCHUNK)
                def _():
                    @pl.when(acts[w, jn] == 1)
                    def _():
                        _issue_gather(jn, b)

        @pl.when(acts[w, NCHUNK - 1] == 1)
        def _():
            _wait_gather(0)
            _transform(NCHUNK - 1, 0, lo)
            _issue_scatter(0)
            _wait_scatter(0)

        plsc.subcore_barrier()

        @pl.loop(0, 3)
        def _(i):
            r0 = s * 240 + i * CHUNK
            pltpu.sync_copy(acc_sh.at[pl.ds(r0, CHUNK)],
                            psum_hbm.at[c, pl.ds(lo + r0, CHUNK)])

    @pl.loop(0, RPT // L)
    def _(k):
        i = k * L
        v = ids_v[pl.ds(i + L, L)]
        vl = ids_v[pl.ds(i + L - 1, L)]
        vr = ids_v[pl.ds(i + L + 1, L)]
        pos = iota + i
        plsc.store_scatter(firstp, [v], pos, mask=v != vl)
        plsc.store_scatter(lastp, [v], pos + 1, mask=v != vr)

    @pl.loop(0, SP // L)
    def _(k):
        cv = (lastp[pl.ds(k * L, L)] - firstp[pl.ds(k * L, L)]).astype(
            jnp.float32)
        cntl[k // 8, pl.ds((k % 8) * L, L)] = cv

    pltpu.sync_copy(cntl, cnt_sh.at[identr.at[0]], add=True)

    plsc.subcore_barrier()

    @pl.when(s < 10)
    def _():
        pltpu.sync_copy(cnt_sh.at[pl.ds(s * 8, 8)],
                        pcnt_hbm.at[c, pl.ds(s * 8, 8)])


def _sc_segment_sum(feature, point_idx, pidx2d):
    mesh = plsc.VectorSubcoreMesh(core_axis_name="c", subcore_axis_name="s")
    cp = pltpu.CompilerParams()
    if "needs_layout_passes" in pltpu.CompilerParams.__dataclass_fields__:
        cp = dataclasses.replace(cp, needs_layout_passes=False)
    kern = pl.kernel(
        _sc_body,
        compiler_params=cp,
        out_type=(
            jax.ShapeDtypeStruct((NC, NWIN * SW, D), jnp.float32),
            jax.ShapeDtypeStruct((NC, CHUNK, D), jnp.float32),
        ),
        mesh=mesh,
        scratch_types=[
            pltpu.VMEM((NB, CHUNK, D), jnp.float32),
            pltpu.VMEM((NCHUNK, CHUNK), jnp.int32),
            pltpu.VMEM((RPT + 2 * L,), jnp.int32),
            pltpu.VMEM((SP,), jnp.int32),
            pltpu.VMEM((SP,), jnp.int32),
            pltpu.VMEM((CHUNK, D), jnp.float32),
            pltpu.VMEM((1, CHUNK), jnp.int32),
            pltpu.VMEM((NB, CHUNK), jnp.int32),
            pltpu.SMEM((NWIN, NCHUNK), jnp.int32),
            pltpu.SemaphoreType.DMA,
            pltpu.SemaphoreType.DMA,
            pltpu.SemaphoreType.DMA,
            pltpu.SemaphoreType.DMA,
            pltpu.SemaphoreType.DMA,
            pltpu.SemaphoreType.DMA,
            pltpu.SemaphoreType.DMA,
            pltpu.SemaphoreType.DMA,
            pltpu.VMEM_SHARED((SW + 8, D), jnp.float32),
            pltpu.VMEM_SHARED((CHUNK, D), jnp.float32),
        ],
    )
    return kern(feature, point_idx, pidx2d)


def _tc_body(pa, pb, c0, c1, o):
    tot = c0[0, 0, :] + c1[0, 0, :]
    inv = 1.0 / jnp.maximum(tot, 1.0)
    invc = jnp.reshape(inv, (D, 1))
    o[...] = jax.nn.sigmoid((pa[...] + pb[...]) * invc)


_TC_GRID = (S + D - 1) // D


_tc_finalize = pl.pallas_call(
    _tc_body,
    grid=(_TC_GRID,),
    in_specs=[
        pl.BlockSpec((D, D), lambda i: (i, 0)),
        pl.BlockSpec((D, D), lambda i: (i, 0)),
        pl.BlockSpec((1, 1, D), lambda i: (i, 0, 0)),
        pl.BlockSpec((1, 1, D), lambda i: (i, 0, 0)),
    ],
    out_specs=pl.BlockSpec((D, D), lambda i: (i, 0)),
    out_shape=jax.ShapeDtypeStruct((S, D), jnp.float32),
)


def kernel(feature, point_idx):
    pidx2d = point_idx.reshape(NW, NCHUNK, CHUNK)
    psum, pcnt = _sc_segment_sum(feature, point_idx, pidx2d)
    c0 = pcnt[0].reshape(SP // D, 1, D)
    c1 = pcnt[1].reshape(SP // D, 1, D)
    return _tc_finalize(psum[0], psum[1], c0, c1)

# --- scband reference (transcript-rebuilt; emitter-appended) ---
"""Pipeline reference for scband-global-mean-attention-pooling-73461120631368 (READ-ONLY COPY).

The authoritative reference and input builder live on the scoring server;
editing this copy changes nothing except your own understanding.
"""

import jax, jax.numpy as jnp
import numpy as np

N = 320000
D = 128
NUM_SEGMENTS = 10000


def setup_inputs(seed: int = 0) -> dict:
    key = jax.random.key(seed)
    k1, k2 = jax.random.split(key)
    feature = jax.random.normal(k1, (N, D), dtype=jnp.float32)
    point_idx = jnp.sort(jax.random.randint(k2, (N,), 0, NUM_SEGMENTS)).astype(jnp.int32)
    return {"feature": feature, "point_idx": point_idx}


def reference(feature, point_idx):
    # torch loop: for each segment i, sigmoid(mean(feature[point_idx == i], 0)), stacked.
    # Vectorized as segment_sum / segment counts, then sigmoid.
    sums = jax.ops.segment_sum(feature, point_idx, num_segments=NUM_SEGMENTS)
    counts = jax.ops.segment_sum(
        jnp.ones((feature.shape[0],), dtype=feature.dtype),
        point_idx,
        num_segments=NUM_SEGMENTS,
    )
    mean = sums / jnp.maximum(counts, 1.0)[:, None]
    return jax.nn.sigmoid(mean)

if __name__ == "__main__":
    import jax
    _d = setup_inputs()
    print(jax.jit(kernel)(*tuple(_d.values())))

</pallas_src>

<mosaic_0001>
#map = affine_map<(d0, d1) -> (0, 0)>
#map1 = affine_map<(d0, d1) -> (0)>
#map2 = affine_map<(d0, d1) -> (0, 0, 0)>
module attributes {stable_mosaic.version = 14 : i64} {
  func.func @_sc_body(%arg0: i32, %arg1: i32, %arg2: memref<320000x128xf32, #tpu.memory_space<hbm>>, %arg3: memref<320000xi32, #tpu.memory_space<hbm>>, %arg4: memref<32x125x80xi32, #tpu.memory_space<hbm>>, %arg5: memref<2x11520x128xf32, #tpu.memory_space<hbm>>, %arg6: memref<2x80x128xf32, #tpu.memory_space<hbm>>, %arg7: memref<4x80x128xf32, #tpu.memory_space<vmem>>, %arg8: memref<125x80xi32, #tpu.memory_space<vmem>>, %arg9: memref<10032xi32, #tpu.memory_space<vmem>>, %arg10: memref<10240xi32, #tpu.memory_space<vmem>>, %arg11: memref<10240xi32, #tpu.memory_space<vmem>>, %arg12: memref<80x128xf32, #tpu.memory_space<vmem>>, %arg13: memref<1x80xi32, #tpu.memory_space<vmem>>, %arg14: memref<4x80xi32, #tpu.memory_space<vmem>>, %arg15: memref<3x125xi32, #tpu.memory_space<smem>>, %arg16: memref<!tpu.dma_semaphore, #tpu.memory_space<semaphore_mem>>, %arg17: memref<!tpu.dma_semaphore, #tpu.memory_space<semaphore_mem>>, %arg18: memref<!tpu.dma_semaphore, #tpu.memory_space<semaphore_mem>>, %arg19: memref<!tpu.dma_semaphore, #tpu.memory_space<semaphore_mem>>, %arg20: memref<!tpu.dma_semaphore, #tpu.memory_space<semaphore_mem>>, %arg21: memref<!tpu.dma_semaphore, #tpu.memory_space<semaphore_mem>>, %arg22: memref<!tpu.dma_semaphore, #tpu.memory_space<semaphore_mem>>, %arg23: memref<!tpu.dma_semaphore, #tpu.memory_space<semaphore_mem>>, %arg24: memref<3848x128xf32, #tpu.memory_space<vmem_shared>>, %arg25: memref<80x128xf32, #tpu.memory_space<vmem_shared>>) attributes {dimension_semantics = [#tpu.dimension_semantics<core_parallel>, #tpu.dimension_semantics<subcore_parallel>], iteration_bounds = array<i64: 2, 16>, scalar_prefetch = 0 : i64, scratch_operands = 19 : i64, tpu.core_type = #tpu.core_type<sc_vector_subcore>, window_params = [{transform_indices = #map}, {transform_indices = #map1}, {transform_indices = #map2}, {transform_indices = #map2}, {transform_indices = #map2}]} {
    %mul3A = arith.constant 16 : i32
    %mul3A_0 = arith.muli %arg0, %mul3A : i32
    %add3A = arith.addi %mul3A_0, %arg1 : i32
    %mul3A_1 = arith.constant 10000 : i32
    %mul3A_2 = arith.muli %add3A, %mul3A_1 : i32
    %broadcast_in_dim3A = arith.constant 0 : i32
    %broadcast_in_dim3A_3 = vector.broadcast %broadcast_in_dim3A : i32 to vector<16xi32>
    %broadcast_in_dim3A_4 = arith.constant 0.000000e+00 : f32
    %broadcast_in_dim3A_5 = vector.broadcast %broadcast_in_dim3A_4 : f32 to vector<16xf32>
    %iota3A = tpu.iota {dimensions = array<i32: 0>} : vector<16xi32>
    %scan3A = arith.constant 0 : i32
    %scan3A_6 = arith.constant 640 : i32
    %scan3A_7 = arith.addi %scan3A, %scan3A_6 : i32
    %scan3A_8 = arith.constant 1 : i32
    scf.for %scan3A_271 = %scan3A to %scan3A_7 step %scan3A_8  : i32 {
      %mul3A_272 = arith.constant 1 : i32
      %mul3A_273 = arith.muli %scan3A_271, %mul3A_272 : i32
      %add3A_274 = arith.constant 0 : i32
      %add3A_275 = arith.addi %add3A_274, %mul3A_273 : i32
      %jit3A = arith.constant 8 : i32
      %div3A = arith.divsi %add3A_275, %jit3A : i32
      %sign3A = arith.constant 0 : i32
      %sign3A_276 = arith.cmpi sgt, %add3A_275, %sign3A : i32
      %sign3A_277 = arith.extui %sign3A_276 : i1 to i32
      %sign3A_278 = arith.constant 0 : i32
      %sign3A_279 = arith.cmpi slt, %add3A_275, %sign3A_278 : i32
      %sign3A_280 = arith.extui %sign3A_279 : i1 to i32
      %sign3A_281 = arith.subi %sign3A_277, %sign3A_280 : i32
      %sign3A_282 = arith.constant 0 : i32
      %sign3A_283 = arith.cmpi sgt, %jit3A, %sign3A_282 : i32
      %sign3A_284 = arith.extui %sign3A_283 : i1 to i32
      %sign3A_285 = arith.constant 0 : i32
      %sign3A_286 = arith.cmpi slt, %jit3A, %sign3A_285 : i32
      %sign3A_287 = arith.extui %sign3A_286 : i1 to i32
      %sign3A_288 = arith.subi %sign3A_284, %sign3A_287 : i32
      %ne3A = arith.cmpi ne, %sign3A_281, %sign3A_288 : i32
      %rem3A = arith.remsi %add3A_275, %jit3A : i32
      %ne3A_289 = arith.constant 0 : i32
      %ne3A_290 = arith.cmpi ne, %rem3A, %ne3A_289 : i32
      %and3A = arith.andi %ne3A, %ne3A_290 : i1
      %sub3A = arith.constant 1 : i32
      %sub3A_291 = arith.subi %div3A, %sub3A : i32
      %select_n3A = arith.select %and3A, %sub3A_291, %div3A : i32
      %jit3A_292 = arith.constant 8 : i32
      %eq3A_293 = arith.constant 0 : i32
      %eq3A_294 = arith.cmpi eq, %jit3A_292, %eq3A_293 : i32
      %jit3A_295 = arith.constant 1 : i32
      %select_n3A_296 = arith.select %eq3A_294, %jit3A_295, %jit3A_292 : i32
      %rem3A_297 = arith.remsi %add3A_275, %select_n3A_296 : i32
      %ne3A_298 = arith.constant 0 : i32
      %ne3A_299 = arith.cmpi ne, %rem3A_297, %ne3A_298 : i32
      %lt3A_300 = arith.constant 0 : i32
      %lt3A_301 = arith.cmpi slt, %rem3A_297, %lt3A_300 : i32
      %lt3A_302 = arith.constant 0 : i32
      %lt3A_303 = arith.cmpi slt, %select_n3A_296, %lt3A_302 : i32
      %ne3A_304 = arith.xori %lt3A_301, %lt3A_303 : i1
      %and3A_305 = arith.andi %ne3A_304, %ne3A_299 : i1
      %add3A_306 = arith.addi %rem3A_297, %select_n3A_296 : i32
      %select_n3A_307 = arith.select %and3A_305, %add3A_306, %rem3A_297 : i32
      %mul3A_308 = arith.constant 16 : i32
      %mul3A_309 = arith.muli %select_n3A_307, %mul3A_308 : i32
      %swap3A_310 = arith.constant 0 : i32
      %swap3A_311 = arith.index_cast %swap3A_310 : i32 to index
      %swap3A_312 = arith.index_cast %select_n3A : i32 to index
      %swap3A_313 = arith.index_cast %mul3A_309 : i32 to index
      %swap3A_314 = tpu.vector_load %arg7[%swap3A_311, %swap3A_312, %swap3A_313] {strides = array<i32>} : memref<4x80x128xf32, #tpu.memory_space<vmem>>, vector<16xf32>,
      tpu.vector_store %arg7[%swap3A_311, %swap3A_312, %swap3A_313], %broadcast_in_dim3A_5 {strides = array<i32>} : memref<4x80x128xf32, #tpu.memory_space<vmem>>, vector<16xf32>,
    }
    %scan3A_9 = arith.constant 640 : i32
    %scan3A_10 = arith.constant 0 : i32
    %scan3A_11 = arith.constant 640 : i32
    %scan3A_12 = arith.addi %scan3A_10, %scan3A_11 : i32
    %scan3A_13 = arith.constant 1 : i32
    scf.for %scan3A_271 = %scan3A_10 to %scan3A_12 step %scan3A_13  : i32 {
      %mul3A_272 = arith.constant 1 : i32
      %mul3A_273 = arith.muli %scan3A_271, %mul3A_272 : i32
      %add3A_274 = arith.constant 0 : i32
      %add3A_275 = arith.addi %add3A_274, %mul3A_273 : i32
      %mul3A_276 = arith.constant 16 : i32
      %mul3A_277 = arith.muli %add3A_275, %mul3A_276 : i32
      %swap3A_278 = arith.index_cast %mul3A_277 : i32 to index
      %swap3A_279 = tpu.vector_load %arg10[%swap3A_278] {strides = array<i32>} : memref<10240xi32, #tpu.memory_space<vmem>>, vector<16xi32>,
      tpu.vector_store %arg10[%swap3A_278], %broadcast_in_dim3A_3 {strides = array<i32>} : memref<10240xi32, #tpu.memory_space<vmem>>, vector<16xi32>,
      %mul3A_280 = arith.constant 16 : i32
      %mul3A_281 = arith.muli %add3A_275, %mul3A_280 : i32
      %swap3A_282 = arith.index_cast %mul3A_281 : i32 to index
      %swap3A_283 = tpu.vector_load %arg11[%swap3A_282] {strides = array<i32>} : memref<10240xi32, #tpu.memory_space<vmem>>, vector<16xi32>,
      tpu.vector_store %arg11[%swap3A_282], %broadcast_in_dim3A_3 {strides = array<i32>} : memref<10240xi32, #tpu.memory_space<vmem>>, vector<16xi32>,
    }
    %scan3A_14 = arith.constant 640 : i32
    %scan3A_15 = arith.constant 0 : i32
    %scan3A_16 = arith.constant 5 : i32
    %scan3A_17 = arith.addi %scan3A_15, %scan3A_16 : i32
    %scan3A_18 = arith.constant 1 : i32
    scf.for %scan3A_271 = %scan3A_15 to %scan3A_17 step %scan3A_18  : i32 {
      %mul3A_272 = arith.constant 1 : i32
      %mul3A_273 = arith.muli %scan3A_271, %mul3A_272 : i32
      %add3A_274 = arith.constant 0 : i32
      %add3A_275 = arith.addi %add3A_274, %mul3A_273 : i32
      %mul3A_276 = arith.constant 16 : i32
      %mul3A_277 = arith.muli %add3A_275, %mul3A_276 : i32
      %add3A_278 = vector.broadcast %mul3A_277 : i32 to vector<16xi32>
      %add3A_279 = arith.addi %iota3A, %add3A_278 : vector<16xi32>
      %mul3A_280 = arith.constant 16 : i32
      %mul3A_281 = arith.muli %add3A_275, %mul3A_280 : i32
      %swap3A_282 = arith.constant 0 : i32
      %swap3A_283 = arith.index_cast %swap3A_282 : i32 to index
      %swap3A_284 = arith.index_cast %mul3A_281 : i32 to index
      %swap3A_285 = tpu.vector_load %arg13[%swap3A_283, %swap3A_284] {strides = array<i32>} : memref<1x80xi32, #tpu.memory_space<vmem>>, vector<16xi32>,
      tpu.vector_store %arg13[%swap3A_283, %swap3A_284], %add3A_279 {strides = array<i32>} : memref<1x80xi32, #tpu.memory_space<vmem>>, vector<16xi32>,
    }
    %scan3A_19 = arith.constant 5 : i32
    %lt3A = arith.constant 10 : i32
    %lt3A_20 = arith.cmpi slt, %arg1, %lt3A : i32
    %convert_element_type3A = arith.extui %lt3A_20 : i1 to i32
    %cond3A = arith.constant 0 : i32
    %cond3A_21 = arith.cmpi ne, %convert_element_type3A, %cond3A : i32
    scf.if %cond3A_21 {
      %mul3A_271 = arith.constant 8 : i32
      %mul3A_272 = arith.muli %arg1, %mul3A_271 : i32
      %run_scoped3A_273 = arith.constant 0 : i32
      "tpu.region"() ({
        %run_scoped3A_274 = tpu.sem_alloc : memref<!tpu.dma_semaphore, #tpu.memory_space<semaphore_mem>>
        %dma_start3A = arith.constant 0 : i32
        %dma_start3A_275 = arith.constant 0 : i32
        %dma_start3A_276 = tpu.memref_slice %arg7[%run_scoped3A_273, %dma_start3A, %dma_start3A_275] : memref<4x80x128xf32, #tpu.memory_space<vmem>> -> memref<1x8x128xf32, #tpu.memory_space<vmem>>
        %dma_start3A_277 = tpu.memref_squeeze %dma_start3A_276 : memref<1x8x128xf32, #tpu.memory_space<vmem>> -> memref<8x128xf32, #tpu.memory_space<vmem>>
        %dma_start3A_278 = arith.constant 0 : i32
        %dma_start3A_279 = tpu.memref_slice %arg25[%mul3A_272, %dma_start3A_278] : memref<80x128xf32, #tpu.memory_space<vmem_shared>> -> memref<8x128xf32, #tpu.memory_space<vmem_shared>>
        %dma_start3A_280 = arith.constant 0 : i32
        %dma_start3A_281 = tpu.memref_slice %arg25[%mul3A_272, %dma_start3A_280] : memref<80x128xf32, #tpu.memory_space<vmem_shared>> -> memref<8x128xf32, #tpu.memory_space<vmem_shared>>
        %dma_start3A_282 = arith.constant 0 : i32
        %dma_start3A_283 = arith.constant 0 : i32
        %dma_start3A_284 = tpu.memref_slice %arg7[%run_scoped3A_273, %dma_start3A_282, %dma_start3A_283] : memref<4x80x128xf32, #tpu.memory_space<vmem>> -> memref<1x8x128xf32, #tpu.memory_space<vmem>>
        %dma_start3A_285 = tpu.memref_squeeze %dma_start3A_284 : memref<1x8x128xf32, #tpu.memory_space<vmem>> -> memref<8x128xf32, #tpu.memory_space<vmem>>
        tpu.enqueue_dma source(%dma_start3A_285 : memref<8x128xf32, #tpu.memory_space<vmem>>) target(%dma_start3A_281 : memref<8x128xf32, #tpu.memory_space<vmem_shared>>) target_semaphore(%run_scoped3A_274 : memref<!tpu.dma_semaphore, #tpu.memory_space<semaphore_mem>>)
        %dma_wait3A = arith.constant 0 : i32
        %dma_wait3A_286 = arith.constant 0 : i32
        %dma_wait3A_287 = tpu.memref_slice %arg7[%run_scoped3A_273, %dma_wait3A, %dma_wait3A_286] : memref<4x80x128xf32, #tpu.memory_space<vmem>> -> memref<1x8x128xf32, #tpu.memory_space<vmem>>
        %dma_wait3A_288 = tpu.memref_squeeze %dma_wait3A_287 : memref<1x8x128xf32, #tpu.memory_space<vmem>> -> memref<8x128xf32, #tpu.memory_space<vmem>>
        %dma_wait3A_289 = arith.constant 0 : i32
        %dma_wait3A_290 = tpu.memref_slice %arg25[%mul3A_272, %dma_wait3A_289] : memref<80x128xf32, #tpu.memory_space<vmem_shared>> -> memref<8x128xf32, #tpu.memory_space<vmem_shared>>
        %dma_wait3A_291 = arith.constant 0 : i32
        %dma_wait3A_292 = tpu.memref_slice %arg25[%mul3A_272, %dma_wait3A_291] : memref<80x128xf32, #tpu.memory_space<vmem_shared>> -> memref<8x128xf32, #tpu.memory_space<vmem_shared>>
        %dma_wait3A_293 = arith.constant 0 : i32
        %dma_wait3A_294 = arith.constant 0 : i32
        %dma_wait3A_295 = tpu.memref_slice %arg7[%run_scoped3A_273, %dma_wait3A_293, %dma_wait3A_294] : memref<4x80x128xf32, #tpu.memory_space<vmem>> -> memref<1x8x128xf32, #tpu.memory_space<vmem>>
        %dma_wait3A_296 = tpu.memref_squeeze %dma_wait3A_295 : memref<1x8x128xf32, #tpu.memory_space<vmem>> -> memref<8x128xf32, #tpu.memory_space<vmem>>
        tpu.wait_dma2 semaphore(%run_scoped3A_274 : memref<!tpu.dma_semaphore, #tpu.memory_space<semaphore_mem>>) src(%dma_wait3A_296 : memref<8x128xf32, #tpu.memory_space<vmem>>) dst(%dma_wait3A_292 : memref<8x128xf32, #tpu.memory_space<vmem_shared>>)
        tpu.yield
      }) : () -> ()
    } else {
    }
    "tpu.region"() ({
      %run_scoped3A_271 = tpu.sem_alloc : memref<!tpu.dma_semaphore, #tpu.memory_space<semaphore_mem>>
      %dma_start3A = arith.constant 16 : i32
      %dma_start3A_272 = tpu.memref_slice %arg9[%dma_start3A] : memref<10032xi32, #tpu.memory_space<vmem>> -> memref<10000xi32, #tpu.memory_space<vmem>>
      %dma_start3A_273 = tpu.memref_slice %arg3[%mul3A_2] : memref<320000xi32, #tpu.memory_space<hbm>> -> memref<10000xi32, #tpu.memory_space<hbm>>
      %dma_start3A_274 = arith.constant 16 : i32
      %dma_start3A_275 = tpu.memref_slice %arg9[%dma_start3A_274] : memref<10032xi32, #tpu.memory_space<vmem>> -> memref<10000xi32, #tpu.memory_space<vmem>>
      %dma_start3A_276 = tpu.memref_slice %arg3[%mul3A_2] : memref<320000xi32, #tpu.memory_space<hbm>> -> memref<10000xi32, #tpu.memory_space<hbm>>
      tpu.enqueue_dma source(%dma_start3A_276 : memref<10000xi32, #tpu.memory_space<hbm>>) target(%dma_start3A_275 : memref<10000xi32, #tpu.memory_space<vmem>>) target_semaphore(%run_scoped3A_271 : memref<!tpu.dma_semaphore, #tpu.memory_space<semaphore_mem>>)
      %dma_wait3A = arith.constant 16 : i32
      %dma_wait3A_277 = tpu.memref_slice %arg9[%dma_wait3A] : memref<10032xi32, #tpu.memory_space<vmem>> -> memref<10000xi32, #tpu.memory_space<vmem>>
      %dma_wait3A_278 = tpu.memref_slice %arg3[%mul3A_2] : memref<320000xi32, #tpu.memory_space<hbm>> -> memref<10000xi32, #tpu.memory_space<hbm>>
      %dma_wait3A_279 = arith.constant 16 : i32
      %dma_wait3A_280 = tpu.memref_slice %arg9[%dma_wait3A_279] : memref<10032xi32, #tpu.memory_space<vmem>> -> memref<10000xi32, #tpu.memory_space<vmem>>
      %dma_wait3A_281 = tpu.memref_slice %arg3[%mul3A_2] : memref<320000xi32, #tpu.memory_space<hbm>> -> memref<10000xi32, #tpu.memory_space<hbm>>
      tpu.wait_dma2 semaphore(%run_scoped3A_271 : memref<!tpu.dma_semaphore, #tpu.memory_space<semaphore_mem>>) src(%dma_wait3A_281 : memref<10000xi32, #tpu.memory_space<hbm>>) dst(%dma_wait3A_280 : memref<10000xi32, #tpu.memory_space<vmem>>)
      tpu.yield
    }) : () -> ()
    "tpu.region"() ({
      %run_scoped3A_271 = tpu.sem_alloc : memref<!tpu.dma_semaphore, #tpu.memory_space<semaphore_mem>>
      %dma_start3A = arith.constant 0 : i32
      %dma_start3A_272 = arith.constant 0 : i32
      %dma_start3A_273 = tpu.memref_slice %arg4[%add3A, %dma_start3A, %dma_start3A_272] : memref<32x125x80xi32, #tpu.memory_space<hbm>> -> memref<1x125x80xi32, #tpu.memory_space<hbm>>
      %dma_start3A_274 = tpu.memref_squeeze %dma_start3A_273 : memref<1x125x80xi32, #tpu.memory_space<hbm>> -> memref<125x80xi32, #tpu.memory_space<hbm>>
      %dma_start3A_275 = arith.constant 0 : i32
      %dma_start3A_276 = arith.constant 0 : i32
      %dma_start3A_277 = tpu.memref_slice %arg4[%add3A, %dma_start3A_275, %dma_start3A_276] : memref<32x125x80xi32, #tpu.memory_space<hbm>> -> memref<1x125x80xi32, #tpu.memory_space<hbm>>
      %dma_start3A_278 = tpu.memref_squeeze %dma_start3A_277 : memref<1x125x80xi32, #tpu.memory_space<hbm>> -> memref<125x80xi32, #tpu.memory_space<hbm>>
      tpu.enqueue_dma source(%dma_start3A_278 : memref<125x80xi32, #tpu.memory_space<hbm>>) target(%arg8 : memref<125x80xi32, #tpu.memory_space<vmem>>) target_semaphore(%run_scoped3A_271 : memref<!tpu.dma_semaphore, #tpu.memory_space<semaphore_mem>>)
      %dma_wait3A = arith.constant 0 : i32
      %dma_wait3A_279 = arith.constant 0 : i32
      %dma_wait3A_280 = tpu.memref_slice %arg4[%add3A, %dma_wait3A, %dma_wait3A_279] : memref<32x125x80xi32, #tpu.memory_space<hbm>> -> memref<1x125x80xi32, #tpu.memory_space<hbm>>
      %dma_wait3A_281 = tpu.memref_squeeze %dma_wait3A_280 : memref<1x125x80xi32, #tpu.memory_space<hbm>> -> memref<125x80xi32, #tpu.memory_space<hbm>>
      %dma_wait3A_282 = arith.constant 0 : i32
      %dma_wait3A_283 = arith.constant 0 : i32
      %dma_wait3A_284 = tpu.memref_slice %arg4[%add3A, %dma_wait3A_282, %dma_wait3A_283] : memref<32x125x80xi32, #tpu.memory_space<hbm>> -> memref<1x125x80xi32, #tpu.memory_space<hbm>>
      %dma_wait3A_285 = tpu.memref_squeeze %dma_wait3A_284 : memref<1x125x80xi32, #tpu.memory_space<hbm>> -> memref<125x80xi32, #tpu.memory_space<hbm>>
      tpu.wait_dma2 semaphore(%run_scoped3A_271 : memref<!tpu.dma_semaphore, #tpu.memory_space<semaphore_mem>>) src(%dma_wait3A_285 : memref<125x80xi32, #tpu.memory_space<hbm>>) dst(%arg8 : memref<125x80xi32, #tpu.memory_space<vmem>>)
      tpu.yield
    }) : () -> ()
    %broadcast_in_dim3A_22 = arith.constant -1 : i32
    %broadcast_in_dim3A_23 = vector.broadcast %broadcast_in_dim3A_22 : i32 to vector<16xi32>
    %swap3A = arith.constant 0 : index
    %swap3A_24 = tpu.vector_load %arg9[%swap3A] {strides = array<i32>} : memref<10032xi32, #tpu.memory_space<vmem>>, vector<16xi32>,
    tpu.vector_store %arg9[%swap3A], %broadcast_in_dim3A_23 {strides = array<i32>} : memref<10032xi32, #tpu.memory_space<vmem>>, vector<16xi32>,
    %swap3A_25 = arith.constant 10016 : index
    %swap3A_26 = tpu.vector_load %arg9[%swap3A_25] {strides = array<i32>} : memref<10032xi32, #tpu.memory_space<vmem>>, vector<16xi32>,
    tpu.vector_store %arg9[%swap3A_25], %broadcast_in_dim3A_23 {strides = array<i32>} : memref<10032xi32, #tpu.memory_space<vmem>>, vector<16xi32>,
    %scan3A_27 = arith.constant 0 : i32
    %scan3A_28 = arith.constant 125 : i32
    %scan3A_29 = arith.addi %scan3A_27, %scan3A_28 : i32
    %scan3A_30 = arith.constant 1 : i32
    scf.for %scan3A_271 = %scan3A_27 to %scan3A_29 step %scan3A_30  : i32 {
      %mul3A_272 = arith.constant 1 : i32
      %mul3A_273 = arith.muli %scan3A_271, %mul3A_272 : i32
      %add3A_274 = arith.constant 0 : i32
      %add3A_275 = arith.addi %add3A_274, %mul3A_273 : i32
      %get3A_276 = arith.index_cast %add3A_275 : i32 to index
      %get3A_277 = arith.constant 0 : index
      %get3A_278 = tpu.vector_load %arg8[%get3A_276, %get3A_277] {strides = array<i32>} : memref<125x80xi32, #tpu.memory_space<vmem>>, vector<16xi32>,
      %get3A_279 = arith.index_cast %add3A_275 : i32 to index
      %get3A_280 = arith.constant 64 : index
      %get3A_281 = tpu.vector_load %arg8[%get3A_279, %get3A_280] {strides = array<i32>} : memref<125x80xi32, #tpu.memory_space<vmem>>, vector<16xi32>,
      %reduce_min3A = arith.constant true
      %reduce_min3A_282 = vector.broadcast %reduce_min3A : i1 to vector<16xi1>
      %reduce_min3A_283 = arith.constant -2147483648 : i32
      %reduce_min3A_284 = vector.broadcast %reduce_min3A_283 : i32 to vector<16xi32>
      %reduce_min3A_285 = arith.xori %get3A_278, %reduce_min3A_284 : vector<16xi32>
      %reduce_min3A_286 = tpu.scan <min>, %reduce_min3A_285 masked %reduce_min3A_282 : vector<16xi32>, vector<16xi1> -> vector<16xi32>
      %reduce_min3A_287 = arith.xori %reduce_min3A_286, %reduce_min3A_284 : vector<16xi32>
      %reduce_min3A_288 = vector.extract %reduce_min3A_287[15] : i32 from vector<16xi32>
      %reduce_max3A = arith.constant true
      %reduce_max3A_289 = vector.broadcast %reduce_max3A : i1 to vector<16xi1>
      %reduce_max3A_290 = arith.constant -2147483648 : i32
      %reduce_max3A_291 = vector.broadcast %reduce_max3A_290 : i32 to vector<16xi32>
      %reduce_max3A_292 = arith.xori %get3A_281, %reduce_max3A_291 : vector<16xi32>
      %reduce_max3A_293 = tpu.scan <max>, %reduce_max3A_292 masked %reduce_max3A_289 : vector<16xi32>, vector<16xi1> -> vector<16xi32>
      %reduce_max3A_294 = arith.xori %reduce_max3A_293, %reduce_max3A_291 : vector<16xi32>
      %reduce_max3A_295 = vector.extract %reduce_max3A_294[15] : i32 from vector<16xi32>
      %lt3A_296 = arith.constant 3840 : i32
      %lt3A_297 = arith.cmpi slt, %reduce_min3A_288, %lt3A_296 : i32
      %ge3A = arith.constant 0 : i32
      %ge3A_298 = arith.cmpi sge, %reduce_max3A_295, %ge3A : i32
      %and3A = arith.andi %lt3A_297, %ge3A_298 : i1
      %convert_element_type3A_299 = arith.extui %and3A : i1 to i32
      %swap3A_300 = arith.constant 0 : i32
      %swap3A_301 = arith.index_cast %swap3A_300 : i32 to index
      %swap3A_302 = arith.index_cast %add3A_275 : i32 to index
      %swap3A_303 = memref.load %arg15[%swap3A_301, %swap3A_302] : memref<3x125xi32, #tpu.memory_space<smem>>
      memref.store %convert_element_type3A_299, %arg15[%swap3A_301, %swap3A_302] : memref<3x125xi32, #tpu.memory_space<smem>>
      %lt3A_304 = arith.constant 7680 : i32
      %lt3A_305 = arith.cmpi slt, %reduce_min3A_288, %lt3A_304 : i32
      %ge3A_306 = arith.constant 3840 : i32
      %ge3A_307 = arith.cmpi sge, %reduce_max3A_295, %ge3A_306 : i32
      %and3A_308 = arith.andi %lt3A_305, %ge3A_307 : i1
      %convert_element_type3A_309 = arith.extui %and3A_308 : i1 to i32
      %swap3A_310 = arith.constant 1 : i32
      %swap3A_311 = arith.index_cast %swap3A_310 : i32 to index
      %swap3A_312 = arith.index_cast %add3A_275 : i32 to index
      %swap3A_313 = memref.load %arg15[%swap3A_311, %swap3A_312] : memref<3x125xi32, #tpu.memory_space<smem>>
      memref.store %convert_element_type3A_309, %arg15[%swap3A_311, %swap3A_312] : memref<3x125xi32, #tpu.memory_space<smem>>
      %lt3A_314 = arith.constant 11520 : i32
      %lt3A_315 = arith.cmpi slt, %reduce_min3A_288, %lt3A_314 : i32
      %ge3A_316 = arith.constant 7680 : i32
      %ge3A_317 = arith.cmpi sge, %reduce_max3A_295, %ge3A_316 : i32
      %and3A_318 = arith.andi %lt3A_315, %ge3A_317 : i1
      %convert_element_type3A_319 = arith.extui %and3A_318 : i1 to i32
      %swap3A_320 = arith.constant 2 : i32
      %swap3A_321 = arith.index_cast %swap3A_320 : i32 to index
      %swap3A_322 = arith.index_cast %add3A_275 : i32 to index
      %swap3A_323 = memref.load %arg15[%swap3A_321, %swap3A_322] : memref<3x125xi32, #tpu.memory_space<smem>>
      memref.store %convert_element_type3A_319, %arg15[%swap3A_321, %swap3A_322] : memref<3x125xi32, #tpu.memory_space<smem>>
    }
    %scan3A_31 = arith.constant 125 : i32
    %scan3A_32 = arith.constant 0 : i32
    %scan3A_33 = arith.constant 3 : i32
    %scan3A_34 = arith.addi %scan3A_32, %scan3A_33 : i32
    %scan3A_35 = arith.constant 1 : i32
    scf.for %scan3A_271 = %scan3A_32 to %scan3A_34 step %scan3A_35  : i32 {
      %mul3A_272 = arith.constant 1 : i32
      %mul3A_273 = arith.muli %scan3A_271, %mul3A_272 : i32
      %add3A_274 = arith.constant 0 : i32
      %add3A_275 = arith.addi %add3A_274, %mul3A_273 : i32
      %mul3A_276 = arith.constant 240 : i32
      %mul3A_277 = arith.muli %arg1, %mul3A_276 : i32
      %mul3A_278 = arith.constant 80 : i32
      %mul3A_279 = arith.muli %add3A_275, %mul3A_278 : i32
      %add3A_280 = arith.addi %mul3A_277, %mul3A_279 : i32
      %run_scoped3A_281 = arith.constant 0 : i32
      "tpu.region"() ({
        %run_scoped3A_282 = tpu.sem_alloc : memref<!tpu.dma_semaphore, #tpu.memory_space<semaphore_mem>>
        %dma_start3A = arith.constant 0 : i32
        %dma_start3A_283 = arith.constant 0 : i32
        %dma_start3A_284 = tpu.memref_slice %arg7[%run_scoped3A_281, %dma_start3A, %dma_start3A_283] : memref<4x80x128xf32, #tpu.memory_space<vmem>> -> memref<1x80x128xf32, #tpu.memory_space<vmem>>
        %dma_start3A_285 = tpu.memref_squeeze %dma_start3A_284 : memref<1x80x128xf32, #tpu.memory_space<vmem>> -> memref<80x128xf32, #tpu.memory_space<vmem>>
        %dma_start3A_286 = arith.constant 0 : i32
        %dma_start3A_287 = tpu.memref_slice %arg24[%add3A_280, %dma_start3A_286] : memref<3848x128xf32, #tpu.memory_space<vmem_shared>> -> memref<80x128xf32, #tpu.memory_space<vmem_shared>>
        %dma_start3A_288 = arith.constant 0 : i32
        %dma_start3A_289 = tpu.memref_slice %arg24[%add3A_280, %dma_start3A_288] : memref<3848x128xf32, #tpu.memory_space<vmem_shared>> -> memref<80x128xf32, #tpu.memory_space<vmem_shared>>
        %dma_start3A_290 = arith.constant 0 : i32
        %dma_start3A_291 = arith.constant 0 : i32
        %dma_start3A_292 = tpu.memref_slice %arg7[%run_scoped3A_281, %dma_start3A_290, %dma_start3A_291] : memref<4x80x128xf32, #tpu.memory_space<vmem>> -> memref<1x80x128xf32, #tpu.memory_space<vmem>>
        %dma_start3A_293 = tpu.memref_squeeze %dma_start3A_292 : memref<1x80x128xf32, #tpu.memory_space<vmem>> -> memref<80x128xf32, #tpu.memory_space<vmem>>
        tpu.enqueue_dma source(%dma_start3A_293 : memref<80x128xf32, #tpu.memory_space<vmem>>) target(%dma_start3A_289 : memref<80x128xf32, #tpu.memory_space<vmem_shared>>) target_semaphore(%run_scoped3A_282 : memref<!tpu.dma_semaphore, #tpu.memory_space<semaphore_mem>>)
        %dma_wait3A = arith.constant 0 : i32
        %dma_wait3A_294 = arith.constant 0 : i32
        %dma_wait3A_295 = tpu.memref_slice %arg7[%run_scoped3A_281, %dma_wait3A, %dma_wait3A_294] : memref<4x80x128xf32, #tpu.memory_space<vmem>> -> memref<1x80x128xf32, #tpu.memory_space<vmem>>
        %dma_wait3A_296 = tpu.memref_squeeze %dma_wait3A_295 : memref<1x80x128xf32, #tpu.memory_space<vmem>> -> memref<80x128xf32, #tpu.memory_space<vmem>>
        %dma_wait3A_297 = arith.constant 0 : i32
        %dma_wait3A_298 = tpu.memref_slice %arg24[%add3A_280, %dma_wait3A_297] : memref<3848x128xf32, #tpu.memory_space<vmem_shared>> -> memref<80x128xf32, #tpu.memory_space<vmem_shared>>
        %dma_wait3A_299 = arith.constant 0 : i32
        %dma_wait3A_300 = tpu.memref_slice %arg24[%add3A_280, %dma_wait3A_299] : memref<3848x128xf32, #tpu.memory_space<vmem_shared>> -> memref<80x128xf32, #tpu.memory_space<vmem_shared>>
        %dma_wait3A_301 = arith.constant 0 : i32
        %dma_wait3A_302 = arith.constant 0 : i32
        %dma_wait3A_303 = tpu.memref_slice %arg7[%run_scoped3A_281, %dma_wait3A_301, %dma_wait3A_302] : memref<4x80x128xf32, #tpu.memory_space<vmem>> -> memref<1x80x128xf32, #tpu.memory_space<vmem>>
        %dma_wait3A_304 = tpu.memref_squeeze %dma_wait3A_303 : memref<1x80x128xf32, #tpu.memory_space<vmem>> -> memref<80x128xf32, #tpu.memory_space<vmem>>
        tpu.wait_dma2 semaphore(%run_scoped3A_282 : memref<!tpu.dma_semaphore, #tpu.memory_space<semaphore_mem>>) src(%dma_wait3A_304 : memref<80x128xf32, #tpu.memory_space<vmem>>) dst(%dma_wait3A_300 : memref<80x128xf32, #tpu.memory_space<vmem_shared>>)
        tpu.yield
      }) : () -> ()
    }
    %scan3A_36 = arith.constant 3 : i32
    %eq3A = arith.constant 0 : i32
    %eq3A_37 = arith.cmpi eq, %arg1, %eq3A : i32
    %convert_element_type3A_38 = arith.extui %eq3A_37 : i1 to i32
    %cond3A_39 = arith.constant 0 : i32
    %cond3A_40 = arith.cmpi ne, %convert_element_type3A_38, %cond3A_39 : i32
    scf.if %cond3A_40 {
      %run_scoped3A_271 = arith.constant 0 : i32
      "tpu.region"() ({
        %run_scoped3A_272 = tpu.sem_alloc : memref<!tpu.dma_semaphore, #tpu.memory_space<semaphore_mem>>
        %dma_start3A = arith.constant 0 : i32
        %dma_start3A_273 = arith.constant 0 : i32
        %dma_start3A_274 = tpu.memref_slice %arg7[%run_scoped3A_271, %dma_start3A, %dma_start3A_273] : memref<4x80x128xf32, #tpu.memory_space<vmem>> -> memref<1x8x128xf32, #tpu.memory_space<vmem>>
        %dma_start3A_275 = tpu.memref_squeeze %dma_start3A_274 : memref<1x8x128xf32, #tpu.memory_space<vmem>> -> memref<8x128xf32, #tpu.memory_space<vmem>>
        %dma_start3A_276 = arith.constant 3840 : i32
        %dma_start3A_277 = arith.constant 0 : i32
        %dma_start3A_278 = tpu.memref_slice %arg24[%dma_start3A_276, %dma_start3A_277] : memref<3848x128xf32, #tpu.memory_space<vmem_shared>> -> memref<8x128xf32, #tpu.memory_space<vmem_shared>>
        %dma_start3A_279 = arith.constant 3840 : i32
        %dma_start3A_280 = arith.constant 0 : i32
        %dma_start3A_281 = tpu.memref_slice %arg24[%dma_start3A_279, %dma_start3A_280] : memref<3848x128xf32, #tpu.memory_space<vmem_shared>> -> memref<8x128xf32, #tpu.memory_space<vmem_shared>>
        %dma_start3A_282 = arith.constant 0 : i32
        %dma_start3A_283 = arith.constant 0 : i32
        %dma_start3A_284 = tpu.memref_slice %arg7[%run_scoped3A_271, %dma_start3A_282, %dma_start3A_283] : memref<4x80x128xf32, #tpu.memory_space<vmem>> -> memref<1x8x128xf32, #tpu.memory_space<vmem>>
        %dma_start3A_285 = tpu.memref_squeeze %dma_start3A_284 : memref<1x8x128xf32, #tpu.memory_space<vmem>> -> memref<8x128xf32, #tpu.memory_space<vmem>>
        tpu.enqueue_dma source(%dma_start3A_285 : memref<8x128xf32, #tpu.memory_space<vmem>>) target(%dma_start3A_281 : memref<8x128xf32, #tpu.memory_space<vmem_shared>>) target_semaphore(%run_scoped3A_272 : memref<!tpu.dma_semaphore, #tpu.memory_space<semaphore_mem>>)
        %dma_wait3A = arith.constant 0 : i32
        %dma_wait3A_286 = arith.constant 0 : i32
        %dma_wait3A_287 = tpu.memref_slice %arg7[%run_scoped3A_271, %dma_wait3A, %dma_wait3A_286] : memref<4x80x128xf32, #tpu.memory_space<vmem>> -> memref<1x8x128xf32, #tpu.memory_space<vmem>>
        %dma_wait3A_288 = tpu.memref_squeeze %dma_wait3A_287 : memref<1x8x128xf32, #tpu.memory_space<vmem>> -> memref<8x128xf32, #tpu.memory_space<vmem>>
        %dma_wait3A_289 = arith.constant 3840 : i32
        %dma_wait3A_290 = arith.constant 0 : i32
        %dma_wait3A_291 = tpu.memref_slice %arg24[%dma_wait3A_289, %dma_wait3A_290] : memref<3848x128xf32, #tpu.memory_space<vmem_shared>> -> memref<8x128xf32, #tpu.memory_space<vmem_shared>>
        %dma_wait3A_292 = arith.constant 3840 : i32
        %dma_wait3A_293 = arith.constant 0 : i32
        %dma_wait3A_294 = tpu.memref_slice %arg24[%dma_wait3A_292, %dma_wait3A_293] : memref<3848x128xf32, #tpu.memory_space<vmem_shared>> -> memref<8x128xf32, #tpu.memory_space<vmem_shared>>
        %dma_wait3A_295 = arith.constant 0 : i32
        %dma_wait3A_296 = arith.constant 0 : i32
        %dma_wait3A_297 = tpu.memref_slice %arg7[%run_scoped3A_271, %dma_wait3A_295, %dma_wait3A_296] : memref<4x80x128xf32, #tpu.memory_space<vmem>> -> memref<1x8x128xf32, #tpu.memory_space<vmem>>
        %dma_wait3A_298 = tpu.memref_squeeze %dma_wait3A_297 : memref<1x8x128xf32, #tpu.memory_space<vmem>> -> memref<8x128xf32, #tpu.memory_space<vmem>>
        tpu.wait_dma2 semaphore(%run_scoped3A_272 : memref<!tpu.dma_semaphore, #tpu.memory_space<semaphore_mem>>) src(%dma_wait3A_298 : memref<8x128xf32, #tpu.memory_space<vmem>>) dst(%dma_wait3A_294 : memref<8x128xf32, #tpu.memory_space<vmem_shared>>)
        tpu.yield
      }) : () -> ()
    } else {
    }
    %barrier3A = arith.constant 0 : index
    tpu.barrier barrier_id(%barrier3A)
    %get3A = arith.constant 0 : i32
    %get3A_41 = arith.constant 0 : i32
    %get3A_42 = arith.index_cast %get3A : i32 to index
    %get3A_43 = arith.index_cast %get3A_41 : i32 to index
    %get3A_44 = memref.load %arg15[%get3A_42, %get3A_43] : memref<3x125xi32, #tpu.memory_space<smem>>
    %eq3A_45 = arith.constant 1 : i32
    %eq3A_46 = arith.cmpi eq, %get3A_44, %eq3A_45 : i32
    %convert_element_type3A_47 = arith.extui %eq3A_46 : i1 to i32
    %cond3A_48 = arith.constant 0 : i32
    %cond3A_49 = arith.cmpi ne, %convert_element_type3A_47, %cond3A_48 : i32
    scf.if %cond3A_49 {
      %add3A_271 = arith.constant 0 : i32
      %add3A_272 = arith.addi %mul3A_2, %add3A_271 : i32
      %dma_start3A = arith.constant 0 : i32
      %dma_start3A_273 = arith.constant 0 : i32
      %dma_start3A_274 = arith.constant 0 : i32
      %dma_start3A_275 = tpu.memref_slice %arg7[%dma_start3A, %dma_start3A_273, %dma_start3A_274] : memref<4x80x128xf32, #tpu.memory_space<vmem>> -> memref<1x80x128xf32, #tpu.memory_space<vmem>>
      %dma_start3A_276 = tpu.memref_squeeze %dma_start3A_275 : memref<1x80x128xf32, #tpu.memory_space<vmem>> -> memref<80x128xf32, #tpu.memory_space<vmem>>
      %dma_start3A_277 = arith.constant 0 : i32
      %dma_start3A_278 = tpu.memref_slice %arg2[%add3A_272, %dma_start3A_277] : memref<320000x128xf32, #tpu.memory_space<hbm>> -> memref<80x128xf32, #tpu.memory_space<hbm>>
      %dma_start3A_279 = arith.constant 0 : i32
      %dma_start3A_280 = arith.constant 0 : i32
      %dma_start3A_281 = tpu.memref_slice %arg7[%dma_start3A, %dma_start3A_279, %dma_start3A_280] : memref<4x80x128xf32, #tpu.memory_space<vmem>> -> memref<1x80x128xf32, #tpu.memory_space<vmem>>
      %dma_start3A_282 = tpu.memref_squeeze %dma_start3A_281 : memref<1x80x128xf32, #tpu.memory_space<vmem>> -> memref<80x128xf32, #tpu.memory_space<vmem>>
      %dma_start3A_283 = arith.constant 0 : i32
      %dma_start3A_284 = tpu.memref_slice %arg2[%add3A_272, %dma_start3A_283] : memref<320000x128xf32, #tpu.memory_space<hbm>> -> memref<80x128xf32, #tpu.memory_space<hbm>>
      tpu.enqueue_dma source(%dma_start3A_284 : memref<80x128xf32, #tpu.memory_space<hbm>>) target(%dma_start3A_282 : memref<80x128xf32, #tpu.memory_space<vmem>>) target_semaphore(%arg16 : memref<!tpu.dma_semaphore, #tpu.memory_space<semaphore_mem>>)
    } else {
    }
    %get3A_50 = arith.constant 0 : i32
    %get3A_51 = arith.constant 1 : i32
    %get3A_52 = arith.index_cast %get3A_50 : i32 to index
    %get3A_53 = arith.index_cast %get3A_51 : i32 to index
    %get3A_54 = memref.load %arg15[%get3A_52, %get3A_53] : memref<3x125xi32, #tpu.memory_space<smem>>
    %eq3A_55 = arith.constant 1 : i32
    %eq3A_56 = arith.cmpi eq, %get3A_54, %eq3A_55 : i32
    %convert_element_type3A_57 = arith.extui %eq3A_56 : i1 to i32
    %cond3A_58 = arith.constant 0 : i32
    %cond3A_59 = arith.cmpi ne, %convert_element_type3A_57, %cond3A_58 : i32
    scf.if %cond3A_59 {
      %add3A_271 = arith.constant 80 : i32
      %add3A_272 = arith.addi %mul3A_2, %add3A_271 : i32
      %dma_start3A = arith.constant 1 : i32
      %dma_start3A_273 = arith.constant 0 : i32
      %dma_start3A_274 = arith.constant 0 : i32
      %dma_start3A_275 = tpu.memref_slice %arg7[%dma_start3A, %dma_start3A_273, %dma_start3A_274] : memref<4x80x128xf32, #tpu.memory_space<vmem>> -> memref<1x80x128xf32, #tpu.memory_space<vmem>>
      %dma_start3A_276 = tpu.memref_squeeze %dma_start3A_275 : memref<1x80x128xf32, #tpu.memory_space<vmem>> -> memref<80x128xf32, #tpu.memory_space<vmem>>
      %dma_start3A_277 = arith.constant 0 : i32
      %dma_start3A_278 = tpu.memref_slice %arg2[%add3A_272, %dma_start3A_277] : memref<320000x128xf32, #tpu.memory_space<hbm>> -> memref<80x128xf32, #tpu.memory_space<hbm>>
      %dma_start3A_279 = arith.constant 0 : i32
      %dma_start3A_280 = arith.constant 0 : i32
      %dma_start3A_281 = tpu.memref_slice %arg7[%dma_start3A, %dma_start3A_279, %dma_start3A_280] : memref<4x80x128xf32, #tpu.memory_space<vmem>> -> memref<1x80x128xf32, #tpu.memory_space<vmem>>
      %dma_start3A_282 = tpu.memref_squeeze %dma_start3A_281 : memref<1x80x128xf32, #tpu.memory_space<vmem>> -> memref<80x128xf32, #tpu.memory_space<vmem>>
      %dma_start3A_283 = arith.constant 0 : i32
      %dma_start3A_284 = tpu.memref_slice %arg2[%add3A_272, %dma_start3A_283] : memref<320000x128xf32, #tpu.memory_space<hbm>> -> memref<80x128xf32, #tpu.memory_space<hbm>>
      tpu.enqueue_dma source(%dma_start3A_284 : memref<80x128xf32, #tpu.memory_space<hbm>>) target(%dma_start3A_282 : memref<80x128xf32, #tpu.memory_space<vmem>>) target_semaphore(%arg17 : memref<!tpu.dma_semaphore, #tpu.memory_space<semaphore_mem>>)
    } else {
    }
    %get3A_60 = arith.constant 0 : i32
    %get3A_61 = arith.constant 2 : i32
    %get3A_62 = arith.index_cast %get3A_60 : i32 to index
    %get3A_63 = arith.index_cast %get3A_61 : i32 to index
    %get3A_64 = memref.load %arg15[%get3A_62, %get3A_63] : memref<3x125xi32, #tpu.memory_space<smem>>
    %eq3A_65 = arith.constant 1 : i32
    %eq3A_66 = arith.cmpi eq, %get3A_64, %eq3A_65 : i32
    %convert_element_type3A_67 = arith.extui %eq3A_66 : i1 to i32
    %cond3A_68 = arith.constant 0 : i32
    %cond3A_69 = arith.cmpi ne, %convert_element_type3A_67, %cond3A_68 : i32
    scf.if %cond3A_69 {
      %add3A_271 = arith.constant 160 : i32
      %add3A_272 = arith.addi %mul3A_2, %add3A_271 : i32
      %dma_start3A = arith.constant 2 : i32
      %dma_start3A_273 = arith.constant 0 : i32
      %dma_start3A_274 = arith.constant 0 : i32
      %dma_start3A_275 = tpu.memref_slice %arg7[%dma_start3A, %dma_start3A_273, %dma_start3A_274] : memref<4x80x128xf32, #tpu.memory_space<vmem>> -> memref<1x80x128xf32, #tpu.memory_space<vmem>>
      %dma_start3A_276 = tpu.memref_squeeze %dma_start3A_275 : memref<1x80x128xf32, #tpu.memory_space<vmem>> -> memref<80x128xf32, #tpu.memory_space<vmem>>
      %dma_start3A_277 = arith.constant 0 : i32
      %dma_start3A_278 = tpu.memref_slice %arg2[%add3A_272, %dma_start3A_277] : memref<320000x128xf32, #tpu.memory_space<hbm>> -> memref<80x128xf32, #tpu.memory_space<hbm>>
      %dma_start3A_279 = arith.constant 0 : i32
      %dma_start3A_280 = arith.constant 0 : i32
      %dma_start3A_281 = tpu.memref_slice %arg7[%dma_start3A, %dma_start3A_279, %dma_start3A_280] : memref<4x80x128xf32, #tpu.memory_space<vmem>> -> memref<1x80x128xf32, #tpu.memory_space<vmem>>
      %dma_start3A_282 = tpu.memref_squeeze %dma_start3A_281 : memref<1x80x128xf32, #tpu.memory_space<vmem>> -> memref<80x128xf32, #tpu.memory_space<vmem>>
      %dma_start3A_283 = arith.constant 0 : i32
      %dma_start3A_284 = tpu.memref_slice %arg2[%add3A_272, %dma_start3A_283] : memref<320000x128xf32, #tpu.memory_space<hbm>> -> memref<80x128xf32, #tpu.memory_space<hbm>>
      tpu.enqueue_dma source(%dma_start3A_284 : memref<80x128xf32, #tpu.memory_space<hbm>>) target(%dma_start3A_282 : memref<80x128xf32, #tpu.memory_space<vmem>>) target_semaphore(%arg18 : memref<!tpu.dma_semaphore, #tpu.memory_space<semaphore_mem>>)
    } else {
    }
    %get3A_70 = arith.constant 0 : i32
    %get3A_71 = arith.constant 3 : i32
    %get3A_72 = arith.index_cast %get3A_70 : i32 to index
    %get3A_73 = arith.index_cast %get3A_71 : i32 to index
    %get3A_74 = memref.load %arg15[%get3A_72, %get3A_73] : memref<3x125xi32, #tpu.memory_space<smem>>
    %eq3A_75 = arith.constant 1 : i32
    %eq3A_76 = arith.cmpi eq, %get3A_74, %eq3A_75 : i32
    %convert_element_type3A_77 = arith.extui %eq3A_76 : i1 to i32
    %cond3A_78 = arith.constant 0 : i32
    %cond3A_79 = arith.cmpi ne, %convert_element_type3A_77, %cond3A_78 : i32
    scf.if %cond3A_79 {
      %add3A_271 = arith.constant 240 : i32
      %add3A_272 = arith.addi %mul3A_2, %add3A_271 : i32
      %dma_start3A = arith.constant 3 : i32
      %dma_start3A_273 = arith.constant 0 : i32
      %dma_start3A_274 = arith.constant 0 : i32
      %dma_start3A_275 = tpu.memref_slice %arg7[%dma_start3A, %dma_start3A_273, %dma_start3A_274] : memref<4x80x128xf32, #tpu.memory_space<vmem>> -> memref<1x80x128xf32, #tpu.memory_space<vmem>>
      %dma_start3A_276 = tpu.memref_squeeze %dma_start3A_275 : memref<1x80x128xf32, #tpu.memory_space<vmem>> -> memref<80x128xf32, #tpu.memory_space<vmem>>
      %dma_start3A_277 = arith.constant 0 : i32
      %dma_start3A_278 = tpu.memref_slice %arg2[%add3A_272, %dma_start3A_277] : memref<320000x128xf32, #tpu.memory_space<hbm>> -> memref<80x128xf32, #tpu.memory_space<hbm>>
      %dma_start3A_279 = arith.constant 0 : i32
      %dma_start3A_280 = arith.constant 0 : i32
      %dma_start3A_281 = tpu.memref_slice %arg7[%dma_start3A, %dma_start3A_279, %dma_start3A_280] : memref<4x80x128xf32, #tpu.memory_space<vmem>> -> memref<1x80x128xf32, #tpu.memory_space<vmem>>
      %dma_start3A_282 = tpu.memref_squeeze %dma_start3A_281 : memref<1x80x128xf32, #tpu.memory_space<vmem>> -> memref<80x128xf32, #tpu.memory_space<vmem>>
      %dma_start3A_283 = arith.constant 0 : i32
      %dma_start3A_284 = tpu.memref_slice %arg2[%add3A_272, %dma_start3A_283] : memref<320000x128xf32, #tpu.memory_space<hbm>> -> memref<80x128xf32, #tpu.memory_space<hbm>>
      tpu.enqueue_dma source(%dma_start3A_284 : memref<80x128xf32, #tpu.memory_space<hbm>>) target(%dma_start3A_282 : memref<80x128xf32, #tpu.memory_space<vmem>>) target_semaphore(%arg19 : memref<!tpu.dma_semaphore, #tpu.memory_space<semaphore_mem>>)
    } else {
    }
    %scan3A_80 = arith.constant 0 : i32
    %scan3A_81 = arith.constant 31 : i32
    %scan3A_82 = arith.addi %scan3A_80, %scan3A_81 : i32
    %scan3A_83 = arith.constant 1 : i32
    scf.for %scan3A_271 = %scan3A_80 to %scan3A_82 step %scan3A_83  : i32 {
      %mul3A_272 = arith.constant 1 : i32
      %mul3A_273 = arith.muli %scan3A_271, %mul3A_272 : i32
      %add3A_274 = arith.constant 0 : i32
      %add3A_275 = arith.addi %add3A_274, %mul3A_273 : i32
      %mul3A_276 = arith.constant 4 : i32
      %mul3A_277 = arith.muli %mul3A_276, %add3A_275 : i32
      %add3A_278 = arith.constant 0 : i32
      %add3A_279 = arith.addi %mul3A_277, %add3A_278 : i32
      %get3A_280 = arith.constant 0 : i32
      %get3A_281 = arith.index_cast %get3A_280 : i32 to index
      %get3A_282 = arith.index_cast %add3A_279 : i32 to index
      %get3A_283 = memref.load %arg15[%get3A_281, %get3A_282] : memref<3x125xi32, #tpu.memory_space<smem>>
      %eq3A_284 = arith.constant 1 : i32
      %eq3A_285 = arith.cmpi eq, %get3A_283, %eq3A_284 : i32
      %convert_element_type3A_286 = arith.extui %eq3A_285 : i1 to i32
      %cond3A_287 = arith.constant 0 : i32
      %cond3A_288 = arith.cmpi ne, %convert_element_type3A_286, %cond3A_287 : i32
      scf.if %cond3A_288 {
        %dma_wait3A = arith.constant 0 : i32
        %dma_wait3A_408 = arith.constant 0 : i32
        %dma_wait3A_409 = arith.constant 0 : i32
        %dma_wait3A_410 = tpu.memref_slice %arg7[%dma_wait3A, %dma_wait3A_408, %dma_wait3A_409] : memref<4x80x128xf32, #tpu.memory_space<vmem>> -> memref<1x80x128xf32, #tpu.memory_space<vmem>>
        %dma_wait3A_411 = tpu.memref_squeeze %dma_wait3A_410 : memref<1x80x128xf32, #tpu.memory_space<vmem>> -> memref<80x128xf32, #tpu.memory_space<vmem>>
        %dma_wait3A_412 = arith.constant 0 : i32
        %dma_wait3A_413 = tpu.memref_slice %arg2[%mul3A_2, %dma_wait3A_412] : memref<320000x128xf32, #tpu.memory_space<hbm>> -> memref<80x128xf32, #tpu.memory_space<hbm>>
        %dma_wait3A_414 = arith.constant 0 : i32
        %dma_wait3A_415 = arith.constant 0 : i32
        %dma_wait3A_416 = tpu.memref_slice %arg7[%dma_wait3A, %dma_wait3A_414, %dma_wait3A_415] : memref<4x80x128xf32, #tpu.memory_space<vmem>> -> memref<1x80x128xf32, #tpu.memory_space<vmem>>
        %dma_wait3A_417 = tpu.memref_squeeze %dma_wait3A_416 : memref<1x80x128xf32, #tpu.memory_space<vmem>> -> memref<80x128xf32, #tpu.memory_space<vmem>>
        %dma_wait3A_418 = arith.constant 0 : i32
        %dma_wait3A_419 = tpu.memref_slice %arg2[%mul3A_2, %dma_wait3A_418] : memref<320000x128xf32, #tpu.memory_space<hbm>> -> memref<80x128xf32, #tpu.memory_space<hbm>>
        tpu.wait_dma2 semaphore(%arg16 : memref<!tpu.dma_semaphore, #tpu.memory_space<semaphore_mem>>) src(%dma_wait3A_419 : memref<80x128xf32, #tpu.memory_space<hbm>>) dst(%dma_wait3A_417 : memref<80x128xf32, #tpu.memory_space<vmem>>)
        %scan3A_420 = arith.constant 0 : i32
        %scan3A_421 = arith.constant 5 : i32
        %scan3A_422 = arith.addi %scan3A_420, %scan3A_421 : i32
        %scan3A_423 = arith.constant 1 : i32
        scf.for %scan3A_436 = %scan3A_420 to %scan3A_422 step %scan3A_423  : i32 {
          %mul3A_437 = arith.constant 1 : i32
          %mul3A_438 = arith.muli %scan3A_436, %mul3A_437 : i32
          %add3A_439 = arith.constant 0 : i32
          %add3A_440 = arith.addi %add3A_439, %mul3A_438 : i32
          %mul3A_441 = arith.constant 16 : i32
          %mul3A_442 = arith.muli %add3A_440, %mul3A_441 : i32
          %get3A_443 = arith.index_cast %add3A_279 : i32 to index
          %get3A_444 = arith.index_cast %mul3A_442 : i32 to index
          %get3A_445 = tpu.vector_load %arg8[%get3A_443, %get3A_444] {strides = array<i32>} : memref<125x80xi32, #tpu.memory_space<vmem>>, vector<16xi32>,
          %ge3A = arith.constant 0 : i32
          %ge3A_446 = vector.broadcast %ge3A : i32 to vector<16xi32>
          %ge3A_447 = arith.cmpi sge, %get3A_445, %ge3A_446 : vector<16xi32>
          %lt3A_448 = arith.constant 3840 : i32
          %lt3A_449 = vector.broadcast %lt3A_448 : i32 to vector<16xi32>
          %lt3A_450 = arith.cmpi slt, %get3A_445, %lt3A_449 : vector<16xi32>
          %and3A = arith.andi %ge3A_447, %lt3A_450 : vector<16xi1>
          %sub3A = arith.constant 0 : i32
          %sub3A_451 = vector.broadcast %sub3A : i32 to vector<16xi32>
          %sub3A_452 = arith.subi %get3A_445, %sub3A_451 : vector<16xi32>
          %jit3A = arith.constant 3840 : i32
          %broadcast_in_dim3A_453 = vector.broadcast %jit3A : i32 to vector<16xi32>
          %select_n3A = arith.select %and3A, %sub3A_452, %broadcast_in_dim3A_453 : vector<16xi1>, vector<16xi32>
          %mul3A_454 = arith.constant 16 : i32
          %mul3A_455 = arith.muli %add3A_440, %mul3A_454 : i32
          %swap3A_456 = arith.constant 0 : i32
          %swap3A_457 = arith.index_cast %swap3A_456 : i32 to index
          %swap3A_458 = arith.index_cast %mul3A_455 : i32 to index
          %swap3A_459 = tpu.vector_load %arg14[%swap3A_457, %swap3A_458] {strides = array<i32>} : memref<4x80xi32, #tpu.memory_space<vmem>>, vector<16xi32>,
          tpu.vector_store %arg14[%swap3A_457, %swap3A_458], %select_n3A {strides = array<i32>} : memref<4x80xi32, #tpu.memory_space<vmem>>, vector<16xi32>,
        }
        %scan3A_424 = arith.constant 5 : i32
        %dma_start3A = arith.constant 0 : i32
        %dma_start3A_425 = arith.constant 0 : i32
        %dma_start3A_426 = arith.constant 0 : i32
        %dma_start3A_427 = arith.constant 0 : i32
        %dma_start3A_428 = tpu.memref_slice %arg7[%dma_start3A, %dma_start3A_426, %dma_start3A_427] : memref<4x80x128xf32, #tpu.memory_space<vmem>> -> memref<1x80x128xf32, #tpu.memory_space<vmem>>
        %dma_start3A_429 = tpu.memref_squeeze %dma_start3A_428 : memref<1x80x128xf32, #tpu.memory_space<vmem>> -> memref<80x128xf32, #tpu.memory_space<vmem>>
        %dma_start3A_430 = arith.constant 0 : i32
        %dma_start3A_431 = tpu.memref_slice %arg14[%dma_start3A_425, %dma_start3A_430] : memref<4x80xi32, #tpu.memory_space<vmem>> -> memref<1x80xi32, #tpu.memory_space<vmem>>
        %dma_start3A_432 = tpu.memref_squeeze %dma_start3A_431 : memref<1x80xi32, #tpu.memory_space<vmem>> -> memref<80xi32, #tpu.memory_space<vmem>>
        %dma_start3A_433 = arith.constant 0 : i32
        %dma_start3A_434 = arith.constant 0 : i32
        %dma_start3A_435 = tpu.memref_slice %arg24[%dma_start3A_433, %dma_start3A_434] : memref<3848x128xf32, #tpu.memory_space<vmem_shared>> -> memref<3848x128xf32, #tpu.memory_space<vmem_shared>>
        tpu.enqueue_indirect_dma source(%dma_start3A_429 : memref<80x128xf32, #tpu.memory_space<vmem>>) target(%dma_start3A_435 : memref<3848x128xf32, #tpu.memory_space<vmem_shared>>) offsets(%dma_start3A_432 : memref<80xi32, #tpu.memory_space<vmem>>) semaphore(%arg20 : memref<!tpu.dma_semaphore, #tpu.memory_space<semaphore_mem>>) {add = true}
      } else {
      }
      %mul3A_289 = arith.constant 4 : i32
      %mul3A_290 = arith.muli %mul3A_289, %add3A_275 : i32
      %add3A_291 = arith.constant 1 : i32
      %add3A_292 = arith.addi %mul3A_290, %add3A_291 : i32
      %get3A_293 = arith.constant 0 : i32
      %get3A_294 = arith.index_cast %get3A_293 : i32 to index
      %get3A_295 = arith.index_cast %add3A_292 : i32 to index
      %get3A_296 = memref.load %arg15[%get3A_294, %get3A_295] : memref<3x125xi32, #tpu.memory_space<smem>>
      %eq3A_297 = arith.constant 1 : i32
      %eq3A_298 = arith.cmpi eq, %get3A_296, %eq3A_297 : i32
      %convert_element_type3A_299 = arith.extui %eq3A_298 : i1 to i32
      %cond3A_300 = arith.constant 0 : i32
      %cond3A_301 = arith.cmpi ne, %convert_element_type3A_299, %cond3A_300 : i32
      scf.if %cond3A_301 {
        %dma_wait3A = arith.constant 1 : i32
        %dma_wait3A_408 = arith.constant 0 : i32
        %dma_wait3A_409 = arith.constant 0 : i32
        %dma_wait3A_410 = tpu.memref_slice %arg7[%dma_wait3A, %dma_wait3A_408, %dma_wait3A_409] : memref<4x80x128xf32, #tpu.memory_space<vmem>> -> memref<1x80x128xf32, #tpu.memory_space<vmem>>
        %dma_wait3A_411 = tpu.memref_squeeze %dma_wait3A_410 : memref<1x80x128xf32, #tpu.memory_space<vmem>> -> memref<80x128xf32, #tpu.memory_space<vmem>>
        %dma_wait3A_412 = arith.constant 0 : i32
        %dma_wait3A_413 = tpu.memref_slice %arg2[%mul3A_2, %dma_wait3A_412] : memref<320000x128xf32, #tpu.memory_space<hbm>> -> memref<80x128xf32, #tpu.memory_space<hbm>>
        %dma_wait3A_414 = arith.constant 0 : i32
        %dma_wait3A_415 = arith.constant 0 : i32
        %dma_wait3A_416 = tpu.memref_slice %arg7[%dma_wait3A, %dma_wait3A_414, %dma_wait3A_415] : memref<4x80x128xf32, #tpu.memory_space<vmem>> -> memref<1x80x128xf32, #tpu.memory_space<vmem>>
        %dma_wait3A_417 = tpu.memref_squeeze %dma_wait3A_416 : memref<1x80x128xf32, #tpu.memory_space<vmem>> -> memref<80x128xf32, #tpu.memory_space<vmem>>
        %dma_wait3A_418 = arith.constant 0 : i32
        %dma_wait3A_419 = tpu.memref_slice %arg2[%mul3A_2, %dma_wait3A_418] : memref<320000x128xf32, #tpu.memory_space<hbm>> -> memref<80x128xf32, #tpu.memory_space<hbm>>
        tpu.wait_dma2 semaphore(%arg17 : memref<!tpu.dma_semaphore, #tpu.memory_space<semaphore_mem>>) src(%dma_wait3A_419 : memref<80x128xf32, #tpu.memory_space<hbm>>) dst(%dma_wait3A_417 : memref<80x128xf32, #tpu.memory_space<vmem>>)
        %scan3A_420 = arith.constant 0 : i32
        %scan3A_421 = arith.constant 5 : i32
        %scan3A_422 = arith.addi %scan3A_420, %scan3A_421 : i32
        %scan3A_423 = arith.constant 1 : i32
        scf.for %scan3A_436 = %scan3A_420 to %scan3A_422 step %scan3A_423  : i32 {
          %mul3A_437 = arith.constant 1 : i32
          %mul3A_438 = arith.muli %scan3A_436, %mul3A_437 : i32
          %add3A_439 = arith.constant 0 : i32
          %add3A_440 = arith.addi %add3A_439, %mul3A_438 : i32
          %mul3A_441 = arith.constant 16 : i32
          %mul3A_442 = arith.muli %add3A_440, %mul3A_441 : i32
          %get3A_443 = arith.index_cast %add3A_292 : i32 to index
          %get3A_444 = arith.index_cast %mul3A_442 : i32 to index
          %get3A_445 = tpu.vector_load %arg8[%get3A_443, %get3A_444] {strides = array<i32>} : memref<125x80xi32, #tpu.memory_space<vmem>>, vector<16xi32>,
          %ge3A = arith.constant 0 : i32
          %ge3A_446 = vector.broadcast %ge3A : i32 to vector<16xi32>
          %ge3A_447 = arith.cmpi sge, %get3A_445, %ge3A_446 : vector<16xi32>
          %lt3A_448 = arith.constant 3840 : i32
          %lt3A_449 = vector.broadcast %lt3A_448 : i32 to vector<16xi32>
          %lt3A_450 = arith.cmpi slt, %get3A_445, %lt3A_449 : vector<16xi32>
          %and3A = arith.andi %ge3A_447, %lt3A_450 : vector<16xi1>
          %sub3A = arith.constant 0 : i32
          %sub3A_451 = vector.broadcast %sub3A : i32 to vector<16xi32>
          %sub3A_452 = arith.subi %get3A_445, %sub3A_451 : vector<16xi32>
          %jit3A = arith.constant 3840 : i32
          %broadcast_in_dim3A_453 = vector.broadcast %jit3A : i32 to vector<16xi32>
          %select_n3A = arith.select %and3A, %sub3A_452, %broadcast_in_dim3A_453 : vector<16xi1>, vector<16xi32>
          %mul3A_454 = arith.constant 16 : i32
          %mul3A_455 = arith.muli %add3A_440, %mul3A_454 : i32
          %swap3A_456 = arith.constant 1 : i32
          %swap3A_457 = arith.index_cast %swap3A_456 : i32 to index
          %swap3A_458 = arith.index_cast %mul3A_455 : i32 to index
          %swap3A_459 = tpu.vector_load %arg14[%swap3A_457, %swap3A_458] {strides = array<i32>} : memref<4x80xi32, #tpu.memory_space<vmem>>, vector<16xi32>,
          tpu.vector_store %arg14[%swap3A_457, %swap3A_458], %select_n3A {strides = array<i32>} : memref<4x80xi32, #tpu.memory_space<vmem>>, vector<16xi32>,
        }
        %scan3A_424 = arith.constant 5 : i32
        %dma_start3A = arith.constant 1 : i32
        %dma_start3A_425 = arith.constant 1 : i32
        %dma_start3A_426 = arith.constant 0 : i32
        %dma_start3A_427 = arith.constant 0 : i32
        %dma_start3A_428 = tpu.memref_slice %arg7[%dma_start3A, %dma_start3A_426, %dma_start3A_427] : memref<4x80x128xf32, #tpu.memory_space<vmem>> -> memref<1x80x128xf32, #tpu.memory_space<vmem>>
        %dma_start3A_429 = tpu.memref_squeeze %dma_start3A_428 : memref<1x80x128xf32, #tpu.memory_space<vmem>> -> memref<80x128xf32, #tpu.memory_space<vmem>>
        %dma_start3A_430 = arith.constant 0 : i32
        %dma_start3A_431 = tpu.memref_slice %arg14[%dma_start3A_425, %dma_start3A_430] : memref<4x80xi32, #tpu.memory_space<vmem>> -> memref<1x80xi32, #tpu.memory_space<vmem>>
        %dma_start3A_432 = tpu.memref_squeeze %dma_start3A_431 : memref<1x80xi32, #tpu.memory_space<vmem>> -> memref<80xi32, #tpu.memory_space<vmem>>
        %dma_start3A_433 = arith.constant 0 : i32
        %dma_start3A_434 = arith.constant 0 : i32
        %dma_start3A_435 = tpu.memref_slice %arg24[%dma_start3A_433, %dma_start3A_434] : memref<3848x128xf32, #tpu.memory_space<vmem_shared>> -> memref<3848x128xf32, #tpu.memory_space<vmem_shared>>
        tpu.enqueue_indirect_dma source(%dma_start3A_429 : memref<80x128xf32, #tpu.memory_space<vmem>>) target(%dma_start3A_435 : memref<3848x128xf32, #tpu.memory_space<vmem_shared>>) offsets(%dma_start3A_432 : memref<80xi32, #tpu.memory_space<vmem>>) semaphore(%arg21 : memref<!tpu.dma_semaphore, #tpu.memory_space<semaphore_mem>>) {add = true}
      } else {
      }
      %mul3A_302 = arith.constant 4 : i32
      %mul3A_303 = arith.muli %mul3A_302, %add3A_275 : i32
      %add3A_304 = arith.constant 2 : i32
      %add3A_305 = arith.addi %mul3A_303, %add3A_304 : i32
      %get3A_306 = arith.constant 0 : i32
      %get3A_307 = arith.index_cast %get3A_306 : i32 to index
      %get3A_308 = arith.index_cast %add3A_305 : i32 to index
      %get3A_309 = memref.load %arg15[%get3A_307, %get3A_308] : memref<3x125xi32, #tpu.memory_space<smem>>
      %eq3A_310 = arith.constant 1 : i32
      %eq3A_311 = arith.cmpi eq, %get3A_309, %eq3A_310 : i32
      %convert_element_type3A_312 = arith.extui %eq3A_311 : i1 to i32
      %cond3A_313 = arith.constant 0 : i32
      %cond3A_314 = arith.cmpi ne, %convert_element_type3A_312, %cond3A_313 : i32
      scf.if %cond3A_314 {
        %dma_wait3A = arith.constant 2 : i32
        %dma_wait3A_408 = arith.constant 0 : i32
        %dma_wait3A_409 = arith.constant 0 : i32
        %dma_wait3A_410 = tpu.memref_slice %arg7[%dma_wait3A, %dma_wait3A_408, %dma_wait3A_409] : memref<4x80x128xf32, #tpu.memory_space<vmem>> -> memref<1x80x128xf32, #tpu.memory_space<vmem>>
        %dma_wait3A_411 = tpu.memref_squeeze %dma_wait3A_410 : memref<1x80x128xf32, #tpu.memory_space<vmem>> -> memref<80x128xf32, #tpu.memory_space<vmem>>
        %dma_wait3A_412 = arith.constant 0 : i32
        %dma_wait3A_413 = tpu.memref_slice %arg2[%mul3A_2, %dma_wait3A_412] : memref<320000x128xf32, #tpu.memory_space<hbm>> -> memref<80x128xf32, #tpu.memory_space<hbm>>
        %dma_wait3A_414 = arith.constant 0 : i32
        %dma_wait3A_415 = arith.constant 0 : i32
        %dma_wait3A_416 = tpu.memref_slice %arg7[%dma_wait3A, %dma_wait3A_414, %dma_wait3A_415] : memref<4x80x128xf32, #tpu.memory_space<vmem>> -> memref<1x80x128xf32, #tpu.memory_space<vmem>>
        %dma_wait3A_417 = tpu.memref_squeeze %dma_wait3A_416 : memref<1x80x128xf32, #tpu.memory_space<vmem>> -> memref<80x128xf32, #tpu.memory_space<vmem>>
        %dma_wait3A_418 = arith.constant 0 : i32
        %dma_wait3A_419 = tpu.memref_slice %arg2[%mul3A_2, %dma_wait3A_418] : memref<320000x128xf32, #tpu.memory_space<hbm>> -> memref<80x128xf32, #tpu.memory_space<hbm>>
        tpu.wait_dma2 semaphore(%arg18 : memref<!tpu.dma_semaphore, #tpu.memory_space<semaphore_mem>>) src(%dma_wait3A_419 : memref<80x128xf32, #tpu.memory_space<hbm>>) dst(%dma_wait3A_417 : memref<80x128xf32, #tpu.memory_space<vmem>>)
        %scan3A_420 = arith.constant 0 : i32
        %scan3A_421 = arith.constant 5 : i32
        %scan3A_422 = arith.addi %scan3A_420, %scan3A_421 : i32
        %scan3A_423 = arith.constant 1 : i32
        scf.for %scan3A_436 = %scan3A_420 to %scan3A_422 step %scan3A_423  : i32 {
          %mul3A_437 = arith.constant 1 : i32
          %mul3A_438 = arith.muli %scan3A_436, %mul3A_437 : i32
          %add3A_439 = arith.constant 0 : i32
          %add3A_440 = arith.addi %add3A_439, %mul3A_438 : i32
          %mul3A_441 = arith.constant 16 : i32
          %mul3A_442 = arith.muli %add3A_440, %mul3A_441 : i32
          %get3A_443 = arith.index_cast %add3A_305 : i32 to index
          %get3A_444 = arith.index_cast %mul3A_442 : i32 to index
          %get3A_445 = tpu.vector_load %arg8[%get3A_443, %get3A_444] {strides = array<i32>} : memref<125x80xi32, #tpu.memory_space<vmem>>, vector<16xi32>,
          %ge3A = arith.constant 0 : i32
          %ge3A_446 = vector.broadcast %ge3A : i32 to vector<16xi32>
          %ge3A_447 = arith.cmpi sge, %get3A_445, %ge3A_446 : vector<16xi32>
          %lt3A_448 = arith.constant 3840 : i32
          %lt3A_449 = vector.broadcast %lt3A_448 : i32 to vector<16xi32>
          %lt3A_450 = arith.cmpi slt, %get3A_445, %lt3A_449 : vector<16xi32>
          %and3A = arith.andi %ge3A_447, %lt3A_450 : vector<16xi1>
          %sub3A = arith.constant 0 : i32
          %sub3A_451 = vector.broadcast %sub3A : i32 to vector<16xi32>
          %sub3A_452 = arith.subi %get3A_445, %sub3A_451 : vector<16xi32>
          %jit3A = arith.constant 3840 : i32
          %broadcast_in_dim3A_453 = vector.broadcast %jit3A : i32 to vector<16xi32>
          %select_n3A = arith.select %and3A, %sub3A_452, %broadcast_in_dim3A_453 : vector<16xi1>, vector<16xi32>
          %mul3A_454 = arith.constant 16 : i32
          %mul3A_455 = arith.muli %add3A_440, %mul3A_454 : i32
          %swap3A_456 = arith.constant 2 : i32
          %swap3A_457 = arith.index_cast %swap3A_456 : i32 to index
          %swap3A_458 = arith.index_cast %mul3A_455 : i32 to index
          %swap3A_459 = tpu.vector_load %arg14[%swap3A_457, %swap3A_458] {strides = array<i32>} : memref<4x80xi32, #tpu.memory_space<vmem>>, vector<16xi32>,
          tpu.vector_store %arg14[%swap3A_457, %swap3A_458], %select_n3A {strides = array<i32>} : memref<4x80xi32, #tpu.memory_space<vmem>>, vector<16xi32>,
        }
        %scan3A_424 = arith.constant 5 : i32
        %dma_start3A = arith.constant 2 : i32
        %dma_start3A_425 = arith.constant 2 : i32
        %dma_start3A_426 = arith.constant 0 : i32
        %dma_start3A_427 = arith.constant 0 : i32
        %dma_start3A_428 = tpu.memref_slice %arg7[%dma_start3A, %dma_start3A_426, %dma_start3A_427] : memref<4x80x128xf32, #tpu.memory_space<vmem>> -> memref<1x80x128xf32, #tpu.memory_space<vmem>>
        %dma_start3A_429 = tpu.memref_squeeze %dma_start3A_428 : memref<1x80x128xf32, #tpu.memory_space<vmem>> -> memref<80x128xf32, #tpu.memory_space<vmem>>
        %dma_start3A_430 = arith.constant 0 : i32
        %dma_start3A_431 = tpu.memref_slice %arg14[%dma_start3A_425, %dma_start3A_430] : memref<4x80xi32, #tpu.memory_space<vmem>> -> memref<1x80xi32, #tpu.memory_space<vmem>>
        %dma_start3A_432 = tpu.memref_squeeze %dma_start3A_431 : memref<1x80xi32, #tpu.memory_space<vmem>> -> memref<80xi32, #tpu.memory_space<vmem>>
        %dma_start3A_433 = arith.constant 0 : i32
        %dma_start3A_434 = arith.constant 0 : i32
        %dma_start3A_435 = tpu.memref_slice %arg24[%dma_start3A_433, %dma_start3A_434] : memref<3848x128xf32, #tpu.memory_space<vmem_shared>> -> memref<3848x128xf32, #tpu.memory_space<vmem_shared>>
        tpu.enqueue_indirect_dma source(%dma_start3A_429 : memref<80x128xf32, #tpu.memory_space<vmem>>) target(%dma_start3A_435 : memref<3848x128xf32, #tpu.memory_space<vmem_shared>>) offsets(%dma_start3A_432 : memref<80xi32, #tpu.memory_space<vmem>>) semaphore(%arg22 : memref<!tpu.dma_semaphore, #tpu.memory_space<semaphore_mem>>) {add = true}
      } else {
      }
      %mul3A_315 = arith.constant 4 : i32
      %mul3A_316 = arith.muli %mul3A_315, %add3A_275 : i32
      %add3A_317 = arith.constant 3 : i32
      %add3A_318 = arith.addi %mul3A_316, %add3A_317 : i32
      %get3A_319 = arith.constant 0 : i32
      %get3A_320 = arith.index_cast %get3A_319 : i32 to index
      %get3A_321 = arith.index_cast %add3A_318 : i32 to index
      %get3A_322 = memref.load %arg15[%get3A_320, %get3A_321] : memref<3x125xi32, #tpu.memory_space<smem>>
      %eq3A_323 = arith.constant 1 : i32
      %eq3A_324 = arith.cmpi eq, %get3A_322, %eq3A_323 : i32
      %convert_element_type3A_325 = arith.extui %eq3A_324 : i1 to i32
      %cond3A_326 = arith.constant 0 : i32
      %cond3A_327 = arith.cmpi ne, %convert_element_type3A_325, %cond3A_326 : i32
      scf.if %cond3A_327 {
        %dma_wait3A = arith.constant 3 : i32
        %dma_wait3A_408 = arith.constant 0 : i32
        %dma_wait3A_409 = arith.constant 0 : i32
        %dma_wait3A_410 = tpu.memref_slice %arg7[%dma_wait3A, %dma_wait3A_408, %dma_wait3A_409] : memref<4x80x128xf32, #tpu.memory_space<vmem>> -> memref<1x80x128xf32, #tpu.memory_space<vmem>>
        %dma_wait3A_411 = tpu.memref_squeeze %dma_wait3A_410 : memref<1x80x128xf32, #tpu.memory_space<vmem>> -> memref<80x128xf32, #tpu.memory_space<vmem>>
        %dma_wait3A_412 = arith.constant 0 : i32
        %dma_wait3A_413 = tpu.memref_slice %arg2[%mul3A_2, %dma_wait3A_412] : memref<320000x128xf32, #tpu.memory_space<hbm>> -> memref<80x128xf32, #tpu.memory_space<hbm>>
        %dma_wait3A_414 = arith.constant 0 : i32
        %dma_wait3A_415 = arith.constant 0 : i32
        %dma_wait3A_416 = tpu.memref_slice %arg7[%dma_wait3A, %dma_wait3A_414, %dma_wait3A_415] : memref<4x80x128xf32, #tpu.memory_space<vmem>> -> memref<1x80x128xf32, #tpu.memory_space<vmem>>
        %dma_wait3A_417 = tpu.memref_squeeze %dma_wait3A_416 : memref<1x80x128xf32, #tpu.memory_space<vmem>> -> memref<80x128xf32, #tpu.memory_space<vmem>>
        %dma_wait3A_418 = arith.constant 0 : i32
        %dma_wait3A_419 = tpu.memref_slice %arg2[%mul3A_2, %dma_wait3A_418] : memref<320000x128xf32, #tpu.memory_space<hbm>> -> memref<80x128xf32, #tpu.memory_space<hbm>>
        tpu.wait_dma2 semaphore(%arg19 : memref<!tpu.dma_semaphore, #tpu.memory_space<semaphore_mem>>) src(%dma_wait3A_419 : memref<80x128xf32, #tpu.memory_space<hbm>>) dst(%dma_wait3A_417 : memref<80x128xf32, #tpu.memory_space<vmem>>)
        %scan3A_420 = arith.constant 0 : i32
        %scan3A_421 = arith.constant 5 : i32
        %scan3A_422 = arith.addi %scan3A_420, %scan3A_421 : i32
        %scan3A_423 = arith.constant 1 : i32
        scf.for %scan3A_436 = %scan3A_420 to %scan3A_422 step %scan3A_423  : i32 {
          %mul3A_437 = arith.constant 1 : i32
          %mul3A_438 = arith.muli %scan3A_436, %mul3A_437 : i32
          %add3A_439 = arith.constant 0 : i32
          %add3A_440 = arith.addi %add3A_439, %mul3A_438 : i32
          %mul3A_441 = arith.constant 16 : i32
          %mul3A_442 = arith.muli %add3A_440, %mul3A_441 : i32
          %get3A_443 = arith.index_cast %add3A_318 : i32 to index
          %get3A_444 = arith.index_cast %mul3A_442 : i32 to index
          %get3A_445 = tpu.vector_load %arg8[%get3A_443, %get3A_444] {strides = array<i32>} : memref<125x80xi32, #tpu.memory_space<vmem>>, vector<16xi32>,
          %ge3A = arith.constant 0 : i32
          %ge3A_446 = vector.broadcast %ge3A : i32 to vector<16xi32>
          %ge3A_447 = arith.cmpi sge, %get3A_445, %ge3A_446 : vector<16xi32>
          %lt3A_448 = arith.constant 3840 : i32
          %lt3A_449 = vector.broadcast %lt3A_448 : i32 to vector<16xi32>
          %lt3A_450 = arith.cmpi slt, %get3A_445, %lt3A_449 : vector<16xi32>
          %and3A = arith.andi %ge3A_447, %lt3A_450 : vector<16xi1>
          %sub3A = arith.constant 0 : i32
          %sub3A_451 = vector.broadcast %sub3A : i32 to vector<16xi32>
          %sub3A_452 = arith.subi %get3A_445, %sub3A_451 : vector<16xi32>
          %jit3A = arith.constant 3840 : i32
          %broadcast_in_dim3A_453 = vector.broadcast %jit3A : i32 to vector<16xi32>
          %select_n3A = arith.select %and3A, %sub3A_452, %broadcast_in_dim3A_453 : vector<16xi1>, vector<16xi32>
          %mul3A_454 = arith.constant 16 : i32
          %mul3A_455 = arith.muli %add3A_440, %mul3A_454 : i32
          %swap3A_456 = arith.constant 3 : i32
          %swap3A_457 = arith.index_cast %swap3A_456 : i32 to index
          %swap3A_458 = arith.index_cast %mul3A_455 : i32 to index
          %swap3A_459 = tpu.vector_load %arg14[%swap3A_457, %swap3A_458] {strides = array<i32>} : memref<4x80xi32, #tpu.memory_space<vmem>>, vector<16xi32>,
          tpu.vector_store %arg14[%swap3A_457, %swap3A_458], %select_n3A {strides = array<i32>} : memref<4x80xi32, #tpu.memory_space<vmem>>, vector<16xi32>,
        }
        %scan3A_424 = arith.constant 5 : i32
        %dma_start3A = arith.constant 3 : i32
        %dma_start3A_425 = arith.constant 3 : i32
        %dma_start3A_426 = arith.constant 0 : i32
        %dma_start3A_427 = arith.constant 0 : i32
        %dma_start3A_428 = tpu.memref_slice %arg7[%dma_start3A, %dma_start3A_426, %dma_start3A_427] : memref<4x80x128xf32, #tpu.memory_space<vmem>> -> memref<1x80x128xf32, #tpu.memory_space<vmem>>
        %dma_start3A_429 = tpu.memref_squeeze %dma_start3A_428 : memref<1x80x128xf32, #tpu.memory_space<vmem>> -> memref<80x128xf32, #tpu.memory_space<vmem>>
        %dma_start3A_430 = arith.constant 0 : i32
        %dma_start3A_431 = tpu.memref_slice %arg14[%dma_start3A_425, %dma_start3A_430] : memref<4x80xi32, #tpu.memory_space<vmem>> -> memref<1x80xi32, #tpu.memory_space<vmem>>
        %dma_start3A_432 = tpu.memref_squeeze %dma_start3A_431 : memref<1x80xi32, #tpu.memory_space<vmem>> -> memref<80xi32, #tpu.memory_space<vmem>>
        %dma_start3A_433 = arith.constant 0 : i32
        %dma_start3A_434 = arith.constant 0 : i32
        %dma_start3A_435 = tpu.memref_slice %arg24[%dma_start3A_433, %dma_start3A_434] : memref<3848x128xf32, #tpu.memory_space<vmem_shared>> -> memref<3848x128xf32, #tpu.memory_space<vmem_shared>>
        tpu.enqueue_indirect_dma source(%dma_start3A_429 : memref<80x128xf32, #tpu.memory_space<vmem>>) target(%dma_start3A_435 : memref<3848x128xf32, #tpu.memory_space<vmem_shared>>) offsets(%dma_start3A_432 : memref<80xi32, #tpu.memory_space<vmem>>) semaphore(%arg23 : memref<!tpu.dma_semaphore, #tpu.memory_space<semaphore_mem>>) {add = true}
      } else {
      }
      %mul3A_328 = arith.constant 4 : i32
      %mul3A_329 = arith.muli %mul3A_328, %add3A_275 : i32
      %add3A_330 = arith.constant 0 : i32
      %add3A_331 = arith.addi %mul3A_329, %add3A_330 : i32
      %add3A_332 = arith.constant 4 : i32
      %add3A_333 = arith.addi %add3A_331, %add3A_332 : i32
      %get3A_334 = arith.constant 0 : i32
      %get3A_335 = arith.index_cast %get3A_334 : i32 to index
      %get3A_336 = arith.index_cast %add3A_331 : i32 to index
      %get3A_337 = memref.load %arg15[%get3A_335, %get3A_336] : memref<3x125xi32, #tpu.memory_space<smem>>
      %eq3A_338 = arith.constant 1 : i32
      %eq3A_339 = arith.cmpi eq, %get3A_337, %eq3A_338 : i32
      %convert_element_type3A_340 = arith.extui %eq3A_339 : i1 to i32
      %cond3A_341 = arith.constant 0 : i32
      %cond3A_342 = arith.cmpi ne, %convert_element_type3A_340, %cond3A_341 : i32
      scf.if %cond3A_342 {
        %dma_wait3A = arith.constant 0 : i32
        %dma_wait3A_408 = arith.constant 0 : i32
        %dma_wait3A_409 = arith.constant 0 : i32
        %dma_wait3A_410 = arith.constant 0 : i32
        %dma_wait3A_411 = tpu.memref_slice %arg7[%dma_wait3A, %dma_wait3A_409, %dma_wait3A_410] : memref<4x80x128xf32, #tpu.memory_space<vmem>> -> memref<1x80x128xf32, #tpu.memory_space<vmem>>
        %dma_wait3A_412 = tpu.memref_squeeze %dma_wait3A_411 : memref<1x80x128xf32, #tpu.memory_space<vmem>> -> memref<80x128xf32, #tpu.memory_space<vmem>>
        %dma_wait3A_413 = arith.constant 0 : i32
        %dma_wait3A_414 = tpu.memref_slice %arg14[%dma_wait3A_408, %dma_wait3A_413] : memref<4x80xi32, #tpu.memory_space<vmem>> -> memref<1x80xi32, #tpu.memory_space<vmem>>
        %dma_wait3A_415 = tpu.memref_squeeze %dma_wait3A_414 : memref<1x80xi32, #tpu.memory_space<vmem>> -> memref<80xi32, #tpu.memory_space<vmem>>
        %dma_wait3A_416 = arith.constant 0 : i32
        %dma_wait3A_417 = arith.constant 0 : i32
        %dma_wait3A_418 = tpu.memref_slice %arg24[%dma_wait3A_416, %dma_wait3A_417] : memref<3848x128xf32, #tpu.memory_space<vmem_shared>> -> memref<3848x128xf32, #tpu.memory_space<vmem_shared>>
        tpu.wait_indirect_dma semaphore(%arg20 : memref<!tpu.dma_semaphore, #tpu.memory_space<semaphore_mem>>) src(%dma_wait3A_412 : memref<80x128xf32, #tpu.memory_space<vmem>>) dst(%dma_wait3A_418 : memref<3848x128xf32, #tpu.memory_space<vmem_shared>>)
      } else {
      }
      %lt3A_343 = arith.constant 125 : i32
      %lt3A_344 = arith.cmpi slt, %add3A_333, %lt3A_343 : i32
      %convert_element_type3A_345 = arith.extui %lt3A_344 : i1 to i32
      %cond3A_346 = arith.constant 0 : i32
      %cond3A_347 = arith.cmpi ne, %convert_element_type3A_345, %cond3A_346 : i32
      scf.if %cond3A_347 {
        %get3A_408 = arith.constant 0 : i32
        %get3A_409 = arith.index_cast %get3A_408 : i32 to index
        %get3A_410 = arith.index_cast %add3A_333 : i32 to index
        %get3A_411 = memref.load %arg15[%get3A_409, %get3A_410] : memref<3x125xi32, #tpu.memory_space<smem>>
        %eq3A_412 = arith.constant 1 : i32
        %eq3A_413 = arith.cmpi eq, %get3A_411, %eq3A_412 : i32
        %convert_element_type3A_414 = arith.extui %eq3A_413 : i1 to i32
        %cond3A_415 = arith.constant 0 : i32
        %cond3A_416 = arith.cmpi ne, %convert_element_type3A_414, %cond3A_415 : i32
        scf.if %cond3A_416 {
          %mul3A_417 = arith.constant 80 : i32
          %mul3A_418 = arith.muli %add3A_333, %mul3A_417 : i32
          %add3A_419 = arith.addi %mul3A_2, %mul3A_418 : i32
          %dma_start3A = arith.constant 0 : i32
          %dma_start3A_420 = arith.constant 0 : i32
          %dma_start3A_421 = arith.constant 0 : i32
          %dma_start3A_422 = tpu.memref_slice %arg7[%dma_start3A, %dma_start3A_420, %dma_start3A_421] : memref<4x80x128xf32, #tpu.memory_space<vmem>> -> memref<1x80x128xf32, #tpu.memory_space<vmem>>
          %dma_start3A_423 = tpu.memref_squeeze %dma_start3A_422 : memref<1x80x128xf32, #tpu.memory_space<vmem>> -> memref<80x128xf32, #tpu.memory_space<vmem>>
          %dma_start3A_424 = arith.constant 0 : i32
          %dma_start3A_425 = tpu.memref_slice %arg2[%add3A_419, %dma_start3A_424] : memref<320000x128xf32, #tpu.memory_space<hbm>> -> memref<80x128xf32, #tpu.memory_space<hbm>>
          %dma_start3A_426 = arith.constant 0 : i32
          %dma_start3A_427 = arith.constant 0 : i32
          %dma_start3A_428 = tpu.memref_slice %arg7[%dma_start3A, %dma_start3A_426, %dma_start3A_427] : memref<4x80x128xf32, #tpu.memory_space<vmem>> -> memref<1x80x128xf32, #tpu.memory_space<vmem>>
          %dma_start3A_429 = tpu.memref_squeeze %dma_start3A_428 : memref<1x80x128xf32, #tpu.memory_space<vmem>> -> memref<80x128xf32, #tpu.memory_space<vmem>>
          %dma_start3A_430 = arith.constant 0 : i32
          %dma_start3A_431 = tpu.memref_slice %arg2[%add3A_419, %dma_start3A_430] : memref<320000x128xf32, #tpu.memory_space<hbm>> -> memref<80x128xf32, #tpu.memory_space<hbm>>
          tpu.enqueue_dma source(%dma_start3A_431 : memref<80x128xf32, #tpu.memory_space<hbm>>) target(%dma_start3A_429 : memref<80x128xf32, #tpu.memory_space<vmem>>) target_semaphore(%arg16 : memref<!tpu.dma_semaphore, #tpu.memory_space<semaphore_mem>>)
        } else {
        }
      } else {
      }
      %mul3A_348 = arith.constant 4 : i32
      %mul3A_349 = arith.muli %mul3A_348, %add3A_275 : i32
      %add3A_350 = arith.constant 1 : i32
      %add3A_351 = arith.addi %mul3A_349, %add3A_350 : i32
      %add3A_352 = arith.constant 4 : i32
      %add3A_353 = arith.addi %add3A_351, %add3A_352 : i32
      %get3A_354 = arith.constant 0 : i32
      %get3A_355 = arith.index_cast %get3A_354 : i32 to index
      %get3A_356 = arith.index_cast %add3A_351 : i32 to index
      %get3A_357 = memref.load %arg15[%get3A_355, %get3A_356] : memref<3x125xi32, #tpu.memory_space<smem>>
      %eq3A_358 = arith.constant 1 : i32
      %eq3A_359 = arith.cmpi eq, %get3A_357, %eq3A_358 : i32
      %convert_element_type3A_360 = arith.extui %eq3A_359 : i1 to i32
      %cond3A_361 = arith.constant 0 : i32
      %cond3A_362 = arith.cmpi ne, %convert_element_type3A_360, %cond3A_361 : i32
      scf.if %cond3A_362 {
        %dma_wait3A = arith.constant 1 : i32
        %dma_wait3A_408 = arith.constant 1 : i32
        %dma_wait3A_409 = arith.constant 0 : i32
        %dma_wait3A_410 = arith.constant 0 : i32
        %dma_wait3A_411 = tpu.memref_slice %arg7[%dma_wait3A, %dma_wait3A_409, %dma_wait3A_410] : memref<4x80x128xf32, #tpu.memory_space<vmem>> -> memref<1x80x128xf32, #tpu.memory_space<vmem>>
        %dma_wait3A_412 = tpu.memref_squeeze %dma_wait3A_411 : memref<1x80x128xf32, #tpu.memory_space<vmem>> -> memref<80x128xf32, #tpu.memory_space<vmem>>
        %dma_wait3A_413 = arith.constant 0 : i32
        %dma_wait3A_414 = tpu.memref_slice %arg14[%dma_wait3A_408, %dma_wait3A_413] : memref<4x80xi32, #tpu.memory_space<vmem>> -> memref<1x80xi32, #tpu.memory_space<vmem>>
        %dma_wait3A_415 = tpu.memref_squeeze %dma_wait3A_414 : memref<1x80xi32, #tpu.memory_space<vmem>> -> memref<80xi32, #tpu.memory_space<vmem>>
        %dma_wait3A_416 = arith.constant 0 : i32
        %dma_wait3A_417 = arith.constant 0 : i32
        %dma_wait3A_418 = tpu.memref_slice %arg24[%dma_wait3A_416, %dma_wait3A_417] : memref<3848x128xf32, #tpu.memory_space<vmem_shared>> -> memref<3848x128xf32, #tpu.memory_space<vmem_shared>>
        tpu.wait_indirect_dma semaphore(%arg21 : memref<!tpu.dma_semaphore, #tpu.memory_space<semaphore_mem>>) src(%dma_wait3A_412 : memref<80x128xf32, #tpu.memory_space<vmem>>) dst(%dma_wait3A_418 : memref<3848x128xf32, #tpu.memory_space<vmem_shared>>)
      } else {
      }
      %lt3A_363 = arith.constant 125 : i32
      %lt3A_364 = arith.cmpi slt, %add3A_353, %lt3A_363 : i32
      %convert_element_type3A_365 = arith.extui %lt3A_364 : i1 to i32
      %cond3A_366 = arith.constant 0 : i32
      %cond3A_367 = arith.cmpi ne, %convert_element_type3A_365, %cond3A_366 : i32
      scf.if %cond3A_367 {
        %get3A_408 = arith.constant 0 : i32
        %get3A_409 = arith.index_cast %get3A_408 : i32 to index
        %get3A_410 = arith.index_cast %add3A_353 : i32 to index
        %get3A_411 = memref.load %arg15[%get3A_409, %get3A_410] : memref<3x125xi32, #tpu.memory_space<smem>>
        %eq3A_412 = arith.constant 1 : i32
        %eq3A_413 = arith.cmpi eq, %get3A_411, %eq3A_412 : i32
        %convert_element_type3A_414 = arith.extui %eq3A_413 : i1 to i32
        %cond3A_415 = arith.constant 0 : i32
        %cond3A_416 = arith.cmpi ne, %convert_element_type3A_414, %cond3A_415 : i32
        scf.if %cond3A_416 {
          %mul3A_417 = arith.constant 80 : i32
          %mul3A_418 = arith.muli %add3A_353, %mul3A_417 : i32
          %add3A_419 = arith.addi %mul3A_2, %mul3A_418 : i32
          %dma_start3A = arith.constant 1 : i32
          %dma_start3A_420 = arith.constant 0 : i32
          %dma_start3A_421 = arith.constant 0 : i32
          %dma_start3A_422 = tpu.memref_slice %arg7[%dma_start3A, %dma_start3A_420, %dma_start3A_421] : memref<4x80x128xf32, #tpu.memory_space<vmem>> -> memref<1x80x128xf32, #tpu.memory_space<vmem>>
          %dma_start3A_423 = tpu.memref_squeeze %dma_start3A_422 : memref<1x80x128xf32, #tpu.memory_space<vmem>> -> memref<80x128xf32, #tpu.memory_space<vmem>>
          %dma_start3A_424 = arith.constant 0 : i32
          %dma_start3A_425 = tpu.memref_slice %arg2[%add3A_419, %dma_start3A_424] : memref<320000x128xf32, #tpu.memory_space<hbm>> -> memref<80x128xf32, #tpu.memory_space<hbm>>
          %dma_start3A_426 = arith.constant 0 : i32
          %dma_start3A_427 = arith.constant 0 : i32
          %dma_start3A_428 = tpu.memref_slice %arg7[%dma_start3A, %dma_start3A_426, %dma_start3A_427] : memref<4x80x128xf32, #tpu.memory_space<vmem>> -> memref<1x80x128xf32, #tpu.memory_space<vmem>>
          %dma_start3A_429 = tpu.memref_squeeze %dma_start3A_428 : memref<1x80x128xf32, #tpu.memory_space<vmem>> -> memref<80x128xf32, #tpu.memory_space<vmem>>
          %dma_start3A_430 = arith.constant 0 : i32
          %dma_start3A_431 = tpu.memref_slice %arg2[%add3A_419, %dma_start3A_430] : memref<320000x128xf32, #tpu.memory_space<hbm>> -> memref<80x128xf32, #tpu.memory_space<hbm>>
          tpu.enqueue_dma source(%dma_start3A_431 : memref<80x128xf32, #tpu.memory_space<hbm>>) target(%dma_start3A_429 : memref<80x128xf32, #tpu.memory_space<vmem>>) target_semaphore(%arg17 : memref<!tpu.dma_semaphore, #tpu.memory_space<semaphore_mem>>)
        } else {
        }
      } else {
      }
      %mul3A_368 = arith.constant 4 : i32
      %mul3A_369 = arith.muli %mul3A_368, %add3A_275 : i32
      %add3A_370 = arith.constant 2 : i32
      %add3A_371 = arith.addi %mul3A_369, %add3A_370 : i32
      %add3A_372 = arith.constant 4 : i32
      %add3A_373 = arith.addi %add3A_371, %add3A_372 : i32
      %get3A_374 = arith.constant 0 : i32
      %get3A_375 = arith.index_cast %get3A_374 : i32 to index
      %get3A_376 = arith.index_cast %add3A_371 : i32 to index
      %get3A_377 = memref.load %arg15[%get3A_375, %get3A_376] : memref<3x125xi32, #tpu.memory_space<smem>>
      %eq3A_378 = arith.constant 1 : i32
      %eq3A_379 = arith.cmpi eq, %get3A_377, %eq3A_378 : i32
      %convert_element_type3A_380 = arith.extui %eq3A_379 : i1 to i32
      %cond3A_381 = arith.constant 0 : i32
      %cond3A_382 = arith.cmpi ne, %convert_element_type3A_380, %cond3A_381 : i32
      scf.if %cond3A_382 {
        %dma_wait3A = arith.constant 2 : i32
        %dma_wait3A_408 = arith.constant 2 : i32
        %dma_wait3A_409 = arith.constant 0 : i32
        %dma_wait3A_410 = arith.constant 0 : i32
        %dma_wait3A_411 = tpu.memref_slice %arg7[%dma_wait3A, %dma_wait3A_409, %dma_wait3A_410] : memref<4x80x128xf32, #tpu.memory_space<vmem>> -> memref<1x80x128xf32, #tpu.memory_space<vmem>>
        %dma_wait3A_412 = tpu.memref_squeeze %dma_wait3A_411 : memref<1x80x128xf32, #tpu.memory_space<vmem>> -> memref<80x128xf32, #tpu.memory_space<vmem>>
        %dma_wait3A_413 = arith.constant 0 : i32
        %dma_wait3A_414 = tpu.memref_slice %arg14[%dma_wait3A_408, %dma_wait3A_413] : memref<4x80xi32, #tpu.memory_space<vmem>> -> memref<1x80xi32, #tpu.memory_space<vmem>>
        %dma_wait3A_415 = tpu.memref_squeeze %dma_wait3A_414 : memref<1x80xi32, #tpu.memory_space<vmem>> -> memref<80xi32, #tpu.memory_space<vmem>>
        %dma_wait3A_416 = arith.constant 0 : i32
        %dma_wait3A_417 = arith.constant 0 : i32
        %dma_wait3A_418 = tpu.memref_slice %arg24[%dma_wait3A_416, %dma_wait3A_417] : memref<3848x128xf32, #tpu.memory_space<vmem_shared>> -> memref<3848x128xf32, #tpu.memory_space<vmem_shared>>
        tpu.wait_indirect_dma semaphore(%arg22 : memref<!tpu.dma_semaphore, #tpu.memory_space<semaphore_mem>>) src(%dma_wait3A_412 : memref<80x128xf32, #tpu.memory_space<vmem>>) dst(%dma_wait3A_418 : memref<3848x128xf32, #tpu.memory_space<vmem_shared>>)
      } else {
      }
      %lt3A_383 = arith.constant 125 : i32
      %lt3A_384 = arith.cmpi slt, %add3A_373, %lt3A_383 : i32
      %convert_element_type3A_385 = arith.extui %lt3A_384 : i1 to i32
      %cond3A_386 = arith.constant 0 : i32
      %cond3A_387 = arith.cmpi ne, %convert_element_type3A_385, %cond3A_386 : i32
      scf.if %cond3A_387 {
        %get3A_408 = arith.constant 0 : i32
        %get3A_409 = arith.index_cast %get3A_408 : i32 to index
        %get3A_410 = arith.index_cast %add3A_373 : i32 to index
        %get3A_411 = memref.load %arg15[%get3A_409, %get3A_410] : memref<3x125xi32, #tpu.memory_space<smem>>
        %eq3A_412 = arith.constant 1 : i32
        %eq3A_413 = arith.cmpi eq, %get3A_411, %eq3A_412 : i32
        %convert_element_type3A_414 = arith.extui %eq3A_413 : i1 to i32
        %cond3A_415 = arith.constant 0 : i32
        %cond3A_416 = arith.cmpi ne, %convert_element_type3A_414, %cond3A_415 : i32
        scf.if %cond3A_416 {
          %mul3A_417 = arith.constant 80 : i32
          %mul3A_418 = arith.muli %add3A_373, %mul3A_417 : i32
          %add3A_419 = arith.addi %mul3A_2, %mul3A_418 : i32
          %dma_start3A = arith.constant 2 : i32
          %dma_start3A_420 = arith.constant 0 : i32
          %dma_start3A_421 = arith.constant 0 : i32
          %dma_start3A_422 = tpu.memref_slice %arg7[%dma_start3A, %dma_start3A_420, %dma_start3A_421] : memref<4x80x128xf32, #tpu.memory_space<vmem>> -> memref<1x80x128xf32, #tpu.memory_space<vmem>>
          %dma_start3A_423 = tpu.memref_squeeze %dma_start3A_422 : memref<1x80x128xf32, #tpu.memory_space<vmem>> -> memref<80x128xf32, #tpu.memory_space<vmem>>
          %dma_start3A_424 = arith.constant 0 : i32
          %dma_start3A_425 = tpu.memref_slice %arg2[%add3A_419, %dma_start3A_424] : memref<320000x128xf32, #tpu.memory_space<hbm>> -> memref<80x128xf32, #tpu.memory_space<hbm>>
          %dma_start3A_426 = arith.constant 0 : i32
          %dma_start3A_427 = arith.constant 0 : i32
          %dma_start3A_428 = tpu.memref_slice %arg7[%dma_start3A, %dma_start3A_426, %dma_start3A_427] : memref<4x80x128xf32, #tpu.memory_space<vmem>> -> memref<1x80x128xf32, #tpu.memory_space<vmem>>
          %dma_start3A_429 = tpu.memref_squeeze %dma_start3A_428 : memref<1x80x128xf32, #tpu.memory_space<vmem>> -> memref<80x128xf32, #tpu.memory_space<vmem>>
          %dma_start3A_430 = arith.constant 0 : i32
          %dma_start3A_431 = tpu.memref_slice %arg2[%add3A_419, %dma_start3A_430] : memref<320000x128xf32, #tpu.memory_space<hbm>> -> memref<80x128xf32, #tpu.memory_space<hbm>>
          tpu.enqueue_dma source(%dma_start3A_431 : memref<80x128xf32, #tpu.memory_space<hbm>>) target(%dma_start3A_429 : memref<80x128xf32, #tpu.memory_space<vmem>>) target_semaphore(%arg18 : memref<!tpu.dma_semaphore, #tpu.memory_space<semaphore_mem>>)
        } else {
        }
      } else {
      }
      %mul3A_388 = arith.constant 4 : i32
      %mul3A_389 = arith.muli %mul3A_388, %add3A_275 : i32
      %add3A_390 = arith.constant 3 : i32
      %add3A_391 = arith.addi %mul3A_389, %add3A_390 : i32
      %add3A_392 = arith.constant 4 : i32
      %add3A_393 = arith.addi %add3A_391, %add3A_392 : i32
      %get3A_394 = arith.constant 0 : i32
      %get3A_395 = arith.index_cast %get3A_394 : i32 to index
      %get3A_396 = arith.index_cast %add3A_391 : i32 to index
      %get3A_397 = memref.load %arg15[%get3A_395, %get3A_396] : memref<3x125xi32, #tpu.memory_space<smem>>
      %eq3A_398 = arith.constant 1 : i32
      %eq3A_399 = arith.cmpi eq, %get3A_397, %eq3A_398 : i32
      %convert_element_type3A_400 = arith.extui %eq3A_399 : i1 to i32
      %cond3A_401 = arith.constant 0 : i32
      %cond3A_402 = arith.cmpi ne, %convert_element_type3A_400, %cond3A_401 : i32
      scf.if %cond3A_402 {
        %dma_wait3A = arith.constant 3 : i32
        %dma_wait3A_408 = arith.constant 3 : i32
        %dma_wait3A_409 = arith.constant 0 : i32
        %dma_wait3A_410 = arith.constant 0 : i32
        %dma_wait3A_411 = tpu.memref_slice %arg7[%dma_wait3A, %dma_wait3A_409, %dma_wait3A_410] : memref<4x80x128xf32, #tpu.memory_space<vmem>> -> memref<1x80x128xf32, #tpu.memory_space<vmem>>
        %dma_wait3A_412 = tpu.memref_squeeze %dma_wait3A_411 : memref<1x80x128xf32, #tpu.memory_space<vmem>> -> memref<80x128xf32, #tpu.memory_space<vmem>>
        %dma_wait3A_413 = arith.constant 0 : i32
        %dma_wait3A_414 = tpu.memref_slice %arg14[%dma_wait3A_408, %dma_wait3A_413] : memref<4x80xi32, #tpu.memory_space<vmem>> -> memref<1x80xi32, #tpu.memory_space<vmem>>
        %dma_wait3A_415 = tpu.memref_squeeze %dma_wait3A_414 : memref<1x80xi32, #tpu.memory_space<vmem>> -> memref<80xi32, #tpu.memory_space<vmem>>
        %dma_wait3A_416 = arith.constant 0 : i32
        %dma_wait3A_417 = arith.constant 0 : i32
        %dma_wait3A_418 = tpu.memref_slice %arg24[%dma_wait3A_416, %dma_wait3A_417] : memref<3848x128xf32, #tpu.memory_space<vmem_shared>> -> memref<3848x128xf32, #tpu.memory_space<vmem_shared>>
        tpu.wait_indirect_dma semaphore(%arg23 : memref<!tpu.dma_semaphore, #tpu.memory_space<semaphore_mem>>) src(%dma_wait3A_412 : memref<80x128xf32, #tpu.memory_space<vmem>>) dst(%dma_wait3A_418 : memref<3848x128xf32, #tpu.memory_space<vmem_shared>>)
      } else {
      }
      %lt3A_403 = arith.constant 125 : i32
      %lt3A_404 = arith.cmpi slt, %add3A_393, %lt3A_403 : i32
      %convert_element_type3A_405 = arith.extui %lt3A_404 : i1 to i32
      %cond3A_406 = arith.constant 0 : i32
      %cond3A_407 = arith.cmpi ne, %convert_element_type3A_405, %cond3A_406 : i32
      scf.if %cond3A_407 {
        %get3A_408 = arith.constant 0 : i32
        %get3A_409 = arith.index_cast %get3A_408 : i32 to index
        %get3A_410 = arith.index_cast %add3A_393 : i32 to index
        %get3A_411 = memref.load %arg15[%get3A_409, %get3A_410] : memref<3x125xi32, #tpu.memory_space<smem>>
        %eq3A_412 = arith.constant 1 : i32
        %eq3A_413 = arith.cmpi eq, %get3A_411, %eq3A_412 : i32
        %convert_element_type3A_414 = arith.extui %eq3A_413 : i1 to i32
        %cond3A_415 = arith.constant 0 : i32
        %cond3A_416 = arith.cmpi ne, %convert_element_type3A_414, %cond3A_415 : i32
        scf.if %cond3A_416 {
          %mul3A_417 = arith.constant 80 : i32
          %mul3A_418 = arith.muli %add3A_393, %mul3A_417 : i32
          %add3A_419 = arith.addi %mul3A_2, %mul3A_418 : i32
          %dma_start3A = arith.constant 3 : i32
          %dma_start3A_420 = arith.constant 0 : i32
          %dma_start3A_421 = arith.constant 0 : i32
          %dma_start3A_422 = tpu.memref_slice %arg7[%dma_start3A, %dma_start3A_420, %dma_start3A_421] : memref<4x80x128xf32, #tpu.memory_space<vmem>> -> memref<1x80x128xf32, #tpu.memory_space<vmem>>
          %dma_start3A_423 = tpu.memref_squeeze %dma_start3A_422 : memref<1x80x128xf32, #tpu.memory_space<vmem>> -> memref<80x128xf32, #tpu.memory_space<vmem>>
          %dma_start3A_424 = arith.constant 0 : i32
          %dma_start3A_425 = tpu.memref_slice %arg2[%add3A_419, %dma_start3A_424] : memref<320000x128xf32, #tpu.memory_space<hbm>> -> memref<80x128xf32, #tpu.memory_space<hbm>>
          %dma_start3A_426 = arith.constant 0 : i32
          %dma_start3A_427 = arith.constant 0 : i32
          %dma_start3A_428 = tpu.memref_slice %arg7[%dma_start3A, %dma_start3A_426, %dma_start3A_427] : memref<4x80x128xf32, #tpu.memory_space<vmem>> -> memref<1x80x128xf32, #tpu.memory_space<vmem>>
          %dma_start3A_429 = tpu.memref_squeeze %dma_start3A_428 : memref<1x80x128xf32, #tpu.memory_space<vmem>> -> memref<80x128xf32, #tpu.memory_space<vmem>>
          %dma_start3A_430 = arith.constant 0 : i32
          %dma_start3A_431 = tpu.memref_slice %arg2[%add3A_419, %dma_start3A_430] : memref<320000x128xf32, #tpu.memory_space<hbm>> -> memref<80x128xf32, #tpu.memory_space<hbm>>
          tpu.enqueue_dma source(%dma_start3A_431 : memref<80x128xf32, #tpu.memory_space<hbm>>) target(%dma_start3A_429 : memref<80x128xf32, #tpu.memory_space<vmem>>) target_semaphore(%arg19 : memref<!tpu.dma_semaphore, #tpu.memory_space<semaphore_mem>>)
        } else {
        }
      } else {
      }
    }
    %scan3A_84 = arith.constant 31 : i32
    %get3A_85 = arith.constant 0 : i32
    %get3A_86 = arith.constant 124 : i32
    %get3A_87 = arith.index_cast %get3A_85 : i32 to index
    %get3A_88 = arith.index_cast %get3A_86 : i32 to index
    %get3A_89 = memref.load %arg15[%get3A_87, %get3A_88] : memref<3x125xi32, #tpu.memory_space<smem>>
    %eq3A_90 = arith.constant 1 : i32
    %eq3A_91 = arith.cmpi eq, %get3A_89, %eq3A_90 : i32
    %convert_element_type3A_92 = arith.extui %eq3A_91 : i1 to i32
    %cond3A_93 = arith.constant 0 : i32
    %cond3A_94 = arith.cmpi ne, %convert_element_type3A_92, %cond3A_93 : i32
    scf.if %cond3A_94 {
      %dma_wait3A = arith.constant 0 : i32
      %dma_wait3A_271 = arith.constant 0 : i32
      %dma_wait3A_272 = arith.constant 0 : i32
      %dma_wait3A_273 = tpu.memref_slice %arg7[%dma_wait3A, %dma_wait3A_271, %dma_wait3A_272] : memref<4x80x128xf32, #tpu.memory_space<vmem>> -> memref<1x80x128xf32, #tpu.memory_space<vmem>>
      %dma_wait3A_274 = tpu.memref_squeeze %dma_wait3A_273 : memref<1x80x128xf32, #tpu.memory_space<vmem>> -> memref<80x128xf32, #tpu.memory_space<vmem>>
      %dma_wait3A_275 = arith.constant 0 : i32
      %dma_wait3A_276 = tpu.memref_slice %arg2[%mul3A_2, %dma_wait3A_275] : memref<320000x128xf32, #tpu.memory_space<hbm>> -> memref<80x128xf32, #tpu.memory_space<hbm>>
      %dma_wait3A_277 = arith.constant 0 : i32
      %dma_wait3A_278 = arith.constant 0 : i32
      %dma_wait3A_279 = tpu.memref_slice %arg7[%dma_wait3A, %dma_wait3A_277, %dma_wait3A_278] : memref<4x80x128xf32, #tpu.memory_space<vmem>> -> memref<1x80x128xf32, #tpu.memory_space<vmem>>
      %dma_wait3A_280 = tpu.memref_squeeze %dma_wait3A_279 : memref<1x80x128xf32, #tpu.memory_space<vmem>> -> memref<80x128xf32, #tpu.memory_space<vmem>>
      %dma_wait3A_281 = arith.constant 0 : i32
      %dma_wait3A_282 = tpu.memref_slice %arg2[%mul3A_2, %dma_wait3A_281] : memref<320000x128xf32, #tpu.memory_space<hbm>> -> memref<80x128xf32, #tpu.memory_space<hbm>>
      tpu.wait_dma2 semaphore(%arg16 : memref<!tpu.dma_semaphore, #tpu.memory_space<semaphore_mem>>) src(%dma_wait3A_282 : memref<80x128xf32, #tpu.memory_space<hbm>>) dst(%dma_wait3A_280 : memref<80x128xf32, #tpu.memory_space<vmem>>)
      %scan3A_283 = arith.constant 0 : i32
      %scan3A_284 = arith.constant 5 : i32
      %scan3A_285 = arith.addi %scan3A_283, %scan3A_284 : i32
      %scan3A_286 = arith.constant 1 : i32
      scf.for %scan3A_311 = %scan3A_283 to %scan3A_285 step %scan3A_286  : i32 {
        %mul3A_312 = arith.constant 1 : i32
        %mul3A_313 = arith.muli %scan3A_311, %mul3A_312 : i32
        %add3A_314 = arith.constant 0 : i32
        %add3A_315 = arith.addi %add3A_314, %mul3A_313 : i32
        %mul3A_316 = arith.constant 16 : i32
        %mul3A_317 = arith.muli %add3A_315, %mul3A_316 : i32
        %get3A_318 = arith.constant 124 : i32
        %get3A_319 = arith.index_cast %get3A_318 : i32 to index
        %get3A_320 = arith.index_cast %mul3A_317 : i32 to index
        %get3A_321 = tpu.vector_load %arg8[%get3A_319, %get3A_320] {strides = array<i32>} : memref<125x80xi32, #tpu.memory_space<vmem>>, vector<16xi32>,
        %ge3A = arith.constant 0 : i32
        %ge3A_322 = vector.broadcast %ge3A : i32 to vector<16xi32>
        %ge3A_323 = arith.cmpi sge, %get3A_321, %ge3A_322 : vector<16xi32>
        %lt3A_324 = arith.constant 3840 : i32
        %lt3A_325 = vector.broadcast %lt3A_324 : i32 to vector<16xi32>
        %lt3A_326 = arith.cmpi slt, %get3A_321, %lt3A_325 : vector<16xi32>
        %and3A = arith.andi %ge3A_323, %lt3A_326 : vector<16xi1>
        %sub3A = arith.constant 0 : i32
        %sub3A_327 = vector.broadcast %sub3A : i32 to vector<16xi32>
        %sub3A_328 = arith.subi %get3A_321, %sub3A_327 : vector<16xi32>
        %jit3A = arith.constant 3840 : i32
        %broadcast_in_dim3A_329 = vector.broadcast %jit3A : i32 to vector<16xi32>
        %select_n3A = arith.select %and3A, %sub3A_328, %broadcast_in_dim3A_329 : vector<16xi1>, vector<16xi32>
        %mul3A_330 = arith.constant 16 : i32
        %mul3A_331 = arith.muli %add3A_315, %mul3A_330 : i32
        %swap3A_332 = arith.constant 0 : i32
        %swap3A_333 = arith.index_cast %swap3A_332 : i32 to index
        %swap3A_334 = arith.index_cast %mul3A_331 : i32 to index
        %swap3A_335 = tpu.vector_load %arg14[%swap3A_333, %swap3A_334] {strides = array<i32>} : memref<4x80xi32, #tpu.memory_space<vmem>>, vector<16xi32>,
        tpu.vector_store %arg14[%swap3A_333, %swap3A_334], %select_n3A {strides = array<i32>} : memref<4x80xi32, #tpu.memory_space<vmem>>, vector<16xi32>,
      }
      %scan3A_287 = arith.constant 5 : i32
      %dma_start3A = arith.constant 0 : i32
      %dma_start3A_288 = arith.constant 0 : i32
      %dma_start3A_289 = arith.constant 0 : i32
      %dma_start3A_290 = arith.constant 0 : i32
      %dma_start3A_291 = tpu.memref_slice %arg7[%dma_start3A, %dma_start3A_289, %dma_start3A_290] : memref<4x80x128xf32, #tpu.memory_space<vmem>> -> memref<1x80x128xf32, #tpu.memory_space<vmem>>
      %dma_start3A_292 = tpu.memref_squeeze %dma_start3A_291 : memref<1x80x128xf32, #tpu.memory_space<vmem>> -> memref<80x128xf32, #tpu.memory_space<vmem>>
      %dma_start3A_293 = arith.constant 0 : i32
      %dma_start3A_294 = tpu.memref_slice %arg14[%dma_start3A_288, %dma_start3A_293] : memref<4x80xi32, #tpu.memory_space<vmem>> -> memref<1x80xi32, #tpu.memory_space<vmem>>
      %dma_start3A_295 = tpu.memref_squeeze %dma_start3A_294 : memref<1x80xi32, #tpu.memory_space<vmem>> -> memref<80xi32, #tpu.memory_space<vmem>>
      %dma_start3A_296 = arith.constant 0 : i32
      %dma_start3A_297 = arith.constant 0 : i32
      %dma_start3A_298 = tpu.memref_slice %arg24[%dma_start3A_296, %dma_start3A_297] : memref<3848x128xf32, #tpu.memory_space<vmem_shared>> -> memref<3848x128xf32, #tpu.memory_space<vmem_shared>>
      tpu.enqueue_indirect_dma source(%dma_start3A_292 : memref<80x128xf32, #tpu.memory_space<vmem>>) target(%dma_start3A_298 : memref<3848x128xf32, #tpu.memory_space<vmem_shared>>) offsets(%dma_start3A_295 : memref<80xi32, #tpu.memory_space<vmem>>) semaphore(%arg20 : memref<!tpu.dma_semaphore, #tpu.memory_space<semaphore_mem>>) {add = true}
      %dma_wait3A_299 = arith.constant 0 : i32
      %dma_wait3A_300 = arith.constant 0 : i32
      %dma_wait3A_301 = arith.constant 0 : i32
      %dma_wait3A_302 = arith.constant 0 : i32
      %dma_wait3A_303 = tpu.memref_slice %arg7[%dma_wait3A_299, %dma_wait3A_301, %dma_wait3A_302] : memref<4x80x128xf32, #tpu.memory_space<vmem>> -> memref<1x80x128xf32, #tpu.memory_space<vmem>>
      %dma_wait3A_304 = tpu.memref_squeeze %dma_wait3A_303 : memref<1x80x128xf32, #tpu.memory_space<vmem>> -> memref<80x128xf32, #tpu.memory_space<vmem>>
      %dma_wait3A_305 = arith.constant 0 : i32
      %dma_wait3A_306 = tpu.memref_slice %arg14[%dma_wait3A_300, %dma_wait3A_305] : memref<4x80xi32, #tpu.memory_space<vmem>> -> memref<1x80xi32, #tpu.memory_space<vmem>>
      %dma_wait3A_307 = tpu.memref_squeeze %dma_wait3A_306 : memref<1x80xi32, #tpu.memory_space<vmem>> -> memref<80xi32, #tpu.memory_space<vmem>>
      %dma_wait3A_308 = arith.constant 0 : i32
      %dma_wait3A_309 = arith.constant 0 : i32
      %dma_wait3A_310 = tpu.memref_slice %arg24[%dma_wait3A_308, %dma_wait3A_309] : memref<3848x128xf32, #tpu.memory_space<vmem_shared>> -> memref<3848x128xf32, #tpu.memory_space<vmem_shared>>
      tpu.wait_indirect_dma semaphore(%arg20 : memref<!tpu.dma_semaphore, #tpu.memory_space<semaphore_mem>>) src(%dma_wait3A_304 : memref<80x128xf32, #tpu.memory_space<vmem>>) dst(%dma_wait3A_310 : memref<3848x128xf32, #tpu.memory_space<vmem_shared>>)
    } else {
    }
    %barrier3A_95 = arith.constant 0 : index
    tpu.barrier barrier_id(%barrier3A_95)
    %scan3A_96 = arith.constant 0 : i32
    %scan3A_97 = arith.constant 3 : i32
    %scan3A_98 = arith.addi %scan3A_96, %scan3A_97 : i32
    %scan3A_99 = arith.constant 1 : i32
    scf.for %scan3A_271 = %scan3A_96 to %scan3A_98 step %scan3A_99  : i32 {
      %mul3A_272 = arith.constant 1 : i32
      %mul3A_273 = arith.muli %scan3A_271, %mul3A_272 : i32
      %add3A_274 = arith.constant 0 : i32
      %add3A_275 = arith.addi %add3A_274, %mul3A_273 : i32
      %mul3A_276 = arith.constant 240 : i32
      %mul3A_277 = arith.muli %arg1, %mul3A_276 : i32
      %mul3A_278 = arith.constant 80 : i32
      %mul3A_279 = arith.muli %add3A_275, %mul3A_278 : i32
      %add3A_280 = arith.addi %mul3A_277, %mul3A_279 : i32
      %add3A_281 = arith.constant 0 : i32
      %add3A_282 = arith.addi %add3A_281, %add3A_280 : i32
      "tpu.region"() ({
        %run_scoped3A_283 = tpu.sem_alloc : memref<!tpu.dma_semaphore, #tpu.memory_space<semaphore_mem>>
        %dma_start3A = arith.constant 0 : i32
        %dma_start3A_284 = tpu.memref_slice %arg5[%arg0, %add3A_282, %dma_start3A] : memref<2x11520x128xf32, #tpu.memory_space<hbm>> -> memref<1x80x128xf32, #tpu.memory_space<hbm>>
        %dma_start3A_285 = tpu.memref_squeeze %dma_start3A_284 : memref<1x80x128xf32, #tpu.memory_space<hbm>> -> memref<80x128xf32, #tpu.memory_space<hbm>>
        %dma_start3A_286 = arith.constant 0 : i32
        %dma_start3A_287 = tpu.memref_slice %arg24[%add3A_280, %dma_start3A_286] : memref<3848x128xf32, #tpu.memory_space<vmem_shared>> -> memref<80x128xf32, #tpu.memory_space<vmem_shared>>
        tpu.enqueue_dma source(%dma_start3A_287 : memref<80x128xf32, #tpu.memory_space<vmem_shared>>) target(%dma_start3A_285 : memref<80x128xf32, #tpu.memory_space<hbm>>) target_semaphore(%run_scoped3A_283 : memref<!tpu.dma_semaphore, #tpu.memory_space<semaphore_mem>>)
        %dma_wait3A = arith.constant 0 : i32
        %dma_wait3A_288 = tpu.memref_slice %arg5[%arg0, %add3A_282, %dma_wait3A] : memref<2x11520x128xf32, #tpu.memory_space<hbm>> -> memref<1x80x128xf32, #tpu.memory_space<hbm>>
        %dma_wait3A_289 = tpu.memref_squeeze %dma_wait3A_288 : memref<1x80x128xf32, #tpu.memory_space<hbm>> -> memref<80x128xf32, #tpu.memory_space<hbm>>
        %dma_wait3A_290 = arith.constant 0 : i32
        %dma_wait3A_291 = tpu.memref_slice %arg24[%add3A_280, %dma_wait3A_290] : memref<3848x128xf32, #tpu.memory_space<vmem_shared>> -> memref<80x128xf32, #tpu.memory_space<vmem_shared>>
        tpu.wait_dma2 semaphore(%run_scoped3A_283 : memref<!tpu.dma_semaphore, #tpu.memory_space<semaphore_mem>>) src(%dma_wait3A_291 : memref<80x128xf32, #tpu.memory_space<vmem_shared>>) dst(%dma_wait3A_289 : memref<80x128xf32, #tpu.memory_space<hbm>>)
        tpu.yield
      }) : () -> ()
    }
    %scan3A_100 = arith.constant 3 : i32
    %scan3A_101 = arith.constant 0 : i32
    %scan3A_102 = arith.constant 640 : i32
    %scan3A_103 = arith.addi %scan3A_101, %scan3A_102 : i32
    %scan3A_104 = arith.constant 1 : i32
    scf.for %scan3A_271 = %scan3A_101 to %scan3A_103 step %scan3A_104  : i32 {
      %mul3A_272 = arith.constant 1 : i32
      %mul3A_273 = arith.muli %scan3A_271, %mul3A_272 : i32
      %add3A_274 = arith.constant 0 : i32
      %add3A_275 = arith.addi %add3A_274, %mul3A_273 : i32
      %jit3A = arith.constant 8 : i32
      %div3A = arith.divsi %add3A_275, %jit3A : i32
      %sign3A = arith.constant 0 : i32
      %sign3A_276 = arith.cmpi sgt, %add3A_275, %sign3A : i32
      %sign3A_277 = arith.extui %sign3A_276 : i1 to i32
      %sign3A_278 = arith.constant 0 : i32
      %sign3A_279 = arith.cmpi slt, %add3A_275, %sign3A_278 : i32
      %sign3A_280 = arith.extui %sign3A_279 : i1 to i32
      %sign3A_281 = arith.subi %sign3A_277, %sign3A_280 : i32
      %sign3A_282 = arith.constant 0 : i32
      %sign3A_283 = arith.cmpi sgt, %jit3A, %sign3A_282 : i32
      %sign3A_284 = arith.extui %sign3A_283 : i1 to i32
      %sign3A_285 = arith.constant 0 : i32
      %sign3A_286 = arith.cmpi slt, %jit3A, %sign3A_285 : i32
      %sign3A_287 = arith.extui %sign3A_286 : i1 to i32
      %sign3A_288 = arith.subi %sign3A_284, %sign3A_287 : i32
      %ne3A = arith.cmpi ne, %sign3A_281, %sign3A_288 : i32
      %rem3A = arith.remsi %add3A_275, %jit3A : i32
      %ne3A_289 = arith.constant 0 : i32
      %ne3A_290 = arith.cmpi ne, %rem3A, %ne3A_289 : i32
      %and3A = arith.andi %ne3A, %ne3A_290 : i1
      %sub3A = arith.constant 1 : i32
      %sub3A_291 = arith.subi %div3A, %sub3A : i32
      %select_n3A = arith.select %and3A, %sub3A_291, %div3A : i32
      %jit3A_292 = arith.constant 8 : i32
      %eq3A_293 = arith.constant 0 : i32
      %eq3A_294 = arith.cmpi eq, %jit3A_292, %eq3A_293 : i32
      %jit3A_295 = arith.constant 1 : i32
      %select_n3A_296 = arith.select %eq3A_294, %jit3A_295, %jit3A_292 : i32
      %rem3A_297 = arith.remsi %add3A_275, %select_n3A_296 : i32
      %ne3A_298 = arith.constant 0 : i32
      %ne3A_299 = arith.cmpi ne, %rem3A_297, %ne3A_298 : i32
      %lt3A_300 = arith.constant 0 : i32
      %lt3A_301 = arith.cmpi slt, %rem3A_297, %lt3A_300 : i32
      %lt3A_302 = arith.constant 0 : i32
      %lt3A_303 = arith.cmpi slt, %select_n3A_296, %lt3A_302 : i32
      %ne3A_304 = arith.xori %lt3A_301, %lt3A_303 : i1
      %and3A_305 = arith.andi %ne3A_304, %ne3A_299 : i1
      %add3A_306 = arith.addi %rem3A_297, %select_n3A_296 : i32
      %select_n3A_307 = arith.select %and3A_305, %add3A_306, %rem3A_297 : i32
      %mul3A_308 = arith.constant 16 : i32
      %mul3A_309 = arith.muli %select_n3A_307, %mul3A_308 : i32
      %swap3A_310 = arith.constant 0 : i32
      %swap3A_311 = arith.index_cast %swap3A_310 : i32 to index
      %swap3A_312 = arith.index_cast %select_n3A : i32 to index
      %swap3A_313 = arith.index_cast %mul3A_309 : i32 to index
      %swap3A_314 = tpu.vector_load %arg7[%swap3A_311, %swap3A_312, %swap3A_313] {strides = array<i32>} : memref<4x80x128xf32, #tpu.memory_space<vmem>>, vector<16xf32>,
      tpu.vector_store %arg7[%swap3A_311, %swap3A_312, %swap3A_313], %broadcast_in_dim3A_5 {strides = array<i32>} : memref<4x80x128xf32, #tpu.memory_space<vmem>>, vector<16xf32>,
    }
    %scan3A_105 = arith.constant 640 : i32
    %scan3A_106 = arith.constant 0 : i32
    %scan3A_107 = arith.constant 3 : i32
    %scan3A_108 = arith.addi %scan3A_106, %scan3A_107 : i32
    %scan3A_109 = arith.constant 1 : i32
    scf.for %scan3A_271 = %scan3A_106 to %scan3A_108 step %scan3A_109  : i32 {
      %mul3A_272 = arith.constant 1 : i32
      %mul3A_273 = arith.muli %scan3A_271, %mul3A_272 : i32
      %add3A_274 = arith.constant 0 : i32
      %add3A_275 = arith.addi %add3A_274, %mul3A_273 : i32
      %mul3A_276 = arith.constant 240 : i32
      %mul3A_277 = arith.muli %arg1, %mul3A_276 : i32
      %mul3A_278 = arith.constant 80 : i32
      %mul3A_279 = arith.muli %add3A_275, %mul3A_278 : i32
      %add3A_280 = arith.addi %mul3A_277, %mul3A_279 : i32
      %run_scoped3A_281 = arith.constant 0 : i32
      "tpu.region"() ({
        %run_scoped3A_282 = tpu.sem_alloc : memref<!tpu.dma_semaphore, #tpu.memory_space<semaphore_mem>>
        %dma_start3A = arith.constant 0 : i32
        %dma_start3A_283 = arith.constant 0 : i32
        %dma_start3A_284 = tpu.memref_slice %arg7[%run_scoped3A_281, %dma_start3A, %dma_start3A_283] : memref<4x80x128xf32, #tpu.memory_space<vmem>> -> memref<1x80x128xf32, #tpu.memory_space<vmem>>
        %dma_start3A_285 = tpu.memref_squeeze %dma_start3A_284 : memref<1x80x128xf32, #tpu.memory_space<vmem>> -> memref<80x128xf32, #tpu.memory_space<vmem>>
        %dma_start3A_286 = arith.constant 0 : i32
        %dma_start3A_287 = tpu.memref_slice %arg24[%add3A_280, %dma_start3A_286] : memref<3848x128xf32, #tpu.memory_space<vmem_shared>> -> memref<80x128xf32, #tpu.memory_space<vmem_shared>>
        %dma_start3A_288 = arith.constant 0 : i32
        %dma_start3A_289 = tpu.memref_slice %arg24[%add3A_280, %dma_start3A_288] : memref<3848x128xf32, #tpu.memory_space<vmem_shared>> -> memref<80x128xf32, #tpu.memory_space<vmem_shared>>
        %dma_start3A_290 = arith.constant 0 : i32
        %dma_start3A_291 = arith.constant 0 : i32
        %dma_start3A_292 = tpu.memref_slice %arg7[%run_scoped3A_281, %dma_start3A_290, %dma_start3A_291] : memref<4x80x128xf32, #tpu.memory_space<vmem>> -> memref<1x80x128xf32, #tpu.memory_space<vmem>>
        %dma_start3A_293 = tpu.memref_squeeze %dma_start3A_292 : memref<1x80x128xf32, #tpu.memory_space<vmem>> -> memref<80x128xf32, #tpu.memory_space<vmem>>
        tpu.enqueue_dma source(%dma_start3A_293 : memref<80x128xf32, #tpu.memory_space<vmem>>) target(%dma_start3A_289 : memref<80x128xf32, #tpu.memory_space<vmem_shared>>) target_semaphore(%run_scoped3A_282 : memref<!tpu.dma_semaphore, #tpu.memory_space<semaphore_mem>>)
        %dma_wait3A = arith.constant 0 : i32
        %dma_wait3A_294 = arith.constant 0 : i32
        %dma_wait3A_295 = tpu.memref_slice %arg7[%run_scoped3A_281, %dma_wait3A, %dma_wait3A_294] : memref<4x80x128xf32, #tpu.memory_space<vmem>> -> memref<1x80x128xf32, #tpu.memory_space<vmem>>
        %dma_wait3A_296 = tpu.memref_squeeze %dma_wait3A_295 : memref<1x80x128xf32, #tpu.memory_space<vmem>> -> memref<80x128xf32, #tpu.memory_space<vmem>>
        %dma_wait3A_297 = arith.constant 0 : i32
        %dma_wait3A_298 = tpu.memref_slice %arg24[%add3A_280, %dma_wait3A_297] : memref<3848x128xf32, #tpu.memory_space<vmem_shared>> -> memref<80x128xf32, #tpu.memory_space<vmem_shared>>
        %dma_wait3A_299 = arith.constant 0 : i32
        %dma_wait3A_300 = tpu.memref_slice %arg24[%add3A_280, %dma_wait3A_299] : memref<3848x128xf32, #tpu.memory_space<vmem_shared>> -> memref<80x128xf32, #tpu.memory_space<vmem_shared>>
        %dma_wait3A_301 = arith.constant 0 : i32
        %dma_wait3A_302 = arith.constant 0 : i32
        %dma_wait3A_303 = tpu.memref_slice %arg7[%run_scoped3A_281, %dma_wait3A_301, %dma_wait3A_302] : memref<4x80x128xf32, #tpu.memory_space<vmem>> -> memref<1x80x128xf32, #tpu.memory_space<vmem>>
        %dma_wait3A_304 = tpu.memref_squeeze %dma_wait3A_303 : memref<1x80x128xf32, #tpu.memory_space<vmem>> -> memref<80x128xf32, #tpu.memory_space<vmem>>
        tpu.wait_dma2 semaphore(%run_scoped3A_282 : memref<!tpu.dma_semaphore, #tpu.memory_space<semaphore_mem>>) src(%dma_wait3A_304 : memref<80x128xf32, #tpu.memory_space<vmem>>) dst(%dma_wait3A_300 : memref<80x128xf32, #tpu.memory_space<vmem_shared>>)
        tpu.yield
      }) : () -> ()
    }
    %scan3A_110 = arith.constant 3 : i32
    %eq3A_111 = arith.constant 0 : i32
    %eq3A_112 = arith.cmpi eq, %arg1, %eq3A_111 : i32
    %convert_element_type3A_113 = arith.extui %eq3A_112 : i1 to i32
    %cond3A_114 = arith.constant 0 : i32
    %cond3A_115 = arith.cmpi ne, %convert_element_type3A_113, %cond3A_114 : i32
    scf.if %cond3A_115 {
      %run_scoped3A_271 = arith.constant 0 : i32
      "tpu.region"() ({
        %run_scoped3A_272 = tpu.sem_alloc : memref<!tpu.dma_semaphore, #tpu.memory_space<semaphore_mem>>
        %dma_start3A = arith.constant 0 : i32
        %dma_start3A_273 = arith.constant 0 : i32
        %dma_start3A_274 = tpu.memref_slice %arg7[%run_scoped3A_271, %dma_start3A, %dma_start3A_273] : memref<4x80x128xf32, #tpu.memory_space<vmem>> -> memref<1x8x128xf32, #tpu.memory_space<vmem>>
        %dma_start3A_275 = tpu.memref_squeeze %dma_start3A_274 : memref<1x8x128xf32, #tpu.memory_space<vmem>> -> memref<8x128xf32, #tpu.memory_space<vmem>>
        %dma_start3A_276 = arith.constant 3840 : i32
        %dma_start3A_277 = arith.constant 0 : i32
        %dma_start3A_278 = tpu.memref_slice %arg24[%dma_start3A_276, %dma_start3A_277] : memref<3848x128xf32, #tpu.memory_space<vmem_shared>> -> memref<8x128xf32, #tpu.memory_space<vmem_shared>>
        %dma_start3A_279 = arith.constant 3840 : i32
        %dma_start3A_280 = arith.constant 0 : i32
        %dma_start3A_281 = tpu.memref_slice %arg24[%dma_start3A_279, %dma_start3A_280] : memref<3848x128xf32, #tpu.memory_space<vmem_shared>> -> memref<8x128xf32, #tpu.memory_space<vmem_shared>>
        %dma_start3A_282 = arith.constant 0 : i32
        %dma_start3A_283 = arith.constant 0 : i32
        %dma_start3A_284 = tpu.memref_slice %arg7[%run_scoped3A_271, %dma_start3A_282, %dma_start3A_283] : memref<4x80x128xf32, #tpu.memory_space<vmem>> -> memref<1x8x128xf32, #tpu.memory_space<vmem>>
        %dma_start3A_285 = tpu.memref_squeeze %dma_start3A_284 : memref<1x8x128xf32, #tpu.memory_space<vmem>> -> memref<8x128xf32, #tpu.memory_space<vmem>>
        tpu.enqueue_dma source(%dma_start3A_285 : memref<8x128xf32, #tpu.memory_space<vmem>>) target(%dma_start3A_281 : memref<8x128xf32, #tpu.memory_space<vmem_shared>>) target_semaphore(%run_scoped3A_272 : memref<!tpu.dma_semaphore, #tpu.memory_space<semaphore_mem>>)
        %dma_wait3A = arith.constant 0 : i32
        %dma_wait3A_286 = arith.constant 0 : i32
        %dma_wait3A_287 = tpu.memref_slice %arg7[%run_scoped3A_271, %dma_wait3A, %dma_wait3A_286] : memref<4x80x128xf32, #tpu.memory_space<vmem>> -> memref<1x8x128xf32, #tpu.memory_space<vmem>>
        %dma_wait3A_288 = tpu.memref_squeeze %dma_wait3A_287 : memref<1x8x128xf32, #tpu.memory_space<vmem>> -> memref<8x128xf32, #tpu.memory_space<vmem>>
        %dma_wait3A_289 = arith.constant 3840 : i32
        %dma_wait3A_290 = arith.constant 0 : i32
        %dma_wait3A_291 = tpu.memref_slice %arg24[%dma_wait3A_289, %dma_wait3A_290] : memref<3848x128xf32, #tpu.memory_space<vmem_shared>> -> memref<8x128xf32, #tpu.memory_space<vmem_shared>>
        %dma_wait3A_292 = arith.constant 3840 : i32
        %dma_wait3A_293 = arith.constant 0 : i32
        %dma_wait3A_294 = tpu.memref_slice %arg24[%dma_wait3A_292, %dma_wait3A_293] : memref<3848x128xf32, #tpu.memory_space<vmem_shared>> -> memref<8x128xf32, #tpu.memory_space<vmem_shared>>
        %dma_wait3A_295 = arith.constant 0 : i32
        %dma_wait3A_296 = arith.constant 0 : i32
        %dma_wait3A_297 = tpu.memref_slice %arg7[%run_scoped3A_271, %dma_wait3A_295, %dma_wait3A_296] : memref<4x80x128xf32, #tpu.memory_space<vmem>> -> memref<1x8x128xf32, #tpu.memory_space<vmem>>
        %dma_wait3A_298 = tpu.memref_squeeze %dma_wait3A_297 : memref<1x8x128xf32, #tpu.memory_space<vmem>> -> memref<8x128xf32, #tpu.memory_space<vmem>>
        tpu.wait_dma2 semaphore(%run_scoped3A_272 : memref<!tpu.dma_semaphore, #tpu.memory_space<semaphore_mem>>) src(%dma_wait3A_298 : memref<8x128xf32, #tpu.memory_space<vmem>>) dst(%dma_wait3A_294 : memref<8x128xf32, #tpu.memory_space<vmem_shared>>)
        tpu.yield
      }) : () -> ()
    } else {
    }
    %barrier3A_116 = arith.constant 0 : index
    tpu.barrier barrier_id(%barrier3A_116)
    %get3A_117 = arith.constant 1 : i32
    %get3A_118 = arith.constant 0 : i32
    %get3A_119 = arith.index_cast %get3A_117 : i32 to index
    %get3A_120 = arith.index_cast %get3A_118 : i32 to index
    %get3A_121 = memref.load %arg15[%get3A_119, %get3A_120] : memref<3x125xi32, #tpu.memory_space<smem>>
    %eq3A_122 = arith.constant 1 : i32
    %eq3A_123 = arith.cmpi eq, %get3A_121, %eq3A_122 : i32
    %convert_element_type3A_124 = arith.extui %eq3A_123 : i1 to i32
    %cond3A_125 = arith.constant 0 : i32
    %cond3A_126 = arith.cmpi ne, %convert_element_type3A_124, %cond3A_125 : i32
    scf.if %cond3A_126 {
      %add3A_271 = arith.constant 0 : i32
      %add3A_272 = arith.addi %mul3A_2, %add3A_271 : i32
      %dma_start3A = arith.constant 0 : i32
      %dma_start3A_273 = arith.constant 0 : i32
      %dma_start3A_274 = arith.constant 0 : i32
      %dma_start3A_275 = tpu.memref_slice %arg7[%dma_start3A, %dma_start3A_273, %dma_start3A_274] : memref<4x80x128xf32, #tpu.memory_space<vmem>> -> memref<1x80x128xf32, #tpu.memory_space<vmem>>
      %dma_start3A_276 = tpu.memref_squeeze %dma_start3A_275 : memref<1x80x128xf32, #tpu.memory_space<vmem>> -> memref<80x128xf32, #tpu.memory_space<vmem>>
      %dma_start3A_277 = arith.constant 0 : i32
      %dma_start3A_278 = tpu.memref_slice %arg2[%add3A_272, %dma_start3A_277] : memref<320000x128xf32, #tpu.memory_space<hbm>> -> memref<80x128xf32, #tpu.memory_space<hbm>>
      %dma_start3A_279 = arith.constant 0 : i32
      %dma_start3A_280 = arith.constant 0 : i32
      %dma_start3A_281 = tpu.memref_slice %arg7[%dma_start3A, %dma_start3A_279, %dma_start3A_280] : memref<4x80x128xf32, #tpu.memory_space<vmem>> -> memref<1x80x128xf32, #tpu.memory_space<vmem>>
      %dma_start3A_282 = tpu.memref_squeeze %dma_start3A_281 : memref<1x80x128xf32, #tpu.memory_space<vmem>> -> memref<80x128xf32, #tpu.memory_space<vmem>>
      %dma_start3A_283 = arith.constant 0 : i32
      %dma_start3A_284 = tpu.memref_slice %arg2[%add3A_272, %dma_start3A_283] : memref<320000x128xf32, #tpu.memory_space<hbm>> -> memref<80x128xf32, #tpu.memory_space<hbm>>
      tpu.enqueue_dma source(%dma_start3A_284 : memref<80x128xf32, #tpu.memory_space<hbm>>) target(%dma_start3A_282 : memref<80x128xf32, #tpu.memory_space<vmem>>) target_semaphore(%arg16 : memref<!tpu.dma_semaphore, #tpu.memory_space<semaphore_mem>>)
    } else {
    }
    %get3A_127 = arith.constant 1 : i32
    %get3A_128 = arith.constant 1 : i32
    %get3A_129 = arith.index_cast %get3A_127 : i32 to index
    %get3A_130 = arith.index_cast %get3A_128 : i32 to index
    %get3A_131 = memref.load %arg15[%get3A_129, %get3A_130] : memref<3x125xi32, #tpu.memory_space<smem>>
    %eq3A_132 = arith.constant 1 : i32
    %eq3A_133 = arith.cmpi eq, %get3A_131, %eq3A_132 : i32
    %convert_element_type3A_134 = arith.extui %eq3A_133 : i1 to i32
    %cond3A_135 = arith.constant 0 : i32
    %cond3A_136 = arith.cmpi ne, %convert_element_type3A_134, %cond3A_135 : i32
    scf.if %cond3A_136 {
      %add3A_271 = arith.constant 80 : i32
      %add3A_272 = arith.addi %mul3A_2, %add3A_271 : i32
      %dma_start3A = arith.constant 1 : i32
      %dma_start3A_273 = arith.constant 0 : i32
      %dma_start3A_274 = arith.constant 0 : i32
      %dma_start3A_275 = tpu.memref_slice %arg7[%dma_start3A, %dma_start3A_273, %dma_start3A_274] : memref<4x80x128xf32, #tpu.memory_space<vmem>> -> memref<1x80x128xf32, #tpu.memory_space<vmem>>
      %dma_start3A_276 = tpu.memref_squeeze %dma_start3A_275 : memref<1x80x128xf32, #tpu.memory_space<vmem>> -> memref<80x128xf32, #tpu.memory_space<vmem>>
      %dma_start3A_277 = arith.constant 0 : i32
      %dma_start3A_278 = tpu.memref_slice %arg2[%add3A_272, %dma_start3A_277] : memref<320000x128xf32, #tpu.memory_space<hbm>> -> memref<80x128xf32, #tpu.memory_space<hbm>>
      %dma_start3A_279 = arith.constant 0 : i32
      %dma_start3A_280 = arith.constant 0 : i32
      %dma_start3A_281 = tpu.memref_slice %arg7[%dma_start3A, %dma_start3A_279, %dma_start3A_280] : memref<4x80x128xf32, #tpu.memory_space<vmem>> -> memref<1x80x128xf32, #tpu.memory_space<vmem>>
      %dma_start3A_282 = tpu.memref_squeeze %dma_start3A_281 : memref<1x80x128xf32, #tpu.memory_space<vmem>> -> memref<80x128xf32, #tpu.memory_space<vmem>>
      %dma_start3A_283 = arith.constant 0 : i32
      %dma_start3A_284 = tpu.memref_slice %arg2[%add3A_272, %dma_start3A_283] : memref<320000x128xf32, #tpu.memory_space<hbm>> -> memref<80x128xf32, #tpu.memory_space<hbm>>
      tpu.enqueue_dma source(%dma_start3A_284 : memref<80x128xf32, #tpu.memory_space<hbm>>) target(%dma_start3A_282 : memref<80x128xf32, #tpu.memory_space<vmem>>) target_semaphore(%arg17 : memref<!tpu.dma_semaphore, #tpu.memory_space<semaphore_mem>>)
    } else {
    }
    %get3A_137 = arith.constant 1 : i32
    %get3A_138 = arith.constant 2 : i32
    %get3A_139 = arith.index_cast %get3A_137 : i32 to index
    %get3A_140 = arith.index_cast %get3A_138 : i32 to index
    %get3A_141 = memref.load %arg15[%get3A_139, %get3A_140] : memref<3x125xi32, #tpu.memory_space<smem>>
    %eq3A_142 = arith.constant 1 : i32
    %eq3A_143 = arith.cmpi eq, %get3A_141, %eq3A_142 : i32
    %convert_element_type3A_144 = arith.extui %eq3A_143 : i1 to i32
    %cond3A_145 = arith.constant 0 : i32
    %cond3A_146 = arith.cmpi ne, %convert_element_type3A_144, %cond3A_145 : i32
    scf.if %cond3A_146 {
      %add3A_271 = arith.constant 160 : i32
      %add3A_272 = arith.addi %mul3A_2, %add3A_271 : i32
      %dma_start3A = arith.constant 2 : i32
      %dma_start3A_273 = arith.constant 0 : i32
      %dma_start3A_274 = arith.constant 0 : i32
      %dma_start3A_275 = tpu.memref_slice %arg7[%dma_start3A, %dma_start3A_273, %dma_start3A_274] : memref<4x80x128xf32, #tpu.memory_space<vmem>> -> memref<1x80x128xf32, #tpu.memory_space<vmem>>
      %dma_start3A_276 = tpu.memref_squeeze %dma_start3A_275 : memref<1x80x128xf32, #tpu.memory_space<vmem>> -> memref<80x128xf32, #tpu.memory_space<vmem>>
      %dma_start3A_277 = arith.constant 0 : i32
      %dma_start3A_278 = tpu.memref_slice %arg2[%add3A_272, %dma_start3A_277] : memref<320000x128xf32, #tpu.memory_space<hbm>> -> memref<80x128xf32, #tpu.memory_space<hbm>>
      %dma_start3A_279 = arith.constant 0 : i32
      %dma_start3A_280 = arith.constant 0 : i32
      %dma_start3A_281 = tpu.memref_slice %arg7[%dma_start3A, %dma_start3A_279, %dma_start3A_280] : memref<4x80x128xf32, #tpu.memory_space<vmem>> -> memref<1x80x128xf32, #tpu.memory_space<vmem>>
      %dma_start3A_282 = tpu.memref_squeeze %dma_start3A_281 : memref<1x80x128xf32, #tpu.memory_space<vmem>> -> memref<80x128xf32, #tpu.memory_space<vmem>>
      %dma_start3A_283 = arith.constant 0 : i32
      %dma_start3A_284 = tpu.memref_slice %arg2[%add3A_272, %dma_start3A_283] : memref<320000x128xf32, #tpu.memory_space<hbm>> -> memref<80x128xf32, #tpu.memory_space<hbm>>
      tpu.enqueue_dma source(%dma_start3A_284 : memref<80x128xf32, #tpu.memory_space<hbm>>) target(%dma_start3A_282 : memref<80x128xf32, #tpu.memory_space<vmem>>) target_semaphore(%arg18 : memref<!tpu.dma_semaphore, #tpu.memory_space<semaphore_mem>>)
    } else {
    }
    %get3A_147 = arith.constant 1 : i32
    %get3A_148 = arith.constant 3 : i32
    %get3A_149 = arith.index_cast %get3A_147 : i32 to index
    %get3A_150 = arith.index_cast %get3A_148 : i32 to index
    %get3A_151 = memref.load %arg15[%get3A_149, %get3A_150] : memref<3x125xi32, #tpu.memory_space<smem>>
    %eq3A_152 = arith.constant 1 : i32
    %eq3A_153 = arith.cmpi eq, %get3A_151, %eq3A_152 : i32
    %convert_element_type3A_154 = arith.extui %eq3A_153 : i1 to i32
    %cond3A_155 = arith.constant 0 : i32
    %cond3A_156 = arith.cmpi ne, %convert_element_type3A_154, %cond3A_155 : i32
    scf.if %cond3A_156 {
      %add3A_271 = arith.constant 240 : i32
      %add3A_272 = arith.addi %mul3A_2, %add3A_271 : i32
      %dma_start3A = arith.constant 3 : i32
      %dma_start3A_273 = arith.constant 0 : i32
      %dma_start3A_274 = arith.constant 0 : i32
      %dma_start3A_275 = tpu.memref_slice %arg7[%dma_start3A, %dma_start3A_273, %dma_start3A_274] : memref<4x80x128xf32, #tpu.memory_space<vmem>> -> memref<1x80x128xf32, #tpu.memory_space<vmem>>
      %dma_start3A_276 = tpu.memref_squeeze %dma_start3A_275 : memref<1x80x128xf32, #tpu.memory_space<vmem>> -> memref<80x128xf32, #tpu.memory_space<vmem>>
      %dma_start3A_277 = arith.constant 0 : i32
      %dma_start3A_278 = tpu.memref_slice %arg2[%add3A_272, %dma_start3A_277] : memref<320000x128xf32, #tpu.memory_space<hbm>> -> memref<80x128xf32, #tpu.memory_space<hbm>>
      %dma_start3A_279 = arith.constant 0 : i32
      %dma_start3A_280 = arith.constant 0 : i32
      %dma_start3A_281 = tpu.memref_slice %arg7[%dma_start3A, %dma_start3A_279, %dma_start3A_280] : memref<4x80x128xf32, #tpu.memory_space<vmem>> -> memref<1x80x128xf32, #tpu.memory_space<vmem>>
      %dma_start3A_282 = tpu.memref_squeeze %dma_start3A_281 : memref<1x80x128xf32, #tpu.memory_space<vmem>> -> memref<80x128xf32, #tpu.memory_space<vmem>>
      %dma_start3A_283 = arith.constant 0 : i32
      %dma_start3A_284 = tpu.memref_slice %arg2[%add3A_272, %dma_start3A_283] : memref<320000x128xf32, #tpu.memory_space<hbm>> -> memref<80x128xf32, #tpu.memory_space<hbm>>
      tpu.enqueue_dma source(%dma_start3A_284 : memref<80x128xf32, #tpu.memory_space<hbm>>) target(%dma_start3A_282 : memref<80x128xf32, #tpu.memory_space<vmem>>) target_semaphore(%arg19 : memref<!tpu.dma_semaphore, #tpu.memory_space<semaphore_mem>>)
    } else {
    }
    %scan3A_157 = arith.constant 0 : i32
    %scan3A_158 = arith.constant 31 : i32
    %scan3A_159 = arith.addi %scan3A_157, %scan3A_158 : i32
    %scan3A_160 = arith.constant 1 : i32
    scf.for %scan3A_271 = %scan3A_157 to %scan3A_159 step %scan3A_160  : i32 {
      %mul3A_272 = arith.constant 1 : i32
      %mul3A_273 = arith.muli %scan3A_271, %mul3A_272 : i32
      %add3A_274 = arith.constant 0 : i32
      %add3A_275 = arith.addi %add3A_274, %mul3A_273 : i32
      %mul3A_276 = arith.constant 4 : i32
      %mul3A_277 = arith.muli %mul3A_276, %add3A_275 : i32
      %add3A_278 = arith.constant 0 : i32
      %add3A_279 = arith.addi %mul3A_277, %add3A_278 : i32
      %get3A_280 = arith.constant 1 : i32
      %get3A_281 = arith.index_cast %get3A_280 : i32 to index
      %get3A_282 = arith.index_cast %add3A_279 : i32 to index
      %get3A_283 = memref.load %arg15[%get3A_281, %get3A_282] : memref<3x125xi32, #tpu.memory_space<smem>>
      %eq3A_284 = arith.constant 1 : i32
      %eq3A_285 = arith.cmpi eq, %get3A_283, %eq3A_284 : i32
      %convert_element_type3A_286 = arith.extui %eq3A_285 : i1 to i32
      %cond3A_287 = arith.constant 0 : i32
      %cond3A_288 = arith.cmpi ne, %convert_element_type3A_286, %cond3A_287 : i32
      scf.if %cond3A_288 {
        %dma_wait3A = arith.constant 0 : i32
        %dma_wait3A_408 = arith.constant 0 : i32
        %dma_wait3A_409 = arith.constant 0 : i32
        %dma_wait3A_410 = tpu.memref_slice %arg7[%dma_wait3A, %dma_wait3A_408, %dma_wait3A_409] : memref<4x80x128xf32, #tpu.memory_space<vmem>> -> memref<1x80x128xf32, #tpu.memory_space<vmem>>
        %dma_wait3A_411 = tpu.memref_squeeze %dma_wait3A_410 : memref<1x80x128xf32, #tpu.memory_space<vmem>> -> memref<80x128xf32, #tpu.memory_space<vmem>>
        %dma_wait3A_412 = arith.constant 0 : i32
        %dma_wait3A_413 = tpu.memref_slice %arg2[%mul3A_2, %dma_wait3A_412] : memref<320000x128xf32, #tpu.memory_space<hbm>> -> memref<80x128xf32, #tpu.memory_space<hbm>>
        %dma_wait3A_414 = arith.constant 0 : i32
        %dma_wait3A_415 = arith.constant 0 : i32
        %dma_wait3A_416 = tpu.memref_slice %arg7[%dma_wait3A, %dma_wait3A_414, %dma_wait3A_415] : memref<4x80x128xf32, #tpu.memory_space<vmem>> -> memref<1x80x128xf32, #tpu.memory_space<vmem>>
        %dma_wait3A_417 = tpu.memref_squeeze %dma_wait3A_416 : memref<1x80x128xf32, #tpu.memory_space<vmem>> -> memref<80x128xf32, #tpu.memory_space<vmem>>
        %dma_wait3A_418 = arith.constant 0 : i32
        %dma_wait3A_419 = tpu.memref_slice %arg2[%mul3A_2, %dma_wait3A_418] : memref<320000x128xf32, #tpu.memory_space<hbm>> -> memref<80x128xf32, #tpu.memory_space<hbm>>
        tpu.wait_dma2 semaphore(%arg16 : memref<!tpu.dma_semaphore, #tpu.memory_space<semaphore_mem>>) src(%dma_wait3A_419 : memref<80x128xf32, #tpu.memory_space<hbm>>) dst(%dma_wait3A_417 : memref<80x128xf32, #tpu.memory_space<vmem>>)
        %scan3A_420 = arith.constant 0 : i32
        %scan3A_421 = arith.constant 5 : i32
        %scan3A_422 = arith.addi %scan3A_420, %scan3A_421 : i32
        %scan3A_423 = arith.constant 1 : i32
        scf.for %scan3A_436 = %scan3A_420 to %scan3A_422 step %scan3A_423  : i32 {
          %mul3A_437 = arith.constant 1 : i32
          %mul3A_438 = arith.muli %scan3A_436, %mul3A_437 : i32
          %add3A_439 = arith.constant 0 : i32
          %add3A_440 = arith.addi %add3A_439, %mul3A_438 : i32
          %mul3A_441 = arith.constant 16 : i32
          %mul3A_442 = arith.muli %add3A_440, %mul3A_441 : i32
          %get3A_443 = arith.index_cast %add3A_279 : i32 to index
          %get3A_444 = arith.index_cast %mul3A_442 : i32 to index
          %get3A_445 = tpu.vector_load %arg8[%get3A_443, %get3A_444] {strides = array<i32>} : memref<125x80xi32, #tpu.memory_space<vmem>>, vector<16xi32>,
          %ge3A = arith.constant 3840 : i32
          %ge3A_446 = vector.broadcast %ge3A : i32 to vector<16xi32>
          %ge3A_447 = arith.cmpi sge, %get3A_445, %ge3A_446 : vector<16xi32>
          %lt3A_448 = arith.constant 7680 : i32
          %lt3A_449 = vector.broadcast %lt3A_448 : i32 to vector<16xi32>
          %lt3A_450 = arith.cmpi slt, %get3A_445, %lt3A_449 : vector<16xi32>
          %and3A = arith.andi %ge3A_447, %lt3A_450 : vector<16xi1>
          %sub3A = arith.constant 3840 : i32
          %sub3A_451 = vector.broadcast %sub3A : i32 to vector<16xi32>
          %sub3A_452 = arith.subi %get3A_445, %sub3A_451 : vector<16xi32>
          %jit3A = arith.constant 3840 : i32
          %broadcast_in_dim3A_453 = vector.broadcast %jit3A : i32 to vector<16xi32>
          %select_n3A = arith.select %and3A, %sub3A_452, %broadcast_in_dim3A_453 : vector<16xi1>, vector<16xi32>
          %mul3A_454 = arith.constant 16 : i32
          %mul3A_455 = arith.muli %add3A_440, %mul3A_454 : i32
          %swap3A_456 = arith.constant 0 : i32
          %swap3A_457 = arith.index_cast %swap3A_456 : i32 to index
          %swap3A_458 = arith.index_cast %mul3A_455 : i32 to index
          %swap3A_459 = tpu.vector_load %arg14[%swap3A_457, %swap3A_458] {strides = array<i32>} : memref<4x80xi32, #tpu.memory_space<vmem>>, vector<16xi32>,
          tpu.vector_store %arg14[%swap3A_457, %swap3A_458], %select_n3A {strides = array<i32>} : memref<4x80xi32, #tpu.memory_space<vmem>>, vector<16xi32>,
        }
        %scan3A_424 = arith.constant 5 : i32
        %dma_start3A = arith.constant 0 : i32
        %dma_start3A_425 = arith.constant 0 : i32
        %dma_start3A_426 = arith.constant 0 : i32
        %dma_start3A_427 = arith.constant 0 : i32
        %dma_start3A_428 = tpu.memref_slice %arg7[%dma_start3A, %dma_start3A_426, %dma_start3A_427] : memref<4x80x128xf32, #tpu.memory_space<vmem>> -> memref<1x80x128xf32, #tpu.memory_space<vmem>>
        %dma_start3A_429 = tpu.memref_squeeze %dma_start3A_428 : memref<1x80x128xf32, #tpu.memory_space<vmem>> -> memref<80x128xf32, #tpu.memory_space<vmem>>
        %dma_start3A_430 = arith.constant 0 : i32
        %dma_start3A_431 = tpu.memref_slice %arg14[%dma_start3A_425, %dma_start3A_430] : memref<4x80xi32, #tpu.memory_space<vmem>> -> memref<1x80xi32, #tpu.memory_space<vmem>>
        %dma_start3A_432 = tpu.memref_squeeze %dma_start3A_431 : memref<1x80xi32, #tpu.memory_space<vmem>> -> memref<80xi32, #tpu.memory_space<vmem>>
        %dma_start3A_433 = arith.constant 0 : i32
        %dma_start3A_434 = arith.constant 0 : i32
        %dma_start3A_435 = tpu.memref_slice %arg24[%dma_start3A_433, %dma_start3A_434] : memref<3848x128xf32, #tpu.memory_space<vmem_shared>> -> memref<3848x128xf32, #tpu.memory_space<vmem_shared>>
        tpu.enqueue_indirect_dma source(%dma_start3A_429 : memref<80x128xf32, #tpu.memory_space<vmem>>) target(%dma_start3A_435 : memref<3848x128xf32, #tpu.memory_space<vmem_shared>>) offsets(%dma_start3A_432 : memref<80xi32, #tpu.memory_space<vmem>>) semaphore(%arg20 : memref<!tpu.dma_semaphore, #tpu.memory_space<semaphore_mem>>) {add = true}
      } else {
      }
      %mul3A_289 = arith.constant 4 : i32
      %mul3A_290 = arith.muli %mul3A_289, %add3A_275 : i32
      %add3A_291 = arith.constant 1 : i32
      %add3A_292 = arith.addi %mul3A_290, %add3A_291 : i32
      %get3A_293 = arith.constant 1 : i32
      %get3A_294 = arith.index_cast %get3A_293 : i32 to index
      %get3A_295 = arith.index_cast %add3A_292 : i32 to index
      %get3A_296 = memref.load %arg15[%get3A_294, %get3A_295] : memref<3x125xi32, #tpu.memory_space<smem>>
      %eq3A_297 = arith.constant 1 : i32
      %eq3A_298 = arith.cmpi eq, %get3A_296, %eq3A_297 : i32
      %convert_element_type3A_299 = arith.extui %eq3A_298 : i1 to i32
      %cond3A_300 = arith.constant 0 : i32
      %cond3A_301 = arith.cmpi ne, %convert_element_type3A_299, %cond3A_300 : i32
      scf.if %cond3A_301 {
        %dma_wait3A = arith.constant 1 : i32
        %dma_wait3A_408 = arith.constant 0 : i32
        %dma_wait3A_409 = arith.constant 0 : i32
        %dma_wait3A_410 = tpu.memref_slice %arg7[%dma_wait3A, %dma_wait3A_408, %dma_wait3A_409] : memref<4x80x128xf32, #tpu.memory_space<vmem>> -> memref<1x80x128xf32, #tpu.memory_space<vmem>>
        %dma_wait3A_411 = tpu.memref_squeeze %dma_wait3A_410 : memref<1x80x128xf32, #tpu.memory_space<vmem>> -> memref<80x128xf32, #tpu.memory_space<vmem>>
        %dma_wait3A_412 = arith.constant 0 : i32
        %dma_wait3A_413 = tpu.memref_slice %arg2[%mul3A_2, %dma_wait3A_412] : memref<320000x128xf32, #tpu.memory_space<hbm>> -> memref<80x128xf32, #tpu.memory_space<hbm>>
        %dma_wait3A_414 = arith.constant 0 : i32
        %dma_wait3A_415 = arith.constant 0 : i32
        %dma_wait3A_416 = tpu.memref_slice %arg7[%dma_wait3A, %dma_wait3A_414, %dma_wait3A_415] : memref<4x80x128xf32, #tpu.memory_space<vmem>> -> memref<1x80x128xf32, #tpu.memory_space<vmem>>
        %dma_wait3A_417 = tpu.memref_squeeze %dma_wait3A_416 : memref<1x80x128xf32, #tpu.memory_space<vmem>> -> memref<80x128xf32, #tpu.memory_space<vmem>>
        %dma_wait3A_418 = arith.constant 0 : i32
        %dma_wait3A_419 = tpu.memref_slice %arg2[%mul3A_2, %dma_wait3A_418] : memref<320000x128xf32, #tpu.memory_space<hbm>> -> memref<80x128xf32, #tpu.memory_space<hbm>>
        tpu.wait_dma2 semaphore(%arg17 : memref<!tpu.dma_semaphore, #tpu.memory_space<semaphore_mem>>) src(%dma_wait3A_419 : memref<80x128xf32, #tpu.memory_space<hbm>>) dst(%dma_wait3A_417 : memref<80x128xf32, #tpu.memory_space<vmem>>)
        %scan3A_420 = arith.constant 0 : i32
        %scan3A_421 = arith.constant 5 : i32
        %scan3A_422 = arith.addi %scan3A_420, %scan3A_421 : i32
        %scan3A_423 = arith.constant 1 : i32
        scf.for %scan3A_436 = %scan3A_420 to %scan3A_422 step %scan3A_423  : i32 {
          %mul3A_437 = arith.constant 1 : i32
          %mul3A_438 = arith.muli %scan3A_436, %mul3A_437 : i32
          %add3A_439 = arith.constant 0 : i32
          %add3A_440 = arith.addi %add3A_439, %mul3A_438 : i32
          %mul3A_441 = arith.constant 16 : i32
          %mul3A_442 = arith.muli %add3A_440, %mul3A_441 : i32
          %get3A_443 = arith.index_cast %add3A_292 : i32 to index
          %get3A_444 = arith.index_cast %mul3A_442 : i32 to index
          %get3A_445 = tpu.vector_load %arg8[%get3A_443, %get3A_444] {strides = array<i32>} : memref<125x80xi32, #tpu.memory_space<vmem>>, vector<16xi32>,
          %ge3A = arith.constant 3840 : i32
          %ge3A_446 = vector.broadcast %ge3A : i32 to vector<16xi32>
          %ge3A_447 = arith.cmpi sge, %get3A_445, %ge3A_446 : vector<16xi32>
          %lt3A_448 = arith.constant 7680 : i32
          %lt3A_449 = vector.broadcast %lt3A_448 : i32 to vector<16xi32>
          %lt3A_450 = arith.cmpi slt, %get3A_445, %lt3A_449 : vector<16xi32>
          %and3A = arith.andi %ge3A_447, %lt3A_450 : vector<16xi1>
          %sub3A = arith.constant 3840 : i32
          %sub3A_451 = vector.broadcast %sub3A : i32 to vector<16xi32>
          %sub3A_452 = arith.subi %get3A_445, %sub3A_451 : vector<16xi32>
          %jit3A = arith.constant 3840 : i32
          %broadcast_in_dim3A_453 = vector.broadcast %jit3A : i32 to vector<16xi32>
          %select_n3A = arith.select %and3A, %sub3A_452, %broadcast_in_dim3A_453 : vector<16xi1>, vector<16xi32>
          %mul3A_454 = arith.constant 16 : i32
          %mul3A_455 = arith.muli %add3A_440, %mul3A_454 : i32
          %swap3A_456 = arith.constant 1 : i32
          %swap3A_457 = arith.index_cast %swap3A_456 : i32 to index
          %swap3A_458 = arith.index_cast %mul3A_455 : i32 to index
          %swap3A_459 = tpu.vector_load %arg14[%swap3A_457, %swap3A_458] {strides = array<i32>} : memref<4x80xi32, #tpu.memory_space<vmem>>, vector<16xi32>,
          tpu.vector_store %arg14[%swap3A_457, %swap3A_458], %select_n3A {strides = array<i32>} : memref<4x80xi32, #tpu.memory_space<vmem>>, vector<16xi32>,
        }
        %scan3A_424 = arith.constant 5 : i32
        %dma_start3A = arith.constant 1 : i32
        %dma_start3A_425 = arith.constant 1 : i32
        %dma_start3A_426 = arith.constant 0 : i32
        %dma_start3A_427 = arith.constant 0 : i32
        %dma_start3A_428 = tpu.memref_slice %arg7[%dma_start3A, %dma_start3A_426, %dma_start3A_427] : memref<4x80x128xf32, #tpu.memory_space<vmem>> -> memref<1x80x128xf32, #tpu.memory_space<vmem>>
        %dma_start3A_429 = tpu.memref_squeeze %dma_start3A_428 : memref<1x80x128xf32, #tpu.memory_space<vmem>> -> memref<80x128xf32, #tpu.memory_space<vmem>>
        %dma_start3A_430 = arith.constant 0 : i32
        %dma_start3A_431 = tpu.memref_slice %arg14[%dma_start3A_425, %dma_start3A_430] : memref<4x80xi32, #tpu.memory_space<vmem>> -> memref<1x80xi32, #tpu.memory_space<vmem>>
        %dma_start3A_432 = tpu.memref_squeeze %dma_start3A_431 : memref<1x80xi32, #tpu.memory_space<vmem>> -> memref<80xi32, #tpu.memory_space<vmem>>
        %dma_start3A_433 = arith.constant 0 : i32
        %dma_start3A_434 = arith.constant 0 : i32
        %dma_start3A_435 = tpu.memref_slice %arg24[%dma_start3A_433, %dma_start3A_434] : memref<3848x128xf32, #tpu.memory_space<vmem_shared>> -> memref<3848x128xf32, #tpu.memory_space<vmem_shared>>
        tpu.enqueue_indirect_dma source(%dma_start3A_429 : memref<80x128xf32, #tpu.memory_space<vmem>>) target(%dma_start3A_435 : memref<3848x128xf32, #tpu.memory_space<vmem_shared>>) offsets(%dma_start3A_432 : memref<80xi32, #tpu.memory_space<vmem>>) semaphore(%arg21 : memref<!tpu.dma_semaphore, #tpu.memory_space<semaphore_mem>>) {add = true}
      } else {
      }
      %mul3A_302 = arith.constant 4 : i32
      %mul3A_303 = arith.muli %mul3A_302, %add3A_275 : i32
      %add3A_304 = arith.constant 2 : i32
      %add3A_305 = arith.addi %mul3A_303, %add3A_304 : i32
      %get3A_306 = arith.constant 1 : i32
      %get3A_307 = arith.index_cast %get3A_306 : i32 to index
      %get3A_308 = arith.index_cast %add3A_305 : i32 to index
      %get3A_309 = memref.load %arg15[%get3A_307, %get3A_308] : memref<3x125xi32, #tpu.memory_space<smem>>
      %eq3A_310 = arith.constant 1 : i32
      %eq3A_311 = arith.cmpi eq, %get3A_309, %eq3A_310 : i32
      %convert_element_type3A_312 = arith.extui %eq3A_311 : i1 to i32
      %cond3A_313 = arith.constant 0 : i32
      %cond3A_314 = arith.cmpi ne, %convert_element_type3A_312, %cond3A_313 : i32
      scf.if %cond3A_314 {
        %dma_wait3A = arith.constant 2 : i32
        %dma_wait3A_408 = arith.constant 0 : i32
        %dma_wait3A_409 = arith.constant 0 : i32
        %dma_wait3A_410 = tpu.memref_slice %arg7[%dma_wait3A, %dma_wait3A_408, %dma_wait3A_409] : memref<4x80x128xf32, #tpu.memory_space<vmem>> -> memref<1x80x128xf32, #tpu.memory_space<vmem>>
        %dma_wait3A_411 = tpu.memref_squeeze %dma_wait3A_410 : memref<1x80x128xf32, #tpu.memory_space<vmem>> -> memref<80x128xf32, #tpu.memory_space<vmem>>
        %dma_wait3A_412 = arith.constant 0 : i32
        %dma_wait3A_413 = tpu.memref_slice %arg2[%mul3A_2, %dma_wait3A_412] : memref<320000x128xf32, #tpu.memory_space<hbm>> -> memref<80x128xf32, #tpu.memory_space<hbm>>
        %dma_wait3A_414 = arith.constant 0 : i32
        %dma_wait3A_415 = arith.constant 0 : i32
        %dma_wait3A_416 = tpu.memref_slice %arg7[%dma_wait3A, %dma_wait3A_414, %dma_wait3A_415] : memref<4x80x128xf32, #tpu.memory_space<vmem>> -> memref<1x80x128xf32, #tpu.memory_space<vmem>>
        %dma_wait3A_417 = tpu.memref_squeeze %dma_wait3A_416 : memref<1x80x128xf32, #tpu.memory_space<vmem>> -> memref<80x128xf32, #tpu.memory_space<vmem>>
        %dma_wait3A_418 = arith.constant 0 : i32
        %dma_wait3A_419 = tpu.memref_slice %arg2[%mul3A_2, %dma_wait3A_418] : memref<320000x128xf32, #tpu.memory_space<hbm>> -> memref<80x128xf32, #tpu.memory_space<hbm>>
        tpu.wait_dma2 semaphore(%arg18 : memref<!tpu.dma_semaphore, #tpu.memory_space<semaphore_mem>>) src(%dma_wait3A_419 : memref<80x128xf32, #tpu.memory_space<hbm>>) dst(%dma_wait3A_417 : memref<80x128xf32, #tpu.memory_space<vmem>>)
        %scan3A_420 = arith.constant 0 : i32
        %scan3A_421 = arith.constant 5 : i32
        %scan3A_422 = arith.addi %scan3A_420, %scan3A_421 : i32
        %scan3A_423 = arith.constant 1 : i32
        scf.for %scan3A_436 = %scan3A_420 to %scan3A_422 step %scan3A_423  : i32 {
          %mul3A_437 = arith.constant 1 : i32
          %mul3A_438 = arith.muli %scan3A_436, %mul3A_437 : i32
          %add3A_439 = arith.constant 0 : i32
          %add3A_440 = arith.addi %add3A_439, %mul3A_438 : i32
          %mul3A_441 = arith.constant 16 : i32
          %mul3A_442 = arith.muli %add3A_440, %mul3A_441 : i32
          %get3A_443 = arith.index_cast %add3A_305 : i32 to index
          %get3A_444 = arith.index_cast %mul3A_442 : i32 to index
          %get3A_445 = tpu.vector_load %arg8[%get3A_443, %get3A_444] {strides = array<i32>} : memref<125x80xi32, #tpu.memory_space<vmem>>, vector<16xi32>,
          %ge3A = arith.constant 3840 : i32
          %ge3A_446 = vector.broadcast %ge3A : i32 to vector<16xi32>
          %ge3A_447 = arith.cmpi sge, %get3A_445, %ge3A_446 : vector<16xi32>
          %lt3A_448 = arith.constant 7680 : i32
          %lt3A_449 = vector.broadcast %lt3A_448 : i32 to vector<16xi32>
          %lt3A_450 = arith.cmpi slt, %get3A_445, %lt3A_449 : vector<16xi32>
          %and3A = arith.andi %ge3A_447, %lt3A_450 : vector<16xi1>
          %sub3A = arith.constant 3840 : i32
          %sub3A_451 = vector.broadcast %sub3A : i32 to vector<16xi32>
          %sub3A_452 = arith.subi %get3A_445, %sub3A_451 : vector<16xi32>
          %jit3A = arith.constant 3840 : i32
          %broadcast_in_dim3A_453 = vector.broadcast %jit3A : i32 to vector<16xi32>
          %select_n3A = arith.select %and3A, %sub3A_452, %broadcast_in_dim3A_453 : vector<16xi1>, vector<16xi32>
          %mul3A_454 = arith.constant 16 : i32
          %mul3A_455 = arith.muli %add3A_440, %mul3A_454 : i32
          %swap3A_456 = arith.constant 2 : i32
          %swap3A_457 = arith.index_cast %swap3A_456 : i32 to index
          %swap3A_458 = arith.index_cast %mul3A_455 : i32 to index
          %swap3A_459 = tpu.vector_load %arg14[%swap3A_457, %swap3A_458] {strides = array<i32>} : memref<4x80xi32, #tpu.memory_space<vmem>>, vector<16xi32>,
          tpu.vector_store %arg14[%swap3A_457, %swap3A_458], %select_n3A {strides = array<i32>} : memref<4x80xi32, #tpu.memory_space<vmem>>, vector<16xi32>,
        }
        %scan3A_424 = arith.constant 5 : i32
        %dma_start3A = arith.constant 2 : i32
        %dma_start3A_425 = arith.constant 2 : i32
        %dma_start3A_426 = arith.constant 0 : i32
        %dma_start3A_427 = arith.constant 0 : i32
        %dma_start3A_428 = tpu.memref_slice %arg7[%dma_start3A, %dma_start3A_426, %dma_start3A_427] : memref<4x80x128xf32, #tpu.memory_space<vmem>> -> memref<1x80x128xf32, #tpu.memory_space<vmem>>
        %dma_start3A_429 = tpu.memref_squeeze %dma_start3A_428 : memref<1x80x128xf32, #tpu.memory_space<vmem>> -> memref<80x128xf32, #tpu.memory_space<vmem>>
        %dma_start3A_430 = arith.constant 0 : i32
        %dma_start3A_431 = tpu.memref_slice %arg14[%dma_start3A_425, %dma_start3A_430] : memref<4x80xi32, #tpu.memory_space<vmem>> -> memref<1x80xi32, #tpu.memory_space<vmem>>
        %dma_start3A_432 = tpu.memref_squeeze %dma_start3A_431 : memref<1x80xi32, #tpu.memory_space<vmem>> -> memref<80xi32, #tpu.memory_space<vmem>>
        %dma_start3A_433 = arith.constant 0 : i32
        %dma_start3A_434 = arith.constant 0 : i32
        %dma_start3A_435 = tpu.memref_slice %arg24[%dma_start3A_433, %dma_start3A_434] : memref<3848x128xf32, #tpu.memory_space<vmem_shared>> -> memref<3848x128xf32, #tpu.memory_space<vmem_shared>>
        tpu.enqueue_indirect_dma source(%dma_start3A_429 : memref<80x128xf32, #tpu.memory_space<vmem>>) target(%dma_start3A_435 : memref<3848x128xf32, #tpu.memory_space<vmem_shared>>) offsets(%dma_start3A_432 : memref<80xi32, #tpu.memory_space<vmem>>) semaphore(%arg22 : memref<!tpu.dma_semaphore, #tpu.memory_space<semaphore_mem>>) {add = true}
      } else {
      }
      %mul3A_315 = arith.constant 4 : i32
      %mul3A_316 = arith.muli %mul3A_315, %add3A_275 : i32
      %add3A_317 = arith.constant 3 : i32
      %add3A_318 = arith.addi %mul3A_316, %add3A_317 : i32
      %get3A_319 = arith.constant 1 : i32
      %get3A_320 = arith.index_cast %get3A_319 : i32 to index
      %get3A_321 = arith.index_cast %add3A_318 : i32 to index
      %get3A_322 = memref.load %arg15[%get3A_320, %get3A_321] : memref<3x125xi32, #tpu.memory_space<smem>>
      %eq3A_323 = arith.constant 1 : i32
      %eq3A_324 = arith.cmpi eq, %get3A_322, %eq3A_323 : i32
      %convert_element_type3A_325 = arith.extui %eq3A_324 : i1 to i32
      %cond3A_326 = arith.constant 0 : i32
      %cond3A_327 = arith.cmpi ne, %convert_element_type3A_325, %cond3A_326 : i32
      scf.if %cond3A_327 {
        %dma_wait3A = arith.constant 3 : i32
        %dma_wait3A_408 = arith.constant 0 : i32
        %dma_wait3A_409 = arith.constant 0 : i32
        %dma_wait3A_410 = tpu.memref_slice %arg7[%dma_wait3A, %dma_wait3A_408, %dma_wait3A_409] : memref<4x80x128xf32, #tpu.memory_space<vmem>> -> memref<1x80x128xf32, #tpu.memory_space<vmem>>
        %dma_wait3A_411 = tpu.memref_squeeze %dma_wait3A_410 : memref<1x80x128xf32, #tpu.memory_space<vmem>> -> memref<80x128xf32, #tpu.memory_space<vmem>>
        %dma_wait3A_412 = arith.constant 0 : i32
        %dma_wait3A_413 = tpu.memref_slice %arg2[%mul3A_2, %dma_wait3A_412] : memref<320000x128xf32, #tpu.memory_space<hbm>> -> memref<80x128xf32, #tpu.memory_space<hbm>>
        %dma_wait3A_414 = arith.constant 0 : i32
        %dma_wait3A_415 = arith.constant 0 : i32
        %dma_wait3A_416 = tpu.memref_slice %arg7[%dma_wait3A, %dma_wait3A_414, %dma_wait3A_415] : memref<4x80x128xf32, #tpu.memory_space<vmem>> -> memref<1x80x128xf32, #tpu.memory_space<vmem>>
        %dma_wait3A_417 = tpu.memref_squeeze %dma_wait3A_416 : memref<1x80x128xf32, #tpu.memory_space<vmem>> -> memref<80x128xf32, #tpu.memory_space<vmem>>
        %dma_wait3A_418 = arith.constant 0 : i32
        %dma_wait3A_419 = tpu.memref_slice %arg2[%mul3A_2, %dma_wait3A_418] : memref<320000x128xf32, #tpu.memory_space<hbm>> -> memref<80x128xf32, #tpu.memory_space<hbm>>
        tpu.wait_dma2 semaphore(%arg19 : memref<!tpu.dma_semaphore, #tpu.memory_space<semaphore_mem>>) src(%dma_wait3A_419 : memref<80x128xf32, #tpu.memory_space<hbm>>) dst(%dma_wait3A_417 : memref<80x128xf32, #tpu.memory_space<vmem>>)
        %scan3A_420 = arith.constant 0 : i32
        %scan3A_421 = arith.constant 5 : i32
        %scan3A_422 = arith.addi %scan3A_420, %scan3A_421 : i32
        %scan3A_423 = arith.constant 1 : i32
        scf.for %scan3A_436 = %scan3A_420 to %scan3A_422 step %scan3A_423  : i32 {
          %mul3A_437 = arith.constant 1 : i32
          %mul3A_438 = arith.muli %scan3A_436, %mul3A_437 : i32
          %add3A_439 = arith.constant 0 : i32
          %add3A_440 = arith.addi %add3A_439, %mul3A_438 : i32
          %mul3A_441 = arith.constant 16 : i32
          %mul3A_442 = arith.muli %add3A_440, %mul3A_441 : i32
          %get3A_443 = arith.index_cast %add3A_318 : i32 to index
          %get3A_444 = arith.index_cast %mul3A_442 : i32 to index
          %get3A_445 = tpu.vector_load %arg8[%get3A_443, %get3A_444] {strides = array<i32>} : memref<125x80xi32, #tpu.memory_space<vmem>>, vector<16xi32>,
          %ge3A = arith.constant 3840 : i32
          %ge3A_446 = vector.broadcast %ge3A : i32 to vector<16xi32>
          %ge3A_447 = arith.cmpi sge, %get3A_445, %ge3A_446 : vector<16xi32>
          %lt3A_448 = arith.constant 7680 : i32
          %lt3A_449 = vector.broadcast %lt3A_448 : i32 to vector<16xi32>
          %lt3A_450 = arith.cmpi slt, %get3A_445, %lt3A_449 : vector<16xi32>
          %and3A = arith.andi %ge3A_447, %lt3A_450 : vector<16xi1>
          %sub3A = arith.constant 3840 : i32
          %sub3A_451 = vector.broadcast %sub3A : i32 to vector<16xi32>
          %sub3A_452 = arith.subi %get3A_445, %sub3A_451 : vector<16xi32>
          %jit3A = arith.constant 3840 : i32
          %broadcast_in_dim3A_453 = vector.broadcast %jit3A : i32 to vector<16xi32>
          %select_n3A = arith.select %and3A, %sub3A_452, %broadcast_in_dim3A_453 : vector<16xi1>, vector<16xi32>
          %mul3A_454 = arith.constant 16 : i32
          %mul3A_455 = arith.muli %add3A_440, %mul3A_454 : i32
          %swap3A_456 = arith.constant 3 : i32
          %swap3A_457 = arith.index_cast %swap3A_456 : i32 to index
          %swap3A_458 = arith.index_cast %mul3A_455 : i32 to index
          %swap3A_459 = tpu.vector_load %arg14[%swap3A_457, %swap3A_458] {strides = array<i32>} : memref<4x80xi32, #tpu.memory_space<vmem>>, vector<16xi32>,
          tpu.vector_store %arg14[%swap3A_457, %swap3A_458], %select_n3A {strides = array<i32>} : memref<4x80xi32, #tpu.memory_space<vmem>>, vector<16xi32>,
        }
        %scan3A_424 = arith.constant 5 : i32
        %dma_start3A = arith.constant 3 : i32
        %dma_start3A_425 = arith.constant 3 : i32
        %dma_start3A_426 = arith.constant 0 : i32
        %dma_start3A_427 = arith.constant 0 : i32
        %dma_start3A_428 = tpu.memref_slice %arg7[%dma_start3A, %dma_start3A_426, %dma_start3A_427] : memref<4x80x128xf32, #tpu.memory_space<vmem>> -> memref<1x80x128xf32, #tpu.memory_space<vmem>>
        %dma_start3A_429 = tpu.memref_squeeze %dma_start3A_428 : memref<1x80x128xf32, #tpu.memory_space<vmem>> -> memref<80x128xf32, #tpu.memory_space<vmem>>
        %dma_start3A_430 = arith.constant 0 : i32
        %dma_start3A_431 = tpu.memref_slice %arg14[%dma_start3A_425, %dma_start3A_430] : memref<4x80xi32, #tpu.memory_space<vmem>> -> memref<1x80xi32, #tpu.memory_space<vmem>>
        %dma_start3A_432 = tpu.memref_squeeze %dma_start3A_431 : memref<1x80xi32, #tpu.memory_space<vmem>> -> memref<80xi32, #tpu.memory_space<vmem>>
        %dma_start3A_433 = arith.constant 0 : i32
        %dma_start3A_434 = arith.constant 0 : i32
        %dma_start3A_435 = tpu.memref_slice %arg24[%dma_start3A_433, %dma_start3A_434] : memref<3848x128xf32, #tpu.memory_space<vmem_shared>> -> memref<3848x128xf32, #tpu.memory_space<vmem_shared>>
        tpu.enqueue_indirect_dma source(%dma_start3A_429 : memref<80x128xf32, #tpu.memory_space<vmem>>) target(%dma_start3A_435 : memref<3848x128xf32, #tpu.memory_space<vmem_shared>>) offsets(%dma_start3A_432 : memref<80xi32, #tpu.memory_space<vmem>>) semaphore(%arg23 : memref<!tpu.dma_semaphore, #tpu.memory_space<semaphore_mem>>) {add = true}
      } else {
      }
      %mul3A_328 = arith.constant 4 : i32
      %mul3A_329 = arith.muli %mul3A_328, %add3A_275 : i32
      %add3A_330 = arith.constant 0 : i32
      %add3A_331 = arith.addi %mul3A_329, %add3A_330 : i32
      %add3A_332 = arith.constant 4 : i32
      %add3A_333 = arith.addi %add3A_331, %add3A_332 : i32
      %get3A_334 = arith.constant 1 : i32
      %get3A_335 = arith.index_cast %get3A_334 : i32 to index
      %get3A_336 = arith.index_cast %add3A_331 : i32 to index
      %get3A_337 = memref.load %arg15[%get3A_335, %get3A_336] : memref<3x125xi32, #tpu.memory_space<smem>>
      %eq3A_338 = arith.constant 1 : i32
      %eq3A_339 = arith.cmpi eq, %get3A_337, %eq3A_338 : i32
      %convert_element_type3A_340 = arith.extui %eq3A_339 : i1 to i32
      %cond3A_341 = arith.constant 0 : i32
      %cond3A_342 = arith.cmpi ne, %convert_element_type3A_340, %cond3A_341 : i32
      scf.if %cond3A_342 {
        %dma_wait3A = arith.constant 0 : i32
        %dma_wait3A_408 = arith.constant 0 : i32
        %dma_wait3A_409 = arith.constant 0 : i32
        %dma_wait3A_410 = arith.constant 0 : i32
        %dma_wait3A_411 = tpu.memref_slice %arg7[%dma_wait3A, %dma_wait3A_409, %dma_wait3A_410] : memref<4x80x128xf32, #tpu.memory_space<vmem>> -> memref<1x80x128xf32, #tpu.memory_space<vmem>>
        %dma_wait3A_412 = tpu.memref_squeeze %dma_wait3A_411 : memref<1x80x128xf32, #tpu.memory_space<vmem>> -> memref<80x128xf32, #tpu.memory_space<vmem>>
        %dma_wait3A_413 = arith.constant 0 : i32
        %dma_wait3A_414 = tpu.memref_slice %arg14[%dma_wait3A_408, %dma_wait3A_413] : memref<4x80xi32, #tpu.memory_space<vmem>> -> memref<1x80xi32, #tpu.memory_space<vmem>>
        %dma_wait3A_415 = tpu.memref_squeeze %dma_wait3A_414 : memref<1x80xi32, #tpu.memory_space<vmem>> -> memref<80xi32, #tpu.memory_space<vmem>>
        %dma_wait3A_416 = arith.constant 0 : i32
        %dma_wait3A_417 = arith.constant 0 : i32
        %dma_wait3A_418 = tpu.memref_slice %arg24[%dma_wait3A_416, %dma_wait3A_417] : memref<3848x128xf32, #tpu.memory_space<vmem_shared>> -> memref<3848x128xf32, #tpu.memory_space<vmem_shared>>
        tpu.wait_indirect_dma semaphore(%arg20 : memref<!tpu.dma_semaphore, #tpu.memory_space<semaphore_mem>>) src(%dma_wait3A_412 : memref<80x128xf32, #tpu.memory_space<vmem>>) dst(%dma_wait3A_418 : memref<3848x128xf32, #tpu.memory_space<vmem_shared>>)
      } else {
      }
      %lt3A_343 = arith.constant 125 : i32
      %lt3A_344 = arith.cmpi slt, %add3A_333, %lt3A_343 : i32
      %convert_element_type3A_345 = arith.extui %lt3A_344 : i1 to i32
      %cond3A_346 = arith.constant 0 : i32
      %cond3A_347 = arith.cmpi ne, %convert_element_type3A_345, %cond3A_346 : i32
      scf.if %cond3A_347 {
        %get3A_408 = arith.constant 1 : i32
        %get3A_409 = arith.index_cast %get3A_408 : i32 to index
        %get3A_410 = arith.index_cast %add3A_333 : i32 to index
        %get3A_411 = memref.load %arg15[%get3A_409, %get3A_410] : memref<3x125xi32, #tpu.memory_space<smem>>
        %eq3A_412 = arith.constant 1 : i32
        %eq3A_413 = arith.cmpi eq, %get3A_411, %eq3A_412 : i32
        %convert_element_type3A_414 = arith.extui %eq3A_413 : i1 to i32
        %cond3A_415 = arith.constant 0 : i32
        %cond3A_416 = arith.cmpi ne, %convert_element_type3A_414, %cond3A_415 : i32
        scf.if %cond3A_416 {
          %mul3A_417 = arith.constant 80 : i32
          %mul3A_418 = arith.muli %add3A_333, %mul3A_417 : i32
          %add3A_419 = arith.addi %mul3A_2, %mul3A_418 : i32
          %dma_start3A = arith.constant 0 : i32
          %dma_start3A_420 = arith.constant 0 : i32
          %dma_start3A_421 = arith.constant 0 : i32
          %dma_start3A_422 = tpu.memref_slice %arg7[%dma_start3A, %dma_start3A_420, %dma_start3A_421] : memref<4x80x128xf32, #tpu.memory_space<vmem>> -> memref<1x80x128xf32, #tpu.memory_space<vmem>>
          %dma_start3A_423 = tpu.memref_squeeze %dma_start3A_422 : memref<1x80x128xf32, #tpu.memory_space<vmem>> -> memref<80x128xf32, #tpu.memory_space<vmem>>
          %dma_start3A_424 = arith.constant 0 : i32
          %dma_start3A_425 = tpu.memref_slice %arg2[%add3A_419, %dma_start3A_424] : memref<320000x128xf32, #tpu.memory_space<hbm>> -> memref<80x128xf32, #tpu.memory_space<hbm>>
          %dma_start3A_426 = arith.constant 0 : i32
          %dma_start3A_427 = arith.constant 0 : i32
          %dma_start3A_428 = tpu.memref_slice %arg7[%dma_start3A, %dma_start3A_426, %dma_start3A_427] : memref<4x80x128xf32, #tpu.memory_space<vmem>> -> memref<1x80x128xf32, #tpu.memory_space<vmem>>
          %dma_start3A_429 = tpu.memref_squeeze %dma_start3A_428 : memref<1x80x128xf32, #tpu.memory_space<vmem>> -> memref<80x128xf32, #tpu.memory_space<vmem>>
          %dma_start3A_430 = arith.constant 0 : i32
          %dma_start3A_431 = tpu.memref_slice %arg2[%add3A_419, %dma_start3A_430] : memref<320000x128xf32, #tpu.memory_space<hbm>> -> memref<80x128xf32, #tpu.memory_space<hbm>>
          tpu.enqueue_dma source(%dma_start3A_431 : memref<80x128xf32, #tpu.memory_space<hbm>>) target(%dma_start3A_429 : memref<80x128xf32, #tpu.memory_space<vmem>>) target_semaphore(%arg16 : memref<!tpu.dma_semaphore, #tpu.memory_space<semaphore_mem>>)
        } else {
        }
      } else {
      }
      %mul3A_348 = arith.constant 4 : i32
      %mul3A_349 = arith.muli %mul3A_348, %add3A_275 : i32
      %add3A_350 = arith.constant 1 : i32
      %add3A_351 = arith.addi %mul3A_349, %add3A_350 : i32
      %add3A_352 = arith.constant 4 : i32
      %add3A_353 = arith.addi %add3A_351, %add3A_352 : i32
      %get3A_354 = arith.constant 1 : i32
      %get3A_355 = arith.index_cast %get3A_354 : i32 to index
      %get3A_356 = arith.index_cast %add3A_351 : i32 to index
      %get3A_357 = memref.load %arg15[%get3A_355, %get3A_356] : memref<3x125xi32, #tpu.memory_space<smem>>
      %eq3A_358 = arith.constant 1 : i32
      %eq3A_359 = arith.cmpi eq, %get3A_357, %eq3A_358 : i32
      %convert_element_type3A_360 = arith.extui %eq3A_359 : i1 to i32
      %cond3A_361 = arith.constant 0 : i32
      %cond3A_362 = arith.cmpi ne, %convert_element_type3A_360, %cond3A_361 : i32
      scf.if %cond3A_362 {
        %dma_wait3A = arith.constant 1 : i32
        %dma_wait3A_408 = arith.constant 1 : i32
        %dma_wait3A_409 = arith.constant 0 : i32
        %dma_wait3A_410 = arith.constant 0 : i32
        %dma_wait3A_411 = tpu.memref_slice %arg7[%dma_wait3A, %dma_wait3A_409, %dma_wait3A_410] : memref<4x80x128xf32, #tpu.memory_space<vmem>> -> memref<1x80x128xf32, #tpu.memory_space<vmem>>
        %dma_wait3A_412 = tpu.memref_squeeze %dma_wait3A_411 : memref<1x80x128xf32, #tpu.memory_space<vmem>> -> memref<80x128xf32, #tpu.memory_space<vmem>>
        %dma_wait3A_413 = arith.constant 0 : i32
        %dma_wait3A_414 = tpu.memref_slice %arg14[%dma_wait3A_408, %dma_wait3A_413] : memref<4x80xi32, #tpu.memory_space<vmem>> -> memref<1x80xi32, #tpu.memory_space<vmem>>
        %dma_wait3A_415 = tpu.memref_squeeze %dma_wait3A_414 : memref<1x80xi32, #tpu.memory_space<vmem>> -> memref<80xi32, #tpu.memory_space<vmem>>
        %dma_wait3A_416 = arith.constant 0 : i32
        %dma_wait3A_417 = arith.constant 0 : i32
        %dma_wait3A_418 = tpu.memref_slice %arg24[%dma_wait3A_416, %dma_wait3A_417] : memref<3848x128xf32, #tpu.memory_space<vmem_shared>> -> memref<3848x128xf32, #tpu.memory_space<vmem_shared>>
        tpu.wait_indirect_dma semaphore(%arg21 : memref<!tpu.dma_semaphore, #tpu.memory_space<semaphore_mem>>) src(%dma_wait3A_412 : memref<80x128xf32, #tpu.memory_space<vmem>>) dst(%dma_wait3A_418 : memref<3848x128xf32, #tpu.memory_space<vmem_shared>>)
      } else {
      }
      %lt3A_363 = arith.constant 125 : i32
      %lt3A_364 = arith.cmpi slt, %add3A_353, %lt3A_363 : i32
      %convert_element_type3A_365 = arith.extui %lt3A_364 : i1 to i32
      %cond3A_366 = arith.constant 0 : i32
      %cond3A_367 = arith.cmpi ne, %convert_element_type3A_365, %cond3A_366 : i32
      scf.if %cond3A_367 {
        %get3A_408 = arith.constant 1 : i32
        %get3A_409 = arith.index_cast %get3A_408 : i32 to index
        %get3A_410 = arith.index_cast %add3A_353 : i32 to index
        %get3A_411 = memref.load %arg15[%get3A_409, %get3A_410] : memref<3x125xi32, #tpu.memory_space<smem>>
        %eq3A_412 = arith.constant 1 : i32
        %eq3A_413 = arith.cmpi eq, %get3A_411, %eq3A_412 : i32
        %convert_element_type3A_414 = arith.extui %eq3A_413 : i1 to i32
        %cond3A_415 = arith.constant 0 : i32
        %cond3A_416 = arith.cmpi ne, %convert_element_type3A_414, %cond3A_415 : i32
        scf.if %cond3A_416 {
          %mul3A_417 = arith.constant 80 : i32
          %mul3A_418 = arith.muli %add3A_353, %mul3A_417 : i32
          %add3A_419 = arith.addi %mul3A_2, %mul3A_418 : i32
          %dma_start3A = arith.constant 1 : i32
          %dma_start3A_420 = arith.constant 0 : i32
          %dma_start3A_421 = arith.constant 0 : i32
          %dma_start3A_422 = tpu.memref_slice %arg7[%dma_start3A, %dma_start3A_420, %dma_start3A_421] : memref<4x80x128xf32, #tpu.memory_space<vmem>> -> memref<1x80x128xf32, #tpu.memory_space<vmem>>
          %dma_start3A_423 = tpu.memref_squeeze %dma_start3A_422 : memref<1x80x128xf32, #tpu.memory_space<vmem>> -> memref<80x128xf32, #tpu.memory_space<vmem>>
          %dma_start3A_424 = arith.constant 0 : i32
          %dma_start3A_425 = tpu.memref_slice %arg2[%add3A_419, %dma_start3A_424] : memref<320000x128xf32, #tpu.memory_space<hbm>> -> memref<80x128xf32, #tpu.memory_space<hbm>>
          %dma_start3A_426 = arith.constant 0 : i32
          %dma_start3A_427 = arith.constant 0 : i32
          %dma_start3A_428 = tpu.memref_slice %arg7[%dma_start3A, %dma_start3A_426, %dma_start3A_427] : memref<4x80x128xf32, #tpu.memory_space<vmem>> -> memref<1x80x128xf32, #tpu.memory_space<vmem>>
          %dma_start3A_429 = tpu.memref_squeeze %dma_start3A_428 : memref<1x80x128xf32, #tpu.memory_space<vmem>> -> memref<80x128xf32, #tpu.memory_space<vmem>>
          %dma_start3A_430 = arith.constant 0 : i32
          %dma_start3A_431 = tpu.memref_slice %arg2[%add3A_419, %dma_start3A_430] : memref<320000x128xf32, #tpu.memory_space<hbm>> -> memref<80x128xf32, #tpu.memory_space<hbm>>
          tpu.enqueue_dma source(%dma_start3A_431 : memref<80x128xf32, #tpu.memory_space<hbm>>) target(%dma_start3A_429 : memref<80x128xf32, #tpu.memory_space<vmem>>) target_semaphore(%arg17 : memref<!tpu.dma_semaphore, #tpu.memory_space<semaphore_mem>>)
        } else {
        }
      } else {
      }
      %mul3A_368 = arith.constant 4 : i32
      %mul3A_369 = arith.muli %mul3A_368, %add3A_275 : i32
      %add3A_370 = arith.constant 2 : i32
      %add3A_371 = arith.addi %mul3A_369, %add3A_370 : i32
      %add3A_372 = arith.constant 4 : i32
      %add3A_373 = arith.addi %add3A_371, %add3A_372 : i32
      %get3A_374 = arith.constant 1 : i32
      %get3A_375 = arith.index_cast %get3A_374 : i32 to index
      %get3A_376 = arith.index_cast %add3A_371 : i32 to index
      %get3A_377 = memref.load %arg15[%get3A_375, %get3A_376] : memref<3x125xi32, #tpu.memory_space<smem>>
      %eq3A_378 = arith.constant 1 : i32
      %eq3A_379 = arith.cmpi eq, %get3A_377, %eq3A_378 : i32
      %convert_element_type3A_380 = arith.extui %eq3A_379 : i1 to i32
      %cond3A_381 = arith.constant 0 : i32
      %cond3A_382 = arith.cmpi ne, %convert_element_type3A_380, %cond3A_381 : i32
      scf.if %cond3A_382 {
        %dma_wait3A = arith.constant 2 : i32
        %dma_wait3A_408 = arith.constant 2 : i32
        %dma_wait3A_409 = arith.constant 0 : i32
        %dma_wait3A_410 = arith.constant 0 : i32
        %dma_wait3A_411 = tpu.memref_slice %arg7[%dma_wait3A, %dma_wait3A_409, %dma_wait3A_410] : memref<4x80x128xf32, #tpu.memory_space<vmem>> -> memref<1x80x128xf32, #tpu.memory_space<vmem>>
        %dma_wait3A_412 = tpu.memref_squeeze %dma_wait3A_411 : memref<1x80x128xf32, #tpu.memory_space<vmem>> -> memref<80x128xf32, #tpu.memory_space<vmem>>
        %dma_wait3A_413 = arith.constant 0 : i32
        %dma_wait3A_414 = tpu.memref_slice %arg14[%dma_wait3A_408, %dma_wait3A_413] : memref<4x80xi32, #tpu.memory_space<vmem>> -> memref<1x80xi32, #tpu.memory_space<vmem>>
        %dma_wait3A_415 = tpu.memref_squeeze %dma_wait3A_414 : memref<1x80xi32, #tpu.memory_space<vmem>> -> memref<80xi32, #tpu.memory_space<vmem>>
        %dma_wait3A_416 = arith.constant 0 : i32
        %dma_wait3A_417 = arith.constant 0 : i32
        %dma_wait3A_418 = tpu.memref_slice %arg24[%dma_wait3A_416, %dma_wait3A_417] : memref<3848x128xf32, #tpu.memory_space<vmem_shared>> -> memref<3848x128xf32, #tpu.memory_space<vmem_shared>>
        tpu.wait_indirect_dma semaphore(%arg22 : memref<!tpu.dma_semaphore, #tpu.memory_space<semaphore_mem>>) src(%dma_wait3A_412 : memref<80x128xf32, #tpu.memory_space<vmem>>) dst(%dma_wait3A_418 : memref<3848x128xf32, #tpu.memory_space<vmem_shared>>)
      } else {
      }
      %lt3A_383 = arith.constant 125 : i32
      %lt3A_384 = arith.cmpi slt, %add3A_373, %lt3A_383 : i32
      %convert_element_type3A_385 = arith.extui %lt3A_384 : i1 to i32
      %cond3A_386 = arith.constant 0 : i32
      %cond3A_387 = arith.cmpi ne, %convert_element_type3A_385, %cond3A_386 : i32
      scf.if %cond3A_387 {
        %get3A_408 = arith.constant 1 : i32
        %get3A_409 = arith.index_cast %get3A_408 : i32 to index
        %get3A_410 = arith.index_cast %add3A_373 : i32 to index
        %get3A_411 = memref.load %arg15[%get3A_409, %get3A_410] : memref<3x125xi32, #tpu.memory_space<smem>>
        %eq3A_412 = arith.constant 1 : i32
        %eq3A_413 = arith.cmpi eq, %get3A_411, %eq3A_412 : i32
        %convert_element_type3A_414 = arith.extui %eq3A_413 : i1 to i32
        %cond3A_415 = arith.constant 0 : i32
        %cond3A_416 = arith.cmpi ne, %convert_element_type3A_414, %cond3A_415 : i32
        scf.if %cond3A_416 {
          %mul3A_417 = arith.constant 80 : i32
          %mul3A_418 = arith.muli %add3A_373, %mul3A_417 : i32
          %add3A_419 = arith.addi %mul3A_2, %mul3A_418 : i32
          %dma_start3A = arith.constant 2 : i32
          %dma_start3A_420 = arith.constant 0 : i32
          %dma_start3A_421 = arith.constant 0 : i32
          %dma_start3A_422 = tpu.memref_slice %arg7[%dma_start3A, %dma_start3A_420, %dma_start3A_421] : memref<4x80x128xf32, #tpu.memory_space<vmem>> -> memref<1x80x128xf32, #tpu.memory_space<vmem>>
          %dma_start3A_423 = tpu.memref_squeeze %dma_start3A_422 : memref<1x80x128xf32, #tpu.memory_space<vmem>> -> memref<80x128xf32, #tpu.memory_space<vmem>>
          %dma_start3A_424 = arith.constant 0 : i32
          %dma_start3A_425 = tpu.memref_slice %arg2[%add3A_419, %dma_start3A_424] : memref<320000x128xf32, #tpu.memory_space<hbm>> -> memref<80x128xf32, #tpu.memory_space<hbm>>
          %dma_start3A_426 = arith.constant 0 : i32
          %dma_start3A_427 = arith.constant 0 : i32
          %dma_start3A_428 = tpu.memref_slice %arg7[%dma_start3A, %dma_start3A_426, %dma_start3A_427] : memref<4x80x128xf32, #tpu.memory_space<vmem>> -> memref<1x80x128xf32, #tpu.memory_space<vmem>>
          %dma_start3A_429 = tpu.memref_squeeze %dma_start3A_428 : memref<1x80x128xf32, #tpu.memory_space<vmem>> -> memref<80x128xf32, #tpu.memory_space<vmem>>
          %dma_start3A_430 = arith.constant 0 : i32
          %dma_start3A_431 = tpu.memref_slice %arg2[%add3A_419, %dma_start3A_430] : memref<320000x128xf32, #tpu.memory_space<hbm>> -> memref<80x128xf32, #tpu.memory_space<hbm>>
          tpu.enqueue_dma source(%dma_start3A_431 : memref<80x128xf32, #tpu.memory_space<hbm>>) target(%dma_start3A_429 : memref<80x128xf32, #tpu.memory_space<vmem>>) target_semaphore(%arg18 : memref<!tpu.dma_semaphore, #tpu.memory_space<semaphore_mem>>)
        } else {
        }
      } else {
      }
      %mul3A_388 = arith.constant 4 : i32
      %mul3A_389 = arith.muli %mul3A_388, %add3A_275 : i32
      %add3A_390 = arith.constant 3 : i32
      %add3A_391 = arith.addi %mul3A_389, %add3A_390 : i32
      %add3A_392 = arith.constant 4 : i32
      %add3A_393 = arith.addi %add3A_391, %add3A_392 : i32
      %get3A_394 = arith.constant 1 : i32
      %get3A_395 = arith.index_cast %get3A_394 : i32 to index
      %get3A_396 = arith.index_cast %add3A_391 : i32 to index
      %get3A_397 = memref.load %arg15[%get3A_395, %get3A_396] : memref<3x125xi32, #tpu.memory_space<smem>>
      %eq3A_398 = arith.constant 1 : i32
      %eq3A_399 = arith.cmpi eq, %get3A_397, %eq3A_398 : i32
      %convert_element_type3A_400 = arith.extui %eq3A_399 : i1 to i32
      %cond3A_401 = arith.constant 0 : i32
      %cond3A_402 = arith.cmpi ne, %convert_element_type3A_400, %cond3A_401 : i32
      scf.if %cond3A_402 {
        %dma_wait3A = arith.constant 3 : i32
        %dma_wait3A_408 = arith.constant 3 : i32
        %dma_wait3A_409 = arith.constant 0 : i32
        %dma_wait3A_410 = arith.constant 0 : i32
        %dma_wait3A_411 = tpu.memref_slice %arg7[%dma_wait3A, %dma_wait3A_409, %dma_wait3A_410] : memref<4x80x128xf32, #tpu.memory_space<vmem>> -> memref<1x80x128xf32, #tpu.memory_space<vmem>>
        %dma_wait3A_412 = tpu.memref_squeeze %dma_wait3A_411 : memref<1x80x128xf32, #tpu.memory_space<vmem>> -> memref<80x128xf32, #tpu.memory_space<vmem>>
        %dma_wait3A_413 = arith.constant 0 : i32
        %dma_wait3A_414 = tpu.memref_slice %arg14[%dma_wait3A_408, %dma_wait3A_413] : memref<4x80xi32, #tpu.memory_space<vmem>> -> memref<1x80xi32, #tpu.memory_space<vmem>>
        %dma_wait3A_415 = tpu.memref_squeeze %dma_wait3A_414 : memref<1x80xi32, #tpu.memory_space<vmem>> -> memref<80xi32, #tpu.memory_space<vmem>>
        %dma_wait3A_416 = arith.constant 0 : i32
        %dma_wait3A_417 = arith.constant 0 : i32
        %dma_wait3A_418 = tpu.memref_slice %arg24[%dma_wait3A_416, %dma_wait3A_417] : memref<3848x128xf32, #tpu.memory_space<vmem_shared>> -> memref<3848x128xf32, #tpu.memory_space<vmem_shared>>
        tpu.wait_indirect_dma semaphore(%arg23 : memref<!tpu.dma_semaphore, #tpu.memory_space<semaphore_mem>>) src(%dma_wait3A_412 : memref<80x128xf32, #tpu.memory_space<vmem>>) dst(%dma_wait3A_418 : memref<3848x128xf32, #tpu.memory_space<vmem_shared>>)
      } else {
      }
      %lt3A_403 = arith.constant 125 : i32
      %lt3A_404 = arith.cmpi slt, %add3A_393, %lt3A_403 : i32
      %convert_element_type3A_405 = arith.extui %lt3A_404 : i1 to i32
      %cond3A_406 = arith.constant 0 : i32
      %cond3A_407 = arith.cmpi ne, %convert_element_type3A_405, %cond3A_406 : i32
      scf.if %cond3A_407 {
        %get3A_408 = arith.constant 1 : i32
        %get3A_409 = arith.index_cast %get3A_408 : i32 to index
        %get3A_410 = arith.index_cast %add3A_393 : i32 to index
        %get3A_411 = memref.load %arg15[%get3A_409, %get3A_410] : memref<3x125xi32, #tpu.memory_space<smem>>
        %eq3A_412 = arith.constant 1 : i32
        %eq3A_413 = arith.cmpi eq, %get3A_411, %eq3A_412 : i32
        %convert_element_type3A_414 = arith.extui %eq3A_413 : i1 to i32
        %cond3A_415 = arith.constant 0 : i32
        %cond3A_416 = arith.cmpi ne, %convert_element_type3A_414, %cond3A_415 : i32
        scf.if %cond3A_416 {
          %mul3A_417 = arith.constant 80 : i32
          %mul3A_418 = arith.muli %add3A_393, %mul3A_417 : i32
          %add3A_419 = arith.addi %mul3A_2, %mul3A_418 : i32
          %dma_start3A = arith.constant 3 : i32
          %dma_start3A_420 = arith.constant 0 : i32
          %dma_start3A_421 = arith.constant 0 : i32
          %dma_start3A_422 = tpu.memref_slice %arg7[%dma_start3A, %dma_start3A_420, %dma_start3A_421] : memref<4x80x128xf32, #tpu.memory_space<vmem>> -> memref<1x80x128xf32, #tpu.memory_space<vmem>>
          %dma_start3A_423 = tpu.memref_squeeze %dma_start3A_422 : memref<1x80x128xf32, #tpu.memory_space<vmem>> -> memref<80x128xf32, #tpu.memory_space<vmem>>
          %dma_start3A_424 = arith.constant 0 : i32
          %dma_start3A_425 = tpu.memref_slice %arg2[%add3A_419, %dma_start3A_424] : memref<320000x128xf32, #tpu.memory_space<hbm>> -> memref<80x128xf32, #tpu.memory_space<hbm>>
          %dma_start3A_426 = arith.constant 0 : i32
          %dma_start3A_427 = arith.constant 0 : i32
          %dma_start3A_428 = tpu.memref_slice %arg7[%dma_start3A, %dma_start3A_426, %dma_start3A_427] : memref<4x80x128xf32, #tpu.memory_space<vmem>> -> memref<1x80x128xf32, #tpu.memory_space<vmem>>
          %dma_start3A_429 = tpu.memref_squeeze %dma_start3A_428 : memref<1x80x128xf32, #tpu.memory_space<vmem>> -> memref<80x128xf32, #tpu.memory_space<vmem>>
          %dma_start3A_430 = arith.constant 0 : i32
          %dma_start3A_431 = tpu.memref_slice %arg2[%add3A_419, %dma_start3A_430] : memref<320000x128xf32, #tpu.memory_space<hbm>> -> memref<80x128xf32, #tpu.memory_space<hbm>>
          tpu.enqueue_dma source(%dma_start3A_431 : memref<80x128xf32, #tpu.memory_space<hbm>>) target(%dma_start3A_429 : memref<80x128xf32, #tpu.memory_space<vmem>>) target_semaphore(%arg19 : memref<!tpu.dma_semaphore, #tpu.memory_space<semaphore_mem>>)
        } else {
        }
      } else {
      }
    }
    %scan3A_161 = arith.constant 31 : i32
    %get3A_162 = arith.constant 1 : i32
    %get3A_163 = arith.constant 124 : i32
    %get3A_164 = arith.index_cast %get3A_162 : i32 to index
    %get3A_165 = arith.index_cast %get3A_163 : i32 to index
    %get3A_166 = memref.load %arg15[%get3A_164, %get3A_165] : memref<3x125xi32, #tpu.memory_space<smem>>
    %eq3A_167 = arith.constant 1 : i32
    %eq3A_168 = arith.cmpi eq, %get3A_166, %eq3A_167 : i32
    %convert_element_type3A_169 = arith.extui %eq3A_168 : i1 to i32
    %cond3A_170 = arith.constant 0 : i32
    %cond3A_171 = arith.cmpi ne, %convert_element_type3A_169, %cond3A_170 : i32
    scf.if %cond3A_171 {
      %dma_wait3A = arith.constant 0 : i32
      %dma_wait3A_271 = arith.constant 0 : i32
      %dma_wait3A_272 = arith.constant 0 : i32
      %dma_wait3A_273 = tpu.memref_slice %arg7[%dma_wait3A, %dma_wait3A_271, %dma_wait3A_272] : memref<4x80x128xf32, #tpu.memory_space<vmem>> -> memref<1x80x128xf32, #tpu.memory_space<vmem>>
      %dma_wait3A_274 = tpu.memref_squeeze %dma_wait3A_273 : memref<1x80x128xf32, #tpu.memory_space<vmem>> -> memref<80x128xf32, #tpu.memory_space<vmem>>
      %dma_wait3A_275 = arith.constant 0 : i32
      %dma_wait3A_276 = tpu.memref_slice %arg2[%mul3A_2, %dma_wait3A_275] : memref<320000x128xf32, #tpu.memory_space<hbm>> -> memref<80x128xf32, #tpu.memory_space<hbm>>
      %dma_wait3A_277 = arith.constant 0 : i32
      %dma_wait3A_278 = arith.constant 0 : i32
      %dma_wait3A_279 = tpu.memref_slice %arg7[%dma_wait3A, %dma_wait3A_277, %dma_wait3A_278] : memref<4x80x128xf32, #tpu.memory_space<vmem>> -> memref<1x80x128xf32, #tpu.memory_space<vmem>>
      %dma_wait3A_280 = tpu.memref_squeeze %dma_wait3A_279 : memref<1x80x128xf32, #tpu.memory_space<vmem>> -> memref<80x128xf32, #tpu.memory_space<vmem>>
      %dma_wait3A_281 = arith.constant 0 : i32
      %dma_wait3A_282 = tpu.memref_slice %arg2[%mul3A_2, %dma_wait3A_281] : memref<320000x128xf32, #tpu.memory_space<hbm>> -> memref<80x128xf32, #tpu.memory_space<hbm>>
      tpu.wait_dma2 semaphore(%arg16 : memref<!tpu.dma_semaphore, #tpu.memory_space<semaphore_mem>>) src(%dma_wait3A_282 : memref<80x128xf32, #tpu.memory_space<hbm>>) dst(%dma_wait3A_280 : memref<80x128xf32, #tpu.memory_space<vmem>>)
      %scan3A_283 = arith.constant 0 : i32
      %scan3A_284 = arith.constant 5 : i32
      %scan3A_285 = arith.addi %scan3A_283, %scan3A_284 : i32
      %scan3A_286 = arith.constant 1 : i32
      scf.for %scan3A_311 = %scan3A_283 to %scan3A_285 step %scan3A_286  : i32 {
        %mul3A_312 = arith.constant 1 : i32
        %mul3A_313 = arith.muli %scan3A_311, %mul3A_312 : i32
        %add3A_314 = arith.constant 0 : i32
        %add3A_315 = arith.addi %add3A_314, %mul3A_313 : i32
        %mul3A_316 = arith.constant 16 : i32
        %mul3A_317 = arith.muli %add3A_315, %mul3A_316 : i32
        %get3A_318 = arith.constant 124 : i32
        %get3A_319 = arith.index_cast %get3A_318 : i32 to index
        %get3A_320 = arith.index_cast %mul3A_317 : i32 to index
        %get3A_321 = tpu.vector_load %arg8[%get3A_319, %get3A_320] {strides = array<i32>} : memref<125x80xi32, #tpu.memory_space<vmem>>, vector<16xi32>,
        %ge3A = arith.constant 3840 : i32
        %ge3A_322 = vector.broadcast %ge3A : i32 to vector<16xi32>
        %ge3A_323 = arith.cmpi sge, %get3A_321, %ge3A_322 : vector<16xi32>
        %lt3A_324 = arith.constant 7680 : i32
        %lt3A_325 = vector.broadcast %lt3A_324 : i32 to vector<16xi32>
        %lt3A_326 = arith.cmpi slt, %get3A_321, %lt3A_325 : vector<16xi32>
        %and3A = arith.andi %ge3A_323, %lt3A_326 : vector<16xi1>
        %sub3A = arith.constant 3840 : i32
        %sub3A_327 = vector.broadcast %sub3A : i32 to vector<16xi32>
        %sub3A_328 = arith.subi %get3A_321, %sub3A_327 : vector<16xi32>
        %jit3A = arith.constant 3840 : i32
        %broadcast_in_dim3A_329 = vector.broadcast %jit3A : i32 to vector<16xi32>
        %select_n3A = arith.select %and3A, %sub3A_328, %broadcast_in_dim3A_329 : vector<16xi1>, vector<16xi32>
        %mul3A_330 = arith.constant 16 : i32
        %mul3A_331 = arith.muli %add3A_315, %mul3A_330 : i32
        %swap3A_332 = arith.constant 0 : i32
        %swap3A_333 = arith.index_cast %swap3A_332 : i32 to index
        %swap3A_334 = arith.index_cast %mul3A_331 : i32 to index
        %swap3A_335 = tpu.vector_load %arg14[%swap3A_333, %swap3A_334] {strides = array<i32>} : memref<4x80xi32, #tpu.memory_space<vmem>>, vector<16xi32>,
        tpu.vector_store %arg14[%swap3A_333, %swap3A_334], %select_n3A {strides = array<i32>} : memref<4x80xi32, #tpu.memory_space<vmem>>, vector<16xi32>,
      }
      %scan3A_287 = arith.constant 5 : i32
      %dma_start3A = arith.constant 0 : i32
      %dma_start3A_288 = arith.constant 0 : i32
      %dma_start3A_289 = arith.constant 0 : i32
      %dma_start3A_290 = arith.constant 0 : i32
      %dma_start3A_291 = tpu.memref_slice %arg7[%dma_start3A, %dma_start3A_289, %dma_start3A_290] : memref<4x80x128xf32, #tpu.memory_space<vmem>> -> memref<1x80x128xf32, #tpu.memory_space<vmem>>
      %dma_start3A_292 = tpu.memref_squeeze %dma_start3A_291 : memref<1x80x128xf32, #tpu.memory_space<vmem>> -> memref<80x128xf32, #tpu.memory_space<vmem>>
      %dma_start3A_293 = arith.constant 0 : i32
      %dma_start3A_294 = tpu.memref_slice %arg14[%dma_start3A_288, %dma_start3A_293] : memref<4x80xi32, #tpu.memory_space<vmem>> -> memref<1x80xi32, #tpu.memory_space<vmem>>
      %dma_start3A_295 = tpu.memref_squeeze %dma_start3A_294 : memref<1x80xi32, #tpu.memory_space<vmem>> -> memref<80xi32, #tpu.memory_space<vmem>>
      %dma_start3A_296 = arith.constant 0 : i32
      %dma_start3A_297 = arith.constant 0 : i32
      %dma_start3A_298 = tpu.memref_slice %arg24[%dma_start3A_296, %dma_start3A_297] : memref<3848x128xf32, #tpu.memory_space<vmem_shared>> -> memref<3848x128xf32, #tpu.memory_space<vmem_shared>>
      tpu.enqueue_indirect_dma source(%dma_start3A_292 : memref<80x128xf32, #tpu.memory_space<vmem>>) target(%dma_start3A_298 : memref<3848x128xf32, #tpu.memory_space<vmem_shared>>) offsets(%dma_start3A_295 : memref<80xi32, #tpu.memory_space<vmem>>) semaphore(%arg20 : memref<!tpu.dma_semaphore, #tpu.memory_space<semaphore_mem>>) {add = true}
      %dma_wait3A_299 = arith.constant 0 : i32
      %dma_wait3A_300 = arith.constant 0 : i32
      %dma_wait3A_301 = arith.constant 0 : i32
      %dma_wait3A_302 = arith.constant 0 : i32
      %dma_wait3A_303 = tpu.memref_slice %arg7[%dma_wait3A_299, %dma_wait3A_301, %dma_wait3A_302] : memref<4x80x128xf32, #tpu.memory_space<vmem>> -> memref<1x80x128xf32, #tpu.memory_space<vmem>>
      %dma_wait3A_304 = tpu.memref_squeeze %dma_wait3A_303 : memref<1x80x128xf32, #tpu.memory_space<vmem>> -> memref<80x128xf32, #tpu.memory_space<vmem>>
      %dma_wait3A_305 = arith.constant 0 : i32
      %dma_wait3A_306 = tpu.memref_slice %arg14[%dma_wait3A_300, %dma_wait3A_305] : memref<4x80xi32, #tpu.memory_space<vmem>> -> memref<1x80xi32, #tpu.memory_space<vmem>>
      %dma_wait3A_307 = tpu.memref_squeeze %dma_wait3A_306 : memref<1x80xi32, #tpu.memory_space<vmem>> -> memref<80xi32, #tpu.memory_space<vmem>>
      %dma_wait3A_308 = arith.constant 0 : i32
      %dma_wait3A_309 = arith.constant 0 : i32
      %dma_wait3A_310 = tpu.memref_slice %arg24[%dma_wait3A_308, %dma_wait3A_309] : memref<3848x128xf32, #tpu.memory_space<vmem_shared>> -> memref<3848x128xf32, #tpu.memory_space<vmem_shared>>
      tpu.wait_indirect_dma semaphore(%arg20 : memref<!tpu.dma_semaphore, #tpu.memory_space<semaphore_mem>>) src(%dma_wait3A_304 : memref<80x128xf32, #tpu.memory_space<vmem>>) dst(%dma_wait3A_310 : memref<3848x128xf32, #tpu.memory_space<vmem_shared>>)
    } else {
    }
    %barrier3A_172 = arith.constant 0 : index
    tpu.barrier barrier_id(%barrier3A_172)
    %scan3A_173 = arith.constant 0 : i32
    %scan3A_174 = arith.constant 3 : i32
    %scan3A_175 = arith.addi %scan3A_173, %scan3A_174 : i32
    %scan3A_176 = arith.constant 1 : i32
    scf.for %scan3A_271 = %scan3A_173 to %scan3A_175 step %scan3A_176  : i32 {
      %mul3A_272 = arith.constant 1 : i32
      %mul3A_273 = arith.muli %scan3A_271, %mul3A_272 : i32
      %add3A_274 = arith.constant 0 : i32
      %add3A_275 = arith.addi %add3A_274, %mul3A_273 : i32
      %mul3A_276 = arith.constant 240 : i32
      %mul3A_277 = arith.muli %arg1, %mul3A_276 : i32
      %mul3A_278 = arith.constant 80 : i32
      %mul3A_279 = arith.muli %add3A_275, %mul3A_278 : i32
      %add3A_280 = arith.addi %mul3A_277, %mul3A_279 : i32
      %add3A_281 = arith.constant 3840 : i32
      %add3A_282 = arith.addi %add3A_281, %add3A_280 : i32
      "tpu.region"() ({
        %run_scoped3A_283 = tpu.sem_alloc : memref<!tpu.dma_semaphore, #tpu.memory_space<semaphore_mem>>
        %dma_start3A = arith.constant 0 : i32
        %dma_start3A_284 = tpu.memref_slice %arg5[%arg0, %add3A_282, %dma_start3A] : memref<2x11520x128xf32, #tpu.memory_space<hbm>> -> memref<1x80x128xf32, #tpu.memory_space<hbm>>
        %dma_start3A_285 = tpu.memref_squeeze %dma_start3A_284 : memref<1x80x128xf32, #tpu.memory_space<hbm>> -> memref<80x128xf32, #tpu.memory_space<hbm>>
        %dma_start3A_286 = arith.constant 0 : i32
        %dma_start3A_287 = tpu.memref_slice %arg24[%add3A_280, %dma_start3A_286] : memref<3848x128xf32, #tpu.memory_space<vmem_shared>> -> memref<80x128xf32, #tpu.memory_space<vmem_shared>>
        tpu.enqueue_dma source(%dma_start3A_287 : memref<80x128xf32, #tpu.memory_space<vmem_shared>>) target(%dma_start3A_285 : memref<80x128xf32, #tpu.memory_space<hbm>>) target_semaphore(%run_scoped3A_283 : memref<!tpu.dma_semaphore, #tpu.memory_space<semaphore_mem>>)
        %dma_wait3A = arith.constant 0 : i32
        %dma_wait3A_288 = tpu.memref_slice %arg5[%arg0, %add3A_282, %dma_wait3A] : memref<2x11520x128xf32, #tpu.memory_space<hbm>> -> memref<1x80x128xf32, #tpu.memory_space<hbm>>
        %dma_wait3A_289 = tpu.memref_squeeze %dma_wait3A_288 : memref<1x80x128xf32, #tpu.memory_space<hbm>> -> memref<80x128xf32, #tpu.memory_space<hbm>>
        %dma_wait3A_290 = arith.constant 0 : i32
        %dma_wait3A_291 = tpu.memref_slice %arg24[%add3A_280, %dma_wait3A_290] : memref<3848x128xf32, #tpu.memory_space<vmem_shared>> -> memref<80x128xf32, #tpu.memory_space<vmem_shared>>
        tpu.wait_dma2 semaphore(%run_scoped3A_283 : memref<!tpu.dma_semaphore, #tpu.memory_space<semaphore_mem>>) src(%dma_wait3A_291 : memref<80x128xf32, #tpu.memory_space<vmem_shared>>) dst(%dma_wait3A_289 : memref<80x128xf32, #tpu.memory_space<hbm>>)
        tpu.yield
      }) : () -> ()
    }
    %scan3A_177 = arith.constant 3 : i32
    %scan3A_178 = arith.constant 0 : i32
    %scan3A_179 = arith.constant 640 : i32
    %scan3A_180 = arith.addi %scan3A_178, %scan3A_179 : i32
    %scan3A_181 = arith.constant 1 : i32
    scf.for %scan3A_271 = %scan3A_178 to %scan3A_180 step %scan3A_181  : i32 {
      %mul3A_272 = arith.constant 1 : i32
      %mul3A_273 = arith.muli %scan3A_271, %mul3A_272 : i32
      %add3A_274 = arith.constant 0 : i32
      %add3A_275 = arith.addi %add3A_274, %mul3A_273 : i32
      %jit3A = arith.constant 8 : i32
      %div3A = arith.divsi %add3A_275, %jit3A : i32
      %sign3A = arith.constant 0 : i32
      %sign3A_276 = arith.cmpi sgt, %add3A_275, %sign3A : i32
      %sign3A_277 = arith.extui %sign3A_276 : i1 to i32
      %sign3A_278 = arith.constant 0 : i32
      %sign3A_279 = arith.cmpi slt, %add3A_275, %sign3A_278 : i32
      %sign3A_280 = arith.extui %sign3A_279 : i1 to i32
      %sign3A_281 = arith.subi %sign3A_277, %sign3A_280 : i32
      %sign3A_282 = arith.constant 0 : i32
      %sign3A_283 = arith.cmpi sgt, %jit3A, %sign3A_282 : i32
      %sign3A_284 = arith.extui %sign3A_283 : i1 to i32
      %sign3A_285 = arith.constant 0 : i32
      %sign3A_286 = arith.cmpi slt, %jit3A, %sign3A_285 : i32
      %sign3A_287 = arith.extui %sign3A_286 : i1 to i32
      %sign3A_288 = arith.subi %sign3A_284, %sign3A_287 : i32
      %ne3A = arith.cmpi ne, %sign3A_281, %sign3A_288 : i32
      %rem3A = arith.remsi %add3A_275, %jit3A : i32
      %ne3A_289 = arith.constant 0 : i32
      %ne3A_290 = arith.cmpi ne, %rem3A, %ne3A_289 : i32
      %and3A = arith.andi %ne3A, %ne3A_290 : i1
      %sub3A = arith.constant 1 : i32
      %sub3A_291 = arith.subi %div3A, %sub3A : i32
      %select_n3A = arith.select %and3A, %sub3A_291, %div3A : i32
      %jit3A_292 = arith.constant 8 : i32
      %eq3A_293 = arith.constant 0 : i32
      %eq3A_294 = arith.cmpi eq, %jit3A_292, %eq3A_293 : i32
      %jit3A_295 = arith.constant 1 : i32
      %select_n3A_296 = arith.select %eq3A_294, %jit3A_295, %jit3A_292 : i32
      %rem3A_297 = arith.remsi %add3A_275, %select_n3A_296 : i32
      %ne3A_298 = arith.constant 0 : i32
      %ne3A_299 = arith.cmpi ne, %rem3A_297, %ne3A_298 : i32
      %lt3A_300 = arith.constant 0 : i32
      %lt3A_301 = arith.cmpi slt, %rem3A_297, %lt3A_300 : i32
      %lt3A_302 = arith.constant 0 : i32
      %lt3A_303 = arith.cmpi slt, %select_n3A_296, %lt3A_302 : i32
      %ne3A_304 = arith.xori %lt3A_301, %lt3A_303 : i1
      %and3A_305 = arith.andi %ne3A_304, %ne3A_299 : i1
      %add3A_306 = arith.addi %rem3A_297, %select_n3A_296 : i32
      %select_n3A_307 = arith.select %and3A_305, %add3A_306, %rem3A_297 : i32
      %mul3A_308 = arith.constant 16 : i32
      %mul3A_309 = arith.muli %select_n3A_307, %mul3A_308 : i32
      %swap3A_310 = arith.constant 0 : i32
      %swap3A_311 = arith.index_cast %swap3A_310 : i32 to index
      %swap3A_312 = arith.index_cast %select_n3A : i32 to index
      %swap3A_313 = arith.index_cast %mul3A_309 : i32 to index
      %swap3A_314 = tpu.vector_load %arg7[%swap3A_311, %swap3A_312, %swap3A_313] {strides = array<i32>} : memref<4x80x128xf32, #tpu.memory_space<vmem>>, vector<16xf32>,
      tpu.vector_store %arg7[%swap3A_311, %swap3A_312, %swap3A_313], %broadcast_in_dim3A_5 {strides = array<i32>} : memref<4x80x128xf32, #tpu.memory_space<vmem>>, vector<16xf32>,
    }
    %scan3A_182 = arith.constant 640 : i32
    %scan3A_183 = arith.constant 0 : i32
    %scan3A_184 = arith.constant 3 : i32
    %scan3A_185 = arith.addi %scan3A_183, %scan3A_184 : i32
    %scan3A_186 = arith.constant 1 : i32
    scf.for %scan3A_271 = %scan3A_183 to %scan3A_185 step %scan3A_186  : i32 {
      %mul3A_272 = arith.constant 1 : i32
      %mul3A_273 = arith.muli %scan3A_271, %mul3A_272 : i32
      %add3A_274 = arith.constant 0 : i32
      %add3A_275 = arith.addi %add3A_274, %mul3A_273 : i32
      %mul3A_276 = arith.constant 240 : i32
      %mul3A_277 = arith.muli %arg1, %mul3A_276 : i32
      %mul3A_278 = arith.constant 80 : i32
      %mul3A_279 = arith.muli %add3A_275, %mul3A_278 : i32
      %add3A_280 = arith.addi %mul3A_277, %mul3A_279 : i32
      %run_scoped3A_281 = arith.constant 0 : i32
      "tpu.region"() ({
        %run_scoped3A_282 = tpu.sem_alloc : memref<!tpu.dma_semaphore, #tpu.memory_space<semaphore_mem>>
        %dma_start3A = arith.constant 0 : i32
        %dma_start3A_283 = arith.constant 0 : i32
        %dma_start3A_284 = tpu.memref_slice %arg7[%run_scoped3A_281, %dma_start3A, %dma_start3A_283] : memref<4x80x128xf32, #tpu.memory_space<vmem>> -> memref<1x80x128xf32, #tpu.memory_space<vmem>>
        %dma_start3A_285 = tpu.memref_squeeze %dma_start3A_284 : memref<1x80x128xf32, #tpu.memory_space<vmem>> -> memref<80x128xf32, #tpu.memory_space<vmem>>
        %dma_start3A_286 = arith.constant 0 : i32
        %dma_start3A_287 = tpu.memref_slice %arg24[%add3A_280, %dma_start3A_286] : memref<3848x128xf32, #tpu.memory_space<vmem_shared>> -> memref<80x128xf32, #tpu.memory_space<vmem_shared>>
        %dma_start3A_288 = arith.constant 0 : i32
        %dma_start3A_289 = tpu.memref_slice %arg24[%add3A_280, %dma_start3A_288] : memref<3848x128xf32, #tpu.memory_space<vmem_shared>> -> memref<80x128xf32, #tpu.memory_space<vmem_shared>>
        %dma_start3A_290 = arith.constant 0 : i32
        %dma_start3A_291 = arith.constant 0 : i32
        %dma_start3A_292 = tpu.memref_slice %arg7[%run_scoped3A_281, %dma_start3A_290, %dma_start3A_291] : memref<4x80x128xf32, #tpu.memory_space<vmem>> -> memref<1x80x128xf32, #tpu.memory_space<vmem>>
        %dma_start3A_293 = tpu.memref_squeeze %dma_start3A_292 : memref<1x80x128xf32, #tpu.memory_space<vmem>> -> memref<80x128xf32, #tpu.memory_space<vmem>>
        tpu.enqueue_dma source(%dma_start3A_293 : memref<80x128xf32, #tpu.memory_space<vmem>>) target(%dma_start3A_289 : memref<80x128xf32, #tpu.memory_space<vmem_shared>>) target_semaphore(%run_scoped3A_282 : memref<!tpu.dma_semaphore, #tpu.memory_space<semaphore_mem>>)
        %dma_wait3A = arith.constant 0 : i32
        %dma_wait3A_294 = arith.constant 0 : i32
        %dma_wait3A_295 = tpu.memref_slice %arg7[%run_scoped3A_281, %dma_wait3A, %dma_wait3A_294] : memref<4x80x128xf32, #tpu.memory_space<vmem>> -> memref<1x80x128xf32, #tpu.memory_space<vmem>>
        %dma_wait3A_296 = tpu.memref_squeeze %dma_wait3A_295 : memref<1x80x128xf32, #tpu.memory_space<vmem>> -> memref<80x128xf32, #tpu.memory_space<vmem>>
        %dma_wait3A_297 = arith.constant 0 : i32
        %dma_wait3A_298 = tpu.memref_slice %arg24[%add3A_280, %dma_wait3A_297] : memref<3848x128xf32, #tpu.memory_space<vmem_shared>> -> memref<80x128xf32, #tpu.memory_space<vmem_shared>>
        %dma_wait3A_299 = arith.constant 0 : i32
        %dma_wait3A_300 = tpu.memref_slice %arg24[%add3A_280, %dma_wait3A_299] : memref<3848x128xf32, #tpu.memory_space<vmem_shared>> -> memref<80x128xf32, #tpu.memory_space<vmem_shared>>
        %dma_wait3A_301 = arith.constant 0 : i32
        %dma_wait3A_302 = arith.constant 0 : i32
        %dma_wait3A_303 = tpu.memref_slice %arg7[%run_scoped3A_281, %dma_wait3A_301, %dma_wait3A_302] : memref<4x80x128xf32, #tpu.memory_space<vmem>> -> memref<1x80x128xf32, #tpu.memory_space<vmem>>
        %dma_wait3A_304 = tpu.memref_squeeze %dma_wait3A_303 : memref<1x80x128xf32, #tpu.memory_space<vmem>> -> memref<80x128xf32, #tpu.memory_space<vmem>>
        tpu.wait_dma2 semaphore(%run_scoped3A_282 : memref<!tpu.dma_semaphore, #tpu.memory_space<semaphore_mem>>) src(%dma_wait3A_304 : memref<80x128xf32, #tpu.memory_space<vmem>>) dst(%dma_wait3A_300 : memref<80x128xf32, #tpu.memory_space<vmem_shared>>)
        tpu.yield
      }) : () -> ()
    }
    %scan3A_187 = arith.constant 3 : i32
    %eq3A_188 = arith.constant 0 : i32
    %eq3A_189 = arith.cmpi eq, %arg1, %eq3A_188 : i32
    %convert_element_type3A_190 = arith.extui %eq3A_189 : i1 to i32
    %cond3A_191 = arith.constant 0 : i32
    %cond3A_192 = arith.cmpi ne, %convert_element_type3A_190, %cond3A_191 : i32
    scf.if %cond3A_192 {
      %run_scoped3A_271 = arith.constant 0 : i32
      "tpu.region"() ({
        %run_scoped3A_272 = tpu.sem_alloc : memref<!tpu.dma_semaphore, #tpu.memory_space<semaphore_mem>>
        %dma_start3A = arith.constant 0 : i32
        %dma_start3A_273 = arith.constant 0 : i32
        %dma_start3A_274 = tpu.memref_slice %arg7[%run_scoped3A_271, %dma_start3A, %dma_start3A_273] : memref<4x80x128xf32, #tpu.memory_space<vmem>> -> memref<1x8x128xf32, #tpu.memory_space<vmem>>
        %dma_start3A_275 = tpu.memref_squeeze %dma_start3A_274 : memref<1x8x128xf32, #tpu.memory_space<vmem>> -> memref<8x128xf32, #tpu.memory_space<vmem>>
        %dma_start3A_276 = arith.constant 3840 : i32
        %dma_start3A_277 = arith.constant 0 : i32
        %dma_start3A_278 = tpu.memref_slice %arg24[%dma_start3A_276, %dma_start3A_277] : memref<3848x128xf32, #tpu.memory_space<vmem_shared>> -> memref<8x128xf32, #tpu.memory_space<vmem_shared>>
        %dma_start3A_279 = arith.constant 3840 : i32
        %dma_start3A_280 = arith.constant 0 : i32
        %dma_start3A_281 = tpu.memref_slice %arg24[%dma_start3A_279, %dma_start3A_280] : memref<3848x128xf32, #tpu.memory_space<vmem_shared>> -> memref<8x128xf32, #tpu.memory_space<vmem_shared>>
        %dma_start3A_282 = arith.constant 0 : i32
        %dma_start3A_283 = arith.constant 0 : i32
        %dma_start3A_284 = tpu.memref_slice %arg7[%run_scoped3A_271, %dma_start3A_282, %dma_start3A_283] : memref<4x80x128xf32, #tpu.memory_space<vmem>> -> memref<1x8x128xf32, #tpu.memory_space<vmem>>
        %dma_start3A_285 = tpu.memref_squeeze %dma_start3A_284 : memref<1x8x128xf32, #tpu.memory_space<vmem>> -> memref<8x128xf32, #tpu.memory_space<vmem>>
        tpu.enqueue_dma source(%dma_start3A_285 : memref<8x128xf32, #tpu.memory_space<vmem>>) target(%dma_start3A_281 : memref<8x128xf32, #tpu.memory_space<vmem_shared>>) target_semaphore(%run_scoped3A_272 : memref<!tpu.dma_semaphore, #tpu.memory_space<semaphore_mem>>)
        %dma_wait3A = arith.constant 0 : i32
        %dma_wait3A_286 = arith.constant 0 : i32
        %dma_wait3A_287 = tpu.memref_slice %arg7[%run_scoped3A_271, %dma_wait3A, %dma_wait3A_286] : memref<4x80x128xf32, #tpu.memory_space<vmem>> -> memref<1x8x128xf32, #tpu.memory_space<vmem>>
        %dma_wait3A_288 = tpu.memref_squeeze %dma_wait3A_287 : memref<1x8x128xf32, #tpu.memory_space<vmem>> -> memref<8x128xf32, #tpu.memory_space<vmem>>
        %dma_wait3A_289 = arith.constant 3840 : i32
        %dma_wait3A_290 = arith.constant 0 : i32
        %dma_wait3A_291 = tpu.memref_slice %arg24[%dma_wait3A_289, %dma_wait3A_290] : memref<3848x128xf32, #tpu.memory_space<vmem_shared>> -> memref<8x128xf32, #tpu.memory_space<vmem_shared>>
        %dma_wait3A_292 = arith.constant 3840 : i32
        %dma_wait3A_293 = arith.constant 0 : i32
        %dma_wait3A_294 = tpu.memref_slice %arg24[%dma_wait3A_292, %dma_wait3A_293] : memref<3848x128xf32, #tpu.memory_space<vmem_shared>> -> memref<8x128xf32, #tpu.memory_space<vmem_shared>>
        %dma_wait3A_295 = arith.constant 0 : i32
        %dma_wait3A_296 = arith.constant 0 : i32
        %dma_wait3A_297 = tpu.memref_slice %arg7[%run_scoped3A_271, %dma_wait3A_295, %dma_wait3A_296] : memref<4x80x128xf32, #tpu.memory_space<vmem>> -> memref<1x8x128xf32, #tpu.memory_space<vmem>>
        %dma_wait3A_298 = tpu.memref_squeeze %dma_wait3A_297 : memref<1x8x128xf32, #tpu.memory_space<vmem>> -> memref<8x128xf32, #tpu.memory_space<vmem>>
        tpu.wait_dma2 semaphore(%run_scoped3A_272 : memref<!tpu.dma_semaphore, #tpu.memory_space<semaphore_mem>>) src(%dma_wait3A_298 : memref<8x128xf32, #tpu.memory_space<vmem>>) dst(%dma_wait3A_294 : memref<8x128xf32, #tpu.memory_space<vmem_shared>>)
        tpu.yield
      }) : () -> ()
    } else {
    }
    %barrier3A_193 = arith.constant 0 : index
    tpu.barrier barrier_id(%barrier3A_193)
    %get3A_194 = arith.constant 2 : i32
    %get3A_195 = arith.constant 0 : i32
    %get3A_196 = arith.index_cast %get3A_194 : i32 to index
    %get3A_197 = arith.index_cast %get3A_195 : i32 to index
    %get3A_198 = memref.load %arg15[%get3A_196, %get3A_197] : memref<3x125xi32, #tpu.memory_space<smem>>
    %eq3A_199 = arith.constant 1 : i32
    %eq3A_200 = arith.cmpi eq, %get3A_198, %eq3A_199 : i32
    %convert_element_type3A_201 = arith.extui %eq3A_200 : i1 to i32
    %cond3A_202 = arith.constant 0 : i32
    %cond3A_203 = arith.cmpi ne, %convert_element_type3A_201, %cond3A_202 : i32
    scf.if %cond3A_203 {
      %add3A_271 = arith.constant 0 : i32
      %add3A_272 = arith.addi %mul3A_2, %add3A_271 : i32
      %dma_start3A = arith.constant 0 : i32
      %dma_start3A_273 = arith.constant 0 : i32
      %dma_start3A_274 = arith.constant 0 : i32
      %dma_start3A_275 = tpu.memref_slice %arg7[%dma_start3A, %dma_start3A_273, %dma_start3A_274] : memref<4x80x128xf32, #tpu.memory_space<vmem>> -> memref<1x80x128xf32, #tpu.memory_space<vmem>>
      %dma_start3A_276 = tpu.memref_squeeze %dma_start3A_275 : memref<1x80x128xf32, #tpu.memory_space<vmem>> -> memref<80x128xf32, #tpu.memory_space<vmem>>
      %dma_start3A_277 = arith.constant 0 : i32
      %dma_start3A_278 = tpu.memref_slice %arg2[%add3A_272, %dma_start3A_277] : memref<320000x128xf32, #tpu.memory_space<hbm>> -> memref<80x128xf32, #tpu.memory_space<hbm>>
      %dma_start3A_279 = arith.constant 0 : i32
      %dma_start3A_280 = arith.constant 0 : i32
      %dma_start3A_281 = tpu.memref_slice %arg7[%dma_start3A, %dma_start3A_279, %dma_start3A_280] : memref<4x80x128xf32, #tpu.memory_space<vmem>> -> memref<1x80x128xf32, #tpu.memory_space<vmem>>
      %dma_start3A_282 = tpu.memref_squeeze %dma_start3A_281 : memref<1x80x128xf32, #tpu.memory_space<vmem>> -> memref<80x128xf32, #tpu.memory_space<vmem>>
      %dma_start3A_283 = arith.constant 0 : i32
      %dma_start3A_284 = tpu.memref_slice %arg2[%add3A_272, %dma_start3A_283] : memref<320000x128xf32, #tpu.memory_space<hbm>> -> memref<80x128xf32, #tpu.memory_space<hbm>>
      tpu.enqueue_dma source(%dma_start3A_284 : memref<80x128xf32, #tpu.memory_space<hbm>>) target(%dma_start3A_282 : memref<80x128xf32, #tpu.memory_space<vmem>>) target_semaphore(%arg16 : memref<!tpu.dma_semaphore, #tpu.memory_space<semaphore_mem>>)
    } else {
    }
    %get3A_204 = arith.constant 2 : i32
    %get3A_205 = arith.constant 1 : i32
    %get3A_206 = arith.index_cast %get3A_204 : i32 to index
    %get3A_207 = arith.index_cast %get3A_205 : i32 to index
    %get3A_208 = memref.load %arg15[%get3A_206, %get3A_207] : memref<3x125xi32, #tpu.memory_space<smem>>
    %eq3A_209 = arith.constant 1 : i32
    %eq3A_210 = arith.cmpi eq, %get3A_208, %eq3A_209 : i32
    %convert_element_type3A_211 = arith.extui %eq3A_210 : i1 to i32
    %cond3A_212 = arith.constant 0 : i32
    %cond3A_213 = arith.cmpi ne, %convert_element_type3A_211, %cond3A_212 : i32
    scf.if %cond3A_213 {
      %add3A_271 = arith.constant 80 : i32
      %add3A_272 = arith.addi %mul3A_2, %add3A_271 : i32
      %dma_start3A = arith.constant 1 : i32
      %dma_start3A_273 = arith.constant 0 : i32
      %dma_start3A_274 = arith.constant 0 : i32
      %dma_start3A_275 = tpu.memref_slice %arg7[%dma_start3A, %dma_start3A_273, %dma_start3A_274] : memref<4x80x128xf32, #tpu.memory_space<vmem>> -> memref<1x80x128xf32, #tpu.memory_space<vmem>>
      %dma_start3A_276 = tpu.memref_squeeze %dma_start3A_275 : memref<1x80x128xf32, #tpu.memory_space<vmem>> -> memref<80x128xf32, #tpu.memory_space<vmem>>
      %dma_start3A_277 = arith.constant 0 : i32
      %dma_start3A_278 = tpu.memref_slice %arg2[%add3A_272, %dma_start3A_277] : memref<320000x128xf32, #tpu.memory_space<hbm>> -> memref<80x128xf32, #tpu.memory_space<hbm>>
      %dma_start3A_279 = arith.constant 0 : i32
      %dma_start3A_280 = arith.constant 0 : i32
      %dma_start3A_281 = tpu.memref_slice %arg7[%dma_start3A, %dma_start3A_279, %dma_start3A_280] : memref<4x80x128xf32, #tpu.memory_space<vmem>> -> memref<1x80x128xf32, #tpu.memory_space<vmem>>
      %dma_start3A_282 = tpu.memref_squeeze %dma_start3A_281 : memref<1x80x128xf32, #tpu.memory_space<vmem>> -> memref<80x128xf32, #tpu.memory_space<vmem>>
      %dma_start3A_283 = arith.constant 0 : i32
      %dma_start3A_284 = tpu.memref_slice %arg2[%add3A_272, %dma_start3A_283] : memref<320000x128xf32, #tpu.memory_space<hbm>> -> memref<80x128xf32, #tpu.memory_space<hbm>>
      tpu.enqueue_dma source(%dma_start3A_284 : memref<80x128xf32, #tpu.memory_space<hbm>>) target(%dma_start3A_282 : memref<80x128xf32, #tpu.memory_space<vmem>>) target_semaphore(%arg17 : memref<!tpu.dma_semaphore, #tpu.memory_space<semaphore_mem>>)
    } else {
    }
    %get3A_214 = arith.constant 2 : i32
    %get3A_215 = arith.constant 2 : i32
    %get3A_216 = arith.index_cast %get3A_214 : i32 to index
    %get3A_217 = arith.index_cast %get3A_215 : i32 to index
    %get3A_218 = memref.load %arg15[%get3A_216, %get3A_217] : memref<3x125xi32, #tpu.memory_space<smem>>
    %eq3A_219 = arith.constant 1 : i32
    %eq3A_220 = arith.cmpi eq, %get3A_218, %eq3A_219 : i32
    %convert_element_type3A_221 = arith.extui %eq3A_220 : i1 to i32
    %cond3A_222 = arith.constant 0 : i32
    %cond3A_223 = arith.cmpi ne, %convert_element_type3A_221, %cond3A_222 : i32
    scf.if %cond3A_223 {
      %add3A_271 = arith.constant 160 : i32
      %add3A_272 = arith.addi %mul3A_2, %add3A_271 : i32
      %dma_start3A = arith.constant 2 : i32
      %dma_start3A_273 = arith.constant 0 : i32
      %dma_start3A_274 = arith.constant 0 : i32
      %dma_start3A_275 = tpu.memref_slice %arg7[%dma_start3A, %dma_start3A_273, %dma_start3A_274] : memref<4x80x128xf32, #tpu.memory_space<vmem>> -> memref<1x80x128xf32, #tpu.memory_space<vmem>>
      %dma_start3A_276 = tpu.memref_squeeze %dma_start3A_275 : memref<1x80x128xf32, #tpu.memory_space<vmem>> -> memref<80x128xf32, #tpu.memory_space<vmem>>
      %dma_start3A_277 = arith.constant 0 : i32
      %dma_start3A_278 = tpu.memref_slice %arg2[%add3A_272, %dma_start3A_277] : memref<320000x128xf32, #tpu.memory_space<hbm>> -> memref<80x128xf32, #tpu.memory_space<hbm>>
      %dma_start3A_279 = arith.constant 0 : i32
      %dma_start3A_280 = arith.constant 0 : i32
      %dma_start3A_281 = tpu.memref_slice %arg7[%dma_start3A, %dma_start3A_279, %dma_start3A_280] : memref<4x80x128xf32, #tpu.memory_space<vmem>> -> memref<1x80x128xf32, #tpu.memory_space<vmem>>
      %dma_start3A_282 = tpu.memref_squeeze %dma_start3A_281 : memref<1x80x128xf32, #tpu.memory_space<vmem>> -> memref<80x128xf32, #tpu.memory_space<vmem>>
      %dma_start3A_283 = arith.constant 0 : i32
      %dma_start3A_284 = tpu.memref_slice %arg2[%add3A_272, %dma_start3A_283] : memref<320000x128xf32, #tpu.memory_space<hbm>> -> memref<80x128xf32, #tpu.memory_space<hbm>>
      tpu.enqueue_dma source(%dma_start3A_284 : memref<80x128xf32, #tpu.memory_space<hbm>>) target(%dma_start3A_282 : memref<80x128xf32, #tpu.memory_space<vmem>>) target_semaphore(%arg18 : memref<!tpu.dma_semaphore, #tpu.memory_space<semaphore_mem>>)
    } else {
    }
    %get3A_224 = arith.constant 2 : i32
    %get3A_225 = arith.constant 3 : i32
    %get3A_226 = arith.index_cast %get3A_224 : i32 to index
    %get3A_227 = arith.index_cast %get3A_225 : i32 to index
    %get3A_228 = memref.load %arg15[%get3A_226, %get3A_227] : memref<3x125xi32, #tpu.memory_space<smem>>
    %eq3A_229 = arith.constant 1 : i32
    %eq3A_230 = arith.cmpi eq, %get3A_228, %eq3A_229 : i32
    %convert_element_type3A_231 = arith.extui %eq3A_230 : i1 to i32
    %cond3A_232 = arith.constant 0 : i32
    %cond3A_233 = arith.cmpi ne, %convert_element_type3A_231, %cond3A_232 : i32
    scf.if %cond3A_233 {
      %add3A_271 = arith.constant 240 : i32
      %add3A_272 = arith.addi %mul3A_2, %add3A_271 : i32
      %dma_start3A = arith.constant 3 : i32
      %dma_start3A_273 = arith.constant 0 : i32
      %dma_start3A_274 = arith.constant 0 : i32
      %dma_start3A_275 = tpu.memref_slice %arg7[%dma_start3A, %dma_start3A_273, %dma_start3A_274] : memref<4x80x128xf32, #tpu.memory_space<vmem>> -> memref<1x80x128xf32, #tpu.memory_space<vmem>>
      %dma_start3A_276 = tpu.memref_squeeze %dma_start3A_275 : memref<1x80x128xf32, #tpu.memory_space<vmem>> -> memref<80x128xf32, #tpu.memory_space<vmem>>
      %dma_start3A_277 = arith.constant 0 : i32
      %dma_start3A_278 = tpu.memref_slice %arg2[%add3A_272, %dma_start3A_277] : memref<320000x128xf32, #tpu.memory_space<hbm>> -> memref<80x128xf32, #tpu.memory_space<hbm>>
      %dma_start3A_279 = arith.constant 0 : i32
      %dma_start3A_280 = arith.constant 0 : i32
      %dma_start3A_281 = tpu.memref_slice %arg7[%dma_start3A, %dma_start3A_279, %dma_start3A_280] : memref<4x80x128xf32, #tpu.memory_space<vmem>> -> memref<1x80x128xf32, #tpu.memory_space<vmem>>
      %dma_start3A_282 = tpu.memref_squeeze %dma_start3A_281 : memref<1x80x128xf32, #tpu.memory_space<vmem>> -> memref<80x128xf32, #tpu.memory_space<vmem>>
      %dma_start3A_283 = arith.constant 0 : i32
      %dma_start3A_284 = tpu.memref_slice %arg2[%add3A_272, %dma_start3A_283] : memref<320000x128xf32, #tpu.memory_space<hbm>> -> memref<80x128xf32, #tpu.memory_space<hbm>>
      tpu.enqueue_dma source(%dma_start3A_284 : memref<80x128xf32, #tpu.memory_space<hbm>>) target(%dma_start3A_282 : memref<80x128xf32, #tpu.memory_space<vmem>>) target_semaphore(%arg19 : memref<!tpu.dma_semaphore, #tpu.memory_space<semaphore_mem>>)
    } else {
    }
    %scan3A_234 = arith.constant 0 : i32
    %scan3A_235 = arith.constant 31 : i32
    %scan3A_236 = arith.addi %scan3A_234, %scan3A_235 : i32
    %scan3A_237 = arith.constant 1 : i32
    scf.for %scan3A_271 = %scan3A_234 to %scan3A_236 step %scan3A_237  : i32 {
      %mul3A_272 = arith.constant 1 : i32
      %mul3A_273 = arith.muli %scan3A_271, %mul3A_272 : i32
      %add3A_274 = arith.constant 0 : i32
      %add3A_275 = arith.addi %add3A_274, %mul3A_273 : i32
      %mul3A_276 = arith.constant 4 : i32
      %mul3A_277 = arith.muli %mul3A_276, %add3A_275 : i32
      %add3A_278 = arith.constant 0 : i32
      %add3A_279 = arith.addi %mul3A_277, %add3A_278 : i32
      %get3A_280 = arith.constant 2 : i32
      %get3A_281 = arith.index_cast %get3A_280 : i32 to index
      %get3A_282 = arith.index_cast %add3A_279 : i32 to index
      %get3A_283 = memref.load %arg15[%get3A_281, %get3A_282] : memref<3x125xi32, #tpu.memory_space<smem>>
      %eq3A_284 = arith.constant 1 : i32
      %eq3A_285 = arith.cmpi eq, %get3A_283, %eq3A_284 : i32
      %convert_element_type3A_286 = arith.extui %eq3A_285 : i1 to i32
      %cond3A_287 = arith.constant 0 : i32
      %cond3A_288 = arith.cmpi ne, %convert_element_type3A_286, %cond3A_287 : i32
      scf.if %cond3A_288 {
        %dma_wait3A = arith.constant 0 : i32
        %dma_wait3A_408 = arith.constant 0 : i32
        %dma_wait3A_409 = arith.constant 0 : i32
        %dma_wait3A_410 = tpu.memref_slice %arg7[%dma_wait3A, %dma_wait3A_408, %dma_wait3A_409] : memref<4x80x128xf32, #tpu.memory_space<vmem>> -> memref<1x80x128xf32, #tpu.memory_space<vmem>>
        %dma_wait3A_411 = tpu.memref_squeeze %dma_wait3A_410 : memref<1x80x128xf32, #tpu.memory_space<vmem>> -> memref<80x128xf32, #tpu.memory_space<vmem>>
        %dma_wait3A_412 = arith.constant 0 : i32
        %dma_wait3A_413 = tpu.memref_slice %arg2[%mul3A_2, %dma_wait3A_412] : memref<320000x128xf32, #tpu.memory_space<hbm>> -> memref<80x128xf32, #tpu.memory_space<hbm>>
        %dma_wait3A_414 = arith.constant 0 : i32
        %dma_wait3A_415 = arith.constant 0 : i32
        %dma_wait3A_416 = tpu.memref_slice %arg7[%dma_wait3A, %dma_wait3A_414, %dma_wait3A_415] : memref<4x80x128xf32, #tpu.memory_space<vmem>> -> memref<1x80x128xf32, #tpu.memory_space<vmem>>
        %dma_wait3A_417 = tpu.memref_squeeze %dma_wait3A_416 : memref<1x80x128xf32, #tpu.memory_space<vmem>> -> memref<80x128xf32, #tpu.memory_space<vmem>>
        %dma_wait3A_418 = arith.constant 0 : i32
        %dma_wait3A_419 = tpu.memref_slice %arg2[%mul3A_2, %dma_wait3A_418] : memref<320000x128xf32, #tpu.memory_space<hbm>> -> memref<80x128xf32, #tpu.memory_space<hbm>>
        tpu.wait_dma2 semaphore(%arg16 : memref<!tpu.dma_semaphore, #tpu.memory_space<semaphore_mem>>) src(%dma_wait3A_419 : memref<80x128xf32, #tpu.memory_space<hbm>>) dst(%dma_wait3A_417 : memref<80x128xf32, #tpu.memory_space<vmem>>)
        %scan3A_420 = arith.constant 0 : i32
        %scan3A_421 = arith.constant 5 : i32
        %scan3A_422 = arith.addi %scan3A_420, %scan3A_421 : i32
        %scan3A_423 = arith.constant 1 : i32
        scf.for %scan3A_436 = %scan3A_420 to %scan3A_422 step %scan3A_423  : i32 {
          %mul3A_437 = arith.constant 1 : i32
          %mul3A_438 = arith.muli %scan3A_436, %mul3A_437 : i32
          %add3A_439 = arith.constant 0 : i32
          %add3A_440 = arith.addi %add3A_439, %mul3A_438 : i32
          %mul3A_441 = arith.constant 16 : i32
          %mul3A_442 = arith.muli %add3A_440, %mul3A_441 : i32
          %get3A_443 = arith.index_cast %add3A_279 : i32 to index
          %get3A_444 = arith.index_cast %mul3A_442 : i32 to index
          %get3A_445 = tpu.vector_load %arg8[%get3A_443, %get3A_444] {strides = array<i32>} : memref<125x80xi32, #tpu.memory_space<vmem>>, vector<16xi32>,
          %ge3A = arith.constant 7680 : i32
          %ge3A_446 = vector.broadcast %ge3A : i32 to vector<16xi32>
          %ge3A_447 = arith.cmpi sge, %get3A_445, %ge3A_446 : vector<16xi32>
          %lt3A_448 = arith.constant 11520 : i32
          %lt3A_449 = vector.broadcast %lt3A_448 : i32 to vector<16xi32>
          %lt3A_450 = arith.cmpi slt, %get3A_445, %lt3A_449 : vector<16xi32>
          %and3A = arith.andi %ge3A_447, %lt3A_450 : vector<16xi1>
          %sub3A = arith.constant 7680 : i32
          %sub3A_451 = vector.broadcast %sub3A : i32 to vector<16xi32>
          %sub3A_452 = arith.subi %get3A_445, %sub3A_451 : vector<16xi32>
          %jit3A = arith.constant 3840 : i32
          %broadcast_in_dim3A_453 = vector.broadcast %jit3A : i32 to vector<16xi32>
          %select_n3A = arith.select %and3A, %sub3A_452, %broadcast_in_dim3A_453 : vector<16xi1>, vector<16xi32>
          %mul3A_454 = arith.constant 16 : i32
          %mul3A_455 = arith.muli %add3A_440, %mul3A_454 : i32
          %swap3A_456 = arith.constant 0 : i32
          %swap3A_457 = arith.index_cast %swap3A_456 : i32 to index
          %swap3A_458 = arith.index_cast %mul3A_455 : i32 to index
          %swap3A_459 = tpu.vector_load %arg14[%swap3A_457, %swap3A_458] {strides = array<i32>} : memref<4x80xi32, #tpu.memory_space<vmem>>, vector<16xi32>,
          tpu.vector_store %arg14[%swap3A_457, %swap3A_458], %select_n3A {strides = array<i32>} : memref<4x80xi32, #tpu.memory_space<vmem>>, vector<16xi32>,
        }
        %scan3A_424 = arith.constant 5 : i32
        %dma_start3A = arith.constant 0 : i32
        %dma_start3A_425 = arith.constant 0 : i32
        %dma_start3A_426 = arith.constant 0 : i32
        %dma_start3A_427 = arith.constant 0 : i32
        %dma_start3A_428 = tpu.memref_slice %arg7[%dma_start3A, %dma_start3A_426, %dma_start3A_427] : memref<4x80x128xf32, #tpu.memory_space<vmem>> -> memref<1x80x128xf32, #tpu.memory_space<vmem>>
        %dma_start3A_429 = tpu.memref_squeeze %dma_start3A_428 : memref<1x80x128xf32, #tpu.memory_space<vmem>> -> memref<80x128xf32, #tpu.memory_space<vmem>>
        %dma_start3A_430 = arith.constant 0 : i32
        %dma_start3A_431 = tpu.memref_slice %arg14[%dma_start3A_425, %dma_start3A_430] : memref<4x80xi32, #tpu.memory_space<vmem>> -> memref<1x80xi32, #tpu.memory_space<vmem>>
        %dma_start3A_432 = tpu.memref_squeeze %dma_start3A_431 : memref<1x80xi32, #tpu.memory_space<vmem>> -> memref<80xi32, #tpu.memory_space<vmem>>
        %dma_start3A_433 = arith.constant 0 : i32
        %dma_start3A_434 = arith.constant 0 : i32
        %dma_start3A_435 = tpu.memref_slice %arg24[%dma_start3A_433, %dma_start3A_434] : memref<3848x128xf32, #tpu.memory_space<vmem_shared>> -> memref<3848x128xf32, #tpu.memory_space<vmem_shared>>
        tpu.enqueue_indirect_dma source(%dma_start3A_429 : memref<80x128xf32, #tpu.memory_space<vmem>>) target(%dma_start3A_435 : memref<3848x128xf32, #tpu.memory_space<vmem_shared>>) offsets(%dma_start3A_432 : memref<80xi32, #tpu.memory_space<vmem>>) semaphore(%arg20 : memref<!tpu.dma_semaphore, #tpu.memory_space<semaphore_mem>>) {add = true}
      } else {
      }
      %mul3A_289 = arith.constant 4 : i32
      %mul3A_290 = arith.muli %mul3A_289, %add3A_275 : i32
      %add3A_291 = arith.constant 1 : i32
      %add3A_292 = arith.addi %mul3A_290, %add3A_291 : i32
      %get3A_293 = arith.constant 2 : i32
      %get3A_294 = arith.index_cast %get3A_293 : i32 to index
      %get3A_295 = arith.index_cast %add3A_292 : i32 to index
      %get3A_296 = memref.load %arg15[%get3A_294, %get3A_295] : memref<3x125xi32, #tpu.memory_space<smem>>
      %eq3A_297 = arith.constant 1 : i32
      %eq3A_298 = arith.cmpi eq, %get3A_296, %eq3A_297 : i32
      %convert_element_type3A_299 = arith.extui %eq3A_298 : i1 to i32
      %cond3A_300 = arith.constant 0 : i32
      %cond3A_301 = arith.cmpi ne, %convert_element_type3A_299, %cond3A_300 : i32
      scf.if %cond3A_301 {
        %dma_wait3A = arith.constant 1 : i32
        %dma_wait3A_408 = arith.constant 0 : i32
        %dma_wait3A_409 = arith.constant 0 : i32
        %dma_wait3A_410 = tpu.memref_slice %arg7[%dma_wait3A, %dma_wait3A_408, %dma_wait3A_409] : memref<4x80x128xf32, #tpu.memory_space<vmem>> -> memref<1x80x128xf32, #tpu.memory_space<vmem>>
        %dma_wait3A_411 = tpu.memref_squeeze %dma_wait3A_410 : memref<1x80x128xf32, #tpu.memory_space<vmem>> -> memref<80x128xf32, #tpu.memory_space<vmem>>
        %dma_wait3A_412 = arith.constant 0 : i32
        %dma_wait3A_413 = tpu.memref_slice %arg2[%mul3A_2, %dma_wait3A_412] : memref<320000x128xf32, #tpu.memory_space<hbm>> -> memref<80x128xf32, #tpu.memory_space<hbm>>
        %dma_wait3A_414 = arith.constant 0 : i32
        %dma_wait3A_415 = arith.constant 0 : i32
        %dma_wait3A_416 = tpu.memref_slice %arg7[%dma_wait3A, %dma_wait3A_414, %dma_wait3A_415] : memref<4x80x128xf32, #tpu.memory_space<vmem>> -> memref<1x80x128xf32, #tpu.memory_space<vmem>>
        %dma_wait3A_417 = tpu.memref_squeeze %dma_wait3A_416 : memref<1x80x128xf32, #tpu.memory_space<vmem>> -> memref<80x128xf32, #tpu.memory_space<vmem>>
        %dma_wait3A_418 = arith.constant 0 : i32
        %dma_wait3A_419 = tpu.memref_slice %arg2[%mul3A_2, %dma_wait3A_418] : memref<320000x128xf32, #tpu.memory_space<hbm>> -> memref<80x128xf32, #tpu.memory_space<hbm>>
        tpu.wait_dma2 semaphore(%arg17 : memref<!tpu.dma_semaphore, #tpu.memory_space<semaphore_mem>>) src(%dma_wait3A_419 : memref<80x128xf32, #tpu.memory_space<hbm>>) dst(%dma_wait3A_417 : memref<80x128xf32, #tpu.memory_space<vmem>>)
        %scan3A_420 = arith.constant 0 : i32
        %scan3A_421 = arith.constant 5 : i32
        %scan3A_422 = arith.addi %scan3A_420, %scan3A_421 : i32
        %scan3A_423 = arith.constant 1 : i32
        scf.for %scan3A_436 = %scan3A_420 to %scan3A_422 step %scan3A_423  : i32 {
          %mul3A_437 = arith.constant 1 : i32
          %mul3A_438 = arith.muli %scan3A_436, %mul3A_437 : i32
          %add3A_439 = arith.constant 0 : i32
          %add3A_440 = arith.addi %add3A_439, %mul3A_438 : i32
          %mul3A_441 = arith.constant 16 : i32
          %mul3A_442 = arith.muli %add3A_440, %mul3A_441 : i32
          %get3A_443 = arith.index_cast %add3A_292 : i32 to index
          %get3A_444 = arith.index_cast %mul3A_442 : i32 to index
          %get3A_445 = tpu.vector_load %arg8[%get3A_443, %get3A_444] {strides = array<i32>} : memref<125x80xi32, #tpu.memory_space<vmem>>, vector<16xi32>,
          %ge3A = arith.constant 7680 : i32
          %ge3A_446 = vector.broadcast %ge3A : i32 to vector<16xi32>
          %ge3A_447 = arith.cmpi sge, %get3A_445, %ge3A_446 : vector<16xi32>
          %lt3A_448 = arith.constant 11520 : i32
          %lt3A_449 = vector.broadcast %lt3A_448 : i32 to vector<16xi32>
          %lt3A_450 = arith.cmpi slt, %get3A_445, %lt3A_449 : vector<16xi32>
          %and3A = arith.andi %ge3A_447, %lt3A_450 : vector<16xi1>
          %sub3A = arith.constant 7680 : i32
          %sub3A_451 = vector.broadcast %sub3A : i32 to vector<16xi32>
          %sub3A_452 = arith.subi %get3A_445, %sub3A_451 : vector<16xi32>
          %jit3A = arith.constant 3840 : i32
          %broadcast_in_dim3A_453 = vector.broadcast %jit3A : i32 to vector<16xi32>
          %select_n3A = arith.select %and3A, %sub3A_452, %broadcast_in_dim3A_453 : vector<16xi1>, vector<16xi32>
          %mul3A_454 = arith.constant 16 : i32
          %mul3A_455 = arith.muli %add3A_440, %mul3A_454 : i32
          %swap3A_456 = arith.constant 1 : i32
          %swap3A_457 = arith.index_cast %swap3A_456 : i32 to index
          %swap3A_458 = arith.index_cast %mul3A_455 : i32 to index
          %swap3A_459 = tpu.vector_load %arg14[%swap3A_457, %swap3A_458] {strides = array<i32>} : memref<4x80xi32, #tpu.memory_space<vmem>>, vector<16xi32>,
          tpu.vector_store %arg14[%swap3A_457, %swap3A_458], %select_n3A {strides = array<i32>} : memref<4x80xi32, #tpu.memory_space<vmem>>, vector<16xi32>,
        }
        %scan3A_424 = arith.constant 5 : i32
        %dma_start3A = arith.constant 1 : i32
        %dma_start3A_425 = arith.constant 1 : i32
        %dma_start3A_426 = arith.constant 0 : i32
        %dma_start3A_427 = arith.constant 0 : i32
        %dma_start3A_428 = tpu.memref_slice %arg7[%dma_start3A, %dma_start3A_426, %dma_start3A_427] : memref<4x80x128xf32, #tpu.memory_space<vmem>> -> memref<1x80x128xf32, #tpu.memory_space<vmem>>
        %dma_start3A_429 = tpu.memref_squeeze %dma_start3A_428 : memref<1x80x128xf32, #tpu.memory_space<vmem>> -> memref<80x128xf32, #tpu.memory_space<vmem>>
        %dma_start3A_430 = arith.constant 0 : i32
        %dma_start3A_431 = tpu.memref_slice %arg14[%dma_start3A_425, %dma_start3A_430] : memref<4x80xi32, #tpu.memory_space<vmem>> -> memref<1x80xi32, #tpu.memory_space<vmem>>
        %dma_start3A_432 = tpu.memref_squeeze %dma_start3A_431 : memref<1x80xi32, #tpu.memory_space<vmem>> -> memref<80xi32, #tpu.memory_space<vmem>>
        %dma_start3A_433 = arith.constant 0 : i32
        %dma_start3A_434 = arith.constant 0 : i32
        %dma_start3A_435 = tpu.memref_slice %arg24[%dma_start3A_433, %dma_start3A_434] : memref<3848x128xf32, #tpu.memory_space<vmem_shared>> -> memref<3848x128xf32, #tpu.memory_space<vmem_shared>>
        tpu.enqueue_indirect_dma source(%dma_start3A_429 : memref<80x128xf32, #tpu.memory_space<vmem>>) target(%dma_start3A_435 : memref<3848x128xf32, #tpu.memory_space<vmem_shared>>) offsets(%dma_start3A_432 : memref<80xi32, #tpu.memory_space<vmem>>) semaphore(%arg21 : memref<!tpu.dma_semaphore, #tpu.memory_space<semaphore_mem>>) {add = true}
      } else {
      }
      %mul3A_302 = arith.constant 4 : i32
      %mul3A_303 = arith.muli %mul3A_302, %add3A_275 : i32
      %add3A_304 = arith.constant 2 : i32
      %add3A_305 = arith.addi %mul3A_303, %add3A_304 : i32
      %get3A_306 = arith.constant 2 : i32
      %get3A_307 = arith.index_cast %get3A_306 : i32 to index
      %get3A_308 = arith.index_cast %add3A_305 : i32 to index
      %get3A_309 = memref.load %arg15[%get3A_307, %get3A_308] : memref<3x125xi32, #tpu.memory_space<smem>>
      %eq3A_310 = arith.constant 1 : i32
      %eq3A_311 = arith.cmpi eq, %get3A_309, %eq3A_310 : i32
      %convert_element_type3A_312 = arith.extui %eq3A_311 : i1 to i32
      %cond3A_313 = arith.constant 0 : i32
      %cond3A_314 = arith.cmpi ne, %convert_element_type3A_312, %cond3A_313 : i32
      scf.if %cond3A_314 {
        %dma_wait3A = arith.constant 2 : i32
        %dma_wait3A_408 = arith.constant 0 : i32
        %dma_wait3A_409 = arith.constant 0 : i32
        %dma_wait3A_410 = tpu.memref_slice %arg7[%dma_wait3A, %dma_wait3A_408, %dma_wait3A_409] : memref<4x80x128xf32, #tpu.memory_space<vmem>> -> memref<1x80x128xf32, #tpu.memory_space<vmem>>
        %dma_wait3A_411 = tpu.memref_squeeze %dma_wait3A_410 : memref<1x80x128xf32, #tpu.memory_space<vmem>> -> memref<80x128xf32, #tpu.memory_space<vmem>>
        %dma_wait3A_412 = arith.constant 0 : i32
        %dma_wait3A_413 = tpu.memref_slice %arg2[%mul3A_2, %dma_wait3A_412] : memref<320000x128xf32, #tpu.memory_space<hbm>> -> memref<80x128xf32, #tpu.memory_space<hbm>>
        %dma_wait3A_414 = arith.constant 0 : i32
        %dma_wait3A_415 = arith.constant 0 : i32
        %dma_wait3A_416 = tpu.memref_slice %arg7[%dma_wait3A, %dma_wait3A_414, %dma_wait3A_415] : memref<4x80x128xf32, #tpu.memory_space<vmem>> -> memref<1x80x128xf32, #tpu.memory_space<vmem>>
        %dma_wait3A_417 = tpu.memref_squeeze %dma_wait3A_416 : memref<1x80x128xf32, #tpu.memory_space<vmem>> -> memref<80x128xf32, #tpu.memory_space<vmem>>
        %dma_wait3A_418 = arith.constant 0 : i32
        %dma_wait3A_419 = tpu.memref_slice %arg2[%mul3A_2, %dma_wait3A_418] : memref<320000x128xf32, #tpu.memory_space<hbm>> -> memref<80x128xf32, #tpu.memory_space<hbm>>
        tpu.wait_dma2 semaphore(%arg18 : memref<!tpu.dma_semaphore, #tpu.memory_space<semaphore_mem>>) src(%dma_wait3A_419 : memref<80x128xf32, #tpu.memory_space<hbm>>) dst(%dma_wait3A_417 : memref<80x128xf32, #tpu.memory_space<vmem>>)
        %scan3A_420 = arith.constant 0 : i32
        %scan3A_421 = arith.constant 5 : i32
        %scan3A_422 = arith.addi %scan3A_420, %scan3A_421 : i32
        %scan3A_423 = arith.constant 1 : i32
        scf.for %scan3A_436 = %scan3A_420 to %scan3A_422 step %scan3A_423  : i32 {
          %mul3A_437 = arith.constant 1 : i32
          %mul3A_438 = arith.muli %scan3A_436, %mul3A_437 : i32
          %add3A_439 = arith.constant 0 : i32
          %add3A_440 = arith.addi %add3A_439, %mul3A_438 : i32
          %mul3A_441 = arith.constant 16 : i32
          %mul3A_442 = arith.muli %add3A_440, %mul3A_441 : i32
          %get3A_443 = arith.index_cast %add3A_305 : i32 to index
          %get3A_444 = arith.index_cast %mul3A_442 : i32 to index
          %get3A_445 = tpu.vector_load %arg8[%get3A_443, %get3A_444] {strides = array<i32>} : memref<125x80xi32, #tpu.memory_space<vmem>>, vector<16xi32>,
          %ge3A = arith.constant 7680 : i32
          %ge3A_446 = vector.broadcast %ge3A : i32 to vector<16xi32>
          %ge3A_447 = arith.cmpi sge, %get3A_445, %ge3A_446 : vector<16xi32>
          %lt3A_448 = arith.constant 11520 : i32
          %lt3A_449 = vector.broadcast %lt3A_448 : i32 to vector<16xi32>
          %lt3A_450 = arith.cmpi slt, %get3A_445, %lt3A_449 : vector<16xi32>
          %and3A = arith.andi %ge3A_447, %lt3A_450 : vector<16xi1>
          %sub3A = arith.constant 7680 : i32
          %sub3A_451 = vector.broadcast %sub3A : i32 to vector<16xi32>
          %sub3A_452 = arith.subi %get3A_445, %sub3A_451 : vector<16xi32>
          %jit3A = arith.constant 3840 : i32
          %broadcast_in_dim3A_453 = vector.broadcast %jit3A : i32 to vector<16xi32>
          %select_n3A = arith.select %and3A, %sub3A_452, %broadcast_in_dim3A_453 : vector<16xi1>, vector<16xi32>
          %mul3A_454 = arith.constant 16 : i32
          %mul3A_455 = arith.muli %add3A_440, %mul3A_454 : i32
          %swap3A_456 = arith.constant 2 : i32
          %swap3A_457 = arith.index_cast %swap3A_456 : i32 to index
          %swap3A_458 = arith.index_cast %mul3A_455 : i32 to index
          %swap3A_459 = tpu.vector_load %arg14[%swap3A_457, %swap3A_458] {strides = array<i32>} : memref<4x80xi32, #tpu.memory_space<vmem>>, vector<16xi32>,
          tpu.vector_store %arg14[%swap3A_457, %swap3A_458], %select_n3A {strides = array<i32>} : memref<4x80xi32, #tpu.memory_space<vmem>>, vector<16xi32>,
        }
        %scan3A_424 = arith.constant 5 : i32
        %dma_start3A = arith.constant 2 : i32
        %dma_start3A_425 = arith.constant 2 : i32
        %dma_start3A_426 = arith.constant 0 : i32
        %dma_start3A_427 = arith.constant 0 : i32
        %dma_start3A_428 = tpu.memref_slice %arg7[%dma_start3A, %dma_start3A_426, %dma_start3A_427] : memref<4x80x128xf32, #tpu.memory_space<vmem>> -> memref<1x80x128xf32, #tpu.memory_space<vmem>>
        %dma_start3A_429 = tpu.memref_squeeze %dma_start3A_428 : memref<1x80x128xf32, #tpu.memory_space<vmem>> -> memref<80x128xf32, #tpu.memory_space<vmem>>
        %dma_start3A_430 = arith.constant 0 : i32
        %dma_start3A_431 = tpu.memref_slice %arg14[%dma_start3A_425, %dma_start3A_430] : memref<4x80xi32, #tpu.memory_space<vmem>> -> memref<1x80xi32, #tpu.memory_space<vmem>>
        %dma_start3A_432 = tpu.memref_squeeze %dma_start3A_431 : memref<1x80xi32, #tpu.memory_space<vmem>> -> memref<80xi32, #tpu.memory_space<vmem>>
        %dma_start3A_433 = arith.constant 0 : i32
        %dma_start3A_434 = arith.constant 0 : i32
        %dma_start3A_435 = tpu.memref_slice %arg24[%dma_start3A_433, %dma_start3A_434] : memref<3848x128xf32, #tpu.memory_space<vmem_shared>> -> memref<3848x128xf32, #tpu.memory_space<vmem_shared>>
        tpu.enqueue_indirect_dma source(%dma_start3A_429 : memref<80x128xf32, #tpu.memory_space<vmem>>) target(%dma_start3A_435 : memref<3848x128xf32, #tpu.memory_space<vmem_shared>>) offsets(%dma_start3A_432 : memref<80xi32, #tpu.memory_space<vmem>>) semaphore(%arg22 : memref<!tpu.dma_semaphore, #tpu.memory_space<semaphore_mem>>) {add = true}
      } else {
      }
      %mul3A_315 = arith.constant 4 : i32
      %mul3A_316 = arith.muli %mul3A_315, %add3A_275 : i32
      %add3A_317 = arith.constant 3 : i32
      %add3A_318 = arith.addi %mul3A_316, %add3A_317 : i32
      %get3A_319 = arith.constant 2 : i32
      %get3A_320 = arith.index_cast %get3A_319 : i32 to index
      %get3A_321 = arith.index_cast %add3A_318 : i32 to index
      %get3A_322 = memref.load %arg15[%get3A_320, %get3A_321] : memref<3x125xi32, #tpu.memory_space<smem>>
      %eq3A_323 = arith.constant 1 : i32
      %eq3A_324 = arith.cmpi eq, %get3A_322, %eq3A_323 : i32
      %convert_element_type3A_325 = arith.extui %eq3A_324 : i1 to i32
      %cond3A_326 = arith.constant 0 : i32
      %cond3A_327 = arith.cmpi ne, %convert_element_type3A_325, %cond3A_326 : i32
      scf.if %cond3A_327 {
        %dma_wait3A = arith.constant 3 : i32
        %dma_wait3A_408 = arith.constant 0 : i32
        %dma_wait3A_409 = arith.constant 0 : i32
        %dma_wait3A_410 = tpu.memref_slice %arg7[%dma_wait3A, %dma_wait3A_408, %dma_wait3A_409] : memref<4x80x128xf32, #tpu.memory_space<vmem>> -> memref<1x80x128xf32, #tpu.memory_space<vmem>>
        %dma_wait3A_411 = tpu.memref_squeeze %dma_wait3A_410 : memref<1x80x128xf32, #tpu.memory_space<vmem>> -> memref<80x128xf32, #tpu.memory_space<vmem>>
        %dma_wait3A_412 = arith.constant 0 : i32
        %dma_wait3A_413 = tpu.memref_slice %arg2[%mul3A_2, %dma_wait3A_412] : memref<320000x128xf32, #tpu.memory_space<hbm>> -> memref<80x128xf32, #tpu.memory_space<hbm>>
        %dma_wait3A_414 = arith.constant 0 : i32
        %dma_wait3A_415 = arith.constant 0 : i32
        %dma_wait3A_416 = tpu.memref_slice %arg7[%dma_wait3A, %dma_wait3A_414, %dma_wait3A_415] : memref<4x80x128xf32, #tpu.memory_space<vmem>> -> memref<1x80x128xf32, #tpu.memory_space<vmem>>
        %dma_wait3A_417 = tpu.memref_squeeze %dma_wait3A_416 : memref<1x80x128xf32, #tpu.memory_space<vmem>> -> memref<80x128xf32, #tpu.memory_space<vmem>>
        %dma_wait3A_418 = arith.constant 0 : i32
        %dma_wait3A_419 = tpu.memref_slice %arg2[%mul3A_2, %dma_wait3A_418] : memref<320000x128xf32, #tpu.memory_space<hbm>> -> memref<80x128xf32, #tpu.memory_space<hbm>>
        tpu.wait_dma2 semaphore(%arg19 : memref<!tpu.dma_semaphore, #tpu.memory_space<semaphore_mem>>) src(%dma_wait3A_419 : memref<80x128xf32, #tpu.memory_space<hbm>>) dst(%dma_wait3A_417 : memref<80x128xf32, #tpu.memory_space<vmem>>)
        %scan3A_420 = arith.constant 0 : i32
        %scan3A_421 = arith.constant 5 : i32
        %scan3A_422 = arith.addi %scan3A_420, %scan3A_421 : i32
        %scan3A_423 = arith.constant 1 : i32
        scf.for %scan3A_436 = %scan3A_420 to %scan3A_422 step %scan3A_423  : i32 {
          %mul3A_437 = arith.constant 1 : i32
          %mul3A_438 = arith.muli %scan3A_436, %mul3A_437 : i32
          %add3A_439 = arith.constant 0 : i32
          %add3A_440 = arith.addi %add3A_439, %mul3A_438 : i32
          %mul3A_441 = arith.constant 16 : i32
          %mul3A_442 = arith.muli %add3A_440, %mul3A_441 : i32
          %get3A_443 = arith.index_cast %add3A_318 : i32 to index
          %get3A_444 = arith.index_cast %mul3A_442 : i32 to index
          %get3A_445 = tpu.vector_load %arg8[%get3A_443, %get3A_444] {strides = array<i32>} : memref<125x80xi32, #tpu.memory_space<vmem>>, vector<16xi32>,
          %ge3A = arith.constant 7680 : i32
          %ge3A_446 = vector.broadcast %ge3A : i32 to vector<16xi32>
          %ge3A_447 = arith.cmpi sge, %get3A_445, %ge3A_446 : vector<16xi32>
          %lt3A_448 = arith.constant 11520 : i32
          %lt3A_449 = vector.broadcast %lt3A_448 : i32 to vector<16xi32>
          %lt3A_450 = arith.cmpi slt, %get3A_445, %lt3A_449 : vector<16xi32>
          %and3A = arith.andi %ge3A_447, %lt3A_450 : vector<16xi1>
          %sub3A = arith.constant 7680 : i32
          %sub3A_451 = vector.broadcast %sub3A : i32 to vector<16xi32>
          %sub3A_452 = arith.subi %get3A_445, %sub3A_451 : vector<16xi32>
          %jit3A = arith.constant 3840 : i32
          %broadcast_in_dim3A_453 = vector.broadcast %jit3A : i32 to vector<16xi32>
          %select_n3A = arith.select %and3A, %sub3A_452, %broadcast_in_dim3A_453 : vector<16xi1>, vector<16xi32>
          %mul3A_454 = arith.constant 16 : i32
          %mul3A_455 = arith.muli %add3A_440, %mul3A_454 : i32
          %swap3A_456 = arith.constant 3 : i32
          %swap3A_457 = arith.index_cast %swap3A_456 : i32 to index
          %swap3A_458 = arith.index_cast %mul3A_455 : i32 to index
          %swap3A_459 = tpu.vector_load %arg14[%swap3A_457, %swap3A_458] {strides = array<i32>} : memref<4x80xi32, #tpu.memory_space<vmem>>, vector<16xi32>,
          tpu.vector_store %arg14[%swap3A_457, %swap3A_458], %select_n3A {strides = array<i32>} : memref<4x80xi32, #tpu.memory_space<vmem>>, vector<16xi32>,
        }
        %scan3A_424 = arith.constant 5 : i32
        %dma_start3A = arith.constant 3 : i32
        %dma_start3A_425 = arith.constant 3 : i32
        %dma_start3A_426 = arith.constant 0 : i32
        %dma_start3A_427 = arith.constant 0 : i32
        %dma_start3A_428 = tpu.memref_slice %arg7[%dma_start3A, %dma_start3A_426, %dma_start3A_427] : memref<4x80x128xf32, #tpu.memory_space<vmem>> -> memref<1x80x128xf32, #tpu.memory_space<vmem>>
        %dma_start3A_429 = tpu.memref_squeeze %dma_start3A_428 : memref<1x80x128xf32, #tpu.memory_space<vmem>> -> memref<80x128xf32, #tpu.memory_space<vmem>>
        %dma_start3A_430 = arith.constant 0 : i32
        %dma_start3A_431 = tpu.memref_slice %arg14[%dma_start3A_425, %dma_start3A_430] : memref<4x80xi32, #tpu.memory_space<vmem>> -> memref<1x80xi32, #tpu.memory_space<vmem>>
        %dma_start3A_432 = tpu.memref_squeeze %dma_start3A_431 : memref<1x80xi32, #tpu.memory_space<vmem>> -> memref<80xi32, #tpu.memory_space<vmem>>
        %dma_start3A_433 = arith.constant 0 : i32
        %dma_start3A_434 = arith.constant 0 : i32
        %dma_start3A_435 = tpu.memref_slice %arg24[%dma_start3A_433, %dma_start3A_434] : memref<3848x128xf32, #tpu.memory_space<vmem_shared>> -> memref<3848x128xf32, #tpu.memory_space<vmem_shared>>
        tpu.enqueue_indirect_dma source(%dma_start3A_429 : memref<80x128xf32, #tpu.memory_space<vmem>>) target(%dma_start3A_435 : memref<3848x128xf32, #tpu.memory_space<vmem_shared>>) offsets(%dma_start3A_432 : memref<80xi32, #tpu.memory_space<vmem>>) semaphore(%arg23 : memref<!tpu.dma_semaphore, #tpu.memory_space<semaphore_mem>>) {add = true}
      } else {
      }
      %mul3A_328 = arith.constant 4 : i32
      %mul3A_329 = arith.muli %mul3A_328, %add3A_275 : i32
      %add3A_330 = arith.constant 0 : i32
      %add3A_331 = arith.addi %mul3A_329, %add3A_330 : i32
      %add3A_332 = arith.constant 4 : i32
      %add3A_333 = arith.addi %add3A_331, %add3A_332 : i32
      %get3A_334 = arith.constant 2 : i32
      %get3A_335 = arith.index_cast %get3A_334 : i32 to index
      %get3A_336 = arith.index_cast %add3A_331 : i32 to index
      %get3A_337 = memref.load %arg15[%get3A_335, %get3A_336] : memref<3x125xi32, #tpu.memory_space<smem>>
      %eq3A_338 = arith.constant 1 : i32
      %eq3A_339 = arith.cmpi eq, %get3A_337, %eq3A_338 : i32
      %convert_element_type3A_340 = arith.extui %eq3A_339 : i1 to i32
      %cond3A_341 = arith.constant 0 : i32
      %cond3A_342 = arith.cmpi ne, %convert_element_type3A_340, %cond3A_341 : i32
      scf.if %cond3A_342 {
        %dma_wait3A = arith.constant 0 : i32
        %dma_wait3A_408 = arith.constant 0 : i32
        %dma_wait3A_409 = arith.constant 0 : i32
        %dma_wait3A_410 = arith.constant 0 : i32
        %dma_wait3A_411 = tpu.memref_slice %arg7[%dma_wait3A, %dma_wait3A_409, %dma_wait3A_410] : memref<4x80x128xf32, #tpu.memory_space<vmem>> -> memref<1x80x128xf32, #tpu.memory_space<vmem>>
        %dma_wait3A_412 = tpu.memref_squeeze %dma_wait3A_411 : memref<1x80x128xf32, #tpu.memory_space<vmem>> -> memref<80x128xf32, #tpu.memory_space<vmem>>
        %dma_wait3A_413 = arith.constant 0 : i32
        %dma_wait3A_414 = tpu.memref_slice %arg14[%dma_wait3A_408, %dma_wait3A_413] : memref<4x80xi32, #tpu.memory_space<vmem>> -> memref<1x80xi32, #tpu.memory_space<vmem>>
        %dma_wait3A_415 = tpu.memref_squeeze %dma_wait3A_414 : memref<1x80xi32, #tpu.memory_space<vmem>> -> memref<80xi32, #tpu.memory_space<vmem>>
        %dma_wait3A_416 = arith.constant 0 : i32
        %dma_wait3A_417 = arith.constant 0 : i32
        %dma_wait3A_418 = tpu.memref_slice %arg24[%dma_wait3A_416, %dma_wait3A_417] : memref<3848x128xf32, #tpu.memory_space<vmem_shared>> -> memref<3848x128xf32, #tpu.memory_space<vmem_shared>>
        tpu.wait_indirect_dma semaphore(%arg20 : memref<!tpu.dma_semaphore, #tpu.memory_space<semaphore_mem>>) src(%dma_wait3A_412 : memref<80x128xf32, #tpu.memory_space<vmem>>) dst(%dma_wait3A_418 : memref<3848x128xf32, #tpu.memory_space<vmem_shared>>)
      } else {
      }
      %lt3A_343 = arith.constant 125 : i32
      %lt3A_344 = arith.cmpi slt, %add3A_333, %lt3A_343 : i32
      %convert_element_type3A_345 = arith.extui %lt3A_344 : i1 to i32
      %cond3A_346 = arith.constant 0 : i32
      %cond3A_347 = arith.cmpi ne, %convert_element_type3A_345, %cond3A_346 : i32
      scf.if %cond3A_347 {
        %get3A_408 = arith.constant 2 : i32
        %get3A_409 = arith.index_cast %get3A_408 : i32 to index
        %get3A_410 = arith.index_cast %add3A_333 : i32 to index
        %get3A_411 = memref.load %arg15[%get3A_409, %get3A_410] : memref<3x125xi32, #tpu.memory_space<smem>>
        %eq3A_412 = arith.constant 1 : i32
        %eq3A_413 = arith.cmpi eq, %get3A_411, %eq3A_412 : i32
        %convert_element_type3A_414 = arith.extui %eq3A_413 : i1 to i32
        %cond3A_415 = arith.constant 0 : i32
        %cond3A_416 = arith.cmpi ne, %convert_element_type3A_414, %cond3A_415 : i32
        scf.if %cond3A_416 {
          %mul3A_417 = arith.constant 80 : i32
          %mul3A_418 = arith.muli %add3A_333, %mul3A_417 : i32
          %add3A_419 = arith.addi %mul3A_2, %mul3A_418 : i32
          %dma_start3A = arith.constant 0 : i32
          %dma_start3A_420 = arith.constant 0 : i32
          %dma_start3A_421 = arith.constant 0 : i32
          %dma_start3A_422 = tpu.memref_slice %arg7[%dma_start3A, %dma_start3A_420, %dma_start3A_421] : memref<4x80x128xf32, #tpu.memory_space<vmem>> -> memref<1x80x128xf32, #tpu.memory_space<vmem>>
          %dma_start3A_423 = tpu.memref_squeeze %dma_start3A_422 : memref<1x80x128xf32, #tpu.memory_space<vmem>> -> memref<80x128xf32, #tpu.memory_space<vmem>>
          %dma_start3A_424 = arith.constant 0 : i32
          %dma_start3A_425 = tpu.memref_slice %arg2[%add3A_419, %dma_start3A_424] : memref<320000x128xf32, #tpu.memory_space<hbm>> -> memref<80x128xf32, #tpu.memory_space<hbm>>
          %dma_start3A_426 = arith.constant 0 : i32
          %dma_start3A_427 = arith.constant 0 : i32
          %dma_start3A_428 = tpu.memref_slice %arg7[%dma_start3A, %dma_start3A_426, %dma_start3A_427] : memref<4x80x128xf32, #tpu.memory_space<vmem>> -> memref<1x80x128xf32, #tpu.memory_space<vmem>>
          %dma_start3A_429 = tpu.memref_squeeze %dma_start3A_428 : memref<1x80x128xf32, #tpu.memory_space<vmem>> -> memref<80x128xf32, #tpu.memory_space<vmem>>
          %dma_start3A_430 = arith.constant 0 : i32
          %dma_start3A_431 = tpu.memref_slice %arg2[%add3A_419, %dma_start3A_430] : memref<320000x128xf32, #tpu.memory_space<hbm>> -> memref<80x128xf32, #tpu.memory_space<hbm>>
          tpu.enqueue_dma source(%dma_start3A_431 : memref<80x128xf32, #tpu.memory_space<hbm>>) target(%dma_start3A_429 : memref<80x128xf32, #tpu.memory_space<vmem>>) target_semaphore(%arg16 : memref<!tpu.dma_semaphore, #tpu.memory_space<semaphore_mem>>)
        } else {
        }
      } else {
      }
      %mul3A_348 = arith.constant 4 : i32
      %mul3A_349 = arith.muli %mul3A_348, %add3A_275 : i32
      %add3A_350 = arith.constant 1 : i32
      %add3A_351 = arith.addi %mul3A_349, %add3A_350 : i32
      %add3A_352 = arith.constant 4 : i32
      %add3A_353 = arith.addi %add3A_351, %add3A_352 : i32
      %get3A_354 = arith.constant 2 : i32
      %get3A_355 = arith.index_cast %get3A_354 : i32 to index
      %get3A_356 = arith.index_cast %add3A_351 : i32 to index
      %get3A_357 = memref.load %arg15[%get3A_355, %get3A_356] : memref<3x125xi32, #tpu.memory_space<smem>>
      %eq3A_358 = arith.constant 1 : i32
      %eq3A_359 = arith.cmpi eq, %get3A_357, %eq3A_358 : i32
      %convert_element_type3A_360 = arith.extui %eq3A_359 : i1 to i32
      %cond3A_361 = arith.constant 0 : i32
      %cond3A_362 = arith.cmpi ne, %convert_element_type3A_360, %cond3A_361 : i32
      scf.if %cond3A_362 {
        %dma_wait3A = arith.constant 1 : i32
        %dma_wait3A_408 = arith.constant 1 : i32
        %dma_wait3A_409 = arith.constant 0 : i32
        %dma_wait3A_410 = arith.constant 0 : i32
        %dma_wait3A_411 = tpu.memref_slice %arg7[%dma_wait3A, %dma_wait3A_409, %dma_wait3A_410] : memref<4x80x128xf32, #tpu.memory_space<vmem>> -> memref<1x80x128xf32, #tpu.memory_space<vmem>>
        %dma_wait3A_412 = tpu.memref_squeeze %dma_wait3A_411 : memref<1x80x128xf32, #tpu.memory_space<vmem>> -> memref<80x128xf32, #tpu.memory_space<vmem>>
        %dma_wait3A_413 = arith.constant 0 : i32
        %dma_wait3A_414 = tpu.memref_slice %arg14[%dma_wait3A_408, %dma_wait3A_413] : memref<4x80xi32, #tpu.memory_space<vmem>> -> memref<1x80xi32, #tpu.memory_space<vmem>>
        %dma_wait3A_415 = tpu.memref_squeeze %dma_wait3A_414 : memref<1x80xi32, #tpu.memory_space<vmem>> -> memref<80xi32, #tpu.memory_space<vmem>>
        %dma_wait3A_416 = arith.constant 0 : i32
        %dma_wait3A_417 = arith.constant 0 : i32
        %dma_wait3A_418 = tpu.memref_slice %arg24[%dma_wait3A_416, %dma_wait3A_417] : memref<3848x128xf32, #tpu.memory_space<vmem_shared>> -> memref<3848x128xf32, #tpu.memory_space<vmem_shared>>
        tpu.wait_indirect_dma semaphore(%arg21 : memref<!tpu.dma_semaphore, #tpu.memory_space<semaphore_mem>>) src(%dma_wait3A_412 : memref<80x128xf32, #tpu.memory_space<vmem>>) dst(%dma_wait3A_418 : memref<3848x128xf32, #tpu.memory_space<vmem_shared>>)
      } else {
      }
      %lt3A_363 = arith.constant 125 : i32
      %lt3A_364 = arith.cmpi slt, %add3A_353, %lt3A_363 : i32
      %convert_element_type3A_365 = arith.extui %lt3A_364 : i1 to i32
      %cond3A_366 = arith.constant 0 : i32
      %cond3A_367 = arith.cmpi ne, %convert_element_type3A_365, %cond3A_366 : i32
      scf.if %cond3A_367 {
        %get3A_408 = arith.constant 2 : i32
        %get3A_409 = arith.index_cast %get3A_408 : i32 to index
        %get3A_410 = arith.index_cast %add3A_353 : i32 to index
        %get3A_411 = memref.load %arg15[%get3A_409, %get3A_410] : memref<3x125xi32, #tpu.memory_space<smem>>
        %eq3A_412 = arith.constant 1 : i32
        %eq3A_413 = arith.cmpi eq, %get3A_411, %eq3A_412 : i32
        %convert_element_type3A_414 = arith.extui %eq3A_413 : i1 to i32
        %cond3A_415 = arith.constant 0 : i32
        %cond3A_416 = arith.cmpi ne, %convert_element_type3A_414, %cond3A_415 : i32
        scf.if %cond3A_416 {
          %mul3A_417 = arith.constant 80 : i32
          %mul3A_418 = arith.muli %add3A_353, %mul3A_417 : i32
          %add3A_419 = arith.addi %mul3A_2, %mul3A_418 : i32
          %dma_start3A = arith.constant 1 : i32
          %dma_start3A_420 = arith.constant 0 : i32
          %dma_start3A_421 = arith.constant 0 : i32
          %dma_start3A_422 = tpu.memref_slice %arg7[%dma_start3A, %dma_start3A_420, %dma_start3A_421] : memref<4x80x128xf32, #tpu.memory_space<vmem>> -> memref<1x80x128xf32, #tpu.memory_space<vmem>>
          %dma_start3A_423 = tpu.memref_squeeze %dma_start3A_422 : memref<1x80x128xf32, #tpu.memory_space<vmem>> -> memref<80x128xf32, #tpu.memory_space<vmem>>
          %dma_start3A_424 = arith.constant 0 : i32
          %dma_start3A_425 = tpu.memref_slice %arg2[%add3A_419, %dma_start3A_424] : memref<320000x128xf32, #tpu.memory_space<hbm>> -> memref<80x128xf32, #tpu.memory_space<hbm>>
          %dma_start3A_426 = arith.constant 0 : i32
          %dma_start3A_427 = arith.constant 0 : i32
          %dma_start3A_428 = tpu.memref_slice %arg7[%dma_start3A, %dma_start3A_426, %dma_start3A_427] : memref<4x80x128xf32, #tpu.memory_space<vmem>> -> memref<1x80x128xf32, #tpu.memory_space<vmem>>
          %dma_start3A_429 = tpu.memref_squeeze %dma_start3A_428 : memref<1x80x128xf32, #tpu.memory_space<vmem>> -> memref<80x128xf32, #tpu.memory_space<vmem>>
          %dma_start3A_430 = arith.constant 0 : i32
          %dma_start3A_431 = tpu.memref_slice %arg2[%add3A_419, %dma_start3A_430] : memref<320000x128xf32, #tpu.memory_space<hbm>> -> memref<80x128xf32, #tpu.memory_space<hbm>>
          tpu.enqueue_dma source(%dma_start3A_431 : memref<80x128xf32, #tpu.memory_space<hbm>>) target(%dma_start3A_429 : memref<80x128xf32, #tpu.memory_space<vmem>>) target_semaphore(%arg17 : memref<!tpu.dma_semaphore, #tpu.memory_space<semaphore_mem>>)
        } else {
        }
      } else {
      }
      %mul3A_368 = arith.constant 4 : i32
      %mul3A_369 = arith.muli %mul3A_368, %add3A_275 : i32
      %add3A_370 = arith.constant 2 : i32
      %add3A_371 = arith.addi %mul3A_369, %add3A_370 : i32
      %add3A_372 = arith.constant 4 : i32
      %add3A_373 = arith.addi %add3A_371, %add3A_372 : i32
      %get3A_374 = arith.constant 2 : i32
      %get3A_375 = arith.index_cast %get3A_374 : i32 to index
      %get3A_376 = arith.index_cast %add3A_371 : i32 to index
      %get3A_377 = memref.load %arg15[%get3A_375, %get3A_376] : memref<3x125xi32, #tpu.memory_space<smem>>
      %eq3A_378 = arith.constant 1 : i32
      %eq3A_379 = arith.cmpi eq, %get3A_377, %eq3A_378 : i32
      %convert_element_type3A_380 = arith.extui %eq3A_379 : i1 to i32
      %cond3A_381 = arith.constant 0 : i32
      %cond3A_382 = arith.cmpi ne, %convert_element_type3A_380, %cond3A_381 : i32
      scf.if %cond3A_382 {
        %dma_wait3A = arith.constant 2 : i32
        %dma_wait3A_408 = arith.constant 2 : i32
        %dma_wait3A_409 = arith.constant 0 : i32
        %dma_wait3A_410 = arith.constant 0 : i32
        %dma_wait3A_411 = tpu.memref_slice %arg7[%dma_wait3A, %dma_wait3A_409, %dma_wait3A_410] : memref<4x80x128xf32, #tpu.memory_space<vmem>> -> memref<1x80x128xf32, #tpu.memory_space<vmem>>
        %dma_wait3A_412 = tpu.memref_squeeze %dma_wait3A_411 : memref<1x80x128xf32, #tpu.memory_space<vmem>> -> memref<80x128xf32, #tpu.memory_space<vmem>>
        %dma_wait3A_413 = arith.constant 0 : i32
        %dma_wait3A_414 = tpu.memref_slice %arg14[%dma_wait3A_408, %dma_wait3A_413] : memref<4x80xi32, #tpu.memory_space<vmem>> -> memref<1x80xi32, #tpu.memory_space<vmem>>
        %dma_wait3A_415 = tpu.memref_squeeze %dma_wait3A_414 : memref<1x80xi32, #tpu.memory_space<vmem>> -> memref<80xi32, #tpu.memory_space<vmem>>
        %dma_wait3A_416 = arith.constant 0 : i32
        %dma_wait3A_417 = arith.constant 0 : i32
        %dma_wait3A_418 = tpu.memref_slice %arg24[%dma_wait3A_416, %dma_wait3A_417] : memref<3848x128xf32, #tpu.memory_space<vmem_shared>> -> memref<3848x128xf32, #tpu.memory_space<vmem_shared>>
        tpu.wait_indirect_dma semaphore(%arg22 : memref<!tpu.dma_semaphore, #tpu.memory_space<semaphore_mem>>) src(%dma_wait3A_412 : memref<80x128xf32, #tpu.memory_space<vmem>>) dst(%dma_wait3A_418 : memref<3848x128xf32, #tpu.memory_space<vmem_shared>>)
      } else {
      }
      %lt3A_383 = arith.constant 125 : i32
      %lt3A_384 = arith.cmpi slt, %add3A_373, %lt3A_383 : i32
      %convert_element_type3A_385 = arith.extui %lt3A_384 : i1 to i32
      %cond3A_386 = arith.constant 0 : i32
      %cond3A_387 = arith.cmpi ne, %convert_element_type3A_385, %cond3A_386 : i32
      scf.if %cond3A_387 {
        %get3A_408 = arith.constant 2 : i32
        %get3A_409 = arith.index_cast %get3A_408 : i32 to index
        %get3A_410 = arith.index_cast %add3A_373 : i32 to index
        %get3A_411 = memref.load %arg15[%get3A_409, %get3A_410] : memref<3x125xi32, #tpu.memory_space<smem>>
        %eq3A_412 = arith.constant 1 : i32
        %eq3A_413 = arith.cmpi eq, %get3A_411, %eq3A_412 : i32
        %convert_element_type3A_414 = arith.extui %eq3A_413 : i1 to i32
        %cond3A_415 = arith.constant 0 : i32
        %cond3A_416 = arith.cmpi ne, %convert_element_type3A_414, %cond3A_415 : i32
        scf.if %cond3A_416 {
          %mul3A_417 = arith.constant 80 : i32
          %mul3A_418 = arith.muli %add3A_373, %mul3A_417 : i32
          %add3A_419 = arith.addi %mul3A_2, %mul3A_418 : i32
          %dma_start3A = arith.constant 2 : i32
          %dma_start3A_420 = arith.constant 0 : i32
          %dma_start3A_421 = arith.constant 0 : i32
          %dma_start3A_422 = tpu.memref_slice %arg7[%dma_start3A, %dma_start3A_420, %dma_start3A_421] : memref<4x80x128xf32, #tpu.memory_space<vmem>> -> memref<1x80x128xf32, #tpu.memory_space<vmem>>
          %dma_start3A_423 = tpu.memref_squeeze %dma_start3A_422 : memref<1x80x128xf32, #tpu.memory_space<vmem>> -> memref<80x128xf32, #tpu.memory_space<vmem>>
          %dma_start3A_424 = arith.constant 0 : i32
          %dma_start3A_425 = tpu.memref_slice %arg2[%add3A_419, %dma_start3A_424] : memref<320000x128xf32, #tpu.memory_space<hbm>> -> memref<80x128xf32, #tpu.memory_space<hbm>>
          %dma_start3A_426 = arith.constant 0 : i32
          %dma_start3A_427 = arith.constant 0 : i32
          %dma_start3A_428 = tpu.memref_slice %arg7[%dma_start3A, %dma_start3A_426, %dma_start3A_427] : memref<4x80x128xf32, #tpu.memory_space<vmem>> -> memref<1x80x128xf32, #tpu.memory_space<vmem>>
          %dma_start3A_429 = tpu.memref_squeeze %dma_start3A_428 : memref<1x80x128xf32, #tpu.memory_space<vmem>> -> memref<80x128xf32, #tpu.memory_space<vmem>>
          %dma_start3A_430 = arith.constant 0 : i32
          %dma_start3A_431 = tpu.memref_slice %arg2[%add3A_419, %dma_start3A_430] : memref<320000x128xf32, #tpu.memory_space<hbm>> -> memref<80x128xf32, #tpu.memory_space<hbm>>
          tpu.enqueue_dma source(%dma_start3A_431 : memref<80x128xf32, #tpu.memory_space<hbm>>) target(%dma_start3A_429 : memref<80x128xf32, #tpu.memory_space<vmem>>) target_semaphore(%arg18 : memref<!tpu.dma_semaphore, #tpu.memory_space<semaphore_mem>>)
        } else {
        }
      } else {
      }
      %mul3A_388 = arith.constant 4 : i32
      %mul3A_389 = arith.muli %mul3A_388, %add3A_275 : i32
      %add3A_390 = arith.constant 3 : i32
      %add3A_391 = arith.addi %mul3A_389, %add3A_390 : i32
      %add3A_392 = arith.constant 4 : i32
      %add3A_393 = arith.addi %add3A_391, %add3A_392 : i32
      %get3A_394 = arith.constant 2 : i32
      %get3A_395 = arith.index_cast %get3A_394 : i32 to index
      %get3A_396 = arith.index_cast %add3A_391 : i32 to index
      %get3A_397 = memref.load %arg15[%get3A_395, %get3A_396] : memref<3x125xi32, #tpu.memory_space<smem>>
      %eq3A_398 = arith.constant 1 : i32
      %eq3A_399 = arith.cmpi eq, %get3A_397, %eq3A_398 : i32
      %convert_element_type3A_400 = arith.extui %eq3A_399 : i1 to i32
      %cond3A_401 = arith.constant 0 : i32
      %cond3A_402 = arith.cmpi ne, %convert_element_type3A_400, %cond3A_401 : i32
      scf.if %cond3A_402 {
        %dma_wait3A = arith.constant 3 : i32
        %dma_wait3A_408 = arith.constant 3 : i32
        %dma_wait3A_409 = arith.constant 0 : i32
        %dma_wait3A_410 = arith.constant 0 : i32
        %dma_wait3A_411 = tpu.memref_slice %arg7[%dma_wait3A, %dma_wait3A_409, %dma_wait3A_410] : memref<4x80x128xf32, #tpu.memory_space<vmem>> -> memref<1x80x128xf32, #tpu.memory_space<vmem>>
        %dma_wait3A_412 = tpu.memref_squeeze %dma_wait3A_411 : memref<1x80x128xf32, #tpu.memory_space<vmem>> -> memref<80x128xf32, #tpu.memory_space<vmem>>
        %dma_wait3A_413 = arith.constant 0 : i32
        %dma_wait3A_414 = tpu.memref_slice %arg14[%dma_wait3A_408, %dma_wait3A_413] : memref<4x80xi32, #tpu.memory_space<vmem>> -> memref<1x80xi32, #tpu.memory_space<vmem>>
        %dma_wait3A_415 = tpu.memref_squeeze %dma_wait3A_414 : memref<1x80xi32, #tpu.memory_space<vmem>> -> memref<80xi32, #tpu.memory_space<vmem>>
        %dma_wait3A_416 = arith.constant 0 : i32
        %dma_wait3A_417 = arith.constant 0 : i32
        %dma_wait3A_418 = tpu.memref_slice %arg24[%dma_wait3A_416, %dma_wait3A_417] : memref<3848x128xf32, #tpu.memory_space<vmem_shared>> -> memref<3848x128xf32, #tpu.memory_space<vmem_shared>>
        tpu.wait_indirect_dma semaphore(%arg23 : memref<!tpu.dma_semaphore, #tpu.memory_space<semaphore_mem>>) src(%dma_wait3A_412 : memref<80x128xf32, #tpu.memory_space<vmem>>) dst(%dma_wait3A_418 : memref<3848x128xf32, #tpu.memory_space<vmem_shared>>)
      } else {
      }
      %lt3A_403 = arith.constant 125 : i32
      %lt3A_404 = arith.cmpi slt, %add3A_393, %lt3A_403 : i32
      %convert_element_type3A_405 = arith.extui %lt3A_404 : i1 to i32
      %cond3A_406 = arith.constant 0 : i32
      %cond3A_407 = arith.cmpi ne, %convert_element_type3A_405, %cond3A_406 : i32
      scf.if %cond3A_407 {
        %get3A_408 = arith.constant 2 : i32
        %get3A_409 = arith.index_cast %get3A_408 : i32 to index
        %get3A_410 = arith.index_cast %add3A_393 : i32 to index
        %get3A_411 = memref.load %arg15[%get3A_409, %get3A_410] : memref<3x125xi32, #tpu.memory_space<smem>>
        %eq3A_412 = arith.constant 1 : i32
        %eq3A_413 = arith.cmpi eq, %get3A_411, %eq3A_412 : i32
        %convert_element_type3A_414 = arith.extui %eq3A_413 : i1 to i32
        %cond3A_415 = arith.constant 0 : i32
        %cond3A_416 = arith.cmpi ne, %convert_element_type3A_414, %cond3A_415 : i32
        scf.if %cond3A_416 {
          %mul3A_417 = arith.constant 80 : i32
          %mul3A_418 = arith.muli %add3A_393, %mul3A_417 : i32
          %add3A_419 = arith.addi %mul3A_2, %mul3A_418 : i32
          %dma_start3A = arith.constant 3 : i32
          %dma_start3A_420 = arith.constant 0 : i32
          %dma_start3A_421 = arith.constant 0 : i32
          %dma_start3A_422 = tpu.memref_slice %arg7[%dma_start3A, %dma_start3A_420, %dma_start3A_421] : memref<4x80x128xf32, #tpu.memory_space<vmem>> -> memref<1x80x128xf32, #tpu.memory_space<vmem>>
          %dma_start3A_423 = tpu.memref_squeeze %dma_start3A_422 : memref<1x80x128xf32, #tpu.memory_space<vmem>> -> memref<80x128xf32, #tpu.memory_space<vmem>>
          %dma_start3A_424 = arith.constant 0 : i32
          %dma_start3A_425 = tpu.memref_slice %arg2[%add3A_419, %dma_start3A_424] : memref<320000x128xf32, #tpu.memory_space<hbm>> -> memref<80x128xf32, #tpu.memory_space<hbm>>
          %dma_start3A_426 = arith.constant 0 : i32
          %dma_start3A_427 = arith.constant 0 : i32
          %dma_start3A_428 = tpu.memref_slice %arg7[%dma_start3A, %dma_start3A_426, %dma_start3A_427] : memref<4x80x128xf32, #tpu.memory_space<vmem>> -> memref<1x80x128xf32, #tpu.memory_space<vmem>>
          %dma_start3A_429 = tpu.memref_squeeze %dma_start3A_428 : memref<1x80x128xf32, #tpu.memory_space<vmem>> -> memref<80x128xf32, #tpu.memory_space<vmem>>
          %dma_start3A_430 = arith.constant 0 : i32
          %dma_start3A_431 = tpu.memref_slice %arg2[%add3A_419, %dma_start3A_430] : memref<320000x128xf32, #tpu.memory_space<hbm>> -> memref<80x128xf32, #tpu.memory_space<hbm>>
          tpu.enqueue_dma source(%dma_start3A_431 : memref<80x128xf32, #tpu.memory_space<hbm>>) target(%dma_start3A_429 : memref<80x128xf32, #tpu.memory_space<vmem>>) target_semaphore(%arg19 : memref<!tpu.dma_semaphore, #tpu.memory_space<semaphore_mem>>)
        } else {
        }
      } else {
      }
    }
    %scan3A_238 = arith.constant 31 : i32
    %get3A_239 = arith.constant 2 : i32
    %get3A_240 = arith.constant 124 : i32
    %get3A_241 = arith.index_cast %get3A_239 : i32 to index
    %get3A_242 = arith.index_cast %get3A_240 : i32 to index
    %get3A_243 = memref.load %arg15[%get3A_241, %get3A_242] : memref<3x125xi32, #tpu.memory_space<smem>>
    %eq3A_244 = arith.constant 1 : i32
    %eq3A_245 = arith.cmpi eq, %get3A_243, %eq3A_244 : i32
    %convert_element_type3A_246 = arith.extui %eq3A_245 : i1 to i32
    %cond3A_247 = arith.constant 0 : i32
    %cond3A_248 = arith.cmpi ne, %convert_element_type3A_246, %cond3A_247 : i32
    scf.if %cond3A_248 {
      %dma_wait3A = arith.constant 0 : i32
      %dma_wait3A_271 = arith.constant 0 : i32
      %dma_wait3A_272 = arith.constant 0 : i32
      %dma_wait3A_273 = tpu.memref_slice %arg7[%dma_wait3A, %dma_wait3A_271, %dma_wait3A_272] : memref<4x80x128xf32, #tpu.memory_space<vmem>> -> memref<1x80x128xf32, #tpu.memory_space<vmem>>
      %dma_wait3A_274 = tpu.memref_squeeze %dma_wait3A_273 : memref<1x80x128xf32, #tpu.memory_space<vmem>> -> memref<80x128xf32, #tpu.memory_space<vmem>>
      %dma_wait3A_275 = arith.constant 0 : i32
      %dma_wait3A_276 = tpu.memref_slice %arg2[%mul3A_2, %dma_wait3A_275] : memref<320000x128xf32, #tpu.memory_space<hbm>> -> memref<80x128xf32, #tpu.memory_space<hbm>>
      %dma_wait3A_277 = arith.constant 0 : i32
      %dma_wait3A_278 = arith.constant 0 : i32
      %dma_wait3A_279 = tpu.memref_slice %arg7[%dma_wait3A, %dma_wait3A_277, %dma_wait3A_278] : memref<4x80x128xf32, #tpu.memory_space<vmem>> -> memref<1x80x128xf32, #tpu.memory_space<vmem>>
      %dma_wait3A_280 = tpu.memref_squeeze %dma_wait3A_279 : memref<1x80x128xf32, #tpu.memory_space<vmem>> -> memref<80x128xf32, #tpu.memory_space<vmem>>
      %dma_wait3A_281 = arith.constant 0 : i32
      %dma_wait3A_282 = tpu.memref_slice %arg2[%mul3A_2, %dma_wait3A_281] : memref<320000x128xf32, #tpu.memory_space<hbm>> -> memref<80x128xf32, #tpu.memory_space<hbm>>
      tpu.wait_dma2 semaphore(%arg16 : memref<!tpu.dma_semaphore, #tpu.memory_space<semaphore_mem>>) src(%dma_wait3A_282 : memref<80x128xf32, #tpu.memory_space<hbm>>) dst(%dma_wait3A_280 : memref<80x128xf32, #tpu.memory_space<vmem>>)
      %scan3A_283 = arith.constant 0 : i32
      %scan3A_284 = arith.constant 5 : i32
      %scan3A_285 = arith.addi %scan3A_283, %scan3A_284 : i32
      %scan3A_286 = arith.constant 1 : i32
      scf.for %scan3A_311 = %scan3A_283 to %scan3A_285 step %scan3A_286  : i32 {
        %mul3A_312 = arith.constant 1 : i32
        %mul3A_313 = arith.muli %scan3A_311, %mul3A_312 : i32
        %add3A_314 = arith.constant 0 : i32
        %add3A_315 = arith.addi %add3A_314, %mul3A_313 : i32
        %mul3A_316 = arith.constant 16 : i32
        %mul3A_317 = arith.muli %add3A_315, %mul3A_316 : i32
        %get3A_318 = arith.constant 124 : i32
        %get3A_319 = arith.index_cast %get3A_318 : i32 to index
        %get3A_320 = arith.index_cast %mul3A_317 : i32 to index
        %get3A_321 = tpu.vector_load %arg8[%get3A_319, %get3A_320] {strides = array<i32>} : memref<125x80xi32, #tpu.memory_space<vmem>>, vector<16xi32>,
        %ge3A = arith.constant 7680 : i32
        %ge3A_322 = vector.broadcast %ge3A : i32 to vector<16xi32>
        %ge3A_323 = arith.cmpi sge, %get3A_321, %ge3A_322 : vector<16xi32>
        %lt3A_324 = arith.constant 11520 : i32
        %lt3A_325 = vector.broadcast %lt3A_324 : i32 to vector<16xi32>
        %lt3A_326 = arith.cmpi slt, %get3A_321, %lt3A_325 : vector<16xi32>
        %and3A = arith.andi %ge3A_323, %lt3A_326 : vector<16xi1>
        %sub3A = arith.constant 7680 : i32
        %sub3A_327 = vector.broadcast %sub3A : i32 to vector<16xi32>
        %sub3A_328 = arith.subi %get3A_321, %sub3A_327 : vector<16xi32>
        %jit3A = arith.constant 3840 : i32
        %broadcast_in_dim3A_329 = vector.broadcast %jit3A : i32 to vector<16xi32>
        %select_n3A = arith.select %and3A, %sub3A_328, %broadcast_in_dim3A_329 : vector<16xi1>, vector<16xi32>
        %mul3A_330 = arith.constant 16 : i32
        %mul3A_331 = arith.muli %add3A_315, %mul3A_330 : i32
        %swap3A_332 = arith.constant 0 : i32
        %swap3A_333 = arith.index_cast %swap3A_332 : i32 to index
        %swap3A_334 = arith.index_cast %mul3A_331 : i32 to index
        %swap3A_335 = tpu.vector_load %arg14[%swap3A_333, %swap3A_334] {strides = array<i32>} : memref<4x80xi32, #tpu.memory_space<vmem>>, vector<16xi32>,
        tpu.vector_store %arg14[%swap3A_333, %swap3A_334], %select_n3A {strides = array<i32>} : memref<4x80xi32, #tpu.memory_space<vmem>>, vector<16xi32>,
      }
      %scan3A_287 = arith.constant 5 : i32
      %dma_start3A = arith.constant 0 : i32
      %dma_start3A_288 = arith.constant 0 : i32
      %dma_start3A_289 = arith.constant 0 : i32
      %dma_start3A_290 = arith.constant 0 : i32
      %dma_start3A_291 = tpu.memref_slice %arg7[%dma_start3A, %dma_start3A_289, %dma_start3A_290] : memref<4x80x128xf32, #tpu.memory_space<vmem>> -> memref<1x80x128xf32, #tpu.memory_space<vmem>>
      %dma_start3A_292 = tpu.memref_squeeze %dma_start3A_291 : memref<1x80x128xf32, #tpu.memory_space<vmem>> -> memref<80x128xf32, #tpu.memory_space<vmem>>
      %dma_start3A_293 = arith.constant 0 : i32
      %dma_start3A_294 = tpu.memref_slice %arg14[%dma_start3A_288, %dma_start3A_293] : memref<4x80xi32, #tpu.memory_space<vmem>> -> memref<1x80xi32, #tpu.memory_space<vmem>>
      %dma_start3A_295 = tpu.memref_squeeze %dma_start3A_294 : memref<1x80xi32, #tpu.memory_space<vmem>> -> memref<80xi32, #tpu.memory_space<vmem>>
      %dma_start3A_296 = arith.constant 0 : i32
      %dma_start3A_297 = arith.constant 0 : i32
      %dma_start3A_298 = tpu.memref_slice %arg24[%dma_start3A_296, %dma_start3A_297] : memref<3848x128xf32, #tpu.memory_space<vmem_shared>> -> memref<3848x128xf32, #tpu.memory_space<vmem_shared>>
      tpu.enqueue_indirect_dma source(%dma_start3A_292 : memref<80x128xf32, #tpu.memory_space<vmem>>) target(%dma_start3A_298 : memref<3848x128xf32, #tpu.memory_space<vmem_shared>>) offsets(%dma_start3A_295 : memref<80xi32, #tpu.memory_space<vmem>>) semaphore(%arg20 : memref<!tpu.dma_semaphore, #tpu.memory_space<semaphore_mem>>) {add = true}
      %dma_wait3A_299 = arith.constant 0 : i32
      %dma_wait3A_300 = arith.constant 0 : i32
      %dma_wait3A_301 = arith.constant 0 : i32
      %dma_wait3A_302 = arith.constant 0 : i32
      %dma_wait3A_303 = tpu.memref_slice %arg7[%dma_wait3A_299, %dma_wait3A_301, %dma_wait3A_302] : memref<4x80x128xf32, #tpu.memory_space<vmem>> -> memref<1x80x128xf32, #tpu.memory_space<vmem>>
      %dma_wait3A_304 = tpu.memref_squeeze %dma_wait3A_303 : memref<1x80x128xf32, #tpu.memory_space<vmem>> -> memref<80x128xf32, #tpu.memory_space<vmem>>
      %dma_wait3A_305 = arith.constant 0 : i32
      %dma_wait3A_306 = tpu.memref_slice %arg14[%dma_wait3A_300, %dma_wait3A_305] : memref<4x80xi32, #tpu.memory_space<vmem>> -> memref<1x80xi32, #tpu.memory_space<vmem>>
      %dma_wait3A_307 = tpu.memref_squeeze %dma_wait3A_306 : memref<1x80xi32, #tpu.memory_space<vmem>> -> memref<80xi32, #tpu.memory_space<vmem>>
      %dma_wait3A_308 = arith.constant 0 : i32
      %dma_wait3A_309 = arith.constant 0 : i32
      %dma_wait3A_310 = tpu.memref_slice %arg24[%dma_wait3A_308, %dma_wait3A_309] : memref<3848x128xf32, #tpu.memory_space<vmem_shared>> -> memref<3848x128xf32, #tpu.memory_space<vmem_shared>>
      tpu.wait_indirect_dma semaphore(%arg20 : memref<!tpu.dma_semaphore, #tpu.memory_space<semaphore_mem>>) src(%dma_wait3A_304 : memref<80x128xf32, #tpu.memory_space<vmem>>) dst(%dma_wait3A_310 : memref<3848x128xf32, #tpu.memory_space<vmem_shared>>)
    } else {
    }
    %barrier3A_249 = arith.constant 0 : index
    tpu.barrier barrier_id(%barrier3A_249)
    %scan3A_250 = arith.constant 0 : i32
    %scan3A_251 = arith.constant 3 : i32
    %scan3A_252 = arith.addi %scan3A_250, %scan3A_251 : i32
    %scan3A_253 = arith.constant 1 : i32
    scf.for %scan3A_271 = %scan3A_250 to %scan3A_252 step %scan3A_253  : i32 {
      %mul3A_272 = arith.constant 1 : i32
      %mul3A_273 = arith.muli %scan3A_271, %mul3A_272 : i32
      %add3A_274 = arith.constant 0 : i32
      %add3A_275 = arith.addi %add3A_274, %mul3A_273 : i32
      %mul3A_276 = arith.constant 240 : i32
      %mul3A_277 = arith.muli %arg1, %mul3A_276 : i32
      %mul3A_278 = arith.constant 80 : i32
      %mul3A_279 = arith.muli %add3A_275, %mul3A_278 : i32
      %add3A_280 = arith.addi %mul3A_277, %mul3A_279 : i32
      %add3A_281 = arith.constant 7680 : i32
      %add3A_282 = arith.addi %add3A_281, %add3A_280 : i32
      "tpu.region"() ({
        %run_scoped3A_283 = tpu.sem_alloc : memref<!tpu.dma_semaphore, #tpu.memory_space<semaphore_mem>>
        %dma_start3A = arith.constant 0 : i32
        %dma_start3A_284 = tpu.memref_slice %arg5[%arg0, %add3A_282, %dma_start3A] : memref<2x11520x128xf32, #tpu.memory_space<hbm>> -> memref<1x80x128xf32, #tpu.memory_space<hbm>>
        %dma_start3A_285 = tpu.memref_squeeze %dma_start3A_284 : memref<1x80x128xf32, #tpu.memory_space<hbm>> -> memref<80x128xf32, #tpu.memory_space<hbm>>
        %dma_start3A_286 = arith.constant 0 : i32
        %dma_start3A_287 = tpu.memref_slice %arg24[%add3A_280, %dma_start3A_286] : memref<3848x128xf32, #tpu.memory_space<vmem_shared>> -> memref<80x128xf32, #tpu.memory_space<vmem_shared>>
        tpu.enqueue_dma source(%dma_start3A_287 : memref<80x128xf32, #tpu.memory_space<vmem_shared>>) target(%dma_start3A_285 : memref<80x128xf32, #tpu.memory_space<hbm>>) target_semaphore(%run_scoped3A_283 : memref<!tpu.dma_semaphore, #tpu.memory_space<semaphore_mem>>)
        %dma_wait3A = arith.constant 0 : i32
        %dma_wait3A_288 = tpu.memref_slice %arg5[%arg0, %add3A_282, %dma_wait3A] : memref<2x11520x128xf32, #tpu.memory_space<hbm>> -> memref<1x80x128xf32, #tpu.memory_space<hbm>>
        %dma_wait3A_289 = tpu.memref_squeeze %dma_wait3A_288 : memref<1x80x128xf32, #tpu.memory_space<hbm>> -> memref<80x128xf32, #tpu.memory_space<hbm>>
        %dma_wait3A_290 = arith.constant 0 : i32
        %dma_wait3A_291 = tpu.memref_slice %arg24[%add3A_280, %dma_wait3A_290] : memref<3848x128xf32, #tpu.memory_space<vmem_shared>> -> memref<80x128xf32, #tpu.memory_space<vmem_shared>>
        tpu.wait_dma2 semaphore(%run_scoped3A_283 : memref<!tpu.dma_semaphore, #tpu.memory_space<semaphore_mem>>) src(%dma_wait3A_291 : memref<80x128xf32, #tpu.memory_space<vmem_shared>>) dst(%dma_wait3A_289 : memref<80x128xf32, #tpu.memory_space<hbm>>)
        tpu.yield
      }) : () -> ()
    }
    %scan3A_254 = arith.constant 3 : i32
    %scan3A_255 = arith.constant 0 : i32
    %scan3A_256 = arith.constant 625 : i32
    %scan3A_257 = arith.addi %scan3A_255, %scan3A_256 : i32
    %scan3A_258 = arith.constant 1 : i32
    scf.for %scan3A_271 = %scan3A_255 to %scan3A_257 step %scan3A_258  : i32 {
      %mul3A_272 = arith.constant 1 : i32
      %mul3A_273 = arith.muli %scan3A_271, %mul3A_272 : i32
      %add3A_274 = arith.constant 0 : i32
      %add3A_275 = arith.addi %add3A_274, %mul3A_273 : i32
      %mul3A_276 = arith.constant 16 : i32
      %mul3A_277 = arith.muli %add3A_275, %mul3A_276 : i32
      %add3A_278 = arith.constant 16 : i32
      %add3A_279 = arith.addi %mul3A_277, %add3A_278 : i32
      %get3A_280 = arith.index_cast %add3A_279 : i32 to index
      %get3A_281 = tpu.vector_load %arg9[%get3A_280] {strides = array<i32>} : memref<10032xi32, #tpu.memory_space<vmem>>, vector<16xi32>,
      %add3A_282 = arith.constant 16 : i32
      %add3A_283 = arith.addi %mul3A_277, %add3A_282 : i32
      %sub3A = arith.constant 1 : i32
      %sub3A_284 = arith.subi %add3A_283, %sub3A : i32
      %get3A_285 = arith.index_cast %sub3A_284 : i32 to index
      %get3A_286 = tpu.vector_load %arg9[%get3A_285] {strides = array<i32>} : memref<10032xi32, #tpu.memory_space<vmem>>, vector<16xi32>,
      %add3A_287 = arith.constant 16 : i32
      %add3A_288 = arith.addi %mul3A_277, %add3A_287 : i32
      %add3A_289 = arith.constant 1 : i32
      %add3A_290 = arith.addi %add3A_288, %add3A_289 : i32
      %get3A_291 = arith.index_cast %add3A_290 : i32 to index
      %get3A_292 = tpu.vector_load %arg9[%get3A_291] {strides = array<i32>} : memref<10032xi32, #tpu.memory_space<vmem>>, vector<16xi32>,
      %add3A_293 = vector.broadcast %mul3A_277 : i32 to vector<16xi32>
      %add3A_294 = arith.addi %iota3A, %add3A_293 : vector<16xi32>
      %ne3A = arith.cmpi ne, %get3A_281, %get3A_286 : vector<16xi32>
      tpu.vector_store_idx %arg10[%get3A_281], %add3A_294 masked %ne3A : memref<10240xi32, #tpu.memory_space<vmem>>[vector<16xi32>], vector<16xi32>, vector<16xi1>
      %add3A_295 = arith.constant 1 : i32
      %add3A_296 = vector.broadcast %add3A_295 : i32 to vector<16xi32>
      %add3A_297 = arith.addi %add3A_294, %add3A_296 : vector<16xi32>
      %ne3A_298 = arith.cmpi ne, %get3A_281, %get3A_292 : vector<16xi32>
      tpu.vector_store_idx %arg11[%get3A_281], %add3A_297 masked %ne3A_298 : memref<10240xi32, #tpu.memory_space<vmem>>[vector<16xi32>], vector<16xi32>, vector<16xi1>
    }
    %scan3A_259 = arith.constant 625 : i32
    %scan3A_260 = arith.constant 0 : i32
    %scan3A_261 = arith.constant 640 : i32
    %scan3A_262 = arith.addi %scan3A_260, %scan3A_261 : i32
    %scan3A_263 = arith.constant 1 : i32
    scf.for %scan3A_271 = %scan3A_260 to %scan3A_262 step %scan3A_263  : i32 {
      %mul3A_272 = arith.constant 1 : i32
      %mul3A_273 = arith.muli %scan3A_271, %mul3A_272 : i32
      %add3A_274 = arith.constant 0 : i32
      %add3A_275 = arith.addi %add3A_274, %mul3A_273 : i32
      %mul3A_276 = arith.constant 16 : i32
      %mul3A_277 = arith.muli %add3A_275, %mul3A_276 : i32
      %get3A_278 = arith.index_cast %mul3A_277 : i32 to index
      %get3A_279 = tpu.vector_load %arg11[%get3A_278] {strides = array<i32>} : memref<10240xi32, #tpu.memory_space<vmem>>, vector<16xi32>,
      %mul3A_280 = arith.constant 16 : i32
      %mul3A_281 = arith.muli %add3A_275, %mul3A_280 : i32
      %get3A_282 = arith.index_cast %mul3A_281 : i32 to index
      %get3A_283 = tpu.vector_load %arg10[%get3A_282] {strides = array<i32>} : memref<10240xi32, #tpu.memory_space<vmem>>, vector<16xi32>,
      %sub3A = arith.subi %get3A_279, %get3A_283 : vector<16xi32>
      %convert_element_type3A_284 = arith.sitofp %sub3A : vector<16xi32> to vector<16xf32>
      %jit3A = arith.constant 8 : i32
      %div3A = arith.divsi %add3A_275, %jit3A : i32
      %sign3A = arith.constant 0 : i32
      %sign3A_285 = arith.cmpi sgt, %add3A_275, %sign3A : i32
      %sign3A_286 = arith.extui %sign3A_285 : i1 to i32
      %sign3A_287 = arith.constant 0 : i32
      %sign3A_288 = arith.cmpi slt, %add3A_275, %sign3A_287 : i32
      %sign3A_289 = arith.extui %sign3A_288 : i1 to i32
      %sign3A_290 = arith.subi %sign3A_286, %sign3A_289 : i32
      %sign3A_291 = arith.constant 0 : i32
      %sign3A_292 = arith.cmpi sgt, %jit3A, %sign3A_291 : i32
      %sign3A_293 = arith.extui %sign3A_292 : i1 to i32
      %sign3A_294 = arith.constant 0 : i32
      %sign3A_295 = arith.cmpi slt, %jit3A, %sign3A_294 : i32
      %sign3A_296 = arith.extui %sign3A_295 : i1 to i32
      %sign3A_297 = arith.subi %sign3A_293, %sign3A_296 : i32
      %ne3A = arith.cmpi ne, %sign3A_290, %sign3A_297 : i32
      %rem3A = arith.remsi %add3A_275, %jit3A : i32
      %ne3A_298 = arith.constant 0 : i32
      %ne3A_299 = arith.cmpi ne, %rem3A, %ne3A_298 : i32
      %and3A = arith.andi %ne3A, %ne3A_299 : i1
      %sub3A_300 = arith.constant 1 : i32
      %sub3A_301 = arith.subi %div3A, %sub3A_300 : i32
      %select_n3A = arith.select %and3A, %sub3A_301, %div3A : i32
      %jit3A_302 = arith.constant 8 : i32
      %eq3A_303 = arith.constant 0 : i32
      %eq3A_304 = arith.cmpi eq, %jit3A_302, %eq3A_303 : i32
      %jit3A_305 = arith.constant 1 : i32
      %select_n3A_306 = arith.select %eq3A_304, %jit3A_305, %jit3A_302 : i32
      %rem3A_307 = arith.remsi %add3A_275, %select_n3A_306 : i32
      %ne3A_308 = arith.constant 0 : i32
      %ne3A_309 = arith.cmpi ne, %rem3A_307, %ne3A_308 : i32
      %lt3A_310 = arith.constant 0 : i32
      %lt3A_311 = arith.cmpi slt, %rem3A_307, %lt3A_310 : i32
      %lt3A_312 = arith.constant 0 : i32
      %lt3A_313 = arith.cmpi slt, %select_n3A_306, %lt3A_312 : i32
      %ne3A_314 = arith.xori %lt3A_311, %lt3A_313 : i1
      %and3A_315 = arith.andi %ne3A_314, %ne3A_309 : i1
      %add3A_316 = arith.addi %rem3A_307, %select_n3A_306 : i32
      %select_n3A_317 = arith.select %and3A_315, %add3A_316, %rem3A_307 : i32
      %mul3A_318 = arith.constant 16 : i32
      %mul3A_319 = arith.muli %select_n3A_317, %mul3A_318 : i32
      %swap3A_320 = arith.index_cast %select_n3A : i32 to index
      %swap3A_321 = arith.index_cast %mul3A_319 : i32 to index
      %swap3A_322 = tpu.vector_load %arg12[%swap3A_320, %swap3A_321] {strides = array<i32>} : memref<80x128xf32, #tpu.memory_space<vmem>>, vector<16xf32>,
      tpu.vector_store %arg12[%swap3A_320, %swap3A_321], %convert_element_type3A_284 {strides = array<i32>} : memref<80x128xf32, #tpu.memory_space<vmem>>, vector<16xf32>,
    }
    %scan3A_264 = arith.constant 640 : i32
    %run_scoped3A = arith.constant 0 : i32
    "tpu.region"() ({
      %run_scoped3A_271 = tpu.sem_alloc : memref<!tpu.dma_semaphore, #tpu.memory_space<semaphore_mem>>
      %dma_start3A = arith.constant 0 : i32
      %dma_start3A_272 = tpu.memref_slice %arg13[%run_scoped3A, %dma_start3A] : memref<1x80xi32, #tpu.memory_space<vmem>> -> memref<1x80xi32, #tpu.memory_space<vmem>>
      %dma_start3A_273 = tpu.memref_squeeze %dma_start3A_272 : memref<1x80xi32, #tpu.memory_space<vmem>> -> memref<80xi32, #tpu.memory_space<vmem>>
      %dma_start3A_274 = arith.constant 0 : i32
      %dma_start3A_275 = arith.constant 0 : i32
      %dma_start3A_276 = tpu.memref_slice %arg25[%dma_start3A_274, %dma_start3A_275] : memref<80x128xf32, #tpu.memory_space<vmem_shared>> -> memref<80x128xf32, #tpu.memory_space<vmem_shared>>
      tpu.enqueue_indirect_dma source(%arg12 : memref<80x128xf32, #tpu.memory_space<vmem>>) target(%dma_start3A_276 : memref<80x128xf32, #tpu.memory_space<vmem_shared>>) offsets(%dma_start3A_273 : memref<80xi32, #tpu.memory_space<vmem>>) semaphore(%run_scoped3A_271 : memref<!tpu.dma_semaphore, #tpu.memory_space<semaphore_mem>>) {add = true}
      %dma_wait3A = arith.constant 0 : i32
      %dma_wait3A_277 = tpu.memref_slice %arg13[%run_scoped3A, %dma_wait3A] : memref<1x80xi32, #tpu.memory_space<vmem>> -> memref<1x80xi32, #tpu.memory_space<vmem>>
      %dma_wait3A_278 = tpu.memref_squeeze %dma_wait3A_277 : memref<1x80xi32, #tpu.memory_space<vmem>> -> memref<80xi32, #tpu.memory_space<vmem>>
      %dma_wait3A_279 = arith.constant 0 : i32
      %dma_wait3A_280 = arith.constant 0 : i32
      %dma_wait3A_281 = tpu.memref_slice %arg25[%dma_wait3A_279, %dma_wait3A_280] : memref<80x128xf32, #tpu.memory_space<vmem_shared>> -> memref<80x128xf32, #tpu.memory_space<vmem_shared>>
      tpu.wait_indirect_dma semaphore(%run_scoped3A_271 : memref<!tpu.dma_semaphore, #tpu.memory_space<semaphore_mem>>) src(%arg12 : memref<80x128xf32, #tpu.memory_space<vmem>>) dst(%dma_wait3A_281 : memref<80x128xf32, #tpu.memory_space<vmem_shared>>)
      tpu.yield
    }) : () -> ()
    %barrier3A_265 = arith.constant 0 : index
    tpu.barrier barrier_id(%barrier3A_265)
    %lt3A_266 = arith.constant 10 : i32
    %lt3A_267 = arith.cmpi slt, %arg1, %lt3A_266 : i32
    %convert_element_type3A_268 = arith.extui %lt3A_267 : i1 to i32
    %cond3A_269 = arith.constant 0 : i32
    %cond3A_270 = arith.cmpi ne, %convert_element_type3A_268, %cond3A_269 : i32
    scf.if %cond3A_270 {
      %mul3A_271 = arith.constant 8 : i32
      %mul3A_272 = arith.muli %arg1, %mul3A_271 : i32
      %mul3A_273 = arith.constant 8 : i32
      %mul3A_274 = arith.muli %arg1, %mul3A_273 : i32
      "tpu.region"() ({
        %run_scoped3A_275 = tpu.sem_alloc : memref<!tpu.dma_semaphore, #tpu.memory_space<semaphore_mem>>
        %dma_start3A = arith.constant 0 : i32
        %dma_start3A_276 = tpu.memref_slice %arg6[%arg0, %mul3A_274, %dma_start3A] : memref<2x80x128xf32, #tpu.memory_space<hbm>> -> memref<1x8x128xf32, #tpu.memory_space<hbm>>
        %dma_start3A_277 = tpu.memref_squeeze %dma_start3A_276 : memref<1x8x128xf32, #tpu.memory_space<hbm>> -> memref<8x128xf32, #tpu.memory_space<hbm>>
        %dma_start3A_278 = arith.constant 0 : i32
        %dma_start3A_279 = tpu.memref_slice %arg25[%mul3A_272, %dma_start3A_278] : memref<80x128xf32, #tpu.memory_space<vmem_shared>> -> memref<8x128xf32, #tpu.memory_space<vmem_shared>>
        tpu.enqueue_dma source(%dma_start3A_279 : memref<8x128xf32, #tpu.memory_space<vmem_shared>>) target(%dma_start3A_277 : memref<8x128xf32, #tpu.memory_space<hbm>>) target_semaphore(%run_scoped3A_275 : memref<!tpu.dma_semaphore, #tpu.memory_space<semaphore_mem>>)
        %dma_wait3A = arith.constant 0 : i32
        %dma_wait3A_280 = tpu.memref_slice %arg6[%arg0, %mul3A_274, %dma_wait3A] : memref<2x80x128xf32, #tpu.memory_space<hbm>> -> memref<1x8x128xf32, #tpu.memory_space<hbm>>
        %dma_wait3A_281 = tpu.memref_squeeze %dma_wait3A_280 : memref<1x8x128xf32, #tpu.memory_space<hbm>> -> memref<8x128xf32, #tpu.memory_space<hbm>>
        %dma_wait3A_282 = arith.constant 0 : i32
        %dma_wait3A_283 = tpu.memref_slice %arg25[%mul3A_272, %dma_wait3A_282] : memref<80x128xf32, #tpu.memory_space<vmem_shared>> -> memref<8x128xf32, #tpu.memory_space<vmem_shared>>
        tpu.wait_dma2 semaphore(%run_scoped3A_275 : memref<!tpu.dma_semaphore, #tpu.memory_space<semaphore_mem>>) src(%dma_wait3A_283 : memref<8x128xf32, #tpu.memory_space<vmem_shared>>) dst(%dma_wait3A_281 : memref<8x128xf32, #tpu.memory_space<hbm>>)
        tpu.yield
      }) : () -> ()
    } else {
    }
    return
  }
}

module attributes {stable_mosaic.version = 14 : i64} {
  func.func @_tc_body(%arg0: i32, %arg1: memref<128x128xf32, #tpu.memory_space<vmem>>, %arg2: memref<128x128xf32, #tpu.memory_space<vmem>>, %arg3: memref<1x1x128xf32, #tpu.memory_space<vmem>>, %arg4: memref<1x1x128xf32, #tpu.memory_space<vmem>>, %arg5: memref<128x128xf32, #tpu.memory_space<vmem>>) attributes {dimension_semantics = [#tpu.dimension_semantics<arbitrary>], iteration_bounds = array<i64: 79>, scalar_prefetch = 0 : i64, scratch_operands = 0 : i64, tpu.core_type = #tpu.core_type<tc>, window_params = [{transform_indices = @transform_0, window_bounds = array<i64: 128, 128>}, {transform_indices = @transform_1, window_bounds = array<i64: 128, 128>}, {transform_indices = @transform_2, window_bounds = array<i64: 1, 1, 128>}, {transform_indices = @transform_3, window_bounds = array<i64: 1, 1, 128>}, {transform_indices = @transform_4, window_bounds = array<i64: 128, 128>}]} {
    %get3A = arith.constant 0 : index
    %get3A_0 = arith.constant 0 : index
    %get3A_1 = arith.constant 0 : index
    %get3A_2 = vector.load %arg3[%get3A, %get3A_0, %get3A_1] : memref<1x1x128xf32, #tpu.memory_space<vmem>>, vector<1x1x128xf32>
    %get3A_3 = vector.shape_cast %get3A_2 : vector<1x1x128xf32> to vector<128xf32>
    %get3A_4 = arith.constant 0 : index
    %get3A_5 = arith.constant 0 : index
    %get3A_6 = arith.constant 0 : index
    %get3A_7 = vector.load %arg4[%get3A_4, %get3A_5, %get3A_6] : memref<1x1x128xf32, #tpu.memory_space<vmem>>, vector<1x1x128xf32>
    %get3A_8 = vector.shape_cast %get3A_7 : vector<1x1x128xf32> to vector<128xf32>
    %add3A = arith.addf %get3A_3, %get3A_8 : vector<128xf32>
    %max3A = arith.constant 1.000000e+00 : f32
    %max3A_9 = vector.broadcast %max3A : f32 to vector<128xf32>
    %max3A_10 = arith.maximumf %add3A, %max3A_9 : vector<128xf32>
    %div3A = arith.constant 1.000000e+00 : f32
    %div3A_11 = vector.broadcast %div3A : f32 to vector<128xf32>
    %div3A_12 = arith.divf %div3A_11, %max3A_10 : vector<128xf32>
    %reshape3A = vector.shape_cast %div3A_12 : vector<128xf32> to vector<128x1xf32>
    %get3A_13 = arith.constant 0 : index
    %get3A_14 = arith.constant 0 : index
    %get3A_15 = vector.load %arg1[%get3A_13, %get3A_14] : memref<128x128xf32, #tpu.memory_space<vmem>>, vector<128x128xf32>
    %get3A_16 = arith.constant 0 : index
    %get3A_17 = arith.constant 0 : index
    %get3A_18 = vector.load %arg2[%get3A_16, %get3A_17] : memref<128x128xf32, #tpu.memory_space<vmem>>, vector<128x128xf32>
    %add3A_19 = arith.addf %get3A_15, %get3A_18 : vector<128x128xf32>
    %mul3A = vector.broadcast %reshape3A : vector<128x1xf32> to vector<128x128xf32>
    %mul3A_20 = arith.mulf %add3A_19, %mul3A : vector<128x128xf32>
    %logistic3A = arith.negf %mul3A_20 : vector<128x128xf32>
    %logistic3A_21 = math.exp %logistic3A : vector<128x128xf32>
    %logistic3A_22 = arith.constant 1.000000e+00 : f32
    %logistic3A_23 = vector.broadcast %logistic3A_22 : f32 to vector<128x128xf32>
    %logistic3A_24 = arith.addf %logistic3A_23, %logistic3A_21 : vector<128x128xf32>
    %logistic3A_25 = arith.divf %logistic3A_23, %logistic3A_24 : vector<128x128xf32>
    %swap3A = arith.constant 0 : index
    %swap3A_26 = arith.constant 0 : index
    %swap3A_27 = vector.load %arg5[%swap3A, %swap3A_26] : memref<128x128xf32, #tpu.memory_space<vmem>>, vector<128x128xf32>
    tpu.vector_store %arg5[%swap3A, %swap3A_26], %logistic3A_25 {strides = array<i32>} : memref<128x128xf32, #tpu.memory_space<vmem>>, vector<128x128xf32>,
    return
  }
  func.func @transform_0(%arg0: i32) -> (i32, i32) {
    %c0_i32 = arith.constant 0 : i32
    %c0_i32_0 = arith.constant 0 : i32
    return %arg0, %c0_i32 : i32, i32
  }
  func.func @transform_1(%arg0: i32) -> (i32, i32) {
    %c0_i32 = arith.constant 0 : i32
    %c0_i32_0 = arith.constant 0 : i32
    return %arg0, %c0_i32 : i32, i32
  }
  func.func @transform_2(%arg0: i32) -> (i32, i32, i32) {
    %c0_i32 = arith.constant 0 : i32
    %c0_i32_0 = arith.constant 0 : i32
    %c0_i32_1 = arith.constant 0 : i32
    return %arg0, %c0_i32, %c0_i32_0 : i32, i32, i32
  }
  func.func @transform_3(%arg0: i32) -> (i32, i32, i32) {
    %c0_i32 = arith.constant 0 : i32
    %c0_i32_0 = arith.constant 0 : i32
    %c0_i32_1 = arith.constant 0 : i32
    return %arg0, %c0_i32, %c0_i32_0 : i32, i32, i32
  }
  func.func @transform_4(%arg0: i32) -> (i32, i32) {
    %c0_i32 = arith.constant 0 : i32
    %c0_i32_0 = arith.constant 0 : i32
    return %arg0, %c0_i32 : i32, i32
  }
}

</mosaic_0001>

<sc_bundles>
// kernel: kernel.4.cloned.1.call-start
scs
__scs_entry_jumppad:
0x0: {  	(pc) =	sbr.rel $0x88, $3  }
0x1: {  	(tag) =	ssettag $0x0;
	lr =	simm.s32 $0x1  }
0x2: {  	[smem:$0x3F9F] =	sst lr;
	_ =	strace $0xD0000000  }
0x3: {  	_ = 	snop  }
0x4: {  	_ = 	snop  }
0x5: {  	_ = 	snop  }
0x6: {  	_ = 	snop  }
0x7: {  	_ = 	snop  }
__scs_overlays_trampoline_lowered:
0x8: {  	[smem:$0x3FAE] =	sst s0  }
0x9: {  	[smem:$0x3FAF] =	sst s1  }
0xa: {  	[smem:$0x3FB0] =	sst s2  }
0xb: {  	[smem:$0x3FB1] =	sst s3  }
0xc: {  	[smem:$0x3FB2] =	sst s4  }
0xd: {  	[smem:$0x3FB3] =	sst s5  }
0xe: {  	[smem:$0x3FB4] =	sst s6  }
0xf: {  	[smem:$0x3FB5] =	sst s7  }
0x10: {  	[smem:$0x3FB6] =	sst s8  }
0x11: {  	[smem:$0x3FB7] =	sst s9;
	s0 =	simm.s32 @!p0 $0x0  }
0x12: {  	s1 =	sld [smem:$0x3F9D];
	s0 =	simm.s32 @p0 $0x1  }
0x13: {  	[smem:$0x3FB8] =	sst s0;
	s0 =	simm.s32 @!p1 $0x0  }
0x14: {  	s2 =	sld [smem:$0x3F9C];
	s0 =	simm.s32 @p1 $0x1  }
0x15: {  	[smem:$0x3FB9] =	sst s0;
	s0 =	simm.s32 @!p2 $0x0  }
0x16: {  	s3 =	sld [smem:$0x3FDB];
	s0 =	simm.s32 @p2 $0x1  }
0x17: {  	s4 =	simm.s32 $0x1BF5;
	[smem:$0x3FBB] =	sst s0  }
0x18: {  	s0 =	sld [smem:$0x3F9E];
	_ =	swait.ge [sflag:s4], $0x0  }
0x19: {  	s7 =	sld [smem:$0x3F9F]  }
0x1a: {  	s8 =	sadd.s32 $0xFFFFE003, lr  }
0x1b: {  	s9 =	sadd.s32 $0xFFFFFEF7, lr;
	s5 =	simm.s32 $0xFFFFFFFF;
	p2 =	slt.u32 s8, $0xFFFFF086  }
0x1c: {  	p1 =	slt.u32 s9, $0xF7A;
	s5 =	simm.s32 @!p2 $0x0  }
0x1d: {  	s5 =	simm.s32 @p1 $0x1;
	p0 =	seq.s32 s7, s2  }
0x1e: {  	s7 =	smul.u32 @!p0 $0xF7A, s2;
	p2 =	seq.s32 @!p0 s5, $0x0  }
0x1f: {  	s9 =	smul.u32 $0xF7A, s1;
	s8 =	simm.s32 @!p0 $0x1BF5;
	p2 =	por !p2, p0  }
0x20: {  	[sflag:s8] =	ssyncset.s32 @!p0 $0xFFFFF086;
	s6 =	sadd.s32 @!p0 s3, s7;
	s7 =	simm.s32 @!p0 $0x108  }
0x21: {  	s3 =	sadd.s32 s3, s9;
	s6 =	sadd.s32 @!p0 $0x88, s6;
	s7 =	simm.s32 @p2 $0x1082  }
0x22: {  	[simem:s7], [sflag:s8] =	dma.local @!p0 [hbm:s6], $0xF7A  }
0x23: {  	s9 =	sor.u32 $0xD0000000, s2;
	s6 =	simm.s32 $0x108;
	_ =	swait.ge @!p0 [sflag:s8], $0x0  }
0x24: {  	s3 =	sadd.s32 $0x88, s3;
	s6 =	simm.s32 @!p1 $0x1082;
	[sflag:s4] =	ssyncset.s32 $0xFFFFF086  }
0x25: {  	[simem:s6], [sflag:s4] =	dma.local [hbm:s3], $0xF7A  }
0x26: {  	[smem:$0x3F9F] =	sst s1;
	(tag) =	ssettag s2;
	_ =	strace s9  }
0x27: {  	s1 =	sld [smem:$0x3FAF]  }
0x28: {  	s2 =	sld [smem:$0x3FB0]  }
0x29: {  	s4 =	sld [smem:$0x3FB2]  }
0x2a: {  	p0 =	seq.s32 s5, $0x0;
	s5 =	sld [smem:$0x3FB3]  }
0x2b: {  	s6 =	sld [smem:$0x3FB4]  }
0x2c: {  	s7 =	sld [smem:$0x3FB5]  }
0x2d: {  	s3 =	simm.s32 $0x108;
	s8 =	sld [smem:$0x3FB6]  }
0x2e: {  	s3 =	simm.s32 @!p0 $0x1082;
	s9 =	sld [smem:$0x3FB7]  }
0x2f: {  	lr =	sadd.s32 s0, s3;
	s0 =	sld [smem:$0x3FAE]  }
0x30: {  	s3 =	sld [smem:$0x3FB1]  }
0x31: {  	[smem:$0x3FBA] =	sst s10  }
0x32: {  	s10 =	sld [smem:$0x3FB8];
	_ =	sdelay $0x3  }
0x33: {  	p0 =	seq.s32 s10, $0x1;
	s10 =	sld [smem:$0x3FBA];
	_ =	sdelay $0x3  }
0x34: {  	[smem:$0x3FBA] =	sst s10  }
0x35: {  	s10 =	sld [smem:$0x3FB9];
	_ =	sdelay $0x3  }
0x36: {  	p1 =	seq.s32 s10, $0x1;
	s10 =	sld [smem:$0x3FBA];
	_ =	sdelay $0x3  }
0x37: {  	[smem:$0x3FBA] =	sst s10  }
0x38: {  	s10 =	sld [smem:$0x3FBB]  }
0x39: {  	_ = 	snop;
	(pc) =	sbr.ind lr, $3  }
0x3a: {  	_ = 	snop  }
0x3b: {  	_ = 	snop  }
0x3c: {  	p2 =	seq.s32 s10, $0x1;
	s10 =	sld [smem:$0x3FBA]  }
0x3d: {  	_ =	shalt  }
0x3e: {  	_ =	shalt  }
0x3f: {  	_ =	shalt  }
0x40: {  	_ =	shalt  }
0x41: {  	_ =	shalt  }
0x42: {  	_ =	shalt  }
0x43: {  	_ =	shalt  }
0x44: {  	_ =	shalt  }
0x45: {  	_ =	shalt  }
0x46: {  	_ =	shalt  }
0x47: {  	_ =	shalt  }
0x48: {  	_ =	shalt  }
0x49: {  	_ =	shalt  }
0x4a: {  	_ =	shalt  }
0x4b: {  	_ =	shalt  }
0x4c: {  	_ =	shalt  }
0x4d: {  	_ =	shalt  }
0x4e: {  	_ =	shalt  }
0x4f: {  	_ =	shalt  }
0x50: {  	_ =	shalt  }
0x51: {  	_ =	shalt  }
0x52: {  	_ =	shalt  }
0x53: {  	_ =	shalt  }
0x54: {  	_ =	shalt  }
0x55: {  	_ =	shalt  }
0x56: {  	_ =	shalt  }
0x57: {  	_ =	shalt  }
0x58: {  	_ =	shalt  }
0x59: {  	_ =	shalt  }
0x5a: {  	_ =	shalt  }
0x5b: {  	_ =	shalt  }
0x5c: {  	_ =	shalt  }
0x5d: {  	_ =	shalt  }
0x5e: {  	_ =	shalt  }
0x5f: {  	_ =	shalt  }
0x60: {  	_ =	shalt  }
0x61: {  	_ =	shalt  }
0x62: {  	_ =	shalt  }
0x63: {  	_ =	shalt  }
0x64: {  	_ =	shalt  }
0x65: {  	_ =	shalt  }
0x66: {  	_ =	shalt  }
0x67: {  	_ =	shalt  }
0x68: {  	_ =	shalt  }
0x69: {  	_ =	shalt  }
0x6a: {  	_ =	shalt  }
0x6b: {  	_ =	shalt  }
0x6c: {  	_ =	shalt  }
0x6d: {  	_ =	shalt  }
0x6e: {  	_ =	shalt  }
0x6f: {  	_ =	shalt  }
0x70: {  	_ =	shalt  }
0x71: {  	_ =	shalt  }
0x72: {  	_ =	shalt  }
0x73: {  	_ =	shalt  }
0x74: {  	_ =	shalt  }
0x75: {  	_ =	shalt  }
0x76: {  	_ =	shalt  }
0x77: {  	_ =	shalt  }
0x78: {  	_ =	shalt  }
0x79: {  	_ =	shalt  }
0x7a: {  	_ =	shalt  }
0x7b: {  	_ =	shalt  }
0x7c: {  	_ =	shalt  }
0x7d: {  	_ =	shalt  }
0x7e: {  	_ =	shalt  }
0x7f: {  	_ =	shalt  }
0x80: {  	_ =	shalt  }
0x81: {  	_ =	shalt  }
0x82: {  	_ =	shalt  }
0x83: {  	_ =	shalt  }
0x84: {  	_ =	shalt  }
0x85: {  	_ =	shalt  }
0x86: {  	_ =	shalt  }
0x87: {  	_ =	shalt  }
.Lfunc_end0:
.L_simem_size_0:
called_computation_lowered:
.L_overlay_start_0:
0x88: {  	s2 =	sld [smem:$0x3FD9]  }
0x89: {  	s3 =	sld [smem:$0x3FFE];
	_ =	sdelay $0x1  }
0x8a: {  	s1 =	srdreg.scid  }
0x8b: {  	s0 =	sand.u32 $0x1, s1  }
0x8c: {  	s17 =	sshll.u32 s0, $0xA;
	s2 =	sadd.s32 s3, s2  }
0x8d: {  	s2 =	sadd.s32 s2, s17  }
0x8e: {  	[smem:$0x3FC6] =	sst s2  }
0x8f: {  	_ = 	snop  }
0x90: {  	s2 =	sld [smem:$0x3FC9]  }
0x91: {  	s18 =	sld [smem:$0x3FC8]  }
0x92: {  	s4 =	sld [smem:$0x3FD0];
	(tm) =	ssettm $0x1  }
0x93: {  	s5 =	sld [smem:$0x3FFB];
	_ =	sdelay $0x3  }
0x94: {  	_ =	strace s5  }
0x95: {  	s5 =	sld [smem:$0x3FFC];
	_ =	sdelay $0x3  }
0x96: {  	_ =	strace s5  }
0x97: {  	s5 =	sld [smem:$0x3FFD];
	_ =	sdelay $0x3  }
0x98: {  	_ =	strace s5  }
0x99: {  	_ =	strace $0x8FFFFFFF  }
0x9a: {  	s19 =	sld [smem:$0x3FDB];
	_ =	sdelay $0x1  }
0x9b: {  	s6 =	simm.s32 $_scs_section_size  }
0x9c: {  	s7 =	simm.s32 $_size__tile_overlayer_lowered;
	s8 =	simm.s32 $_tile_overlayer_lowered  }
0x9d: {  	s22 =	simm.s32 $0x1BFF;
	s21 =	sshll.u32 s8, $0x1;
	s5 =	sadd.s32 s6, s19  }
0x9e: {  	s9 =	simm.s32 $0x0;
	s20 =	sshll.u32 s7, $0x1;
	s7 =	sadd.s32 s21, s5  }
0x9f: {  	[timem:s9], [sflag:s22] =	dma.local [hbm:s7], s20  }
0xa0: {  	_ =	swait.ge [sflag:s22], s20  }
0xa1: {  	s6 =	ssub.s32 $0x0, s20;
	[sflag:s22] =	ssyncset.done $0x0  }
0xa2: {  	[sflag:s22] =	ssyncadd.s32 s6;
	_ =	sdelay $0x1  }
0xa3: {  	s23 =	simm.s32 $0x1B8B  }
0xa4: {  	_ =	swait.ge [sflag:s23], $0x1  }
0xa5: {  	[sflag:s23] =	ssyncset.done $0x0  }
0xa6: {  	s25 =	simm.s32 $0x1B8E;
	s24 =	sld [smem:$0x3FFE];
	[sflag:s23] =	ssyncadd.s32 $0xFFFFFFFF  }
0xa7: {  	s26 =	simm.s32 $execute0_lowered;
	[smem:$0x3FD2] =	sst s25  }
0xa8: {  	s7 =	sshll.u32 s26, $0x1;
	_ =	strace $0x80000046;
	[dreg:$0x1] =	wrdreg $0xFFFFFFFF  }
0xa9: {  	s28 =	simm.s32 $_size_execute0_lowered;
	s5 =	sadd.s32 s5, s7;
	[dreg:$0x0] =	wrdreg $0x0  }
0xaa: {  	s7 =	sshll.u32 s28, $0x1;
	[dreg:$0x2] =	wrdreg s5  }
0xab: {  	[dreg:$0x3] =	wrdreg s7  }
0xac: {  	[dreg:$0x4] =	wrdreg $0xC0  }
0xad: {  	_ =	task [dreg:s9], $0x5FFFF  }
0xae: {  	[dreg:$0x1] =	wrdreg $0xFFFFFFFF  }
0xaf: {  	[dreg:$0x0] =	wrdreg $0x60  }
0xb0: {  	[dreg:$0x2] =	wrdreg s2  }
0xb1: {  	[dreg:$0x3] =	wrdreg s18  }
0xb2: {  	[dreg:$0x4] =	wrdreg s4  }
0xb3: {  	[dreg:$0x5] =	wrdreg s24  }
0xb4: {  	[dreg:$0x6] =	wrdreg $0x182000  }
0xb5: {  	[dreg:$0x7] =	wrdreg $0x1FA400  }
0xb6: {  	[dreg:$0x8] =	wrdreg $0x9  }
0xb7: {  	_ =	task.clear_ibuf [dreg:s9], $0x9FFFF;
	_ =	strace $0x90000046  }
0xb8: {  	s29 =	simm.s32 $0x9;
	_ =	strace $0x80000048  }
0xb9: {  	_ =	swait.ge [sflag:s29], $0x1  }
0xba: {  	[sflag:s29] =	ssyncadd.s32 $0xFFFFFFFF  }
0xbb: {  	_ =	strace $0x90000048  }
0xbc: {  	_ =	sfence  }
0xbd: {  	s30 =	sld [smem:$0x0];
	_ =	sdelay $0x2  }
0xbe: {  	s31 =	sshll.u32 s1, $0xD;
	s1 =	sshrl.u32 s1, $0x2  }
0xbf: {  	s3 =	sand.u32 $0x4000, s31;
	s1 =	sadd.s32 s1, s30  }
0xc0: {  	s0 =	sor.u32 s3, s0;
	s1 =	sshll.u32 s1, $0x11  }
0xc1: {  	s0 =	sor.u32 s1, s0  }
0xc2: {  	s0 =	sadd.s32 $0x8F2B, s0  }
0xc3: {  	[sflag:s0] =	ssyncadd.remote.s32 $0x1  }
0xc4: {  	_ =	sfence.sel $0xFFFF  }
0xc5: {  	[dreg:$0x0] =	wrdreg $0xFFFFFFFF;
	(pc) =	sbr.abs _section_cstart, $3  }
0xc6: {  	[dreg:$0x1] =	wrdreg $0xFFFFFFFF  }
0xc7: {  	_ =	task.clear_ibuf [dreg:s9], $0x2FFFF;
	_ =	strace $0x9FFFFFFF  }
0xc8: {  	(tm) =	ssettm $0x7FFFFFFF  }
0xc9: {  	_ =	shalt  }
tec
execute0_lowered:
.L_overlay_start_1:
0x0: {  	(tag) =	ssettag $0x1  }
0x1: {  	s0 =	rddreg [dreg:$0x0]  }
0x2: {  	s2 =	rddreg [dreg:$0x1]  }
0x3: {  	s4 =	rddreg [dreg:$0x2]  }
0x4: {  	s5 =	rddreg [dreg:$0x3]  }
0x5: {  	s1 =	rddreg [dreg:$0x4]  }
0x6: {  	s16 =	rddreg [dreg:$0x5];
	s3 =	simm.s32 $0x0;
	s6 =	srdreg.scid  }
0x7: {  	s22 =	stileid.u32;
	s31 =	simm.s32 $0x9;
	s30 =	simm.s32 $0x12F80  }
0x8: {  	[smem:$0x7FF] =	sst s3;
	s6 =	sand.u32 $0x1, s6;
	s9 =	sshll.u32 s22, $0xA  }
0x9: {  	s10 =	sadd.s32 $0xE00, s5;
	s20 =	smul.u32 $0x7800, s22;
	p3 =	sgt.u32 s22, $0x9  }
0xa: {  	p1 =	sne.s32 s22, $0x0;
	s28 =	sadd.s32 $0x78000, s1;
	s7 =	smul.u32 $0x2800, s6  }
0xb: {  	s8 =	sshll.u32 s6, $0x4;
	_ =	strace $0x80000047;
	s18 =	smul.u32 $0x168000, s6  }
0xc: {  	s12 =	ssub.s32 $0x2, s6;
	s6 =	smul.u32 $0x271000, s6;
	s8 =	sor.u32 s22, s8  }
0xd: {  	s15 =	sshrl.u32 s12, $0x1;
	s25 =	sadd.s32 $0x2800, s20;
	s11 =	smul.u32 $0x2710, s8  }
0xe: {  	s26 =	sadd.s32 $0x5000, s20;
	s7 =	sadd.s32 s9, s7;
	s13 =	smul.u32 $0x27100, s8  }
0xf: {  	s14 =	smul.u32 $0x138800, s8;
	s12 =	ssub.s32 s12, s15;
	s19 =	sshll.u32 s8, $0xB  }
0x10: {  	s21 =	sadd.s32 $0x78000, s18;
	s23 =	sadd.s32 $0xF0000, s18;
	s24 =	sadd.s32 s18, s20  }
0x11: {  	s29 =	sadd.s32 s18, s25;
	s7 =	sshrl.u32 s7, $0x3;
	s15 =	sadd.s32 s20, s21  }
0x12: {  	s8 =	sadd.s32 s20, s23;
	s5 =	sadd.s32 s7, s5;
	s17 =	sshrl.u32 s11, $0x3  }
0x13: {  	s7 =	sadd.s32 s0, s13;
	s11 =	sadd.s32 s18, s26;
	s18 =	sadd.s32 s25, s23  }
0x14: {  	s2 =	sadd.s32 s2, s17;
	s11 =	sshrl.u32 s11, $0x3;
	s17 =	sshrl.u32 s8, $0x3  }
0x15: {  	[dreg:$0x7] =	wrdreg s2;
	s2 =	sadd.s32 s4, s19;
	s11 =	sadd.s32 s10, s11  }
0x16: {  	s4 =	sadd.s32 s26, s21;
	s19 =	sadd.s32 s26, s23;
	s23 =	smul.u32 $0x1E000, s22  }
0x17: {  	s26 =	sadd.s32 s26, s1;
	[dreg:$0x8] =	wrdreg s2;
	s2 =	sshrl.u32 s14, $0x3  }
0x18: {  	s14 =	sshrl.u32 s24, $0x3;
	[dreg:$0xb] =	wrdreg s11;
	s4 =	sshrl.u32 s4, $0x3  }
0x19: {  	s8 =	sshrl.u32 s19, $0x3;
	s14 =	sadd.s32 s10, s14;
	s4 =	sadd.s32 s10, s4  }
0x1a: {  	s20 =	sadd.s32 s10, s8;
	s2 =	sadd.s32 s0, s2;
	s0 =	sadd.s32 s6, s0  }
0x1b: {  	s24 =	sshrl.u32 s23, $0x2;
	s23 =	smax.u32 s12, $0x1;
	[dreg:$0x9] =	wrdreg s14  }
0x1c: {  	s14 =	sshrl.u32 s29, $0x3;
	[dreg:$0xe] =	wrdreg s4;
	s4 =	sadd.s32 s10, s17  }
0x1d: {  	[dreg:$0x11] =	wrdreg s20;
	s17 =	sadd.s32 s9, s16;
	s19 =	sadd.s32 $0x500, s2  }
0x1e: {  	s20 =	sadd.s32 $0xA00, s2;
	s29 =	sadd.s32 $0x5AE00, s5;
	[dreg:$0xf] =	wrdreg s4  }
0x1f: {  	s24 =	sadd.s32 s24, s1;
	s14 =	sadd.s32 s10, s14;
	[dreg:$0x12] =	wrdreg s29  }
0x20: {  	s4 =	sshrl.u32 s18, $0x3;
	[dreg:$0xa] =	wrdreg s14;
	s14 =	sshrl.u32 s15, $0x3  }
0x21: {  	s15 =	sadd.s32 s25, s21;
	s4 =	sadd.s32 s10, s4;
	s21 =	smul.u32 $0x27100, s22  }
0x22: {  	s25 =	sadd.s32 s25, s1;
	s11 =	sadd.s32 s10, s14;
	[dreg:$0x10] =	wrdreg s4  }
0x23: {  	s4 =	simm.s32 @!p1 $0x0;
	[dreg:$0xc] =	wrdreg s11;
	s11 =	sshrl.u32 s15, $0x3  }
0x24: {  	s18 =	sadd.s32 s21, s0;
	s21 =	sadd.s32 $0xF00, s2;
	s4 =	simm.s32 @p1 $0x1  }
0x25: {  	v0 =	vimm.f32 $0.0e+00;
	v1 =	vimm.s32 $0x0;
	v2 =	vlaneseq.u32;
	s11 =	sadd.s32 s10, s11;
	[smem:$0x7FC] =	sst s4;
	s4 =	simm.s32 @!p3 $0x0  }
0x26: {  	v7 =	vimm.s32 $0xFFFFFFFF;
	v3 =	vor.u32 $0x10, v2;
	v4 =	vor.u32 $0x20, v2;
	s2 =	simm.s32 $0x10780;
	[dreg:$0xd] =	wrdreg s11;
	s4 =	simm.s32 @p3 $0x1  }
0x27: {  	v5 =	vor.u32 $0x30, v2;
	v6 =	vor.u32 $0x40, v2;
	v8 =	vadd.s32 $0x1, v2;
	s0 =	simm.s32 $0x0;
	s12 =	sadd.s32 $0x1400, s18;
	[smem:$0x7FD] =	sst s4  }
.LBB2_1:
0x28: {  	s4 =	simm.s32 $0x0;
	s5 =	simm.s32 $0x0  }
.LBB2_2:
0x29: {  	p2 =	sne.s32 s5, $0x9FC0  }
.Ltmp0:
0x2a: {  	_ = 	snop;
	(pc) =	sbr.rel @p2 .LBB2_2-.Ltmp0, $4  }
0x2b: {  	s6 =	sand.u32 $0xFE00, s5  }
0x2c: {  	s8 =	sand.u32 $0x70, s4;
	s6 =	sshrl.u32 s6, $0x2  }
0x2d: {  	s6 =	sor.u32 s8, s6  }
0x2e: {  	s4 =	sadd.s32 $0x10, s4;
	s5 =	sadd.s32 $0x40, s5;
	[tilespmem:s6+$0x0] =	vst v0  }
0x2f: {  	s4 =	simm.s32 $0x40;
	s5 =	simm.s32 $0x0  }
.LBB2_4:
0x30: {  	p2 =	sne.s32 s4, $0x9FC0;
	[tilespmem:s5+$0x10780] =	vst v1;
	s6 =	smov.u32 s4;
	s4 =	sadd.s32 $0x40, s4  }
.Ltmp1:
0x31: {  	[tilespmem:s5+$0x12F80] =	vst v1;
	(pc) =	sbr.rel @p2 .LBB2_4-.Ltmp1, $2  }
0x32: {  	_ =	sdelay $0x2  }
0x33: {  	s5 =	sshra.s32 s6, $0x2  }
0x34: {  	[tilespmem:s5+$0x10780] =	vst v1  }
0x35: {  	[tilespmem:s5+$0x12F80] =	vst v1  }
0x36: {  	[tilespmem:$0x17F80] =	vst v2  }
0x37: {  	[tilespmem:$0x17F90] =	vst v3  }
0x38: {  	[tilespmem:$0x17FA0] =	vst v4  }
0x39: {  	[tilespmem:$0x17FB0] =	vst v5  }
0x3a: {  	s4 =	simm.s32 @!p3 $0x0;
	[tilespmem:$0x17FC0] =	vst v6  }
0x3b: {  	[spmem:s17] =	stream.linear.scatter @!p3 [tilespmem:s4], [sflag:$0x9], $0x400, $0x38;
	[tilespmem:$0x1FCC0] =	vst v63  }
0x3c: {  	s4 =	simm.s32 @!p3 $0x9  }
0x3d: {  	_ =	swait.ge @!p3 [sflag:s4], $0x400  }
0x3e: {  	s8 =	simm.s32 $0x0;
	[sflag:s4] =	ssyncset.done @!p3 $0x0  }
0x3f: {  	s6 =	simm.s32 $0xE010;
	s9 =	rddreg [dreg:$0x7];
	[sflag:s4] =	ssyncadd.s32 @!p3 $0xFFFFFC00  }
0x40: {  	[tilespmem:s6], [sflag:$0x9] =	stream.linear.gather [hbm4b:s9+s8], $0x2710, $0x38;
	[tilespmem:$0x1FCC0] =	vst v63  }
0x41: {  	_ =	swait.ge [sflag:s31], $0x2710  }
0x42: {  	[sflag:s31] =	ssyncset.done $0x0  }
0x43: {  	s11 =	simm.s32 $0xA000;
	s10 =	rddreg [dreg:$0x8];
	[sflag:s31] =	ssyncadd.s32 $0xFFFFD8F0  }
0x44: {  	[tilespmem:s11], [sflag:$0x9] =	stream.linear.gather [hbm4b:s10+s8], $0x3E80, $0x38;
	[tilespmem:$0x1FCC0] =	vst v63  }
0x45: {  	_ =	swait.ge [sflag:s31], $0x3E80  }
0x46: {  	[sflag:s31] =	ssyncset.done $0x0  }
0x47: {  	[sflag:s31] =	ssyncadd.s32 $0xFFFFC180  }
0x48: {  	[tilespmem:$0xE000] =	vst v7  }
0x49: {  	s13 =	simm.s32 $0x0;
	[tilespmem:$0x10720] =	vst v7  }
0x4a: {  	v9 =	vld [tilespmem:s13+$0xA000]  }
0x4b: {  	v10 =	vld [tilespmem:s13+$0xA040];
	_ =	sdelay $0x3  }
0x4c: {  	v9 =	vxor.u32 $0x80000000, v9  }
0x4d: {  	v10 =	vxor.u32 $0x80000000, v10;
	(xrf0) =	vmin.scan.msk.u32 $0xffff, v9  }
0x4e: {  	(xrf0) =	vmax.scan.msk.u32 $0xffff, v10;
	_ =	sdelay $0x4  }
0x4f: {  	v9, _, _ =	vpop (xrf0)  }
0x50: {  	(v2sf) =	vpush v9, $0xF;
	v9, _, _ =	vpop (xrf0)  }
0x51: {  	(v2sf) =	vpush v9, $0xF  }
0x52: {  	s14 =	simm.s32 $0x80  }
0x53: {  	v9 =	vld [tilespmem:s14+$0xA000]  }
0x54: {  	v10 =	vld [tilespmem:s14+$0xA040];
	_ =	sdelay $0x3  }
0x55: {  	v9 =	vxor.u32 $0x80000000, v9  }
0x56: {  	s15 =	simm.s32 $0x100;
	v10 =	vxor.u32 $0x80000000, v10;
	(xrf0) =	vmin.scan.msk.u32 $0xffff, v9  }
0x57: {  	v11 =	vld [tilespmem:s15+$0xA000];
	(xrf0) =	vmax.scan.msk.u32 $0xffff, v10;
	_ =	sdelay $0x1  }
0x58: {  	v12 =	vld [tilespmem:s15+$0xA040];
	_ =	sdelay $0x2  }
0x59: {  	v9 =	vxor.u32 $0x80000000, v11;
	v11, _, _ =	vpop (xrf0);
	s22 =	spop (v2sf)  }
0x5a: {  	v63, _, _ =	vpop (xrf0);
	s29 =	spop (v2sf);
	(v2sf) =	vpush v11, $0xF  }
0x5b: {  	v10 =	vxor.u32 $0x80000000, v12;
	(xrf0) =	vmin.scan.msk.u32 $0xffff, v9;
	(v2sf) =	vpush v63, $0xF  }
0x5c: {  	(xrf0) =	vmax.scan.msk.u32 $0xffff, v10;
	_ =	sdelay $0x2  }
0x5d: {  	s16 =	simm.s32 $0x180  }
0x5e: {  	v9 =	vld [tilespmem:s16+$0xA000]  }
0x5f: {  	s4 =	simm.s32 $0x80;
	s6 =	simm.s32 $0x200;
	s9 =	simm.s32 $0x1;
	v10 =	vld [tilespmem:s16+$0xA040];
	v11, _, _ =	vpop (xrf0)  }
0x60: {  	s5 =	sxor.u32 $0x80000000, s22;
	s8 =	sxor.u32 $0x80000000, s29;
	p2 =	slt.s32 s29, $0x0;
	(v2sf) =	vpush v11, $0xF;
	v11, _, _ =	vpop (xrf0)  }
0x61: {  	p0 =	slt.s32 s5, $0xF00;
	p4 =	slt.s32 s5, $0x2D00;
	p5 =	sgt.s32 s8, $0x1DFF;
	(v2sf) =	vpush v11, $0xF  }
0x62: {  	p6 =	slt.s32 s5, $0x1E00;
	s5 =	simm.s32 $0x1;
	p4 =	por !p4, !p5  }
0x63: {  	v9 =	vxor.u32 $0x80000000, v9;
	p1 =	sgt.s32 s8, $0xEFF;
	p2 =	por !p0, !p2;
	p3 =	por !p4, !p4  }
0x64: {  	v10 =	vxor.u32 $0x80000000, v10;
	(xrf0) =	vmin.scan.msk.u32 $0xffff, v9;
	s8 =	simm.s32 $0x1;
	p1 =	por !p6, !p1;
	s5 =	simm.s32 @!p3 $0x0  }
0x65: {  	(xrf0) =	vmax.scan.msk.u32 $0xffff, v10;
	p2 =	por !p2, !p2;
	p1 =	por !p1, !p1;
	[smem:$0x100] =	sst s5  }
0x66: {  	s9 =	simm.s32 @!p2 $0x0;
	s8 =	simm.s32 @!p1 $0x0;
	s5 =	simm.s32 $0xA00;
	v9 =	vld [tilespmem:s6+$0xA000]  }
.LBB2_6:
0x67: {  	p2 =	sne.s32 s5, $0xF800;
	v10 =	vld [tilespmem:s6+$0xA040];
	s6 =	spop (v2sf);
	[smem:s4+$0xFFFFFF80] =	sst s9  }
0x68: {  	s9 =	spop (v2sf);
	[smem:s4] =	sst s8;
	s6 =	sxor.u32 $0x80000000, s6  }
0x69: {  	s4 =	sadd.s32 $0x1, s4;
	s8 =	sxor.u32 $0x80000000, s9;
	p3 =	slt.s32 s9, $0x0  }
0x6a: {  	v11, _, _ =	vpop (xrf0);
	p1 =	slt.s32 s6, $0xF00;
	p4 =	slt.s32 s6, $0x2D00;
	p6 =	slt.s32 s6, $0x1E00  }
0x6b: {  	s6 =	sshra.s32 s5, $0x2;
	(v2sf) =	vpush v11, $0xF;
	v11, _, _ =	vpop (xrf0);
	p5 =	sgt.s32 s8, $0x1DFF;
	p0 =	sgt.s32 s8, $0xEFF  }
.Ltmp2:
0x6c: {  	p1 =	por !p1, !p3;
	v9 =	vxor.u32 $0x80000000, v9;
	(v2sf) =	vpush v11, $0xF;
	p4 =	por !p4, !p5;
	(pc) =	sbr.rel @p2 .LBB2_6-.Ltmp2, $4  }
0x6d: {  	s8 =	simm.s32 $0x1;
	p0 =	por !p6, !p0;
	v10 =	vxor.u32 $0x80000000, v10;
	(xrf0) =	vmin.scan.msk.u32 $0xffff, v9;
	p3 =	por !p4, !p4  }
0x6e: {  	s9 =	simm.s32 $0x1;
	p1 =	por !p1, !p1;
	(xrf0) =	vmax.scan.msk.u32 $0xffff, v10;
	s8 =	simm.s32 @!p3 $0x0  }
0x6f: {  	p0 =	por !p0, !p0;
	[smem:s4+$0x80] =	sst s8;
	s8 =	simm.s32 $0x1  }
0x70: {  	s5 =	sadd.s32 $0x200, s5;
	s9 =	simm.s32 @!p1 $0x0;
	v9 =	vld [tilespmem:s6+$0xA000];
	s8 =	simm.s32 @!p0 $0x0  }
0x71: {  	[smem:s4+$0xFFFFFF80] =	sst s9  }
0x72: {  	s5 =	spop (v2sf);
	[smem:s4] =	sst s8  }
0x73: {  	v10 =	vld [tilespmem:s6+$0xA040];
	[spmem:s24] =	stream.linear.scatter [tilespmem:s3], [sflag:$0x9], $0x2800, $0x38  }
0x74: {  	s9 =	sadd.s32 $0x1, s4;
	s6 =	simm.s32 $0x1;
	s29 =	spop (v2sf)  }
0x75: {  	s5 =	sxor.u32 $0x80000000, s5;
	s8 =	sxor.u32 $0x80000000, s29;
	v11, _, _ =	vpop (xrf0);
	p0 =	slt.s32 s29, $0x0  }
0x76: {  	p1 =	slt.s32 s5, $0xF00;
	p2 =	slt.s32 s5, $0x2D00;
	(v2sf) =	vpush v11, $0xF;
	v11, _, _ =	vpop (xrf0);
	p3 =	sgt.s32 s8, $0x1DFF  }
0x77: {  	p4 =	slt.s32 s5, $0x1E00;
	p5 =	sgt.s32 s8, $0xEFF;
	(v2sf) =	vpush v11, $0xF;
	p2 =	por !p2, !p3;
	v9 =	vxor.u32 $0x80000000, v9  }
0x78: {  	s5 =	simm.s32 $0x1;
	p6 =	por !p4, !p5;
	p2 =	por !p2, !p2;
	v10 =	vxor.u32 $0x80000000, v10;
	(xrf0) =	vmin.scan.msk.u32 $0xffff, v9  }
0x79: {  	p0 =	por !p1, !p0;
	p1 =	por !p6, !p6;
	s5 =	simm.s32 @!p2 $0x0;
	(xrf0) =	vmax.scan.msk.u32 $0xffff, v10  }
0x7a: {  	s4 =	sadd.s32 $0x1, s9;
	s6 =	simm.s32 @!p1 $0x0;
	[smem:s9+$0x80] =	sst s5  }
0x7b: {  	p0 =	por !p0, !p0;
	s5 =	simm.s32 $0x1;
	[smem:s9] =	sst s6  }
0x7c: {  	s6 =	simm.s32 $0x1;
	s5 =	simm.s32 @!p0 $0x0;
	s10 =	spop (v2sf)  }
0x7d: {  	[smem:s9+$0xFFFFFF80] =	sst s5;
	s5 =	simm.s32 $0x1;
	s11 =	spop (v2sf)  }
0x7e: {  	s13 =	sxor.u32 $0x80000000, s10;
	s14 =	sxor.u32 $0x80000000, s11;
	p0 =	slt.s32 s11, $0x0;
	v9, _, _ =	vpop (xrf0)  }
0x7f: {  	p1 =	slt.s32 s13, $0xF00;
	p3 =	slt.s32 s13, $0x2D00;
	p4 =	sgt.s32 s14, $0x1DFF;
	(v2sf) =	vpush v9, $0xF;
	v9, _, _ =	vpop (xrf0)  }
0x80: {  	p5 =	slt.s32 s13, $0x1E00;
	p0 =	por !p1, !p0;
	p2 =	por !p3, !p4;
	(v2sf) =	vpush v9, $0xF  }
0x81: {  	p6 =	sgt.s32 s14, $0xEFF;
	p0 =	por !p0, !p0;
	p1 =	por !p2, !p2  }
0x82: {  	p6 =	por !p5, !p6;
	s6 =	simm.s32 @!p0 $0x0;
	s5 =	simm.s32 @!p1 $0x0  }
0x83: {  	p1 =	por !p6, !p6;
	[smem:s4+$0x80] =	sst s5;
	s5 =	simm.s32 $0x1  }
0x84: {  	[smem:s4+$0xFFFFFF80] =	sst s6;
	s5 =	simm.s32 @!p1 $0x0  }
0x85: {  	s6 =	simm.s32 $0x1;
	s15 =	spop (v2sf);
	[smem:s4] =	sst s5  }
0x86: {  	s5 =	simm.s32 $0x1;
	s4 =	sadd.s32 $0x1, s4;
	s16 =	spop (v2sf)  }
0x87: {  	s22 =	sxor.u32 $0x80000000, s15;
	s29 =	sxor.u32 $0x80000000, s16;
	p0 =	slt.s32 s16, $0x0  }
0x88: {  	p1 =	slt.s32 s22, $0xF00;
	p3 =	slt.s32 s22, $0x2D00;
	p4 =	sgt.s32 s29, $0x1DFF  }
0x89: {  	p5 =	slt.s32 s22, $0x1E00;
	p6 =	sgt.s32 s29, $0xEFF;
	p2 =	por !p3, !p4  }
0x8a: {  	p0 =	por !p1, !p0;
	p6 =	por !p5, !p6;
	p2 =	por !p2, !p2  }
0x8b: {  	p0 =	por !p0, !p0;
	p1 =	por !p6, !p6;
	s5 =	simm.s32 @!p2 $0x0  }
0x8c: {  	s6 =	simm.s32 @!p1 $0x0;
	[smem:s4+$0x80] =	sst s5;
	s5 =	simm.s32 $0x1  }
0x8d: {  	[smem:s4] =	sst s6;
	s5 =	simm.s32 @!p0 $0x0  }
0x8e: {  	s6 =	simm.s32 $0x1;
	s9 =	spop (v2sf);
	[smem:s4+$0xFFFFFF80] =	sst s5  }
0x8f: {  	s5 =	simm.s32 $0x1;
	s4 =	sadd.s32 $0x1, s4;
	s10 =	spop (v2sf)  }
0x90: {  	s11 =	sxor.u32 $0x80000000, s9;
	s13 =	sxor.u32 $0x80000000, s10;
	p0 =	slt.s32 s10, $0x0  }
0x91: {  	p1 =	slt.s32 s11, $0xF00;
	p3 =	slt.s32 s11, $0x2D00;
	p4 =	sgt.s32 s13, $0x1DFF  }
0x92: {  	p5 =	slt.s32 s11, $0x1E00;
	p0 =	por !p1, !p0;
	p2 =	por !p3, !p4  }
0x93: {  	p6 =	sgt.s32 s13, $0xEFF;
	p0 =	por !p0, !p0;
	p1 =	por !p2, !p2  }
0x94: {  	p6 =	por !p5, !p6;
	s6 =	simm.s32 @!p0 $0x0;
	s5 =	simm.s32 @!p1 $0x0  }
0x95: {  	p1 =	por !p6, !p6;
	[smem:s4+$0x80] =	sst s5;
	s5 =	simm.s32 $0x1  }
0x96: {  	[smem:s4+$0xFFFFFF80] =	sst s6;
	s5 =	simm.s32 @!p1 $0x0  }
0x97: {  	[smem:s4] =	sst s5  }
0x98: {  	_ =	swait.ge [sflag:s31], $0x2800  }
0x99: {  	[sflag:s31] =	ssyncset.done $0x0  }
0x9a: {  	[sflag:s31] =	ssyncadd.s32 $0xFFFFD800  }
0x9b: {  	[spmem:s25] =	stream.linear.scatter [tilespmem:s3], [sflag:$0x9], $0x2800, $0x38;
	[tilespmem:$0x1FCC0] =	vst v63  }
0x9c: {  	_ =	swait.ge [sflag:s31], $0x2800  }
0x9d: {  	[sflag:s31] =	ssyncset.done $0x0  }
0x9e: {  	[sflag:s31] =	ssyncadd.s32 $0xFFFFD800  }
0x9f: {  	[spmem:s26] =	stream.linear.scatter [tilespmem:s3], [sflag:$0x9], $0x2800, $0x38;
	[tilespmem:$0x1FCC0] =	vst v63  }
0xa0: {  	_ =	swait.ge [sflag:s31], $0x2800  }
0xa1: {  	s14 =	sld [smem:$0x7FC];
	_ =	sdelay $0x2  }
0xa2: {  	[sflag:s31] =	ssyncset.done $0x0;
	p1 =	seq.s32 s14, $0x1  }
0xa3: {  	[sflag:s31] =	ssyncadd.s32 $0xFFFFD800;
	s4 =	simm.s32 @!p1 $0x0  }
0xa4: {  	[spmem:s28] =	stream.linear.scatter @!p1 [tilespmem:s4], [sflag:$0x9], $0x400, $0x38;
	[tilespmem:$0x1FCC0] =	vst v63  }
0xa5: {  	s4 =	simm.s32 @!p1 $0x9  }
0xa6: {  	_ =	swait.ge @!p1 [sflag:s4], $0x400  }
0xa7: {  	[sflag:s4] =	ssyncset.done @!p1 $0x0  }
0xa8: {  	[sflag:s4] =	ssyncadd.s32 @!p1 $0xFFFFFC00  }
0xa9: {  	[bflag:$0x0] =	sbarrier.arrive $0xFFFF  }
0xaa: {  	s15 =	sld [smem:$0x0];
	_ =	sdelay $0x2  }
0xab: {  	s16 =	sld [smem:$0x1];
	p0 =	sne.s32 s15, $0x1  }
0xac: {  	s5 =	simm.s32 @!p0 $0x0  }
0xad: {  	[tilespmem:s5], [sflag:$0x1] =	stream.linear.gather @!p0 [hbm4b:s7+s5], $0x2800, $0x38;
	[tilespmem:$0x1FCC0] =	vst v63  }
0xae: {  	s22 =	sld [smem:$0x2];
	p0 =	sne.s32 s16, $0x1  }
0xaf: {  	s5 =	simm.s32 @!p0 $0x0;
	s6 =	simm.s32 @!p0 $0x2800  }
0xb0: {  	[tilespmem:s6], [sflag:$0x2] =	stream.linear.gather @!p0 [hbm4b:s19+s5], $0x2800, $0x38;
	[tilespmem:$0x1FCC0] =	vst v63  }
0xb1: {  	s29 =	sld [smem:$0x3];
	p0 =	sne.s32 s22, $0x1  }
0xb2: {  	s5 =	simm.s32 @!p0 $0x0;
	s6 =	simm.s32 @!p0 $0x5000  }
0xb3: {  	[tilespmem:s6], [sflag:$0x3] =	stream.linear.gather @!p0 [hbm4b:s20+s5], $0x2800, $0x38;
	[tilespmem:$0x1FCC0] =	vst v63  }
0xb4: {  	p0 =	sne.s32 s29, $0x1  }
0xb5: {  	s4 =	simm.s32 @!p0 $0x0;
	s5 =	simm.s32 @!p0 $0x7800  }
0xb6: {  	[tilespmem:s5], [sflag:$0x4] =	stream.linear.gather @!p0 [hbm4b:s21+s4], $0x2800, $0x38;
	[tilespmem:$0x1FCC0] =	vst v63  }
0xb7: {  	s6 =	simm.s32 $0xA100;
	s4 =	simm.s32 $0x0;
	s5 =	simm.s32 $0x4  }
.LBB2_8:
0xb8: {  	s8 =	sld [smem:s5+$0xFFFFFFFC];
	_ =	sdelay $0x2  }
0xb9: {  	p2 =	sne.s32 s8, $0x1  }
0xba: {  	s8 =	simm.s32 @!p2 $0x1  }
0xbb: {  	_ =	swait.ge @!p2 [sflag:s8], $0x2800  }
0xbc: {  	[sflag:s8] =	ssyncset.done @!p2 $0x0  }
0xbd: {  	[sflag:s8] =	ssyncadd.s32 @!p2 $0xFFFFD800  }
0xbe: {  	v9 =	vld @!p2 [tilespmem:s6+$0xFFFFFF00];
	_ =	sdelay $0x4  }
0xbf: {  	v9 =	vmin.u32 @!p2 v9, $0xF00  }
0xc0: {  	[tilespmem:$0x18000] =	vst @!p2 v9  }
0xc1: {  	v9 =	vld @!p2 [tilespmem:s6+$0xFFFFFF10];
	_ =	sdelay $0x4  }
0xc2: {  	v9 =	vmin.u32 @!p2 v9, $0xF00  }
0xc3: {  	[tilespmem:$0x18010] =	vst @!p2 v9  }
0xc4: {  	v9 =	vld @!p2 [tilespmem:s6+$0xFFFFFF20];
	_ =	sdelay $0x4  }
0xc5: {  	v9 =	vmin.u32 @!p2 v9, $0xF00  }
0xc6: {  	[tilespmem:$0x18020] =	vst @!p2 v9  }
0xc7: {  	v9 =	vld @!p2 [tilespmem:s6+$0xFFFFFF30];
	_ =	sdelay $0x4  }
0xc8: {  	v9 =	vmin.u32 @!p2 v9, $0xF00  }
0xc9: {  	[tilespmem:$0x18030] =	vst @!p2 v9  }
0xca: {  	v9 =	vld @!p2 [tilespmem:s6+$0xFFFFFF40];
	_ =	sdelay $0x1  }
0xcb: {  	s8 =	sld [smem:s5+$0xFFFFFFFD];
	_ =	sdelay $0x2  }
0xcc: {  	s9 =	simm.s32 @!p2 $0x50;
	p3 =	sne.s32 s8, $0x1;
	v9 =	vmin.u32 @!p2 v9, $0xF00  }
0xcd: {  	s10 =	simm.s32 @!p2 $0x18000;
	s11 =	simm.s32 @!p2 $0x0;
	s8 =	simm.s32 @!p3 $0x2;
	[tilespmem:$0x18040] =	vst @!p2 v9  }
0xce: {  	[spmem:s1] =	stream.indirect.scatter.add.f32 @!p2 [tilespmem:s11], [sflag:$0x5], $0x80, s10, s9, $0xb8;
	[tilespmem:$0x1FCC0] =	vst v63  }
0xcf: {  	_ =	swait.ge @!p3 [sflag:s8], $0x2800  }
0xd0: {  	[sflag:s8] =	ssyncset.done @!p3 $0x0  }
0xd1: {  	[sflag:s8] =	ssyncadd.s32 @!p3 $0xFFFFD800  }
0xd2: {  	v9 =	vld @!p3 [tilespmem:s6+$0xFFFFFF80];
	_ =	sdelay $0x4  }
0xd3: {  	v9 =	vmin.u32 @!p3 v9, $0xF00  }
0xd4: {  	[tilespmem:$0x18080] =	vst @!p3 v9  }
0xd5: {  	v9 =	vld @!p3 [tilespmem:s6+$0xFFFFFF90];
	_ =	sdelay $0x4  }
0xd6: {  	v9 =	vmin.u32 @!p3 v9, $0xF00  }
0xd7: {  	[tilespmem:$0x18090] =	vst @!p3 v9  }
0xd8: {  	v9 =	vld @!p3 [tilespmem:s6+$0xFFFFFFA0];
	_ =	sdelay $0x4  }
0xd9: {  	v9 =	vmin.u32 @!p3 v9, $0xF00  }
0xda: {  	[tilespmem:$0x180A0] =	vst @!p3 v9  }
0xdb: {  	v9 =	vld @!p3 [tilespmem:s6+$0xFFFFFFB0];
	_ =	sdelay $0x4  }
0xdc: {  	v9 =	vmin.u32 @!p3 v9, $0xF00  }
0xdd: {  	[tilespmem:$0x180B0] =	vst @!p3 v9  }
0xde: {  	v9 =	vld @!p3 [tilespmem:s6+$0xFFFFFFC0];
	_ =	sdelay $0x1  }
0xdf: {  	s8 =	sld [smem:s5+$0xFFFFFFFE];
	_ =	sdelay $0x2  }
0xe0: {  	s9 =	simm.s32 @!p3 $0x50;
	p4 =	sne.s32 s8, $0x1;
	v9 =	vmin.u32 @!p3 v9, $0xF00  }
0xe1: {  	s10 =	simm.s32 @!p3 $0x18080;
	s11 =	simm.s32 @!p3 $0x2800;
	s8 =	simm.s32 @!p4 $0x3;
	[tilespmem:$0x180C0] =	vst @!p3 v9  }
0xe2: {  	[spmem:s1] =	stream.indirect.scatter.add.f32 @!p3 [tilespmem:s11], [sflag:$0x6], $0x80, s10, s9, $0xb8;
	[tilespmem:$0x1FCC0] =	vst v63  }
0xe3: {  	_ =	swait.ge @!p4 [sflag:s8], $0x2800  }
0xe4: {  	[sflag:s8] =	ssyncset.done @!p4 $0x0  }
0xe5: {  	[sflag:s8] =	ssyncadd.s32 @!p4 $0xFFFFD800  }
0xe6: {  	v9 =	vld @!p4 [tilespmem:s6+$0x0];
	_ =	sdelay $0x4  }
0xe7: {  	v9 =	vmin.u32 @!p4 v9, $0xF00  }
0xe8: {  	[tilespmem:$0x18100] =	vst @!p4 v9  }
0xe9: {  	v9 =	vld @!p4 [tilespmem:s6+$0x10];
	_ =	sdelay $0x4  }
0xea: {  	v9 =	vmin.u32 @!p4 v9, $0xF00  }
0xeb: {  	[tilespmem:$0x18110] =	vst @!p4 v9  }
0xec: {  	v9 =	vld @!p4 [tilespmem:s6+$0x20];
	_ =	sdelay $0x4  }
0xed: {  	v9 =	vmin.u32 @!p4 v9, $0xF00  }
0xee: {  	[tilespmem:$0x18120] =	vst @!p4 v9  }
0xef: {  	v9 =	vld @!p4 [tilespmem:s6+$0x30];
	_ =	sdelay $0x4  }
0xf0: {  	v9 =	vmin.u32 @!p4 v9, $0xF00  }
0xf1: {  	[tilespmem:$0x18130] =	vst @!p4 v9  }
0xf2: {  	v9 =	vld @!p4 [tilespmem:s6+$0x40];
	_ =	sdelay $0x1  }
0xf3: {  	s8 =	sld [smem:s5+$0xFFFFFFFF];
	_ =	sdelay $0x2  }
0xf4: {  	s9 =	simm.s32 @!p4 $0x50;
	p5 =	sne.s32 s8, $0x1;
	v9 =	vmin.u32 @!p4 v9, $0xF00  }
0xf5: {  	s10 =	simm.s32 @!p4 $0x18100;
	s11 =	simm.s32 @!p4 $0x5000;
	s8 =	simm.s32 @!p5 $0x4;
	[tilespmem:$0x18140] =	vst @!p4 v9  }
0xf6: {  	[spmem:s1] =	stream.indirect.scatter.add.f32 @!p4 [tilespmem:s11], [sflag:$0x7], $0x80, s10, s9, $0xb8;
	[tilespmem:$0x1FCC0] =	vst v63  }
0xf7: {  	_ =	swait.ge @!p5 [sflag:s8], $0x2800  }
0xf8: {  	[sflag:s8] =	ssyncset.done @!p5 $0x0  }
0xf9: {  	[sflag:s8] =	ssyncadd.s32 @!p5 $0xFFFFD800  }
0xfa: {  	v9 =	vld @!p5 [tilespmem:s6+$0x80];
	_ =	sdelay $0x4  }
0xfb: {  	v9 =	vmin.u32 @!p5 v9, $0xF00  }
0xfc: {  	[tilespmem:$0x18180] =	vst @!p5 v9  }
0xfd: {  	v9 =	vld @!p5 [tilespmem:s6+$0x90];
	_ =	sdelay $0x4  }
0xfe: {  	v9 =	vmin.u32 @!p5 v9, $0xF00  }
0xff: {  	[tilespmem:$0x18190] =	vst @!p5 v9  }
0x100: {  	v9 =	vld @!p5 [tilespmem:s6+$0xA0];
	_ =	sdelay $0x4  }
0x101: {  	v9 =	vmin.u32 @!p5 v9, $0xF00  }
0x102: {  	[tilespmem:$0x181A0] =	vst @!p5 v9  }
0x103: {  	v9 =	vld @!p5 [tilespmem:s6+$0xB0];
	_ =	sdelay $0x4  }
0x104: {  	v9 =	vmin.u32 @!p5 v9, $0xF00  }
0x105: {  	[tilespmem:$0x181B0] =	vst @!p5 v9  }
0x106: {  	v9 =	vld @!p5 [tilespmem:s6+$0xC0];
	_ =	sdelay $0x4  }
0x107: {  	v9 =	vmin.u32 @!p5 v9, $0xF00  }
0x108: {  	s9 =	simm.s32 @!p5 $0x18180;
	s10 =	simm.s32 @!p5 $0x7800;
	s8 =	simm.s32 @!p5 $0x50;
	[tilespmem:$0x181C0] =	vst @!p5 v9  }
0x109: {  	[spmem:s1] =	stream.indirect.scatter.add.f32 @!p5 [tilespmem:s10], [sflag:$0x8], $0x80, s9, s8, $0xb8;
	[tilespmem:$0x1FCC0] =	vst v63  }
0x10a: {  	s8 =	simm.s32 @!p2 $0x5  }
0x10b: {  	_ =	swait.ge @!p2 [sflag:s8], $0x2800  }
0x10c: {  	[sflag:s8] =	ssyncset.done @!p2 $0x0  }
0x10d: {  	[sflag:s8] =	ssyncadd.s32 @!p2 $0xFFFFD800  }
0x10e: {  	s8 =	sld [smem:s5+$0x0];
	_ =	sdelay $0x2  }
0x10f: {  	p0 =	sne.s32 s8, $0x1  }
0x110: {  	s8 =	sadd.s32 @!p0 s4, s18  }
0x111: {  	s9 =	simm.s32 @!p0 $0x0;
	s8 =	sadd.s32 @!p0 $0x1400, s8  }
0x112: {  	[tilespmem:s9], [sflag:$0x1] =	stream.linear.gather @!p0 [hbm4b:s8+s9], $0x2800, $0x38;
	[tilespmem:$0x1FCC0] =	vst v63  }
0x113: {  	s8 =	simm.s32 @!p3 $0x6  }
0x114: {  	_ =	swait.ge @!p3 [sflag:s8], $0x2800  }
0x115: {  	[sflag:s8] =	ssyncset.done @!p3 $0x0  }
0x116: {  	p2 =	seq.s32 s4, $0x25800;
	[sflag:s8] =	ssyncadd.s32 @!p3 $0xFFFFD800  }
0x117: {  	s8 =	sld @!p2 [smem:s5+$0x1];
	_ =	sdelay $0x2  }
0x118: {  	p0 =	sne.s32 @!p2 s8, $0x1  }
0x119: {  	p0 =	por p0, p2  }
0x11a: {  	s8 =	sadd.s32 @!p0 s4, s18  }
0x11b: {  	s9 =	simm.s32 @!p0 $0x0;
	s10 =	simm.s32 @!p0 $0x2800;
	s8 =	sadd.s32 @!p0 $0x1900, s8  }
0x11c: {  	[tilespmem:s10], [sflag:$0x2] =	stream.linear.gather @!p0 [hbm4b:s8+s9], $0x2800, $0x38;
	[tilespmem:$0x1FCC0] =	vst v63  }
0x11d: {  	s8 =	simm.s32 @!p4 $0x7  }
0x11e: {  	_ =	swait.ge @!p4 [sflag:s8], $0x2800  }
0x11f: {  	[sflag:s8] =	ssyncset.done @!p4 $0x0  }
0x120: {  	[sflag:s8] =	ssyncadd.s32 @!p4 $0xFFFFD800  }
0x121: {  	s8 =	sld @!p2 [smem:s5+$0x2];
	_ =	sdelay $0x2  }
0x122: {  	p0 =	sne.s32 @!p2 s8, $0x1  }
0x123: {  	p0 =	por p0, p2  }
0x124: {  	s8 =	sadd.s32 @!p0 s4, s18  }
0x125: {  	s9 =	simm.s32 @!p0 $0x0;
	s10 =	simm.s32 @!p0 $0x5000;
	s8 =	sadd.s32 @!p0 $0x1E00, s8  }
0x126: {  	[tilespmem:s10], [sflag:$0x3] =	stream.linear.gather @!p0 [hbm4b:s8+s9], $0x2800, $0x38;
	[tilespmem:$0x1FCC0] =	vst v63  }
.Ltmp3:
0x127: {  	_ = 	snop;
	(pc) =	sbr.rel @p2 .LBB2_10-.Ltmp3, $4  }
0x128: {  	s8 =	simm.s32 @!p5 $0x8  }
0x129: {  	_ =	swait.ge @!p5 [sflag:s8], $0x2800  }
0x12a: {  	[sflag:s8] =	ssyncset.done @!p5 $0x0  }
0x12b: {  	[sflag:s8] =	ssyncadd.s32 @!p5 $0xFFFFD800  }
0x12c: {  	s8 =	sld [smem:s5+$0x3];
	_ =	sdelay $0x1  }
.Ltmp4:
0x12d: {  	_ = 	snop;
	(pc) =	sbr.rel .LBB2_8-.Ltmp4, $4  }
0x12e: {  	s5 =	sadd.s32 $0x4, s5;
	p0 =	sne.s32 s8, $0x1  }
0x12f: {  	s6 =	sadd.s32 $0x200, s6;
	s8 =	sadd.s32 @!p0 s4, s18;
	s9 =	simm.s32 @!p0 $0x0  }
0x130: {  	s10 =	simm.s32 @!p0 $0x7800;
	s4 =	sadd.s32 $0x1400, s4;
	s8 =	sadd.s32 @!p0 $0x2300, s8  }
0x131: {  	[tilespmem:s10], [sflag:$0x4] =	stream.linear.gather @!p0 [hbm4b:s8+s9], $0x2800, $0x38;
	[tilespmem:$0x1FCC0] =	vst v63  }
.LBB2_10:
0x132: {  	s4 =	sld [smem:$0x7C];
	_ =	sdelay $0x2  }
0x133: {  	p2 =	sne.s32 s4, $0x1  }
0x134: {  	s4 =	simm.s32 @!p2 $0x1  }
0x135: {  	_ =	swait.ge @!p2 [sflag:s4], $0x2800  }
0x136: {  	[sflag:s4] =	ssyncset.done @!p2 $0x0  }
0x137: {  	[sflag:s4] =	ssyncadd.s32 @!p2 $0xFFFFD800  }
0x138: {  	v9 =	vld @!p2 [tilespmem:$0xDE00]  }
0x139: {  	v10 =	vld @!p2 [tilespmem:$0xDE10]  }
0x13a: {  	v11 =	vld @!p2 [tilespmem:$0xDE20]  }
0x13b: {  	v12 =	vld @!p2 [tilespmem:$0xDE30]  }
0x13c: {  	v13 =	vld @!p2 [tilespmem:$0xDE40]  }
0x13d: {  	v9 =	vmin.u32 @!p2 v9, $0xF00  }
0x13e: {  	[tilespmem:$0x18000] =	vst @!p2 v9;
	v9 =	vmin.u32 @!p2 v10, $0xF00  }
0x13f: {  	[tilespmem:$0x18010] =	vst @!p2 v9;
	v9 =	vmin.u32 @!p2 v11, $0xF00  }
0x140: {  	[tilespmem:$0x18020] =	vst @!p2 v9;
	v9 =	vmin.u32 @!p2 v12, $0xF00  }
0x141: {  	[tilespmem:$0x18030] =	vst @!p2 v9;
	v9 =	vmin.u32 @!p2 v13, $0xF00  }
0x142: {  	s5 =	simm.s32 @!p2 $0x18000;
	s6 =	simm.s32 @!p2 $0x0;
	s4 =	simm.s32 @!p2 $0x50;
	[tilespmem:$0x18040] =	vst @!p2 v9  }
0x143: {  	[spmem:s1] =	stream.indirect.scatter.add.f32 @!p2 [tilespmem:s6], [sflag:$0x5], $0x80, s5, s4, $0xb8;
	[tilespmem:$0x1FCC0] =	vst v63  }
0x144: {  	s4 =	simm.s32 @!p2 $0x5  }
0x145: {  	_ =	swait.ge @!p2 [sflag:s4], $0x2800  }
0x146: {  	[sflag:s4] =	ssyncset.done @!p2 $0x0  }
0x147: {  	s22 =	stileid.u32;
	[sflag:s4] =	ssyncadd.s32 @!p2 $0xFFFFD800  }
0x148: {  	s4 =	sshll.u32 s22, $0x6;
	[bflag:$0x0] =	sbarrier.arrive $0xFFFF  }
0x149: {  	s5 =	sshrl.u32 s24, $0x3;
	s4 =	sor.u32 $0x1C09, s4;
	s29 =	rddreg [dreg:$0x9]  }
0x14a: {  	[hbm:s29], [sflag:s4] =	dma.local [spmem:s5], $0x500  }
0x14b: {  	_ =	swait.ge [sflag:s31], $0x500  }
0x14c: {  	[sflag:s31] =	ssyncset.done $0x0  }
0x14d: {  	s6 =	sshrl.u32 s25, $0x3;
	s8 =	rddreg [dreg:$0xa];
	[sflag:s31] =	ssyncadd.s32 $0xFFFFFB00  }
0x14e: {  	[hbm:s8], [sflag:s4] =	dma.local [spmem:s6], $0x500  }
0x14f: {  	_ =	swait.ge [sflag:s31], $0x500  }
0x150: {  	[sflag:s31] =	ssyncset.done $0x0  }
0x151: {  	s8 =	sshrl.u32 s26, $0x3;
	s9 =	rddreg [dreg:$0xb];
	[sflag:s31] =	ssyncadd.s32 $0xFFFFFB00  }
0x152: {  	[hbm:s9], [sflag:s4] =	dma.local [spmem:s8], $0x500  }
0x153: {  	s9 =	simm.s32 $0x0  }
0x154: {  	_ =	swait.ge [sflag:s31], $0x500;
	s10 =	sand.u32 $0xFE00, s9  }
0x155: {  	s11 =	sand.u32 $0x70, s9;
	[sflag:s31] =	ssyncset.done $0x0;
	s13 =	sshrl.u32 s10, $0x2  }
0x156: {  	s10 =	simm.s32 $0x40;
	[sflag:s31] =	ssyncadd.s32 $0xFFFFFB00;
	s11 =	sor.u32 s11, s13  }
.LBB2_11:
0x157: {  	p0 =	sne.s32 s10, $0x9FC0  }
0x158: {  	[tilespmem:s11+$0x0] =	vst v0;
	s9 =	sadd.s32 $0x10, s9;
	s11 =	smov.u32 s10;
	s10 =	sadd.s32 $0x40, s10  }
.Ltmp5:
0x159: {  	(pc) =	sbr.rel @p0 .LBB2_11-.Ltmp5, $4  }
0x15a: {  	_ = 	snop  }
0x15b: {  	s11 =	sand.u32 $0xFE00, s11  }
0x15c: {  	s13 =	sand.u32 $0x70, s9;
	s11 =	sshrl.u32 s11, $0x2  }
0x15d: {  	s11 =	sor.u32 s13, s11  }
0x15e: {  	[tilespmem:s11+$0x0] =	vst v0  }
0x15f: {  	[spmem:s24] =	stream.linear.scatter [tilespmem:s3], [sflag:$0x9], $0x2800, $0x38;
	[tilespmem:$0x1FCC0] =	vst v63  }
0x160: {  	_ =	swait.ge [sflag:s31], $0x2800  }
0x161: {  	[sflag:s31] =	ssyncset.done $0x0  }
0x162: {  	[sflag:s31] =	ssyncadd.s32 $0xFFFFD800  }
0x163: {  	[spmem:s25] =	stream.linear.scatter [tilespmem:s3], [sflag:$0x9], $0x2800, $0x38;
	[tilespmem:$0x1FCC0] =	vst v63  }
0x164: {  	_ =	swait.ge [sflag:s31], $0x2800  }
0x165: {  	[sflag:s31] =	ssyncset.done $0x0  }
0x166: {  	[sflag:s31] =	ssyncadd.s32 $0xFFFFD800  }
0x167: {  	[spmem:s26] =	stream.linear.scatter [tilespmem:s3], [sflag:$0x9], $0x2800, $0x38;
	[tilespmem:$0x1FCC0] =	vst v63  }
0x168: {  	_ =	swait.ge [sflag:s31], $0x2800  }
0x169: {  	[sflag:s31] =	ssyncset.done $0x0  }
0x16a: {  	s9 =	simm.s32 @!p1 $0x0;
	[sflag:s31] =	ssyncadd.s32 $0xFFFFD800  }
0x16b: {  	[spmem:s28] =	stream.linear.scatter @!p1 [tilespmem:s9], [sflag:$0x9], $0x400, $0x38;
	[tilespmem:$0x1FCC0] =	vst v63  }
0x16c: {  	s9 =	simm.s32 @!p1 $0x9  }
0x16d: {  	_ =	swait.ge @!p1 [sflag:s9], $0x400  }
0x16e: {  	[sflag:s9] =	ssyncset.done @!p1 $0x0  }
0x16f: {  	[sflag:s9] =	ssyncadd.s32 @!p1 $0xFFFFFC00  }
0x170: {  	[bflag:$0x0] =	sbarrier.arrive $0xFFFF  }
0x171: {  	s14 =	sld [smem:$0x80];
	_ =	sdelay $0x2  }
0x172: {  	s15 =	sld [smem:$0x81];
	p0 =	sne.s32 s14, $0x1  }
0x173: {  	s10 =	simm.s32 @!p0 $0x0  }
0x174: {  	[tilespmem:s10], [sflag:$0x1] =	stream.linear.gather @!p0 [hbm4b:s7+s10], $0x2800, $0x38;
	[tilespmem:$0x1FCC0] =	vst v63  }
0x175: {  	s16 =	sld [smem:$0x82];
	p0 =	sne.s32 s15, $0x1  }
0x176: {  	s10 =	simm.s32 @!p0 $0x0;
	s11 =	simm.s32 @!p0 $0x2800  }
0x177: {  	[tilespmem:s11], [sflag:$0x2] =	stream.linear.gather @!p0 [hbm4b:s19+s10], $0x2800, $0x38;
	[tilespmem:$0x1FCC0] =	vst v63  }
0x178: {  	s22 =	sld [smem:$0x83];
	p0 =	sne.s32 s16, $0x1  }
0x179: {  	s10 =	simm.s32 @!p0 $0x0;
	s11 =	simm.s32 @!p0 $0x5000  }
0x17a: {  	[tilespmem:s11], [sflag:$0x3] =	stream.linear.gather @!p0 [hbm4b:s20+s10], $0x2800, $0x38;
	[tilespmem:$0x1FCC0] =	vst v63  }
0x17b: {  	p0 =	sne.s32 s22, $0x1  }
0x17c: {  	s29 =	smov.u32 s12;
	s9 =	simm.s32 @!p0 $0x0;
	s10 =	simm.s32 @!p0 $0x7800  }
0x17d: {  	[tilespmem:s10], [sflag:$0x4] =	stream.linear.gather @!p0 [hbm4b:s21+s9], $0x2800, $0x38;
	[tilespmem:$0x1FCC0] =	vst v63  }
0x17e: {  	s11 =	simm.s32 $0xA100;
	s9 =	simm.s32 $0x0;
	s10 =	simm.s32 $0x4  }
.LBB2_13:
0x17f: {  	s13 =	sshra.s32 s9, $0x2  }
0x180: {  	s14 =	sld [smem:s13+$0x80];
	_ =	sdelay $0x2  }
0x181: {  	p2 =	sne.s32 s14, $0x1  }
0x182: {  	s14 =	simm.s32 @!p2 $0x1  }
0x183: {  	_ =	swait.ge @!p2 [sflag:s14], $0x2800  }
0x184: {  	[sflag:s14] =	ssyncset.done @!p2 $0x0  }
0x185: {  	[sflag:s14] =	ssyncadd.s32 @!p2 $0xFFFFD800  }
0x186: {  	v9 =	vld @!p2 [tilespmem:s11+$0xFFFFFF00];
	_ =	sdelay $0x4  }
0x187: {  	v9 =	vadd.s32 @!p2 $0xFFFFF100, v9  }
0x188: {  	v9 =	vmin.u32 @!p2 v9, $0xF00  }
0x189: {  	[tilespmem:$0x18000] =	vst @!p2 v9  }
0x18a: {  	v9 =	vld @!p2 [tilespmem:s11+$0xFFFFFF10];
	_ =	sdelay $0x4  }
0x18b: {  	v9 =	vadd.s32 @!p2 $0xFFFFF100, v9  }
0x18c: {  	v9 =	vmin.u32 @!p2 v9, $0xF00  }
0x18d: {  	[tilespmem:$0x18010] =	vst @!p2 v9  }
0x18e: {  	v9 =	vld @!p2 [tilespmem:s11+$0xFFFFFF20];
	_ =	sdelay $0x4  }
0x18f: {  	v9 =	vadd.s32 @!p2 $0xFFFFF100, v9  }
0x190: {  	v9 =	vmin.u32 @!p2 v9, $0xF00  }
0x191: {  	[tilespmem:$0x18020] =	vst @!p2 v9  }
0x192: {  	v9 =	vld @!p2 [tilespmem:s11+$0xFFFFFF30];
	_ =	sdelay $0x4  }
0x193: {  	v9 =	vadd.s32 @!p2 $0xFFFFF100, v9  }
0x194: {  	v9 =	vmin.u32 @!p2 v9, $0xF00  }
0x195: {  	[tilespmem:$0x18030] =	vst @!p2 v9  }
0x196: {  	v9 =	vld @!p2 [tilespmem:s11+$0xFFFFFF40];
	_ =	sdelay $0x2  }
0x197: {  	s14 =	sld [smem:s13+$0x81];
	_ =	sdelay $0x1  }
0x198: {  	v9 =	vadd.s32 @!p2 $0xFFFFF100, v9  }
0x199: {  	s15 =	simm.s32 @!p2 $0x50;
	p3 =	sne.s32 s14, $0x1;
	v9 =	vmin.u32 @!p2 v9, $0xF00  }
0x19a: {  	s16 =	simm.s32 @!p2 $0x18000;
	s22 =	simm.s32 @!p2 $0x0;
	s14 =	simm.s32 @!p3 $0x2;
	[tilespmem:$0x18040] =	vst @!p2 v9  }
0x19b: {  	[spmem:s1] =	stream.indirect.scatter.add.f32 @!p2 [tilespmem:s22], [sflag:$0x5], $0x80, s16, s15, $0xb8;
	[tilespmem:$0x1FCC0] =	vst v63  }
0x19c: {  	_ =	swait.ge @!p3 [sflag:s14], $0x2800  }
0x19d: {  	[sflag:s14] =	ssyncset.done @!p3 $0x0  }
0x19e: {  	[sflag:s14] =	ssyncadd.s32 @!p3 $0xFFFFD800  }
0x19f: {  	v9 =	vld @!p3 [tilespmem:s11+$0xFFFFFF80];
	_ =	sdelay $0x4  }
0x1a0: {  	v9 =	vadd.s32 @!p3 $0xFFFFF100, v9  }
0x1a1: {  	v9 =	vmin.u32 @!p3 v9, $0xF00  }
0x1a2: {  	[tilespmem:$0x18080] =	vst @!p3 v9  }
0x1a3: {  	v9 =	vld @!p3 [tilespmem:s11+$0xFFFFFF90];
	_ =	sdelay $0x4  }
0x1a4: {  	v9 =	vadd.s32 @!p3 $0xFFFFF100, v9  }
0x1a5: {  	v9 =	vmin.u32 @!p3 v9, $0xF00  }
0x1a6: {  	[tilespmem:$0x18090] =	vst @!p3 v9  }
0x1a7: {  	v9 =	vld @!p3 [tilespmem:s11+$0xFFFFFFA0];
	_ =	sdelay $0x4  }
0x1a8: {  	v9 =	vadd.s32 @!p3 $0xFFFFF100, v9  }
0x1a9: {  	v9 =	vmin.u32 @!p3 v9, $0xF00  }
0x1aa: {  	[tilespmem:$0x180A0] =	vst @!p3 v9  }
0x1ab: {  	v9 =	vld @!p3 [tilespmem:s11+$0xFFFFFFB0];
	_ =	sdelay $0x4  }
0x1ac: {  	v9 =	vadd.s32 @!p3 $0xFFFFF100, v9  }
0x1ad: {  	v9 =	vmin.u32 @!p3 v9, $0xF00  }
0x1ae: {  	[tilespmem:$0x180B0] =	vst @!p3 v9  }
0x1af: {  	v9 =	vld @!p3 [tilespmem:s11+$0xFFFFFFC0];
	_ =	sdelay $0x2  }
0x1b0: {  	s14 =	sld [smem:s13+$0x82];
	_ =	sdelay $0x1  }
0x1b1: {  	v9 =	vadd.s32 @!p3 $0xFFFFF100, v9  }
0x1b2: {  	s15 =	simm.s32 @!p3 $0x50;
	p4 =	sne.s32 s14, $0x1;
	v9 =	vmin.u32 @!p3 v9, $0xF00  }
0x1b3: {  	s16 =	simm.s32 @!p3 $0x18080;
	s22 =	simm.s32 @!p3 $0x2800;
	s14 =	simm.s32 @!p4 $0x3;
	[tilespmem:$0x180C0] =	vst @!p3 v9  }
0x1b4: {  	[spmem:s1] =	stream.indirect.scatter.add.f32 @!p3 [tilespmem:s22], [sflag:$0x6], $0x80, s16, s15, $0xb8;
	[tilespmem:$0x1FCC0] =	vst v63  }
0x1b5: {  	_ =	swait.ge @!p4 [sflag:s14], $0x2800  }
0x1b6: {  	[sflag:s14] =	ssyncset.done @!p4 $0x0  }
0x1b7: {  	[sflag:s14] =	ssyncadd.s32 @!p4 $0xFFFFD800  }
0x1b8: {  	v9 =	vld @!p4 [tilespmem:s11+$0x0];
	_ =	sdelay $0x4  }
0x1b9: {  	v9 =	vadd.s32 @!p4 $0xFFFFF100, v9  }
0x1ba: {  	v9 =	vmin.u32 @!p4 v9, $0xF00  }
0x1bb: {  	[tilespmem:$0x18100] =	vst @!p4 v9  }
0x1bc: {  	v9 =	vld @!p4 [tilespmem:s11+$0x10];
	_ =	sdelay $0x4  }
0x1bd: {  	v9 =	vadd.s32 @!p4 $0xFFFFF100, v9  }
0x1be: {  	v9 =	vmin.u32 @!p4 v9, $0xF00  }
0x1bf: {  	[tilespmem:$0x18110] =	vst @!p4 v9  }
0x1c0: {  	v9 =	vld @!p4 [tilespmem:s11+$0x20];
	_ =	sdelay $0x4  }
0x1c1: {  	v9 =	vadd.s32 @!p4 $0xFFFFF100, v9  }
0x1c2: {  	v9 =	vmin.u32 @!p4 v9, $0xF00  }
0x1c3: {  	[tilespmem:$0x18120] =	vst @!p4 v9  }
0x1c4: {  	v9 =	vld @!p4 [tilespmem:s11+$0x30];
	_ =	sdelay $0x4  }
0x1c5: {  	v9 =	vadd.s32 @!p4 $0xFFFFF100, v9  }
0x1c6: {  	v9 =	vmin.u32 @!p4 v9, $0xF00  }
0x1c7: {  	[tilespmem:$0x18130] =	vst @!p4 v9  }
0x1c8: {  	v9 =	vld @!p4 [tilespmem:s11+$0x40];
	_ =	sdelay $0x2  }
0x1c9: {  	s14 =	sld [smem:s13+$0x83];
	_ =	sdelay $0x1  }
0x1ca: {  	v9 =	vadd.s32 @!p4 $0xFFFFF100, v9  }
0x1cb: {  	s15 =	simm.s32 @!p4 $0x50;
	p5 =	sne.s32 s14, $0x1;
	v9 =	vmin.u32 @!p4 v9, $0xF00  }
0x1cc: {  	s16 =	simm.s32 @!p4 $0x18100;
	s22 =	simm.s32 @!p4 $0x5000;
	s14 =	simm.s32 @!p5 $0x4;
	[tilespmem:$0x18140] =	vst @!p4 v9  }
0x1cd: {  	[spmem:s1] =	stream.indirect.scatter.add.f32 @!p4 [tilespmem:s22], [sflag:$0x7], $0x80, s16, s15, $0xb8;
	[tilespmem:$0x1FCC0] =	vst v63  }
0x1ce: {  	_ =	swait.ge @!p5 [sflag:s14], $0x2800  }
0x1cf: {  	[sflag:s14] =	ssyncset.done @!p5 $0x0  }
0x1d0: {  	[sflag:s14] =	ssyncadd.s32 @!p5 $0xFFFFD800  }
0x1d1: {  	v9 =	vld @!p5 [tilespmem:s11+$0x80];
	_ =	sdelay $0x4  }
0x1d2: {  	v9 =	vadd.s32 @!p5 $0xFFFFF100, v9  }
0x1d3: {  	v9 =	vmin.u32 @!p5 v9, $0xF00  }
0x1d4: {  	[tilespmem:$0x18180] =	vst @!p5 v9  }
0x1d5: {  	v9 =	vld @!p5 [tilespmem:s11+$0x90];
	_ =	sdelay $0x4  }
0x1d6: {  	v9 =	vadd.s32 @!p5 $0xFFFFF100, v9  }
0x1d7: {  	v9 =	vmin.u32 @!p5 v9, $0xF00  }
0x1d8: {  	[tilespmem:$0x18190] =	vst @!p5 v9  }
0x1d9: {  	v9 =	vld @!p5 [tilespmem:s11+$0xA0];
	_ =	sdelay $0x4  }
0x1da: {  	v9 =	vadd.s32 @!p5 $0xFFFFF100, v9  }
0x1db: {  	v9 =	vmin.u32 @!p5 v9, $0xF00  }
0x1dc: {  	[tilespmem:$0x181A0] =	vst @!p5 v9  }
0x1dd: {  	v9 =	vld @!p5 [tilespmem:s11+$0xB0];
	_ =	sdelay $0x4  }
0x1de: {  	v9 =	vadd.s32 @!p5 $0xFFFFF100, v9  }
0x1df: {  	v9 =	vmin.u32 @!p5 v9, $0xF00  }
0x1e0: {  	[tilespmem:$0x181B0] =	vst @!p5 v9  }
0x1e1: {  	v9 =	vld @!p5 [tilespmem:s11+$0xC0];
	_ =	sdelay $0x4  }
0x1e2: {  	v9 =	vadd.s32 @!p5 $0xFFFFF100, v9  }
0x1e3: {  	v9 =	vmin.u32 @!p5 v9, $0xF00  }
0x1e4: {  	s15 =	simm.s32 @!p5 $0x18180;
	s16 =	simm.s32 @!p5 $0x7800;
	s14 =	simm.s32 @!p5 $0x50;
	[tilespmem:$0x181C0] =	vst @!p5 v9  }
0x1e5: {  	[spmem:s1] =	stream.indirect.scatter.add.f32 @!p5 [tilespmem:s16], [sflag:$0x8], $0x80, s15, s14, $0xb8;
	[tilespmem:$0x1FCC0] =	vst v63  }
0x1e6: {  	s14 =	simm.s32 @!p2 $0x5  }
0x1e7: {  	_ =	swait.ge @!p2 [sflag:s14], $0x2800  }
0x1e8: {  	s15 =	sand.u32 $0x3FFFFF80, s10;
	[sflag:s14] =	ssyncset.done @!p2 $0x0  }
0x1e9: {  	s13 =	sadd.s32 s13, s15;
	[sflag:s14] =	ssyncadd.s32 @!p2 $0xFFFFD800  }
0x1ea: {  	s14 =	sld [smem:s13+$0x84];
	_ =	sdelay $0x2  }
0x1eb: {  	p0 =	sne.s32 s14, $0x1  }
0x1ec: {  	s14 =	simm.s32 @!p0 $0x0  }
0x1ed: {  	[tilespmem:s14], [sflag:$0x1] =	stream.linear.gather @!p0 [hbm4b:s29+s14], $0x2800, $0x38;
	[tilespmem:$0x1FCC0] =	vst v63  }
0x1ee: {  	s14 =	simm.s32 @!p3 $0x6  }
0x1ef: {  	p2 =	seq.s32 s9, $0x1E0;
	_ =	swait.ge @!p3 [sflag:s14], $0x2800  }
0x1f0: {  	s16 =	sshra.s32 @!p2 s9, $0x2;
	[sflag:s14] =	ssyncset.done @!p3 $0x0  }
0x1f1: {  	[sflag:s14] =	ssyncadd.s32 @!p3 $0xFFFFD800;
	s14 =	sadd.s32 @!p2 s16, s15  }
0x1f2: {  	s15 =	sld @!p2 [smem:s14+$0x85];
	_ =	sdelay $0x2  }
0x1f3: {  	p0 =	sne.s32 @!p2 s15, $0x1  }
0x1f4: {  	p0 =	por p0, p2  }
0x1f5: {  	s15 =	sadd.s32 @!p0 $0x500, s29;
	s16 =	simm.s32 @!p0 $0x0;
	s22 =	simm.s32 @!p0 $0x2800  }
0x1f6: {  	[tilespmem:s22], [sflag:$0x2] =	stream.linear.gather @!p0 [hbm4b:s15+s16], $0x2800, $0x38;
	[tilespmem:$0x1FCC0] =	vst v63  }
0x1f7: {  	s15 =	simm.s32 @!p4 $0x7  }
0x1f8: {  	_ =	swait.ge @!p4 [sflag:s15], $0x2800  }
0x1f9: {  	[sflag:s15] =	ssyncset.done @!p4 $0x0  }
0x1fa: {  	[sflag:s15] =	ssyncadd.s32 @!p4 $0xFFFFD800  }
0x1fb: {  	s14 =	sld @!p2 [smem:s14+$0x86];
	_ =	sdelay $0x2  }
0x1fc: {  	p0 =	sne.s32 @!p2 s14, $0x1  }
0x1fd: {  	p0 =	por p0, p2  }
0x1fe: {  	s14 =	sadd.s32 @!p0 $0xA00, s29;
	s15 =	simm.s32 @!p0 $0x0;
	s16 =	simm.s32 @!p0 $0x5000  }
0x1ff: {  	[tilespmem:s16], [sflag:$0x3] =	stream.linear.gather @!p0 [hbm4b:s14+s15], $0x2800, $0x38;
	[tilespmem:$0x1FCC0] =	vst v63  }
.Ltmp6:
0x200: {  	_ = 	snop;
	(pc) =	sbr.rel @p2 .LBB2_15-.Ltmp6, $4  }
0x201: {  	s14 =	simm.s32 @!p5 $0x8  }
0x202: {  	_ =	swait.ge @!p5 [sflag:s14], $0x2800  }
0x203: {  	[sflag:s14] =	ssyncset.done @!p5 $0x0  }
0x204: {  	[sflag:s14] =	ssyncadd.s32 @!p5 $0xFFFFD800  }
0x205: {  	s13 =	sld [smem:s13+$0x87];
	_ =	sdelay $0x1  }
.Ltmp7:
0x206: {  	_ = 	snop;
	(pc) =	sbr.rel .LBB2_13-.Ltmp7, $4  }
0x207: {  	s9 =	sadd.s32 $0x10, s9;
	p0 =	sne.s32 s13, $0x1  }
0x208: {  	s10 =	sadd.s32 $0x4, s10;
	s11 =	sadd.s32 $0x200, s11;
	s13 =	sadd.s32 @!p0 $0xF00, s29  }
0x209: {  	s14 =	simm.s32 @!p0 $0x0;
	s15 =	simm.s32 @!p0 $0x7800;
	s29 =	sadd.s32 $0x1400, s29  }
0x20a: {  	[tilespmem:s15], [sflag:$0x4] =	stream.linear.gather @!p0 [hbm4b:s13+s14], $0x2800, $0x38;
	[tilespmem:$0x1FCC0] =	vst v63  }
.LBB2_15:
0x20b: {  	s9 =	sld [smem:$0xFC];
	_ =	sdelay $0x2  }
0x20c: {  	p2 =	sne.s32 s9, $0x1  }
0x20d: {  	s9 =	simm.s32 @!p2 $0x1  }
0x20e: {  	_ =	swait.ge @!p2 [sflag:s9], $0x2800  }
0x20f: {  	[sflag:s9] =	ssyncset.done @!p2 $0x0  }
0x210: {  	[sflag:s9] =	ssyncadd.s32 @!p2 $0xFFFFD800  }
0x211: {  	v9 =	vld @!p2 [tilespmem:$0xDE00]  }
0x212: {  	v10 =	vld @!p2 [tilespmem:$0xDE10]  }
0x213: {  	v11 =	vld @!p2 [tilespmem:$0xDE20]  }
0x214: {  	v12 =	vld @!p2 [tilespmem:$0xDE30]  }
0x215: {  	v13 =	vld @!p2 [tilespmem:$0xDE40]  }
0x216: {  	v9 =	vadd.s32 @!p2 $0xFFFFF100, v9  }
0x217: {  	v10 =	vadd.s32 @!p2 $0xFFFFF100, v10;
	v9 =	vmin.u32 @!p2 v9, $0xF00  }
0x218: {  	[tilespmem:$0x18000] =	vst @!p2 v9;
	v9 =	vmin.u32 @!p2 v10, $0xF00;
	v10 =	vadd.s32 @!p2 $0xFFFFF100, v11  }
0x219: {  	[tilespmem:$0x18010] =	vst @!p2 v9;
	v9 =	vmin.u32 @!p2 v10, $0xF00;
	v10 =	vadd.s32 @!p2 $0xFFFFF100, v12  }
0x21a: {  	[tilespmem:$0x18020] =	vst @!p2 v9;
	v9 =	vmin.u32 @!p2 v10, $0xF00;
	v10 =	vadd.s32 @!p2 $0xFFFFF100, v13  }
0x21b: {  	[tilespmem:$0x18030] =	vst @!p2 v9;
	v9 =	vmin.u32 @!p2 v10, $0xF00  }
0x21c: {  	s10 =	simm.s32 @!p2 $0x18000;
	s11 =	simm.s32 @!p2 $0x0;
	s9 =	simm.s32 @!p2 $0x50;
	[tilespmem:$0x18040] =	vst @!p2 v9  }
0x21d: {  	[spmem:s1] =	stream.indirect.scatter.add.f32 @!p2 [tilespmem:s11], [sflag:$0x5], $0x80, s10, s9, $0xb8;
	[tilespmem:$0x1FCC0] =	vst v63  }
0x21e: {  	s9 =	simm.s32 @!p2 $0x5  }
0x21f: {  	_ =	swait.ge @!p2 [sflag:s9], $0x2800  }
0x220: {  	[sflag:s9] =	ssyncset.done @!p2 $0x0  }
0x221: {  	[sflag:s9] =	ssyncadd.s32 @!p2 $0xFFFFD800  }
0x222: {  	[bflag:$0x0] =	sbarrier.arrive $0xFFFF  }
0x223: {  	s14 =	rddreg [dreg:$0xc]  }
0x224: {  	[hbm:s14], [sflag:s4] =	dma.local [spmem:s5], $0x500  }
0x225: {  	_ =	swait.ge [sflag:s31], $0x500  }
0x226: {  	[sflag:s31] =	ssyncset.done $0x0  }
0x227: {  	s15 =	rddreg [dreg:$0xd];
	[sflag:s31] =	ssyncadd.s32 $0xFFFFFB00  }
0x228: {  	[hbm:s15], [sflag:s4] =	dma.local [spmem:s6], $0x500  }
0x229: {  	_ =	swait.ge [sflag:s31], $0x500  }
0x22a: {  	[sflag:s31] =	ssyncset.done $0x0  }
0x22b: {  	s9 =	simm.s32 $0x0;
	s16 =	rddreg [dreg:$0xe];
	[sflag:s31] =	ssyncadd.s32 $0xFFFFFB00  }
0x22c: {  	[hbm:s16], [sflag:s4] =	dma.local [spmem:s8], $0x500  }
0x22d: {  	s22 =	sand.u32 $0xFE00, s9;
	_ =	swait.ge [sflag:s31], $0x500  }
0x22e: {  	s29 =	sand.u32 $0x70, s9;
	s13 =	sshrl.u32 s22, $0x2;
	[sflag:s31] =	ssyncset.done $0x0  }
0x22f: {  	s10 =	simm.s32 $0x40;
	s11 =	sor.u32 s29, s13;
	[sflag:s31] =	ssyncadd.s32 $0xFFFFFB00  }
.LBB2_16:
0x230: {  	p0 =	sne.s32 s10, $0x9FC0  }
0x231: {  	[tilespmem:s11+$0x0] =	vst v0;
	s9 =	sadd.s32 $0x10, s9;
	s11 =	smov.u32 s10;
	s10 =	sadd.s32 $0x40, s10  }
.Ltmp8:
0x232: {  	(pc) =	sbr.rel @p0 .LBB2_16-.Ltmp8, $4  }
0x233: {  	_ = 	snop  }
0x234: {  	s11 =	sand.u32 $0xFE00, s11  }
0x235: {  	s13 =	sand.u32 $0x70, s9;
	s11 =	sshrl.u32 s11, $0x2  }
0x236: {  	s11 =	sor.u32 s13, s11  }
0x237: {  	[tilespmem:s11+$0x0] =	vst v0  }
0x238: {  	[spmem:s24] =	stream.linear.scatter [tilespmem:s3], [sflag:$0x9], $0x2800, $0x38;
	[tilespmem:$0x1FCC0] =	vst v63  }
0x239: {  	_ =	swait.ge [sflag:s31], $0x2800  }
0x23a: {  	[sflag:s31] =	ssyncset.done $0x0  }
0x23b: {  	[sflag:s31] =	ssyncadd.s32 $0xFFFFD800  }
0x23c: {  	[spmem:s25] =	stream.linear.scatter [tilespmem:s3], [sflag:$0x9], $0x2800, $0x38;
	[tilespmem:$0x1FCC0] =	vst v63  }
0x23d: {  	_ =	swait.ge [sflag:s31], $0x2800  }
0x23e: {  	[sflag:s31] =	ssyncset.done $0x0  }
0x23f: {  	[sflag:s31] =	ssyncadd.s32 $0xFFFFD800  }
0x240: {  	[spmem:s26] =	stream.linear.scatter [tilespmem:s3], [sflag:$0x9], $0x2800, $0x38;
	[tilespmem:$0x1FCC0] =	vst v63  }
0x241: {  	_ =	swait.ge [sflag:s31], $0x2800  }
0x242: {  	[sflag:s31] =	ssyncset.done $0x0  }
0x243: {  	s9 =	simm.s32 @!p1 $0x0;
	[sflag:s31] =	ssyncadd.s32 $0xFFFFD800  }
0x244: {  	[spmem:s28] =	stream.linear.scatter @!p1 [tilespmem:s9], [sflag:$0x9], $0x400, $0x38;
	[tilespmem:$0x1FCC0] =	vst v63  }
0x245: {  	s9 =	simm.s32 @!p1 $0x9  }
0x246: {  	_ =	swait.ge @!p1 [sflag:s9], $0x400  }
0x247: {  	[sflag:s9] =	ssyncset.done @!p1 $0x0  }
0x248: {  	[sflag:s9] =	ssyncadd.s32 @!p1 $0xFFFFFC00  }
0x249: {  	[bflag:$0x0] =	sbarrier.arrive $0xFFFF  }
0x24a: {  	s14 =	sld [smem:$0x100];
	_ =	sdelay $0x2  }
0x24b: {  	s15 =	sld [smem:$0x101];
	p0 =	sne.s32 s14, $0x1  }
0x24c: {  	s10 =	simm.s32 @!p0 $0x0  }
0x24d: {  	[tilespmem:s10], [sflag:$0x1] =	stream.linear.gather @!p0 [hbm4b:s7+s10], $0x2800, $0x38;
	[tilespmem:$0x1FCC0] =	vst v63  }
0x24e: {  	s16 =	sld [smem:$0x102];
	p0 =	sne.s32 s15, $0x1  }
0x24f: {  	s10 =	simm.s32 @!p0 $0x0;
	s11 =	simm.s32 @!p0 $0x2800  }
0x250: {  	[tilespmem:s11], [sflag:$0x2] =	stream.linear.gather @!p0 [hbm4b:s19+s10], $0x2800, $0x38;
	[tilespmem:$0x1FCC0] =	vst v63  }
0x251: {  	s22 =	sld [smem:$0x103];
	p0 =	sne.s32 s16, $0x1  }
0x252: {  	s10 =	simm.s32 @!p0 $0x0;
	s11 =	simm.s32 @!p0 $0x5000  }
0x253: {  	[tilespmem:s11], [sflag:$0x3] =	stream.linear.gather @!p0 [hbm4b:s20+s10], $0x2800, $0x38;
	[tilespmem:$0x1FCC0] =	vst v63  }
0x254: {  	p0 =	sne.s32 s22, $0x1  }
0x255: {  	s29 =	smov.u32 s12;
	s9 =	simm.s32 @!p0 $0x0;
	s10 =	simm.s32 @!p0 $0x7800  }
0x256: {  	[tilespmem:s10], [sflag:$0x4] =	stream.linear.gather @!p0 [hbm4b:s21+s9], $0x2800, $0x38;
	[tilespmem:$0x1FCC0] =	vst v63  }
0x257: {  	s11 =	simm.s32 $0xA100;
	s9 =	simm.s32 $0x0;
	s10 =	simm.s32 $0x4  }
.LBB2_18:
0x258: {  	s13 =	sshra.s32 s9, $0x2  }
0x259: {  	s14 =	sld [smem:s13+$0x100];
	_ =	sdelay $0x2  }
0x25a: {  	p2 =	sne.s32 s14, $0x1  }
0x25b: {  	s14 =	simm.s32 @!p2 $0x1  }
0x25c: {  	_ =	swait.ge @!p2 [sflag:s14], $0x2800  }
0x25d: {  	[sflag:s14] =	ssyncset.done @!p2 $0x0  }
0x25e: {  	[sflag:s14] =	ssyncadd.s32 @!p2 $0xFFFFD800  }
0x25f: {  	v9 =	vld @!p2 [tilespmem:s11+$0xFFFFFF00];
	_ =	sdelay $0x4  }
0x260: {  	v9 =	vadd.s32 @!p2 $0xFFFFE200, v9  }
0x261: {  	v9 =	vmin.u32 @!p2 v9, $0xF00  }
0x262: {  	[tilespmem:$0x18000] =	vst @!p2 v9  }
0x263: {  	v9 =	vld @!p2 [tilespmem:s11+$0xFFFFFF10];
	_ =	sdelay $0x4  }
0x264: {  	v9 =	vadd.s32 @!p2 $0xFFFFE200, v9  }
0x265: {  	v9 =	vmin.u32 @!p2 v9, $0xF00  }
0x266: {  	[tilespmem:$0x18010] =	vst @!p2 v9  }
0x267: {  	v9 =	vld @!p2 [tilespmem:s11+$0xFFFFFF20];
	_ =	sdelay $0x4  }
0x268: {  	v9 =	vadd.s32 @!p2 $0xFFFFE200, v9  }
0x269: {  	v9 =	vmin.u32 @!p2 v9, $0xF00  }
0x26a: {  	[tilespmem:$0x18020] =	vst @!p2 v9  }
0x26b: {  	v9 =	vld @!p2 [tilespmem:s11+$0xFFFFFF30];
	_ =	sdelay $0x4  }
0x26c: {  	v9 =	vadd.s32 @!p2 $0xFFFFE200, v9  }
0x26d: {  	v9 =	vmin.u32 @!p2 v9, $0xF00  }
0x26e: {  	[tilespmem:$0x18030] =	vst @!p2 v9  }
0x26f: {  	v9 =	vld @!p2 [tilespmem:s11+$0xFFFFFF40];
	_ =	sdelay $0x2  }
0x270: {  	s14 =	sld [smem:s13+$0x101];
	_ =	sdelay $0x1  }
0x271: {  	v9 =	vadd.s32 @!p2 $0xFFFFE200, v9  }
0x272: {  	s15 =	simm.s32 @!p2 $0x50;
	p3 =	sne.s32 s14, $0x1;
	v9 =	vmin.u32 @!p2 v9, $0xF00  }
0x273: {  	s16 =	simm.s32 @!p2 $0x18000;
	s22 =	simm.s32 @!p2 $0x0;
	s14 =	simm.s32 @!p3 $0x2;
	[tilespmem:$0x18040] =	vst @!p2 v9  }
0x274: {  	[spmem:s1] =	stream.indirect.scatter.add.f32 @!p2 [tilespmem:s22], [sflag:$0x5], $0x80, s16, s15, $0xb8;
	[tilespmem:$0x1FCC0] =	vst v63  }
0x275: {  	_ =	swait.ge @!p3 [sflag:s14], $0x2800  }
0x276: {  	[sflag:s14] =	ssyncset.done @!p3 $0x0  }
0x277: {  	[sflag:s14] =	ssyncadd.s32 @!p3 $0xFFFFD800  }
0x278: {  	v9 =	vld @!p3 [tilespmem:s11+$0xFFFFFF80];
	_ =	sdelay $0x4  }
0x279: {  	v9 =	vadd.s32 @!p3 $0xFFFFE200, v9  }
0x27a: {  	v9 =	vmin.u32 @!p3 v9, $0xF00  }
0x27b: {  	[tilespmem:$0x18080] =	vst @!p3 v9  }
0x27c: {  	v9 =	vld @!p3 [tilespmem:s11+$0xFFFFFF90];
	_ =	sdelay $0x4  }
0x27d: {  	v9 =	vadd.s32 @!p3 $0xFFFFE200, v9  }
0x27e: {  	v9 =	vmin.u32 @!p3 v9, $0xF00  }
0x27f: {  	[tilespmem:$0x18090] =	vst @!p3 v9  }
0x280: {  	v9 =	vld @!p3 [tilespmem:s11+$0xFFFFFFA0];
	_ =	sdelay $0x4  }
0x281: {  	v9 =	vadd.s32 @!p3 $0xFFFFE200, v9  }
0x282: {  	v9 =	vmin.u32 @!p3 v9, $0xF00  }
0x283: {  	[tilespmem:$0x180A0] =	vst @!p3 v9  }
0x284: {  	v9 =	vld @!p3 [tilespmem:s11+$0xFFFFFFB0];
	_ =	sdelay $0x4  }
0x285: {  	v9 =	vadd.s32 @!p3 $0xFFFFE200, v9  }
0x286: {  	v9 =	vmin.u32 @!p3 v9, $0xF00  }
0x287: {  	[tilespmem:$0x180B0] =	vst @!p3 v9  }
0x288: {  	v9 =	vld @!p3 [tilespmem:s11+$0xFFFFFFC0];
	_ =	sdelay $0x2  }
0x289: {  	s14 =	sld [smem:s13+$0x102];
	_ =	sdelay $0x1  }
0x28a: {  	v9 =	vadd.s32 @!p3 $0xFFFFE200, v9  }
0x28b: {  	s15 =	simm.s32 @!p3 $0x50;
	p4 =	sne.s32 s14, $0x1;
	v9 =	vmin.u32 @!p3 v9, $0xF00  }
0x28c: {  	s16 =	simm.s32 @!p3 $0x18080;
	s22 =	simm.s32 @!p3 $0x2800;
	s14 =	simm.s32 @!p4 $0x3;
	[tilespmem:$0x180C0] =	vst @!p3 v9  }
0x28d: {  	[spmem:s1] =	stream.indirect.scatter.add.f32 @!p3 [tilespmem:s22], [sflag:$0x6], $0x80, s16, s15, $0xb8;
	[tilespmem:$0x1FCC0] =	vst v63  }
0x28e: {  	_ =	swait.ge @!p4 [sflag:s14], $0x2800  }
0x28f: {  	[sflag:s14] =	ssyncset.done @!p4 $0x0  }
0x290: {  	[sflag:s14] =	ssyncadd.s32 @!p4 $0xFFFFD800  }
0x291: {  	v9 =	vld @!p4 [tilespmem:s11+$0x0];
	_ =	sdelay $0x4  }
0x292: {  	v9 =	vadd.s32 @!p4 $0xFFFFE200, v9  }
0x293: {  	v9 =	vmin.u32 @!p4 v9, $0xF00  }
0x294: {  	[tilespmem:$0x18100] =	vst @!p4 v9  }
0x295: {  	v9 =	vld @!p4 [tilespmem:s11+$0x10];
	_ =	sdelay $0x4  }
0x296: {  	v9 =	vadd.s32 @!p4 $0xFFFFE200, v9  }
0x297: {  	v9 =	vmin.u32 @!p4 v9, $0xF00  }
0x298: {  	[tilespmem:$0x18110] =	vst @!p4 v9  }
0x299: {  	v9 =	vld @!p4 [tilespmem:s11+$0x20];
	_ =	sdelay $0x4  }
0x29a: {  	v9 =	vadd.s32 @!p4 $0xFFFFE200, v9  }
0x29b: {  	v9 =	vmin.u32 @!p4 v9, $0xF00  }
0x29c: {  	[tilespmem:$0x18120] =	vst @!p4 v9  }
0x29d: {  	v9 =	vld @!p4 [tilespmem:s11+$0x30];
	_ =	sdelay $0x4  }
0x29e: {  	v9 =	vadd.s32 @!p4 $0xFFFFE200, v9  }
0x29f: {  	v9 =	vmin.u32 @!p4 v9, $0xF00  }
0x2a0: {  	[tilespmem:$0x18130] =	vst @!p4 v9  }
0x2a1: {  	v9 =	vld @!p4 [tilespmem:s11+$0x40];
	_ =	sdelay $0x2  }
0x2a2: {  	s14 =	sld [smem:s13+$0x103];
	_ =	sdelay $0x1  }
0x2a3: {  	v9 =	vadd.s32 @!p4 $0xFFFFE200, v9  }
0x2a4: {  	s15 =	simm.s32 @!p4 $0x50;
	p5 =	sne.s32 s14, $0x1;
	v9 =	vmin.u32 @!p4 v9, $0xF00  }
0x2a5: {  	s16 =	simm.s32 @!p4 $0x18100;
	s22 =	simm.s32 @!p4 $0x5000;
	s14 =	simm.s32 @!p5 $0x4;
	[tilespmem:$0x18140] =	vst @!p4 v9  }
0x2a6: {  	[spmem:s1] =	stream.indirect.scatter.add.f32 @!p4 [tilespmem:s22], [sflag:$0x7], $0x80, s16, s15, $0xb8;
	[tilespmem:$0x1FCC0] =	vst v63  }
0x2a7: {  	_ =	swait.ge @!p5 [sflag:s14], $0x2800  }
0x2a8: {  	[sflag:s14] =	ssyncset.done @!p5 $0x0  }
0x2a9: {  	[sflag:s14] =	ssyncadd.s32 @!p5 $0xFFFFD800  }
0x2aa: {  	v9 =	vld @!p5 [tilespmem:s11+$0x80];
	_ =	sdelay $0x4  }
0x2ab: {  	v9 =	vadd.s32 @!p5 $0xFFFFE200, v9  }
0x2ac: {  	v9 =	vmin.u32 @!p5 v9, $0xF00  }
0x2ad: {  	[tilespmem:$0x18180] =	vst @!p5 v9  }
0x2ae: {  	v9 =	vld @!p5 [tilespmem:s11+$0x90];
	_ =	sdelay $0x4  }
0x2af: {  	v9 =	vadd.s32 @!p5 $0xFFFFE200, v9  }
0x2b0: {  	v9 =	vmin.u32 @!p5 v9, $0xF00  }
0x2b1: {  	[tilespmem:$0x18190] =	vst @!p5 v9  }
0x2b2: {  	v9 =	vld @!p5 [tilespmem:s11+$0xA0];
	_ =	sdelay $0x4  }
0x2b3: {  	v9 =	vadd.s32 @!p5 $0xFFFFE200, v9  }
0x2b4: {  	v9 =	vmin.u32 @!p5 v9, $0xF00  }
0x2b5: {  	[tilespmem:$0x181A0] =	vst @!p5 v9  }
0x2b6: {  	v9 =	vld @!p5 [tilespmem:s11+$0xB0];
	_ =	sdelay $0x4  }
0x2b7: {  	v9 =	vadd.s32 @!p5 $0xFFFFE200, v9  }
0x2b8: {  	v9 =	vmin.u32 @!p5 v9, $0xF00  }
0x2b9: {  	[tilespmem:$0x181B0] =	vst @!p5 v9  }
0x2ba: {  	v9 =	vld @!p5 [tilespmem:s11+$0xC0];
	_ =	sdelay $0x4  }
0x2bb: {  	v9 =	vadd.s32 @!p5 $0xFFFFE200, v9  }
0x2bc: {  	v9 =	vmin.u32 @!p5 v9, $0xF00  }
0x2bd: {  	s15 =	simm.s32 @!p5 $0x18180;
	s16 =	simm.s32 @!p5 $0x7800;
	s14 =	simm.s32 @!p5 $0x50;
	[tilespmem:$0x181C0] =	vst @!p5 v9  }
0x2be: {  	[spmem:s1] =	stream.indirect.scatter.add.f32 @!p5 [tilespmem:s16], [sflag:$0x8], $0x80, s15, s14, $0xb8;
	[tilespmem:$0x1FCC0] =	vst v63  }
0x2bf: {  	s14 =	simm.s32 @!p2 $0x5  }
0x2c0: {  	_ =	swait.ge @!p2 [sflag:s14], $0x2800  }
0x2c1: {  	s15 =	sand.u32 $0x3FFFFF80, s10;
	[sflag:s14] =	ssyncset.done @!p2 $0x0  }
0x2c2: {  	s13 =	sadd.s32 s13, s15;
	[sflag:s14] =	ssyncadd.s32 @!p2 $0xFFFFD800  }
0x2c3: {  	s14 =	sld [smem:s13+$0x104];
	_ =	sdelay $0x2  }
0x2c4: {  	p0 =	sne.s32 s14, $0x1  }
0x2c5: {  	s14 =	simm.s32 @!p0 $0x0  }
0x2c6: {  	[tilespmem:s14], [sflag:$0x1] =	stream.linear.gather @!p0 [hbm4b:s29+s14], $0x2800, $0x38;
	[tilespmem:$0x1FCC0] =	vst v63  }
0x2c7: {  	s14 =	simm.s32 @!p3 $0x6  }
0x2c8: {  	p2 =	seq.s32 s9, $0x1E0;
	_ =	swait.ge @!p3 [sflag:s14], $0x2800  }
0x2c9: {  	s16 =	sshra.s32 @!p2 s9, $0x2;
	[sflag:s14] =	ssyncset.done @!p3 $0x0  }
0x2ca: {  	[sflag:s14] =	ssyncadd.s32 @!p3 $0xFFFFD800;
	s14 =	sadd.s32 @!p2 s16, s15  }
0x2cb: {  	s15 =	sld @!p2 [smem:s14+$0x105];
	_ =	sdelay $0x2  }
0x2cc: {  	p0 =	sne.s32 @!p2 s15, $0x1  }
0x2cd: {  	p0 =	por p0, p2  }
0x2ce: {  	s15 =	sadd.s32 @!p0 $0x500, s29;
	s16 =	simm.s32 @!p0 $0x0;
	s22 =	simm.s32 @!p0 $0x2800  }
0x2cf: {  	[tilespmem:s22], [sflag:$0x2] =	stream.linear.gather @!p0 [hbm4b:s15+s16], $0x2800, $0x38;
	[tilespmem:$0x1FCC0] =	vst v63  }
0x2d0: {  	s15 =	simm.s32 @!p4 $0x7  }
0x2d1: {  	_ =	swait.ge @!p4 [sflag:s15], $0x2800  }
0x2d2: {  	[sflag:s15] =	ssyncset.done @!p4 $0x0  }
0x2d3: {  	[sflag:s15] =	ssyncadd.s32 @!p4 $0xFFFFD800  }
0x2d4: {  	s14 =	sld @!p2 [smem:s14+$0x106];
	_ =	sdelay $0x2  }
0x2d5: {  	p0 =	sne.s32 @!p2 s14, $0x1  }
0x2d6: {  	p0 =	por p0, p2  }
0x2d7: {  	s14 =	sadd.s32 @!p0 $0xA00, s29;
	s15 =	simm.s32 @!p0 $0x0;
	s16 =	simm.s32 @!p0 $0x5000  }
0x2d8: {  	[tilespmem:s16], [sflag:$0x3] =	stream.linear.gather @!p0 [hbm4b:s14+s15], $0x2800, $0x38;
	[tilespmem:$0x1FCC0] =	vst v63  }
.Ltmp9:
0x2d9: {  	_ = 	snop;
	(pc) =	sbr.rel @p2 .LBB2_20-.Ltmp9, $4  }
0x2da: {  	s14 =	simm.s32 @!p5 $0x8  }
0x2db: {  	_ =	swait.ge @!p5 [sflag:s14], $0x2800  }
0x2dc: {  	[sflag:s14] =	ssyncset.done @!p5 $0x0  }
0x2dd: {  	[sflag:s14] =	ssyncadd.s32 @!p5 $0xFFFFD800  }
0x2de: {  	s13 =	sld [smem:s13+$0x107];
	_ =	sdelay $0x1  }
.Ltmp10:
0x2df: {  	_ = 	snop;
	(pc) =	sbr.rel .LBB2_18-.Ltmp10, $4  }
0x2e0: {  	s9 =	sadd.s32 $0x10, s9;
	p0 =	sne.s32 s13, $0x1  }
0x2e1: {  	s10 =	sadd.s32 $0x4, s10;
	s11 =	sadd.s32 $0x200, s11;
	s13 =	sadd.s32 @!p0 $0xF00, s29  }
0x2e2: {  	s14 =	simm.s32 @!p0 $0x0;
	s15 =	simm.s32 @!p0 $0x7800;
	s29 =	sadd.s32 $0x1400, s29  }
0x2e3: {  	[tilespmem:s15], [sflag:$0x4] =	stream.linear.gather @!p0 [hbm4b:s13+s14], $0x2800, $0x38;
	[tilespmem:$0x1FCC0] =	vst v63  }
.LBB2_20:
0x2e4: {  	s9 =	sld [smem:$0x17C];
	_ =	sdelay $0x2  }
0x2e5: {  	p2 =	sne.s32 s9, $0x1  }
0x2e6: {  	s9 =	simm.s32 @!p2 $0x1  }
0x2e7: {  	_ =	swait.ge @!p2 [sflag:s9], $0x2800  }
0x2e8: {  	[sflag:s9] =	ssyncset.done @!p2 $0x0  }
0x2e9: {  	[sflag:s9] =	ssyncadd.s32 @!p2 $0xFFFFD800  }
0x2ea: {  	v9 =	vld @!p2 [tilespmem:$0xDE00]  }
0x2eb: {  	v10 =	vld @!p2 [tilespmem:$0xDE10]  }
0x2ec: {  	v11 =	vld @!p2 [tilespmem:$0xDE20]  }
0x2ed: {  	v12 =	vld @!p2 [tilespmem:$0xDE30]  }
0x2ee: {  	v13 =	vld @!p2 [tilespmem:$0xDE40]  }
0x2ef: {  	v9 =	vadd.s32 @!p2 $0xFFFFE200, v9  }
0x2f0: {  	v10 =	vadd.s32 @!p2 $0xFFFFE200, v10;
	v9 =	vmin.u32 @!p2 v9, $0xF00  }
0x2f1: {  	[tilespmem:$0x18000] =	vst @!p2 v9;
	v9 =	vmin.u32 @!p2 v10, $0xF00;
	v10 =	vadd.s32 @!p2 $0xFFFFE200, v11  }
0x2f2: {  	[tilespmem:$0x18010] =	vst @!p2 v9;
	v9 =	vmin.u32 @!p2 v10, $0xF00;
	v10 =	vadd.s32 @!p2 $0xFFFFE200, v12  }
0x2f3: {  	[tilespmem:$0x18020] =	vst @!p2 v9;
	v9 =	vmin.u32 @!p2 v10, $0xF00;
	v10 =	vadd.s32 @!p2 $0xFFFFE200, v13  }
0x2f4: {  	[tilespmem:$0x18030] =	vst @!p2 v9;
	v9 =	vmin.u32 @!p2 v10, $0xF00  }
0x2f5: {  	s10 =	simm.s32 @!p2 $0x18000;
	s11 =	simm.s32 @!p2 $0x0;
	s9 =	simm.s32 @!p2 $0x50;
	[tilespmem:$0x18040] =	vst @!p2 v9  }
0x2f6: {  	[spmem:s1] =	stream.indirect.scatter.add.f32 @!p2 [tilespmem:s11], [sflag:$0x5], $0x80, s10, s9, $0xb8;
	[tilespmem:$0x1FCC0] =	vst v63  }
0x2f7: {  	s9 =	simm.s32 @!p2 $0x5  }
0x2f8: {  	_ =	swait.ge @!p2 [sflag:s9], $0x2800  }
0x2f9: {  	[sflag:s9] =	ssyncset.done @!p2 $0x0  }
0x2fa: {  	[sflag:s9] =	ssyncadd.s32 @!p2 $0xFFFFD800  }
0x2fb: {  	[bflag:$0x0] =	sbarrier.arrive $0xFFFF  }
0x2fc: {  	s16 =	rddreg [dreg:$0xf]  }
0x2fd: {  	[hbm:s16], [sflag:s4] =	dma.local [spmem:s5], $0x500  }
0x2fe: {  	_ =	swait.ge [sflag:s31], $0x500  }
0x2ff: {  	[sflag:s31] =	ssyncset.done $0x0  }
0x300: {  	s22 =	rddreg [dreg:$0x10];
	[sflag:s31] =	ssyncadd.s32 $0xFFFFFB00  }
0x301: {  	[hbm:s22], [sflag:s4] =	dma.local [spmem:s6], $0x500  }
0x302: {  	_ =	swait.ge [sflag:s31], $0x500  }
0x303: {  	[sflag:s31] =	ssyncset.done $0x0  }
0x304: {  	s29 =	rddreg [dreg:$0x11];
	[sflag:s31] =	ssyncadd.s32 $0xFFFFFB00  }
0x305: {  	[hbm:s29], [sflag:s4] =	dma.local [spmem:s8], $0x500  }
0x306: {  	_ =	swait.ge [sflag:s31], $0x500  }
0x307: {  	[sflag:s31] =	ssyncset.done $0x0  }
0x308: {  	s6 =	simm.s32 $0xE011;
	[sflag:s31] =	ssyncadd.s32 $0xFFFFFB00  }
0x309: {  	v10 =	vld [tilespmem:s6+$0xFFFFFFFE]  }
0x30a: {  	v9 =	vld [tilespmem:s6+$0xFFFFFFFF]  }
0x30b: {  	s9 =	simm.s32 $0x10;
	s5 =	simm.s32 $0x0;
	s8 =	simm.s32 $0x0;
	v11 =	vld [tilespmem:s6+$0x0]  }
.LBB2_21:
0x30c: {  	p2 =	sne.s32 s9, $0x2700;
	_ =	sdelay $0x2  }
0x30d: {  	vm0 =	vne.s32 v9, v10  }
0x30e: {  	vm1 =	vne.s32 v9, v11;
	_ =	sdelay $0x3  }
0x30f: {  	v10 =	vor.u32 s8, v2  }
.Ltmp11:
0x310: {  	[tilespmem:v9+s2+$0x0] =	vst.idx.msk vm0, v10;
	v10 =	vadd.s32 s8, v8;
	s8 =	smov.u32 s9;
	(pc) =	sbr.rel @p2 .LBB2_21-.Ltmp11, $4  }
0x311: {  	s6 =	sadd.s32 $0x10, s6;
	[tilespmem:v9+s30+$0x0] =	vst.idx.msk vm1, v10  }
0x312: {  	v10 =	vld [tilespmem:s6+$0xFFFFFFFE]  }
0x313: {  	v9 =	vld [tilespmem:s6+$0xFFFFFFFF]  }
0x314: {  	s9 =	sadd.s32 $0x10, s9;
	v11 =	vld [tilespmem:s6+$0x0]  }
0x315: {  	_ =	sdelay $0x2  }
0x316: {  	vm0 =	vne.s32 v9, v10  }
0x317: {  	vm1 =	vne.s32 v9, v11;
	_ =	sdelay $0x3  }
0x318: {  	v10 =	vor.u32 s8, v2  }
0x319: {  	[tilespmem:v9+s2+$0x0] =	vst.idx.msk vm0, v10;
	v10 =	vadd.s32 s8, v8  }
0x31a: {  	s6 =	simm.s32 $0x0;
	[tilespmem:v9+s30+$0x0] =	vst.idx.msk vm1, v10  }
0x31b: {  	v9 =	vld [tilespmem:s6+$0x10780]  }
0x31c: {  	v10 =	vld [tilespmem:s6+$0x12F80];
	_ =	sdelay $0x4  }
0x31d: {  	s22 =	sand.u32 $0xFE00, s5;
	v9 =	vsub.s32 v10, v9  }
0x31e: {  	s29 =	sand.u32 $0x70, s5;
	s10 =	sld [smem:$0x7FD];
	s6 =	sshrl.u32 s22, $0x2;
	v9 =	vcvt.s32.f32 v9  }
0x31f: {  	s6 =	sor.u32 s29, s6  }
0x320: {  	s9 =	simm.s32 $0x10;
	[tilespmem:s6+$0x15780] =	vst v9  }
0x321: {  	p3 =	seq.s32 s10, $0x1;
	s8 =	simm.s32 $0x40;
	s6 =	simm.s32 $0x80;
	v9 =	vld [tilespmem:s9+$0x10780]  }
.LBB2_23:
0x322: {  	p2 =	sne.s32 s6, $0x9FC0;
	v10 =	vld [tilespmem:s9+$0x12F80];
	_ =	sdelay $0x4  }
.Ltmp12:
0x323: {  	s8 =	sand.u32 $0xFE00, s8;
	s5 =	sadd.s32 $0x10, s5;
	v9 =	vsub.s32 v10, v9;
	(pc) =	sbr.rel @p2 .LBB2_23-.Ltmp12, $4  }
0x324: {  	s9 =	sand.u32 $0x70, s5;
	s10 =	sshrl.u32 s8, $0x2;
	s8 =	smov.u32 s6;
	v9 =	vcvt.s32.f32 v9  }
0x325: {  	s10 =	sor.u32 s9, s10  }
0x326: {  	s9 =	sshra.s32 s6, $0x2;
	[tilespmem:s10+$0x15780] =	vst v9  }
0x327: {  	s6 =	sadd.s32 $0x40, s6;
	v9 =	vld [tilespmem:s9+$0x10780]  }
0x328: {  	v10 =	vld [tilespmem:s9+$0x12F80];
	_ =	sdelay $0x4  }
0x329: {  	s6 =	sand.u32 $0xFE00, s8;
	s5 =	sadd.s32 $0x10, s5;
	v9 =	vsub.s32 v10, v9  }
0x32a: {  	s5 =	sand.u32 $0x70, s5;
	s6 =	sshrl.u32 s6, $0x2;
	v9 =	vcvt.s32.f32 v9  }
0x32b: {  	s15 =	rddreg [dreg:$0x5];
	s5 =	sor.u32 s5, s6  }
0x32c: {  	s16 =	simm.s32 $0x50;
	s22 =	simm.s32 $0x17F80;
	s29 =	simm.s32 $0x15780;
	[tilespmem:s5+$0x15780] =	vst v9  }
0x32d: {  	[spmem:s15] =	stream.indirect.scatter.add.f32 [tilespmem:s29], [sflag:$0x9], $0x80, s22, s16, $0xb8;
	[tilespmem:$0x1FCC0] =	vst v63  }
0x32e: {  	_ =	swait.ge [sflag:s31], $0x2800  }
0x32f: {  	[sflag:s31] =	ssyncset.done $0x0  }
0x330: {  	[sflag:s31] =	ssyncadd.s32 $0xFFFFD800  }
0x331: {  	s0 =	sadd.s32 $0x1, s0;
	[bflag:$0x0] =	sbarrier.arrive $0xFFFF  }
0x332: {  	p0 =	sne.s32 s0, s23;
	s5 =	sshrl.u32 @!p3 s17, $0x3;
	s6 =	rddreg [dreg:$0x12]  }
0x333: {  	[hbm:s6], [sflag:s4] =	dma.local @!p3 [spmem:s5], $0x80  }
.Ltmp13:
0x334: {  	_ = 	snop;
	(pc) =	sbr.rel @p0 .LBB2_1-.Ltmp13, $4  }
0x335: {  	s4 =	simm.s32 @!p3 $0x9  }
0x336: {  	_ =	swait.ge @!p3 [sflag:s4], $0x80  }
0x337: {  	[sflag:s4] =	ssyncset.done @!p3 $0x0  }
0x338: {  	[sflag:s4] =	ssyncadd.s32 @!p3 $0xFFFFFF80  }
0x339: {  	_ =	sfence.sel $0x180000  }
0x33a: {  	[bflag:$0x0] =	sbarrier.arrive $0xFFFF  }
0x33b: {  	_ =	strace $0x90000047  }
0x33c: {  	[bflag:$0x2] =	sbarrier.arrive $0xFFFF  }
0x33d: {  	s0 =	rddreg [dreg:$0x6]  }
0x33e: {  	s0 =	sadd.s32 @!p1 $0x100000, s0  }
0x33f: {  	[sflag:s0] =	ssyncadd.tile.s32 @!p1 $0x1;
	_ =	shalt  }
.Lfunc_end2:
_tile_overlayer_lowered:
.L_overlay_start_2:
0x340: {  	(tag) =	ssettag $0x2  }
0x341: {  	s0 =	rddreg [dreg:$0x0];
	s2 =	stileid.u32  }
0x342: {  	s1 =	rddreg [dreg:$0x1];
	p0 =	sne.s32 s2, $0x0  }
0x343: {  	s3 =	rddreg [dreg:$0x2];
	[bflag:$0x3] =	sbarrier.arrive $0xFFFF;
	s2 =	simm.s32 @!p0 $0x1C09  }
0x344: {  	[timem:s3], [sflag:s2] =	dma.local @!p0 [hbm:s0], s1  }
0x345: {  	s0 =	simm.s32 @!p0 $0x9  }
0x346: {  	_ =	swait.ge @!p0 [sflag:s0], s1  }
0x347: {  	s1 =	ssub.s32 @!p0 $0x0, s1;
	[sflag:s0] =	ssyncset.done @!p0 $0x0  }
0x348: {  	[sflag:s0] =	ssyncadd.s32 @!p0 s1  }
0x349: {  	[bflag:$0x3] =	sbarrier.arrive $0xFFFF  }
0x34a: {  	_ =	shalt  }

</sc_bundles>
